<compile_context>
chip_gen: v7x
topology: tpu7x:2x2x1
jax: 0.10.2.dev20260603
libtpu: 0.0.44.dev20260713+nightly
codegen_flags: <defaults>
</compile_context>

<pallas_src>
import functools

import jax
import jax.numpy as jnp
import numpy as np
from jax import lax
from jax.experimental import pallas as pl
from jax.experimental.pallas import tpu as pltpu
from jax.experimental.pallas import tpu_sc as plsc

B = 128
V = 100000
SEGW = 512
NSEG = 196
MPAD = 256
RB = 32
CB = 12800
SPC = CB // SEGW
NSEL = 16
CPS = 5
NCH = NSEL * CPS
CW = 128
NTR = B * V // CW
K = 8
NW = 32
TEMP = np.float32(0.7)
TINY = np.float32(np.finfo(np.float32).tiny)
NEG_INF = np.float32(-np.inf)


def _k1_body(x_ref, ch_ref, base_ref, m_ref):
    gj = pl.program_id(0)
    x = x_ref[...]
    sfull = (V - (V // CB) * CB) // SEGW
    m_l = []
    for s in range(SPC):
        sl = x[s * SEGW:(s + 1) * SEGW, :]
        if s >= sfull:
            vrow = (lax.broadcasted_iota(jnp.int32, (SEGW, B), 0)
                    + gj * CB + s * SEGW)
            sl = jnp.where(vrow < V, sl, NEG_INF)
        m_l.append(jnp.max(sl, axis=0, keepdims=True))
    m_l.append(jnp.full((32 - SPC, B), NEG_INF, jnp.float32))
    m_ref[pl.ds(gj, 1), :, :] = jnp.concatenate(m_l, axis=0)[None]

    @pl.when(gj == (pl.num_programs(0) - 1))
    def _():
        iota = lax.broadcasted_iota(jnp.int32, (MPAD, B), 0)
        work = m_ref[...].reshape(MPAD, B)
        segs = []
        for _ in range(NSEL):
            m = jnp.max(work, axis=0, keepdims=True)
            sel = jnp.min(jnp.where(work == m, iota, MPAD), axis=0,
                          keepdims=True)
            work = jnp.where(iota == sel, NEG_INF, work)
            segs.append(sel)
        slot16 = jnp.concatenate(segs, axis=0)
        seg16 = (slot16 >> 5) * SPC + (slot16 & 31)
        seg = seg16.T

        sidx = lax.broadcasted_iota(jnp.int32, (B, NCH), 1) // CPS
        iota16 = lax.broadcasted_iota(jnp.int32, (B, NSEL), 1)
        seg_slot = jnp.zeros((B, NCH), jnp.int32)
        for t in range(NSEL):
            seg_t = jnp.sum(jnp.where(iota16 == t, seg, 0), axis=1,
                            keepdims=True)
            seg_slot = jnp.where(sidx == t, seg_t, seg_slot)
        row = lax.broadcasted_iota(jnp.int32, (B, NCH), 0)
        base = row * V + seg_slot * SEGW
        j = lax.broadcasted_iota(jnp.int32, (B, NCH), 1) % CPS
        ch_ref[...] = jnp.minimum((base >> 7) + j, NTR - 1)
        base_ref[...] = base


def _k1(logits_t):
    ncb = (V + CB - 1) // CB
    return pl.pallas_call(
        _k1_body,
        grid=(ncb,),
        in_specs=[pl.BlockSpec((CB, B), lambda j: (j, 0))],
        out_specs=(
            pl.BlockSpec((B, NCH), lambda j: (0, 0)),
            pl.BlockSpec((B, NCH), lambda j: (0, 0)),
        ),
        out_shape=(
            jax.ShapeDtypeStruct((B, NCH), jnp.int32),
            jax.ShapeDtypeStruct((B, NCH), jnp.int32),
        ),
        scratch_shapes=[pltpu.VMEM(((V + CB - 1) // CB, 32, B), jnp.float32)],
    )(logits_t)


_CH_PER_W = B * NCH // NW
_IDX_SPLIT = 128


@functools.cache
def _k2_gather():
    @functools.partial(
        pl.kernel,
        out_type=jax.ShapeDtypeStruct((B * NCH, CW), jnp.float32),
        mesh=plsc.VectorSubcoreMesh(core_axis_name="c", subcore_axis_name="s"),
        scratch_types=[
            pltpu.VMEM((_CH_PER_W,), jnp.int32),
            pltpu.VMEM((_CH_PER_W, CW), jnp.float32),
            pltpu.SemaphoreType.DMA,
        ],
    )
    def gather(table_hbm, idx_hbm, out_hbm, idx_v, rows_v, sem):
        wid = lax.axis_index("s") * 2 + lax.axis_index("c")
        base = wid * _CH_PER_W
        pltpu.sync_copy(idx_hbm.at[pl.ds(base, _CH_PER_W)], idx_v)
        copies = []
        off = 0
        while off < _CH_PER_W:
            n = min(_IDX_SPLIT, _CH_PER_W - off)
            copies.append(pltpu.async_copy(
                table_hbm.at[idx_v.at[pl.ds(off, n)]],
                rows_v.at[pl.ds(off, n)], sem))
            off += n
        for c in copies:
            c.wait()
        pltpu.sync_copy(rows_v, out_hbm.at[pl.ds(base, _CH_PER_W)])

    return gather


def _threefry_bits(flat_u32):
    rot0 = (13, 15, 26, 6)
    rot1 = (17, 29, 16, 24)
    ks0 = jnp.uint32(0)
    ks1 = jnp.uint32(42)
    ks2 = jnp.uint32(0 ^ 42 ^ 0x1BD11BDA)

    def rotl(v, d):
        return (v << jnp.uint32(d)) | (v >> jnp.uint32(32 - d))

    def rounds(x0, x1, rots):
        for r in rots:
            x0 = x0 + x1
            x1 = rotl(x1, r)
            x1 = x0 ^ x1
        return x0, x1

    x0 = jnp.zeros_like(flat_u32) + ks0
    x1 = flat_u32 + ks1
    x0, x1 = rounds(x0, x1, rot0)
    x0 = x0 + ks1
    x1 = x1 + ks2 + jnp.uint32(1)
    x0, x1 = rounds(x0, x1, rot1)
    x0 = x0 + ks2
    x1 = x1 + ks0 + jnp.uint32(2)
    x0, x1 = rounds(x0, x1, rot0)
    x0 = x0 + ks0
    x1 = x1 + ks1 + jnp.uint32(3)
    x0, x1 = rounds(x0, x1, rot1)
    x0 = x0 + ks1
    x1 = x1 + ks2 + jnp.uint32(4)
    x0, x1 = rounds(x0, x1, rot0)
    x0 = x0 + ks2
    x1 = x1 + ks0 + jnp.uint32(5)
    return x0 ^ x1


def _k3_body(g_ref, base_ref, oh_ref, tok_ref, cols_ref, vals_ref):
    g3 = g_ref[...]
    base = base_ref[...]
    rowv = lax.broadcasted_iota(jnp.int32, (B, 1), 0) * V
    base3 = base[:, :, None]
    ch3 = (base3 >> 7) + lax.broadcasted_iota(jnp.int32, (B, NCH, CW), 1) % CPS
    pos3 = ch3 * CW + lax.broadcasted_iota(jnp.int32, (B, NCH, CW), 2)
    d3 = pos3 - base3
    col3 = base3 - rowv[:, :, None] + d3
    valid = (d3 >= 0) & (d3 < SEGW) & (col3 < V) & (ch3 < NTR)
    work = jnp.where(valid, g3, NEG_INF).reshape(B, NCH * CW)

    iota_g = lax.broadcasted_iota(jnp.int32, (B, NCH * CW), 1)
    iota64 = lax.broadcasted_iota(jnp.int32, (B, NCH), 1)

    vals_l, cols_l = [], []
    for _ in range(K):
        m = jnp.max(work, axis=1, keepdims=True)
        gi = jnp.min(jnp.where(work == m, iota_g, NCH * CW), axis=1,
                     keepdims=True)
        work = jnp.where(iota_g == gi, NEG_INF, work)
        slot = gi >> 7
        off = gi - slot * CW
        base_s = jnp.sum(jnp.where(iota64 == slot, base, 0), axis=1,
                         keepdims=True)
        col = ((base_s >> 7) + slot % CPS) * CW + off - rowv
        vals_l.append(m)
        cols_l.append(col)
    vals8 = jnp.concatenate(vals_l, axis=1)
    cols8 = jnp.concatenate(cols_l, axis=1)

    scaled = vals8 / TEMP
    oh = oh_ref[...]
    kth = jnp.sum(scaled * oh, axis=1, keepdims=True)
    kept = scaled >= kth
    rowmax = scaled[:, 0:1]
    e = jnp.where(kept, jnp.exp(scaled - rowmax), np.float32(0.0))
    denom = jnp.sum(e, axis=1, keepdims=True)
    pvals = e / denom

    row8 = lax.broadcasted_iota(jnp.int32, (B, K), 0)
    flat = (row8 * V + cols8).astype(jnp.uint32)
    bits = _threefry_bits(flat)
    fb = (bits >> jnp.uint32(9)) | jnp.uint32(0x3F800000)
    floats = lax.bitcast_convert_type(fb, jnp.float32) - np.float32(1.0)
    u = jnp.maximum(TINY, floats + TINY)
    gum = -jnp.log(-jnp.log(u))

    score = jnp.where(kept, scaled + gum, NEG_INF)
    iota8 = lax.broadcasted_iota(jnp.int32, (B, K), 1)
    ms = jnp.max(score, axis=1, keepdims=True)
    slot = jnp.min(jnp.where(score == ms, iota8, K), axis=1, keepdims=True)
    tok_ref[...] = jnp.sum(jnp.where(iota8 == slot, cols8, 0), axis=1,
                           keepdims=True)
    cols_ref[...] = cols8
    vals_ref[...] = pvals


def _k3(gathered3, basem, onehot):
    return pl.pallas_call(
        _k3_body,
        out_shape=(
            jax.ShapeDtypeStruct((B, 1), jnp.int32),
            jax.ShapeDtypeStruct((B, K), jnp.int32),
            jax.ShapeDtypeStruct((B, K), jnp.float32),
        ),
    )(gathered3, basem, onehot)


_VROWS_W = V // NW
_VSUB = 320
_SUBS = [_VSUB] * (_VROWS_W // _VSUB) + (
    [_VROWS_W % _VSUB] if _VROWS_W % _VSUB else [])


@functools.cache
def _k4_scatter():
    @functools.partial(
        pl.kernel,
        out_type=jax.ShapeDtypeStruct((V * B,), jnp.float32),
        mesh=plsc.VectorSubcoreMesh(core_axis_name="c", subcore_axis_name="s"),
        scratch_types=[
            pltpu.VMEM((_VSUB * B,), jnp.float32),
            pltpu.VMEM((_VSUB * B,), jnp.float32),
            pltpu.VMEM((B * K,), jnp.int32),
            pltpu.VMEM((B * K,), jnp.float32),
            pltpu.SemaphoreType.DMA,
            pltpu.SemaphoreType.DMA,
        ],
        compiler_params=pltpu.CompilerParams(needs_layout_passes=False),
    )
    def scatter(cols_hbm, vals_hbm, out_hbm, zb0, zb1, cols_v, vals_v,
                sem0, sem1):
        wid = lax.axis_index("s") * 2 + lax.axis_index("c")
        pltpu.sync_copy(cols_hbm, cols_v)
        pltpu.sync_copy(vals_hbm, vals_v)
        lane_b = lax.iota(jnp.int32, 16) // K
        zbufs = (zb0, zb1)
        sems = (sem0, sem1)

        def _zero(zbuf):
            def body(i, carry):
                for u in range(8):
                    zbuf[pl.ds(i * 128 + u * 16, 16)] = \
                        jnp.zeros((16,), jnp.float32)
                return carry
            lax.fori_loop(0, _VSUB * B // 128, body, 0)

        _zero(zb0)
        _zero(zb1)

        def _scatter(zbuf, s, nrows, restoring):
            lo = (wid * _VROWS_W + s * _VSUB) * B

            def body(i, carry):
                for u in range(4):
                    iv = i * 4 + u
                    cv = cols_v[pl.ds(iv * 16, 16)]
                    vv = vals_v[pl.ds(iv * 16, 16)]
                    flat = cv * B + iv * 2 + lane_b
                    msk = (flat >= lo) & (flat < lo + nrows * B) \
                        & (vv > np.float32(0.0))
                    lidx = jnp.where(msk, flat - lo, 0)
                    put = (jnp.zeros((16,), jnp.float32) if restoring else vv)
                    plsc.store_scatter(zbuf, [lidx], put, mask=msk)
                return carry

            lax.fori_loop(0, B * K // 64, body, 0)

        copies = [None, None]
        for s, nrows in enumerate(_SUBS):
            bi = s % 2
            if copies[bi] is not None:
                copies[bi].wait()
                _scatter(zbufs[bi], s - 2, _SUBS[s - 2], True)
            _scatter(zbufs[bi], s, nrows, False)
            lo = (wid * _VROWS_W + s * _VSUB) * B
            copies[bi] = pltpu.async_copy(
                zbufs[bi].at[pl.ds(0, nrows * B)],
                out_hbm.at[pl.ds(lo, nrows * B)], sems[bi])
        for c in copies:
            if c is not None:
                c.wait()

    return scatter


def kernel(logits, top_k):
    ch, basem = _k1(logits.T)

    table = logits.reshape(NTR, CW)
    gathered = _k2_gather()(table, ch.reshape(B * NCH))

    onehot = jnp.broadcast_to(
        (jnp.arange(K, dtype=jnp.int32)[None, :]
         == jnp.asarray(top_k, jnp.int32) - 1).astype(jnp.float32), (B, K))
    tok, cols, vals = _k3(gathered.reshape(B, NCH, CW), basem, onehot)

    probs_t = _k4_scatter()(cols.reshape(B * K), vals.reshape(B * K))
    return tok[:, 0], probs_t.reshape(V, B).T

# --- scband reference (transcript-rebuilt; emitter-appended) ---
"""Pipeline reference for scband-sampling-decoder-58377195487290 (READ-ONLY COPY).

The authoritative reference and input builder live on the scoring server;
editing this copy changes nothing except your own understanding.
"""

import jax, jax.numpy as jnp
import numpy as np

TEMPERATURE = 0.7
FILTER_VALUE = -1e9


def setup_inputs(seed: int = 0) -> dict:
    key = jax.random.key(seed)
    k1, _ = jax.random.split(key)
    logits = jax.random.normal(k1, (128, 100000), dtype=jnp.float32)
    return {"logits": logits, "top_k": 5}


def reference(logits, top_k):
    # Faithful translation of the per-step sampling core of SamplingDecoder:
    #   decoder_output = decoder_output / temperature
    #   filtered = top_k_filtering(decoder_output, top_k=5)
    #   probs = softmax(filtered)
    #   next_token = multinomial(probs, 1)
    scaled = logits / TEMPERATURE
    top_vals = jax.lax.top_k(scaled, 5)[0]               # [B, 5]
    kth = jnp.take(top_vals, top_k - 1, axis=-1)[..., None]  # [B, 1] k-th largest value
    filtered = jnp.where(scaled < kth, FILTER_VALUE, scaled)
    probs = jax.nn.softmax(filtered, axis=-1)
    # multinomial(num_samples=1) == categorical sample from filtered logits
    sample_key = jax.random.key(42)
    tokens = jax.random.categorical(sample_key, filtered, axis=-1)  # [B] int
    return tokens, probs

if __name__ == "__main__":
    import jax
    _d = setup_inputs()
    print(jax.jit(kernel)(*tuple(_d.values())))

</pallas_src>

<mosaic_0001>
#map = affine_map<(d0, d1) -> (0)>
module attributes {stable_mosaic.version = 14 : i64} {
  func.func @scatter(%arg0: i32, %arg1: i32, %arg2: memref<1024xi32, #tpu.memory_space<hbm>>, %arg3: memref<1024xf32, #tpu.memory_space<hbm>>, %arg4: memref<12800000xf32, #tpu.memory_space<hbm>>, %arg5: memref<40960xf32, #tpu.memory_space<vmem>>, %arg6: memref<40960xf32, #tpu.memory_space<vmem>>, %arg7: memref<1024xi32, #tpu.memory_space<vmem>>, %arg8: memref<1024xf32, #tpu.memory_space<vmem>>, %arg9: memref<!tpu.dma_semaphore, #tpu.memory_space<semaphore_mem>>, %arg10: memref<!tpu.dma_semaphore, #tpu.memory_space<semaphore_mem>>) attributes {dimension_semantics = [#tpu.dimension_semantics<core_parallel>, #tpu.dimension_semantics<subcore_parallel>], iteration_bounds = array<i64: 2, 16>, scalar_prefetch = 0 : i64, scratch_operands = 6 : i64, tpu.core_type = #tpu.core_type<sc_vector_subcore>, window_params = [{transform_indices = #map}, {transform_indices = #map}, {transform_indices = #map}]} {
    %mul3A = arith.constant 2 : i32
    %mul3A_0 = arith.muli %arg1, %mul3A : i32
    %add3A = arith.addi %mul3A_0, %arg0 : i32
    "tpu.region"() ({
      %run_scoped3A = tpu.sem_alloc : memref<!tpu.dma_semaphore, #tpu.memory_space<semaphore_mem>>
      tpu.enqueue_dma source(%arg2 : memref<1024xi32, #tpu.memory_space<hbm>>) target(%arg7 : memref<1024xi32, #tpu.memory_space<vmem>>) target_semaphore(%run_scoped3A : memref<!tpu.dma_semaphore, #tpu.memory_space<semaphore_mem>>)
      tpu.wait_dma2 semaphore(%run_scoped3A : memref<!tpu.dma_semaphore, #tpu.memory_space<semaphore_mem>>) src(%arg2 : memref<1024xi32, #tpu.memory_space<hbm>>) dst(%arg7 : memref<1024xi32, #tpu.memory_space<vmem>>)
      tpu.yield
    }) : () -> ()
    "tpu.region"() ({
      %run_scoped3A = tpu.sem_alloc : memref<!tpu.dma_semaphore, #tpu.memory_space<semaphore_mem>>
      tpu.enqueue_dma source(%arg3 : memref<1024xf32, #tpu.memory_space<hbm>>) target(%arg8 : memref<1024xf32, #tpu.memory_space<vmem>>) target_semaphore(%run_scoped3A : memref<!tpu.dma_semaphore, #tpu.memory_space<semaphore_mem>>)
      tpu.wait_dma2 semaphore(%run_scoped3A : memref<!tpu.dma_semaphore, #tpu.memory_space<semaphore_mem>>) src(%arg3 : memref<1024xf32, #tpu.memory_space<hbm>>) dst(%arg8 : memref<1024xf32, #tpu.memory_space<vmem>>)
      tpu.yield
    }) : () -> ()
    %iota3A = tpu.iota {dimensions = array<i32: 0>} : vector<16xi32>
    %jit3A = arith.constant 8 : i32
    %div3A = vector.broadcast %jit3A : i32 to vector<16xi32>
    %div3A_1 = arith.divsi %iota3A, %div3A : vector<16xi32>
    %sign3A = arith.constant 0 : i32
    %sign3A_2 = vector.broadcast %sign3A : i32 to vector<16xi32>
    %sign3A_3 = arith.cmpi sgt, %iota3A, %sign3A_2 : vector<16xi32>
    %sign3A_4 = arith.extui %sign3A_3 : vector<16xi1> to vector<16xi32>
    %sign3A_5 = arith.constant 0 : i32
    %sign3A_6 = vector.broadcast %sign3A_5 : i32 to vector<16xi32>
    %sign3A_7 = arith.cmpi slt, %iota3A, %sign3A_6 : vector<16xi32>
    %sign3A_8 = arith.extui %sign3A_7 : vector<16xi1> to vector<16xi32>
    %sign3A_9 = arith.subi %sign3A_4, %sign3A_8 : vector<16xi32>
    %sign3A_10 = arith.constant 0 : i32
    %sign3A_11 = arith.cmpi sgt, %jit3A, %sign3A_10 : i32
    %sign3A_12 = arith.extui %sign3A_11 : i1 to i32
    %sign3A_13 = arith.constant 0 : i32
    %sign3A_14 = arith.cmpi slt, %jit3A, %sign3A_13 : i32
    %sign3A_15 = arith.extui %sign3A_14 : i1 to i32
    %sign3A_16 = arith.subi %sign3A_12, %sign3A_15 : i32
    %ne3A = vector.broadcast %sign3A_16 : i32 to vector<16xi32>
    %ne3A_17 = arith.cmpi ne, %sign3A_9, %ne3A : vector<16xi32>
    %rem3A = vector.broadcast %jit3A : i32 to vector<16xi32>
    %rem3A_18 = arith.remsi %iota3A, %rem3A : vector<16xi32>
    %ne3A_19 = arith.constant 0 : i32
    %ne3A_20 = vector.broadcast %ne3A_19 : i32 to vector<16xi32>
    %ne3A_21 = arith.cmpi ne, %rem3A_18, %ne3A_20 : vector<16xi32>
    %and3A = arith.andi %ne3A_17, %ne3A_21 : vector<16xi1>
    %sub3A = arith.constant 1 : i32
    %sub3A_22 = vector.broadcast %sub3A : i32 to vector<16xi32>
    %sub3A_23 = arith.subi %div3A_1, %sub3A_22 : vector<16xi32>
    %select_n3A = arith.select %and3A, %sub3A_23, %div3A_1 : vector<16xi1>, vector<16xi32>
    %scan3A = arith.constant 0 : i32
    %scan3A_24 = arith.constant 0 : i32
    %scan3A_25 = arith.constant 320 : i32
    %scan3A_26 = arith.addi %scan3A_24, %scan3A_25 : i32
    %scan3A_27 = arith.constant 1 : i32
    scf.for %scan3A_429 = %scan3A_24 to %scan3A_26 step %scan3A_27  : i32 {
      %broadcast_in_dim3A = arith.constant 0.000000e+00 : f32
      %broadcast_in_dim3A_430 = vector.broadcast %broadcast_in_dim3A : f32 to vector<16xf32>
      %mul3A_431 = arith.constant 128 : i32
      %mul3A_432 = arith.muli %scan3A_429, %mul3A_431 : i32
      %add3A_433 = arith.constant 0 : i32
      %add3A_434 = arith.addi %mul3A_432, %add3A_433 : i32
      %swap3A = arith.index_cast %add3A_434 : i32 to index
      %swap3A_435 = tpu.vector_load %arg5[%swap3A] {strides = array<i32>} : memref<40960xf32, #tpu.memory_space<vmem>>, vector<16xf32>,
      tpu.vector_store %arg5[%swap3A], %broadcast_in_dim3A_430 {strides = array<i32>} : memref<40960xf32, #tpu.memory_space<vmem>>, vector<16xf32>,
      %broadcast_in_dim3A_436 = arith.constant 0.000000e+00 : f32
      %broadcast_in_dim3A_437 = vector.broadcast %broadcast_in_dim3A_436 : f32 to vector<16xf32>
      %mul3A_438 = arith.constant 128 : i32
      %mul3A_439 = arith.muli %scan3A_429, %mul3A_438 : i32
      %add3A_440 = arith.constant 16 : i32
      %add3A_441 = arith.addi %mul3A_439, %add3A_440 : i32
      %swap3A_442 = arith.index_cast %add3A_441 : i32 to index
      %swap3A_443 = tpu.vector_load %arg5[%swap3A_442] {strides = array<i32>} : memref<40960xf32, #tpu.memory_space<vmem>>, vector<16xf32>,
      tpu.vector_store %arg5[%swap3A_442], %broadcast_in_dim3A_437 {strides = array<i32>} : memref<40960xf32, #tpu.memory_space<vmem>>, vector<16xf32>,
      %broadcast_in_dim3A_444 = arith.constant 0.000000e+00 : f32
      %broadcast_in_dim3A_445 = vector.broadcast %broadcast_in_dim3A_444 : f32 to vector<16xf32>
      %mul3A_446 = arith.constant 128 : i32
      %mul3A_447 = arith.muli %scan3A_429, %mul3A_446 : i32
      %add3A_448 = arith.constant 32 : i32
      %add3A_449 = arith.addi %mul3A_447, %add3A_448 : i32
      %swap3A_450 = arith.index_cast %add3A_449 : i32 to index
      %swap3A_451 = tpu.vector_load %arg5[%swap3A_450] {strides = array<i32>} : memref<40960xf32, #tpu.memory_space<vmem>>, vector<16xf32>,
      tpu.vector_store %arg5[%swap3A_450], %broadcast_in_dim3A_445 {strides = array<i32>} : memref<40960xf32, #tpu.memory_space<vmem>>, vector<16xf32>,
      %broadcast_in_dim3A_452 = arith.constant 0.000000e+00 : f32
      %broadcast_in_dim3A_453 = vector.broadcast %broadcast_in_dim3A_452 : f32 to vector<16xf32>
      %mul3A_454 = arith.constant 128 : i32
      %mul3A_455 = arith.muli %scan3A_429, %mul3A_454 : i32
      %add3A_456 = arith.constant 48 : i32
      %add3A_457 = arith.addi %mul3A_455, %add3A_456 : i32
      %swap3A_458 = arith.index_cast %add3A_457 : i32 to index
      %swap3A_459 = tpu.vector_load %arg5[%swap3A_458] {strides = array<i32>} : memref<40960xf32, #tpu.memory_space<vmem>>, vector<16xf32>,
      tpu.vector_store %arg5[%swap3A_458], %broadcast_in_dim3A_453 {strides = array<i32>} : memref<40960xf32, #tpu.memory_space<vmem>>, vector<16xf32>,
      %broadcast_in_dim3A_460 = arith.constant 0.000000e+00 : f32
      %broadcast_in_dim3A_461 = vector.broadcast %broadcast_in_dim3A_460 : f32 to vector<16xf32>
      %mul3A_462 = arith.constant 128 : i32
      %mul3A_463 = arith.muli %scan3A_429, %mul3A_462 : i32
      %add3A_464 = arith.constant 64 : i32
      %add3A_465 = arith.addi %mul3A_463, %add3A_464 : i32
      %swap3A_466 = arith.index_cast %add3A_465 : i32 to index
      %swap3A_467 = tpu.vector_load %arg5[%swap3A_466] {strides = array<i32>} : memref<40960xf32, #tpu.memory_space<vmem>>, vector<16xf32>,
      tpu.vector_store %arg5[%swap3A_466], %broadcast_in_dim3A_461 {strides = array<i32>} : memref<40960xf32, #tpu.memory_space<vmem>>, vector<16xf32>,
      %broadcast_in_dim3A_468 = arith.constant 0.000000e+00 : f32
      %broadcast_in_dim3A_469 = vector.broadcast %broadcast_in_dim3A_468 : f32 to vector<16xf32>
      %mul3A_470 = arith.constant 128 : i32
      %mul3A_471 = arith.muli %scan3A_429, %mul3A_470 : i32
      %add3A_472 = arith.constant 80 : i32
      %add3A_473 = arith.addi %mul3A_471, %add3A_472 : i32
      %swap3A_474 = arith.index_cast %add3A_473 : i32 to index
      %swap3A_475 = tpu.vector_load %arg5[%swap3A_474] {strides = array<i32>} : memref<40960xf32, #tpu.memory_space<vmem>>, vector<16xf32>,
      tpu.vector_store %arg5[%swap3A_474], %broadcast_in_dim3A_469 {strides = array<i32>} : memref<40960xf32, #tpu.memory_space<vmem>>, vector<16xf32>,
      %broadcast_in_dim3A_476 = arith.constant 0.000000e+00 : f32
      %broadcast_in_dim3A_477 = vector.broadcast %broadcast_in_dim3A_476 : f32 to vector<16xf32>
      %mul3A_478 = arith.constant 128 : i32
      %mul3A_479 = arith.muli %scan3A_429, %mul3A_478 : i32
      %add3A_480 = arith.constant 96 : i32
      %add3A_481 = arith.addi %mul3A_479, %add3A_480 : i32
      %swap3A_482 = arith.index_cast %add3A_481 : i32 to index
      %swap3A_483 = tpu.vector_load %arg5[%swap3A_482] {strides = array<i32>} : memref<40960xf32, #tpu.memory_space<vmem>>, vector<16xf32>,
      tpu.vector_store %arg5[%swap3A_482], %broadcast_in_dim3A_477 {strides = array<i32>} : memref<40960xf32, #tpu.memory_space<vmem>>, vector<16xf32>,
      %broadcast_in_dim3A_484 = arith.constant 0.000000e+00 : f32
      %broadcast_in_dim3A_485 = vector.broadcast %broadcast_in_dim3A_484 : f32 to vector<16xf32>
      %mul3A_486 = arith.constant 128 : i32
      %mul3A_487 = arith.muli %scan3A_429, %mul3A_486 : i32
      %add3A_488 = arith.constant 112 : i32
      %add3A_489 = arith.addi %mul3A_487, %add3A_488 : i32
      %swap3A_490 = arith.index_cast %add3A_489 : i32 to index
      %swap3A_491 = tpu.vector_load %arg5[%swap3A_490] {strides = array<i32>} : memref<40960xf32, #tpu.memory_space<vmem>>, vector<16xf32>,
      tpu.vector_store %arg5[%swap3A_490], %broadcast_in_dim3A_485 {strides = array<i32>} : memref<40960xf32, #tpu.memory_space<vmem>>, vector<16xf32>,
    }
    %scan3A_28 = arith.constant 320 : i32
    %scan3A_29 = arith.constant 0 : i32
    %scan3A_30 = arith.constant 0 : i32
    %scan3A_31 = arith.constant 320 : i32
    %scan3A_32 = arith.addi %scan3A_30, %scan3A_31 : i32
    %scan3A_33 = arith.constant 1 : i32
    scf.for %scan3A_429 = %scan3A_30 to %scan3A_32 step %scan3A_33  : i32 {
      %broadcast_in_dim3A = arith.constant 0.000000e+00 : f32
      %broadcast_in_dim3A_430 = vector.broadcast %broadcast_in_dim3A : f32 to vector<16xf32>
      %mul3A_431 = arith.constant 128 : i32
      %mul3A_432 = arith.muli %scan3A_429, %mul3A_431 : i32
      %add3A_433 = arith.constant 0 : i32
      %add3A_434 = arith.addi %mul3A_432, %add3A_433 : i32
      %swap3A = arith.index_cast %add3A_434 : i32 to index
      %swap3A_435 = tpu.vector_load %arg6[%swap3A] {strides = array<i32>} : memref<40960xf32, #tpu.memory_space<vmem>>, vector<16xf32>,
      tpu.vector_store %arg6[%swap3A], %broadcast_in_dim3A_430 {strides = array<i32>} : memref<40960xf32, #tpu.memory_space<vmem>>, vector<16xf32>,
      %broadcast_in_dim3A_436 = arith.constant 0.000000e+00 : f32
      %broadcast_in_dim3A_437 = vector.broadcast %broadcast_in_dim3A_436 : f32 to vector<16xf32>
      %mul3A_438 = arith.constant 128 : i32
      %mul3A_439 = arith.muli %scan3A_429, %mul3A_438 : i32
      %add3A_440 = arith.constant 16 : i32
      %add3A_441 = arith.addi %mul3A_439, %add3A_440 : i32
      %swap3A_442 = arith.index_cast %add3A_441 : i32 to index
      %swap3A_443 = tpu.vector_load %arg6[%swap3A_442] {strides = array<i32>} : memref<40960xf32, #tpu.memory_space<vmem>>, vector<16xf32>,
      tpu.vector_store %arg6[%swap3A_442], %broadcast_in_dim3A_437 {strides = array<i32>} : memref<40960xf32, #tpu.memory_space<vmem>>, vector<16xf32>,
      %broadcast_in_dim3A_444 = arith.constant 0.000000e+00 : f32
      %broadcast_in_dim3A_445 = vector.broadcast %broadcast_in_dim3A_444 : f32 to vector<16xf32>
      %mul3A_446 = arith.constant 128 : i32
      %mul3A_447 = arith.muli %scan3A_429, %mul3A_446 : i32
      %add3A_448 = arith.constant 32 : i32
      %add3A_449 = arith.addi %mul3A_447, %add3A_448 : i32
      %swap3A_450 = arith.index_cast %add3A_449 : i32 to index
      %swap3A_451 = tpu.vector_load %arg6[%swap3A_450] {strides = array<i32>} : memref<40960xf32, #tpu.memory_space<vmem>>, vector<16xf32>,
      tpu.vector_store %arg6[%swap3A_450], %broadcast_in_dim3A_445 {strides = array<i32>} : memref<40960xf32, #tpu.memory_space<vmem>>, vector<16xf32>,
      %broadcast_in_dim3A_452 = arith.constant 0.000000e+00 : f32
      %broadcast_in_dim3A_453 = vector.broadcast %broadcast_in_dim3A_452 : f32 to vector<16xf32>
      %mul3A_454 = arith.constant 128 : i32
      %mul3A_455 = arith.muli %scan3A_429, %mul3A_454 : i32
      %add3A_456 = arith.constant 48 : i32
      %add3A_457 = arith.addi %mul3A_455, %add3A_456 : i32
      %swap3A_458 = arith.index_cast %add3A_457 : i32 to index
      %swap3A_459 = tpu.vector_load %arg6[%swap3A_458] {strides = array<i32>} : memref<40960xf32, #tpu.memory_space<vmem>>, vector<16xf32>,
      tpu.vector_store %arg6[%swap3A_458], %broadcast_in_dim3A_453 {strides = array<i32>} : memref<40960xf32, #tpu.memory_space<vmem>>, vector<16xf32>,
      %broadcast_in_dim3A_460 = arith.constant 0.000000e+00 : f32
      %broadcast_in_dim3A_461 = vector.broadcast %broadcast_in_dim3A_460 : f32 to vector<16xf32>
      %mul3A_462 = arith.constant 128 : i32
      %mul3A_463 = arith.muli %scan3A_429, %mul3A_462 : i32
      %add3A_464 = arith.constant 64 : i32
      %add3A_465 = arith.addi %mul3A_463, %add3A_464 : i32
      %swap3A_466 = arith.index_cast %add3A_465 : i32 to index
      %swap3A_467 = tpu.vector_load %arg6[%swap3A_466] {strides = array<i32>} : memref<40960xf32, #tpu.memory_space<vmem>>, vector<16xf32>,
      tpu.vector_store %arg6[%swap3A_466], %broadcast_in_dim3A_461 {strides = array<i32>} : memref<40960xf32, #tpu.memory_space<vmem>>, vector<16xf32>,
      %broadcast_in_dim3A_468 = arith.constant 0.000000e+00 : f32
      %broadcast_in_dim3A_469 = vector.broadcast %broadcast_in_dim3A_468 : f32 to vector<16xf32>
      %mul3A_470 = arith.constant 128 : i32
      %mul3A_471 = arith.muli %scan3A_429, %mul3A_470 : i32
      %add3A_472 = arith.constant 80 : i32
      %add3A_473 = arith.addi %mul3A_471, %add3A_472 : i32
      %swap3A_474 = arith.index_cast %add3A_473 : i32 to index
      %swap3A_475 = tpu.vector_load %arg6[%swap3A_474] {strides = array<i32>} : memref<40960xf32, #tpu.memory_space<vmem>>, vector<16xf32>,
      tpu.vector_store %arg6[%swap3A_474], %broadcast_in_dim3A_469 {strides = array<i32>} : memref<40960xf32, #tpu.memory_space<vmem>>, vector<16xf32>,
      %broadcast_in_dim3A_476 = arith.constant 0.000000e+00 : f32
      %broadcast_in_dim3A_477 = vector.broadcast %broadcast_in_dim3A_476 : f32 to vector<16xf32>
      %mul3A_478 = arith.constant 128 : i32
      %mul3A_479 = arith.muli %scan3A_429, %mul3A_478 : i32
      %add3A_480 = arith.constant 96 : i32
      %add3A_481 = arith.addi %mul3A_479, %add3A_480 : i32
      %swap3A_482 = arith.index_cast %add3A_481 : i32 to index
      %swap3A_483 = tpu.vector_load %arg6[%swap3A_482] {strides = array<i32>} : memref<40960xf32, #tpu.memory_space<vmem>>, vector<16xf32>,
      tpu.vector_store %arg6[%swap3A_482], %broadcast_in_dim3A_477 {strides = array<i32>} : memref<40960xf32, #tpu.memory_space<vmem>>, vector<16xf32>,
      %broadcast_in_dim3A_484 = arith.constant 0.000000e+00 : f32
      %broadcast_in_dim3A_485 = vector.broadcast %broadcast_in_dim3A_484 : f32 to vector<16xf32>
      %mul3A_486 = arith.constant 128 : i32
      %mul3A_487 = arith.muli %scan3A_429, %mul3A_486 : i32
      %add3A_488 = arith.constant 112 : i32
      %add3A_489 = arith.addi %mul3A_487, %add3A_488 : i32
      %swap3A_490 = arith.index_cast %add3A_489 : i32 to index
      %swap3A_491 = tpu.vector_load %arg6[%swap3A_490] {strides = array<i32>} : memref<40960xf32, #tpu.memory_space<vmem>>, vector<16xf32>,
      tpu.vector_store %arg6[%swap3A_490], %broadcast_in_dim3A_485 {strides = array<i32>} : memref<40960xf32, #tpu.memory_space<vmem>>, vector<16xf32>,
    }
    %scan3A_34 = arith.constant 320 : i32
    %mul3A_35 = arith.constant 3125 : i32
    %mul3A_36 = arith.muli %add3A, %mul3A_35 : i32
    %add3A_37 = arith.constant 0 : i32
    %add3A_38 = arith.addi %mul3A_36, %add3A_37 : i32
    %mul3A_39 = arith.constant 128 : i32
    %mul3A_40 = arith.muli %add3A_38, %mul3A_39 : i32
    %scan3A_41 = arith.constant 0 : i32
    %scan3A_42 = arith.constant 0 : i32
    %scan3A_43 = arith.constant 16 : i32
    %scan3A_44 = arith.addi %scan3A_42, %scan3A_43 : i32
    %scan3A_45 = arith.constant 1 : i32
    scf.for %scan3A_429 = %scan3A_42 to %scan3A_44 step %scan3A_45  : i32 {
      %mul3A_430 = arith.constant 4 : i32
      %mul3A_431 = arith.muli %scan3A_429, %mul3A_430 : i32
      %add3A_432 = arith.constant 0 : i32
      %add3A_433 = arith.addi %mul3A_431, %add3A_432 : i32
      %mul3A_434 = arith.constant 16 : i32
      %mul3A_435 = arith.muli %add3A_433, %mul3A_434 : i32
      %get3A = arith.index_cast %mul3A_435 : i32 to index
      %get3A_436 = tpu.vector_load %arg7[%get3A] {strides = array<i32>} : memref<1024xi32, #tpu.memory_space<vmem>>, vector<16xi32>,
      %mul3A_437 = arith.constant 16 : i32
      %mul3A_438 = arith.muli %add3A_433, %mul3A_437 : i32
      %get3A_439 = arith.index_cast %mul3A_438 : i32 to index
      %get3A_440 = tpu.vector_load %arg8[%get3A_439] {strides = array<i32>} : memref<1024xf32, #tpu.memory_space<vmem>>, vector<16xf32>,
      %mul3A_441 = arith.constant 128 : i32
      %mul3A_442 = vector.broadcast %mul3A_441 : i32 to vector<16xi32>
      %mul3A_443 = arith.muli %get3A_436, %mul3A_442 : vector<16xi32>
      %mul3A_444 = arith.constant 2 : i32
      %mul3A_445 = arith.muli %add3A_433, %mul3A_444 : i32
      %add3A_446 = vector.broadcast %mul3A_445 : i32 to vector<16xi32>
      %add3A_447 = arith.addi %mul3A_443, %add3A_446 : vector<16xi32>
      %add3A_448 = arith.addi %add3A_447, %select_n3A : vector<16xi32>
      %ge3A = vector.broadcast %mul3A_40 : i32 to vector<16xi32>
      %ge3A_449 = arith.cmpi sge, %add3A_448, %ge3A : vector<16xi32>
      %add3A_450 = arith.constant 40960 : i32
      %add3A_451 = arith.addi %mul3A_40, %add3A_450 : i32
      %lt3A = vector.broadcast %add3A_451 : i32 to vector<16xi32>
      %lt3A_452 = arith.cmpi slt, %add3A_448, %lt3A : vector<16xi32>
      %and3A_453 = arith.andi %ge3A_449, %lt3A_452 : vector<16xi1>
      %gt3A = arith.constant 0.000000e+00 : f32
      %gt3A_454 = vector.broadcast %gt3A : f32 to vector<16xf32>
      %gt3A_455 = arith.cmpf ogt, %get3A_440, %gt3A_454 : vector<16xf32>
      %and3A_456 = arith.andi %and3A_453, %gt3A_455 : vector<16xi1>
      %sub3A_457 = vector.broadcast %mul3A_40 : i32 to vector<16xi32>
      %sub3A_458 = arith.subi %add3A_448, %sub3A_457 : vector<16xi32>
      %jit3A_459 = arith.constant 0 : i32
      %broadcast_in_dim3A = vector.broadcast %jit3A_459 : i32 to vector<16xi32>
      %select_n3A_460 = arith.select %and3A_456, %sub3A_458, %broadcast_in_dim3A : vector<16xi1>, vector<16xi32>
      tpu.vector_store_idx %arg5[%select_n3A_460], %get3A_440 masked %and3A_456 : memref<40960xf32, #tpu.memory_space<vmem>>[vector<16xi32>], vector<16xf32>, vector<16xi1>
      %mul3A_461 = arith.constant 4 : i32
      %mul3A_462 = arith.muli %scan3A_429, %mul3A_461 : i32
      %add3A_463 = arith.constant 1 : i32
      %add3A_464 = arith.addi %mul3A_462, %add3A_463 : i32
      %mul3A_465 = arith.constant 16 : i32
      %mul3A_466 = arith.muli %add3A_464, %mul3A_465 : i32
      %get3A_467 = arith.index_cast %mul3A_466 : i32 to index
      %get3A_468 = tpu.vector_load %arg7[%get3A_467] {strides = array<i32>} : memref<1024xi32, #tpu.memory_space<vmem>>, vector<16xi32>,
      %mul3A_469 = arith.constant 16 : i32
      %mul3A_470 = arith.muli %add3A_464, %mul3A_469 : i32
      %get3A_471 = arith.index_cast %mul3A_470 : i32 to index
      %get3A_472 = tpu.vector_load %arg8[%get3A_471] {strides = array<i32>} : memref<1024xf32, #tpu.memory_space<vmem>>, vector<16xf32>,
      %mul3A_473 = arith.constant 128 : i32
      %mul3A_474 = vector.broadcast %mul3A_473 : i32 to vector<16xi32>
      %mul3A_475 = arith.muli %get3A_468, %mul3A_474 : vector<16xi32>
      %mul3A_476 = arith.constant 2 : i32
      %mul3A_477 = arith.muli %add3A_464, %mul3A_476 : i32
      %add3A_478 = vector.broadcast %mul3A_477 : i32 to vector<16xi32>
      %add3A_479 = arith.addi %mul3A_475, %add3A_478 : vector<16xi32>
      %add3A_480 = arith.addi %add3A_479, %select_n3A : vector<16xi32>
      %ge3A_481 = vector.broadcast %mul3A_40 : i32 to vector<16xi32>
      %ge3A_482 = arith.cmpi sge, %add3A_480, %ge3A_481 : vector<16xi32>
      %add3A_483 = arith.constant 40960 : i32
      %add3A_484 = arith.addi %mul3A_40, %add3A_483 : i32
      %lt3A_485 = vector.broadcast %add3A_484 : i32 to vector<16xi32>
      %lt3A_486 = arith.cmpi slt, %add3A_480, %lt3A_485 : vector<16xi32>
      %and3A_487 = arith.andi %ge3A_482, %lt3A_486 : vector<16xi1>
      %gt3A_488 = arith.constant 0.000000e+00 : f32
      %gt3A_489 = vector.broadcast %gt3A_488 : f32 to vector<16xf32>
      %gt3A_490 = arith.cmpf ogt, %get3A_472, %gt3A_489 : vector<16xf32>
      %and3A_491 = arith.andi %and3A_487, %gt3A_490 : vector<16xi1>
      %sub3A_492 = vector.broadcast %mul3A_40 : i32 to vector<16xi32>
      %sub3A_493 = arith.subi %add3A_480, %sub3A_492 : vector<16xi32>
      %jit3A_494 = arith.constant 0 : i32
      %broadcast_in_dim3A_495 = vector.broadcast %jit3A_494 : i32 to vector<16xi32>
      %select_n3A_496 = arith.select %and3A_491, %sub3A_493, %broadcast_in_dim3A_495 : vector<16xi1>, vector<16xi32>
      tpu.vector_store_idx %arg5[%select_n3A_496], %get3A_472 masked %and3A_491 : memref<40960xf32, #tpu.memory_space<vmem>>[vector<16xi32>], vector<16xf32>, vector<16xi1>
      %mul3A_497 = arith.constant 4 : i32
      %mul3A_498 = arith.muli %scan3A_429, %mul3A_497 : i32
      %add3A_499 = arith.constant 2 : i32
      %add3A_500 = arith.addi %mul3A_498, %add3A_499 : i32
      %mul3A_501 = arith.constant 16 : i32
      %mul3A_502 = arith.muli %add3A_500, %mul3A_501 : i32
      %get3A_503 = arith.index_cast %mul3A_502 : i32 to index
      %get3A_504 = tpu.vector_load %arg7[%get3A_503] {strides = array<i32>} : memref<1024xi32, #tpu.memory_space<vmem>>, vector<16xi32>,
      %mul3A_505 = arith.constant 16 : i32
      %mul3A_506 = arith.muli %add3A_500, %mul3A_505 : i32
      %get3A_507 = arith.index_cast %mul3A_506 : i32 to index
      %get3A_508 = tpu.vector_load %arg8[%get3A_507] {strides = array<i32>} : memref<1024xf32, #tpu.memory_space<vmem>>, vector<16xf32>,
      %mul3A_509 = arith.constant 128 : i32
      %mul3A_510 = vector.broadcast %mul3A_509 : i32 to vector<16xi32>
      %mul3A_511 = arith.muli %get3A_504, %mul3A_510 : vector<16xi32>
      %mul3A_512 = arith.constant 2 : i32
      %mul3A_513 = arith.muli %add3A_500, %mul3A_512 : i32
      %add3A_514 = vector.broadcast %mul3A_513 : i32 to vector<16xi32>
      %add3A_515 = arith.addi %mul3A_511, %add3A_514 : vector<16xi32>
      %add3A_516 = arith.addi %add3A_515, %select_n3A : vector<16xi32>
      %ge3A_517 = vector.broadcast %mul3A_40 : i32 to vector<16xi32>
      %ge3A_518 = arith.cmpi sge, %add3A_516, %ge3A_517 : vector<16xi32>
      %add3A_519 = arith.constant 40960 : i32
      %add3A_520 = arith.addi %mul3A_40, %add3A_519 : i32
      %lt3A_521 = vector.broadcast %add3A_520 : i32 to vector<16xi32>
      %lt3A_522 = arith.cmpi slt, %add3A_516, %lt3A_521 : vector<16xi32>
      %and3A_523 = arith.andi %ge3A_518, %lt3A_522 : vector<16xi1>
      %gt3A_524 = arith.constant 0.000000e+00 : f32
      %gt3A_525 = vector.broadcast %gt3A_524 : f32 to vector<16xf32>
      %gt3A_526 = arith.cmpf ogt, %get3A_508, %gt3A_525 : vector<16xf32>
      %and3A_527 = arith.andi %and3A_523, %gt3A_526 : vector<16xi1>
      %sub3A_528 = vector.broadcast %mul3A_40 : i32 to vector<16xi32>
      %sub3A_529 = arith.subi %add3A_516, %sub3A_528 : vector<16xi32>
      %jit3A_530 = arith.constant 0 : i32
      %broadcast_in_dim3A_531 = vector.broadcast %jit3A_530 : i32 to vector<16xi32>
      %select_n3A_532 = arith.select %and3A_527, %sub3A_529, %broadcast_in_dim3A_531 : vector<16xi1>, vector<16xi32>
      tpu.vector_store_idx %arg5[%select_n3A_532], %get3A_508 masked %and3A_527 : memref<40960xf32, #tpu.memory_space<vmem>>[vector<16xi32>], vector<16xf32>, vector<16xi1>
      %mul3A_533 = arith.constant 4 : i32
      %mul3A_534 = arith.muli %scan3A_429, %mul3A_533 : i32
      %add3A_535 = arith.constant 3 : i32
      %add3A_536 = arith.addi %mul3A_534, %add3A_535 : i32
      %mul3A_537 = arith.constant 16 : i32
      %mul3A_538 = arith.muli %add3A_536, %mul3A_537 : i32
      %get3A_539 = arith.index_cast %mul3A_538 : i32 to index
      %get3A_540 = tpu.vector_load %arg7[%get3A_539] {strides = array<i32>} : memref<1024xi32, #tpu.memory_space<vmem>>, vector<16xi32>,
      %mul3A_541 = arith.constant 16 : i32
      %mul3A_542 = arith.muli %add3A_536, %mul3A_541 : i32
      %get3A_543 = arith.index_cast %mul3A_542 : i32 to index
      %get3A_544 = tpu.vector_load %arg8[%get3A_543] {strides = array<i32>} : memref<1024xf32, #tpu.memory_space<vmem>>, vector<16xf32>,
      %mul3A_545 = arith.constant 128 : i32
      %mul3A_546 = vector.broadcast %mul3A_545 : i32 to vector<16xi32>
      %mul3A_547 = arith.muli %get3A_540, %mul3A_546 : vector<16xi32>
      %mul3A_548 = arith.constant 2 : i32
      %mul3A_549 = arith.muli %add3A_536, %mul3A_548 : i32
      %add3A_550 = vector.broadcast %mul3A_549 : i32 to vector<16xi32>
      %add3A_551 = arith.addi %mul3A_547, %add3A_550 : vector<16xi32>
      %add3A_552 = arith.addi %add3A_551, %select_n3A : vector<16xi32>
      %ge3A_553 = vector.broadcast %mul3A_40 : i32 to vector<16xi32>
      %ge3A_554 = arith.cmpi sge, %add3A_552, %ge3A_553 : vector<16xi32>
      %add3A_555 = arith.constant 40960 : i32
      %add3A_556 = arith.addi %mul3A_40, %add3A_555 : i32
      %lt3A_557 = vector.broadcast %add3A_556 : i32 to vector<16xi32>
      %lt3A_558 = arith.cmpi slt, %add3A_552, %lt3A_557 : vector<16xi32>
      %and3A_559 = arith.andi %ge3A_554, %lt3A_558 : vector<16xi1>
      %gt3A_560 = arith.constant 0.000000e+00 : f32
      %gt3A_561 = vector.broadcast %gt3A_560 : f32 to vector<16xf32>
      %gt3A_562 = arith.cmpf ogt, %get3A_544, %gt3A_561 : vector<16xf32>
      %and3A_563 = arith.andi %and3A_559, %gt3A_562 : vector<16xi1>
      %sub3A_564 = vector.broadcast %mul3A_40 : i32 to vector<16xi32>
      %sub3A_565 = arith.subi %add3A_552, %sub3A_564 : vector<16xi32>
      %jit3A_566 = arith.constant 0 : i32
      %broadcast_in_dim3A_567 = vector.broadcast %jit3A_566 : i32 to vector<16xi32>
      %select_n3A_568 = arith.select %and3A_563, %sub3A_565, %broadcast_in_dim3A_567 : vector<16xi1>, vector<16xi32>
      tpu.vector_store_idx %arg5[%select_n3A_568], %get3A_544 masked %and3A_563 : memref<40960xf32, #tpu.memory_space<vmem>>[vector<16xi32>], vector<16xf32>, vector<16xi1>
    }
    %scan3A_46 = arith.constant 16 : i32
    %mul3A_47 = arith.constant 3125 : i32
    %mul3A_48 = arith.muli %add3A, %mul3A_47 : i32
    %add3A_49 = arith.constant 0 : i32
    %add3A_50 = arith.addi %mul3A_48, %add3A_49 : i32
    %mul3A_51 = arith.constant 128 : i32
    %mul3A_52 = arith.muli %add3A_50, %mul3A_51 : i32
    %dma_start3A = arith.constant 0 : i32
    %dma_start3A_53 = tpu.memref_slice %arg5[%dma_start3A] : memref<40960xf32, #tpu.memory_space<vmem>> -> memref<40960xf32, #tpu.memory_space<vmem>>
    %dma_start3A_54 = tpu.memref_slice %arg4[%mul3A_52] : memref<12800000xf32, #tpu.memory_space<hbm>> -> memref<40960xf32, #tpu.memory_space<hbm>>
    %dma_start3A_55 = tpu.memref_slice %arg4[%mul3A_52] : memref<12800000xf32, #tpu.memory_space<hbm>> -> memref<40960xf32, #tpu.memory_space<hbm>>
    %dma_start3A_56 = arith.constant 0 : i32
    %dma_start3A_57 = tpu.memref_slice %arg5[%dma_start3A_56] : memref<40960xf32, #tpu.memory_space<vmem>> -> memref<40960xf32, #tpu.memory_space<vmem>>
    tpu.enqueue_dma source(%dma_start3A_57 : memref<40960xf32, #tpu.memory_space<vmem>>) target(%dma_start3A_55 : memref<40960xf32, #tpu.memory_space<hbm>>) target_semaphore(%arg9 : memref<!tpu.dma_semaphore, #tpu.memory_space<semaphore_mem>>)
    %mul3A_58 = arith.constant 3125 : i32
    %mul3A_59 = arith.muli %add3A, %mul3A_58 : i32
    %add3A_60 = arith.constant 320 : i32
    %add3A_61 = arith.addi %mul3A_59, %add3A_60 : i32
    %mul3A_62 = arith.constant 128 : i32
    %mul3A_63 = arith.muli %add3A_61, %mul3A_62 : i32
    %scan3A_64 = arith.constant 0 : i32
    %scan3A_65 = arith.constant 0 : i32
    %scan3A_66 = arith.constant 16 : i32
    %scan3A_67 = arith.addi %scan3A_65, %scan3A_66 : i32
    %scan3A_68 = arith.constant 1 : i32
    scf.for %scan3A_429 = %scan3A_65 to %scan3A_67 step %scan3A_68  : i32 {
      %mul3A_430 = arith.constant 4 : i32
      %mul3A_431 = arith.muli %scan3A_429, %mul3A_430 : i32
      %add3A_432 = arith.constant 0 : i32
      %add3A_433 = arith.addi %mul3A_431, %add3A_432 : i32
      %mul3A_434 = arith.constant 16 : i32
      %mul3A_435 = arith.muli %add3A_433, %mul3A_434 : i32
      %get3A = arith.index_cast %mul3A_435 : i32 to index
      %get3A_436 = tpu.vector_load %arg7[%get3A] {strides = array<i32>} : memref<1024xi32, #tpu.memory_space<vmem>>, vector<16xi32>,
      %mul3A_437 = arith.constant 16 : i32
      %mul3A_438 = arith.muli %add3A_433, %mul3A_437 : i32
      %get3A_439 = arith.index_cast %mul3A_438 : i32 to index
      %get3A_440 = tpu.vector_load %arg8[%get3A_439] {strides = array<i32>} : memref<1024xf32, #tpu.memory_space<vmem>>, vector<16xf32>,
      %mul3A_441 = arith.constant 128 : i32
      %mul3A_442 = vector.broadcast %mul3A_441 : i32 to vector<16xi32>
      %mul3A_443 = arith.muli %get3A_436, %mul3A_442 : vector<16xi32>
      %mul3A_444 = arith.constant 2 : i32
      %mul3A_445 = arith.muli %add3A_433, %mul3A_444 : i32
      %add3A_446 = vector.broadcast %mul3A_445 : i32 to vector<16xi32>
      %add3A_447 = arith.addi %mul3A_443, %add3A_446 : vector<16xi32>
      %add3A_448 = arith.addi %add3A_447, %select_n3A : vector<16xi32>
      %ge3A = vector.broadcast %mul3A_63 : i32 to vector<16xi32>
      %ge3A_449 = arith.cmpi sge, %add3A_448, %ge3A : vector<16xi32>
      %add3A_450 = arith.constant 40960 : i32
      %add3A_451 = arith.addi %mul3A_63, %add3A_450 : i32
      %lt3A = vector.broadcast %add3A_451 : i32 to vector<16xi32>
      %lt3A_452 = arith.cmpi slt, %add3A_448, %lt3A : vector<16xi32>
      %and3A_453 = arith.andi %ge3A_449, %lt3A_452 : vector<16xi1>
      %gt3A = arith.constant 0.000000e+00 : f32
      %gt3A_454 = vector.broadcast %gt3A : f32 to vector<16xf32>
      %gt3A_455 = arith.cmpf ogt, %get3A_440, %gt3A_454 : vector<16xf32>
      %and3A_456 = arith.andi %and3A_453, %gt3A_455 : vector<16xi1>
      %sub3A_457 = vector.broadcast %mul3A_63 : i32 to vector<16xi32>
      %sub3A_458 = arith.subi %add3A_448, %sub3A_457 : vector<16xi32>
      %jit3A_459 = arith.constant 0 : i32
      %broadcast_in_dim3A = vector.broadcast %jit3A_459 : i32 to vector<16xi32>
      %select_n3A_460 = arith.select %and3A_456, %sub3A_458, %broadcast_in_dim3A : vector<16xi1>, vector<16xi32>
      tpu.vector_store_idx %arg6[%select_n3A_460], %get3A_440 masked %and3A_456 : memref<40960xf32, #tpu.memory_space<vmem>>[vector<16xi32>], vector<16xf32>, vector<16xi1>
      %mul3A_461 = arith.constant 4 : i32
      %mul3A_462 = arith.muli %scan3A_429, %mul3A_461 : i32
      %add3A_463 = arith.constant 1 : i32
      %add3A_464 = arith.addi %mul3A_462, %add3A_463 : i32
      %mul3A_465 = arith.constant 16 : i32
      %mul3A_466 = arith.muli %add3A_464, %mul3A_465 : i32
      %get3A_467 = arith.index_cast %mul3A_466 : i32 to index
      %get3A_468 = tpu.vector_load %arg7[%get3A_467] {strides = array<i32>} : memref<1024xi32, #tpu.memory_space<vmem>>, vector<16xi32>,
      %mul3A_469 = arith.constant 16 : i32
      %mul3A_470 = arith.muli %add3A_464, %mul3A_469 : i32
      %get3A_471 = arith.index_cast %mul3A_470 : i32 to index
      %get3A_472 = tpu.vector_load %arg8[%get3A_471] {strides = array<i32>} : memref<1024xf32, #tpu.memory_space<vmem>>, vector<16xf32>,
      %mul3A_473 = arith.constant 128 : i32
      %mul3A_474 = vector.broadcast %mul3A_473 : i32 to vector<16xi32>
      %mul3A_475 = arith.muli %get3A_468, %mul3A_474 : vector<16xi32>
      %mul3A_476 = arith.constant 2 : i32
      %mul3A_477 = arith.muli %add3A_464, %mul3A_476 : i32
      %add3A_478 = vector.broadcast %mul3A_477 : i32 to vector<16xi32>
      %add3A_479 = arith.addi %mul3A_475, %add3A_478 : vector<16xi32>
      %add3A_480 = arith.addi %add3A_479, %select_n3A : vector<16xi32>
      %ge3A_481 = vector.broadcast %mul3A_63 : i32 to vector<16xi32>
      %ge3A_482 = arith.cmpi sge, %add3A_480, %ge3A_481 : vector<16xi32>
      %add3A_483 = arith.constant 40960 : i32
      %add3A_484 = arith.addi %mul3A_63, %add3A_483 : i32
      %lt3A_485 = vector.broadcast %add3A_484 : i32 to vector<16xi32>
      %lt3A_486 = arith.cmpi slt, %add3A_480, %lt3A_485 : vector<16xi32>
      %and3A_487 = arith.andi %ge3A_482, %lt3A_486 : vector<16xi1>
      %gt3A_488 = arith.constant 0.000000e+00 : f32
      %gt3A_489 = vector.broadcast %gt3A_488 : f32 to vector<16xf32>
      %gt3A_490 = arith.cmpf ogt, %get3A_472, %gt3A_489 : vector<16xf32>
      %and3A_491 = arith.andi %and3A_487, %gt3A_490 : vector<16xi1>
      %sub3A_492 = vector.broadcast %mul3A_63 : i32 to vector<16xi32>
      %sub3A_493 = arith.subi %add3A_480, %sub3A_492 : vector<16xi32>
      %jit3A_494 = arith.constant 0 : i32
      %broadcast_in_dim3A_495 = vector.broadcast %jit3A_494 : i32 to vector<16xi32>
      %select_n3A_496 = arith.select %and3A_491, %sub3A_493, %broadcast_in_dim3A_495 : vector<16xi1>, vector<16xi32>
      tpu.vector_store_idx %arg6[%select_n3A_496], %get3A_472 masked %and3A_491 : memref<40960xf32, #tpu.memory_space<vmem>>[vector<16xi32>], vector<16xf32>, vector<16xi1>
      %mul3A_497 = arith.constant 4 : i32
      %mul3A_498 = arith.muli %scan3A_429, %mul3A_497 : i32
      %add3A_499 = arith.constant 2 : i32
      %add3A_500 = arith.addi %mul3A_498, %add3A_499 : i32
      %mul3A_501 = arith.constant 16 : i32
      %mul3A_502 = arith.muli %add3A_500, %mul3A_501 : i32
      %get3A_503 = arith.index_cast %mul3A_502 : i32 to index
      %get3A_504 = tpu.vector_load %arg7[%get3A_503] {strides = array<i32>} : memref<1024xi32, #tpu.memory_space<vmem>>, vector<16xi32>,
      %mul3A_505 = arith.constant 16 : i32
      %mul3A_506 = arith.muli %add3A_500, %mul3A_505 : i32
      %get3A_507 = arith.index_cast %mul3A_506 : i32 to index
      %get3A_508 = tpu.vector_load %arg8[%get3A_507] {strides = array<i32>} : memref<1024xf32, #tpu.memory_space<vmem>>, vector<16xf32>,
      %mul3A_509 = arith.constant 128 : i32
      %mul3A_510 = vector.broadcast %mul3A_509 : i32 to vector<16xi32>
      %mul3A_511 = arith.muli %get3A_504, %mul3A_510 : vector<16xi32>
      %mul3A_512 = arith.constant 2 : i32
      %mul3A_513 = arith.muli %add3A_500, %mul3A_512 : i32
      %add3A_514 = vector.broadcast %mul3A_513 : i32 to vector<16xi32>
      %add3A_515 = arith.addi %mul3A_511, %add3A_514 : vector<16xi32>
      %add3A_516 = arith.addi %add3A_515, %select_n3A : vector<16xi32>
      %ge3A_517 = vector.broadcast %mul3A_63 : i32 to vector<16xi32>
      %ge3A_518 = arith.cmpi sge, %add3A_516, %ge3A_517 : vector<16xi32>
      %add3A_519 = arith.constant 40960 : i32
      %add3A_520 = arith.addi %mul3A_63, %add3A_519 : i32
      %lt3A_521 = vector.broadcast %add3A_520 : i32 to vector<16xi32>
      %lt3A_522 = arith.cmpi slt, %add3A_516, %lt3A_521 : vector<16xi32>
      %and3A_523 = arith.andi %ge3A_518, %lt3A_522 : vector<16xi1>
      %gt3A_524 = arith.constant 0.000000e+00 : f32
      %gt3A_525 = vector.broadcast %gt3A_524 : f32 to vector<16xf32>
      %gt3A_526 = arith.cmpf ogt, %get3A_508, %gt3A_525 : vector<16xf32>
      %and3A_527 = arith.andi %and3A_523, %gt3A_526 : vector<16xi1>
      %sub3A_528 = vector.broadcast %mul3A_63 : i32 to vector<16xi32>
      %sub3A_529 = arith.subi %add3A_516, %sub3A_528 : vector<16xi32>
      %jit3A_530 = arith.constant 0 : i32
      %broadcast_in_dim3A_531 = vector.broadcast %jit3A_530 : i32 to vector<16xi32>
      %select_n3A_532 = arith.select %and3A_527, %sub3A_529, %broadcast_in_dim3A_531 : vector<16xi1>, vector<16xi32>
      tpu.vector_store_idx %arg6[%select_n3A_532], %get3A_508 masked %and3A_527 : memref<40960xf32, #tpu.memory_space<vmem>>[vector<16xi32>], vector<16xf32>, vector<16xi1>
      %mul3A_533 = arith.constant 4 : i32
      %mul3A_534 = arith.muli %scan3A_429, %mul3A_533 : i32
      %add3A_535 = arith.constant 3 : i32
      %add3A_536 = arith.addi %mul3A_534, %add3A_535 : i32
      %mul3A_537 = arith.constant 16 : i32
      %mul3A_538 = arith.muli %add3A_536, %mul3A_537 : i32
      %get3A_539 = arith.index_cast %mul3A_538 : i32 to index
      %get3A_540 = tpu.vector_load %arg7[%get3A_539] {strides = array<i32>} : memref<1024xi32, #tpu.memory_space<vmem>>, vector<16xi32>,
      %mul3A_541 = arith.constant 16 : i32
      %mul3A_542 = arith.muli %add3A_536, %mul3A_541 : i32
      %get3A_543 = arith.index_cast %mul3A_542 : i32 to index
      %get3A_544 = tpu.vector_load %arg8[%get3A_543] {strides = array<i32>} : memref<1024xf32, #tpu.memory_space<vmem>>, vector<16xf32>,
      %mul3A_545 = arith.constant 128 : i32
      %mul3A_546 = vector.broadcast %mul3A_545 : i32 to vector<16xi32>
      %mul3A_547 = arith.muli %get3A_540, %mul3A_546 : vector<16xi32>
      %mul3A_548 = arith.constant 2 : i32
      %mul3A_549 = arith.muli %add3A_536, %mul3A_548 : i32
      %add3A_550 = vector.broadcast %mul3A_549 : i32 to vector<16xi32>
      %add3A_551 = arith.addi %mul3A_547, %add3A_550 : vector<16xi32>
      %add3A_552 = arith.addi %add3A_551, %select_n3A : vector<16xi32>
      %ge3A_553 = vector.broadcast %mul3A_63 : i32 to vector<16xi32>
      %ge3A_554 = arith.cmpi sge, %add3A_552, %ge3A_553 : vector<16xi32>
      %add3A_555 = arith.constant 40960 : i32
      %add3A_556 = arith.addi %mul3A_63, %add3A_555 : i32
      %lt3A_557 = vector.broadcast %add3A_556 : i32 to vector<16xi32>
      %lt3A_558 = arith.cmpi slt, %add3A_552, %lt3A_557 : vector<16xi32>
      %and3A_559 = arith.andi %ge3A_554, %lt3A_558 : vector<16xi1>
      %gt3A_560 = arith.constant 0.000000e+00 : f32
      %gt3A_561 = vector.broadcast %gt3A_560 : f32 to vector<16xf32>
      %gt3A_562 = arith.cmpf ogt, %get3A_544, %gt3A_561 : vector<16xf32>
      %and3A_563 = arith.andi %and3A_559, %gt3A_562 : vector<16xi1>
      %sub3A_564 = vector.broadcast %mul3A_63 : i32 to vector<16xi32>
      %sub3A_565 = arith.subi %add3A_552, %sub3A_564 : vector<16xi32>
      %jit3A_566 = arith.constant 0 : i32
      %broadcast_in_dim3A_567 = vector.broadcast %jit3A_566 : i32 to vector<16xi32>
      %select_n3A_568 = arith.select %and3A_563, %sub3A_565, %broadcast_in_dim3A_567 : vector<16xi1>, vector<16xi32>
      tpu.vector_store_idx %arg6[%select_n3A_568], %get3A_544 masked %and3A_563 : memref<40960xf32, #tpu.memory_space<vmem>>[vector<16xi32>], vector<16xf32>, vector<16xi1>
    }
    %scan3A_69 = arith.constant 16 : i32
    %mul3A_70 = arith.constant 3125 : i32
    %mul3A_71 = arith.muli %add3A, %mul3A_70 : i32
    %add3A_72 = arith.constant 320 : i32
    %add3A_73 = arith.addi %mul3A_71, %add3A_72 : i32
    %mul3A_74 = arith.constant 128 : i32
    %mul3A_75 = arith.muli %add3A_73, %mul3A_74 : i32
    %dma_start3A_76 = arith.constant 0 : i32
    %dma_start3A_77 = tpu.memref_slice %arg6[%dma_start3A_76] : memref<40960xf32, #tpu.memory_space<vmem>> -> memref<40960xf32, #tpu.memory_space<vmem>>
    %dma_start3A_78 = tpu.memref_slice %arg4[%mul3A_75] : memref<12800000xf32, #tpu.memory_space<hbm>> -> memref<40960xf32, #tpu.memory_space<hbm>>
    %dma_start3A_79 = tpu.memref_slice %arg4[%mul3A_75] : memref<12800000xf32, #tpu.memory_space<hbm>> -> memref<40960xf32, #tpu.memory_space<hbm>>
    %dma_start3A_80 = arith.constant 0 : i32
    %dma_start3A_81 = tpu.memref_slice %arg6[%dma_start3A_80] : memref<40960xf32, #tpu.memory_space<vmem>> -> memref<40960xf32, #tpu.memory_space<vmem>>
    tpu.enqueue_dma source(%dma_start3A_81 : memref<40960xf32, #tpu.memory_space<vmem>>) target(%dma_start3A_79 : memref<40960xf32, #tpu.memory_space<hbm>>) target_semaphore(%arg10 : memref<!tpu.dma_semaphore, #tpu.memory_space<semaphore_mem>>)
    %dma_wait3A = arith.constant 0 : i32
    %dma_wait3A_82 = tpu.memref_slice %arg5[%dma_wait3A] : memref<40960xf32, #tpu.memory_space<vmem>> -> memref<40960xf32, #tpu.memory_space<vmem>>
    %dma_wait3A_83 = tpu.memref_slice %arg4[%mul3A_52] : memref<12800000xf32, #tpu.memory_space<hbm>> -> memref<40960xf32, #tpu.memory_space<hbm>>
    %dma_wait3A_84 = tpu.memref_slice %arg4[%mul3A_52] : memref<12800000xf32, #tpu.memory_space<hbm>> -> memref<40960xf32, #tpu.memory_space<hbm>>
    %dma_wait3A_85 = arith.constant 0 : i32
    %dma_wait3A_86 = tpu.memref_slice %arg5[%dma_wait3A_85] : memref<40960xf32, #tpu.memory_space<vmem>> -> memref<40960xf32, #tpu.memory_space<vmem>>
    tpu.wait_dma2 semaphore(%arg9 : memref<!tpu.dma_semaphore, #tpu.memory_space<semaphore_mem>>) src(%dma_wait3A_86 : memref<40960xf32, #tpu.memory_space<vmem>>) dst(%dma_wait3A_84 : memref<40960xf32, #tpu.memory_space<hbm>>)
    %mul3A_87 = arith.constant 3125 : i32
    %mul3A_88 = arith.muli %add3A, %mul3A_87 : i32
    %add3A_89 = arith.constant 0 : i32
    %add3A_90 = arith.addi %mul3A_88, %add3A_89 : i32
    %mul3A_91 = arith.constant 128 : i32
    %mul3A_92 = arith.muli %add3A_90, %mul3A_91 : i32
    %scan3A_93 = arith.constant 0 : i32
    %scan3A_94 = arith.constant 0 : i32
    %scan3A_95 = arith.constant 16 : i32
    %scan3A_96 = arith.addi %scan3A_94, %scan3A_95 : i32
    %scan3A_97 = arith.constant 1 : i32
    scf.for %scan3A_429 = %scan3A_94 to %scan3A_96 step %scan3A_97  : i32 {
      %mul3A_430 = arith.constant 4 : i32
      %mul3A_431 = arith.muli %scan3A_429, %mul3A_430 : i32
      %add3A_432 = arith.constant 0 : i32
      %add3A_433 = arith.addi %mul3A_431, %add3A_432 : i32
      %mul3A_434 = arith.constant 16 : i32
      %mul3A_435 = arith.muli %add3A_433, %mul3A_434 : i32
      %get3A = arith.index_cast %mul3A_435 : i32 to index
      %get3A_436 = tpu.vector_load %arg7[%get3A] {strides = array<i32>} : memref<1024xi32, #tpu.memory_space<vmem>>, vector<16xi32>,
      %mul3A_437 = arith.constant 16 : i32
      %mul3A_438 = arith.muli %add3A_433, %mul3A_437 : i32
      %get3A_439 = arith.index_cast %mul3A_438 : i32 to index
      %get3A_440 = tpu.vector_load %arg8[%get3A_439] {strides = array<i32>} : memref<1024xf32, #tpu.memory_space<vmem>>, vector<16xf32>,
      %mul3A_441 = arith.constant 128 : i32
      %mul3A_442 = vector.broadcast %mul3A_441 : i32 to vector<16xi32>
      %mul3A_443 = arith.muli %get3A_436, %mul3A_442 : vector<16xi32>
      %mul3A_444 = arith.constant 2 : i32
      %mul3A_445 = arith.muli %add3A_433, %mul3A_444 : i32
      %add3A_446 = vector.broadcast %mul3A_445 : i32 to vector<16xi32>
      %add3A_447 = arith.addi %mul3A_443, %add3A_446 : vector<16xi32>
      %add3A_448 = arith.addi %add3A_447, %select_n3A : vector<16xi32>
      %ge3A = vector.broadcast %mul3A_92 : i32 to vector<16xi32>
      %ge3A_449 = arith.cmpi sge, %add3A_448, %ge3A : vector<16xi32>
      %add3A_450 = arith.constant 40960 : i32
      %add3A_451 = arith.addi %mul3A_92, %add3A_450 : i32
      %lt3A = vector.broadcast %add3A_451 : i32 to vector<16xi32>
      %lt3A_452 = arith.cmpi slt, %add3A_448, %lt3A : vector<16xi32>
      %and3A_453 = arith.andi %ge3A_449, %lt3A_452 : vector<16xi1>
      %gt3A = arith.constant 0.000000e+00 : f32
      %gt3A_454 = vector.broadcast %gt3A : f32 to vector<16xf32>
      %gt3A_455 = arith.cmpf ogt, %get3A_440, %gt3A_454 : vector<16xf32>
      %and3A_456 = arith.andi %and3A_453, %gt3A_455 : vector<16xi1>
      %sub3A_457 = vector.broadcast %mul3A_92 : i32 to vector<16xi32>
      %sub3A_458 = arith.subi %add3A_448, %sub3A_457 : vector<16xi32>
      %jit3A_459 = arith.constant 0 : i32
      %broadcast_in_dim3A = vector.broadcast %jit3A_459 : i32 to vector<16xi32>
      %select_n3A_460 = arith.select %and3A_456, %sub3A_458, %broadcast_in_dim3A : vector<16xi1>, vector<16xi32>
      %broadcast_in_dim3A_461 = arith.constant 0.000000e+00 : f32
      %broadcast_in_dim3A_462 = vector.broadcast %broadcast_in_dim3A_461 : f32 to vector<16xf32>
      tpu.vector_store_idx %arg5[%select_n3A_460], %broadcast_in_dim3A_462 masked %and3A_456 : memref<40960xf32, #tpu.memory_space<vmem>>[vector<16xi32>], vector<16xf32>, vector<16xi1>
      %mul3A_463 = arith.constant 4 : i32
      %mul3A_464 = arith.muli %scan3A_429, %mul3A_463 : i32
      %add3A_465 = arith.constant 1 : i32
      %add3A_466 = arith.addi %mul3A_464, %add3A_465 : i32
      %mul3A_467 = arith.constant 16 : i32
      %mul3A_468 = arith.muli %add3A_466, %mul3A_467 : i32
      %get3A_469 = arith.index_cast %mul3A_468 : i32 to index
      %get3A_470 = tpu.vector_load %arg7[%get3A_469] {strides = array<i32>} : memref<1024xi32, #tpu.memory_space<vmem>>, vector<16xi32>,
      %mul3A_471 = arith.constant 16 : i32
      %mul3A_472 = arith.muli %add3A_466, %mul3A_471 : i32
      %get3A_473 = arith.index_cast %mul3A_472 : i32 to index
      %get3A_474 = tpu.vector_load %arg8[%get3A_473] {strides = array<i32>} : memref<1024xf32, #tpu.memory_space<vmem>>, vector<16xf32>,
      %mul3A_475 = arith.constant 128 : i32
      %mul3A_476 = vector.broadcast %mul3A_475 : i32 to vector<16xi32>
      %mul3A_477 = arith.muli %get3A_470, %mul3A_476 : vector<16xi32>
      %mul3A_478 = arith.constant 2 : i32
      %mul3A_479 = arith.muli %add3A_466, %mul3A_478 : i32
      %add3A_480 = vector.broadcast %mul3A_479 : i32 to vector<16xi32>
      %add3A_481 = arith.addi %mul3A_477, %add3A_480 : vector<16xi32>
      %add3A_482 = arith.addi %add3A_481, %select_n3A : vector<16xi32>
      %ge3A_483 = vector.broadcast %mul3A_92 : i32 to vector<16xi32>
      %ge3A_484 = arith.cmpi sge, %add3A_482, %ge3A_483 : vector<16xi32>
      %add3A_485 = arith.constant 40960 : i32
      %add3A_486 = arith.addi %mul3A_92, %add3A_485 : i32
      %lt3A_487 = vector.broadcast %add3A_486 : i32 to vector<16xi32>
      %lt3A_488 = arith.cmpi slt, %add3A_482, %lt3A_487 : vector<16xi32>
      %and3A_489 = arith.andi %ge3A_484, %lt3A_488 : vector<16xi1>
      %gt3A_490 = arith.constant 0.000000e+00 : f32
      %gt3A_491 = vector.broadcast %gt3A_490 : f32 to vector<16xf32>
      %gt3A_492 = arith.cmpf ogt, %get3A_474, %gt3A_491 : vector<16xf32>
      %and3A_493 = arith.andi %and3A_489, %gt3A_492 : vector<16xi1>
      %sub3A_494 = vector.broadcast %mul3A_92 : i32 to vector<16xi32>
      %sub3A_495 = arith.subi %add3A_482, %sub3A_494 : vector<16xi32>
      %jit3A_496 = arith.constant 0 : i32
      %broadcast_in_dim3A_497 = vector.broadcast %jit3A_496 : i32 to vector<16xi32>
      %select_n3A_498 = arith.select %and3A_493, %sub3A_495, %broadcast_in_dim3A_497 : vector<16xi1>, vector<16xi32>
      %broadcast_in_dim3A_499 = arith.constant 0.000000e+00 : f32
      %broadcast_in_dim3A_500 = vector.broadcast %broadcast_in_dim3A_499 : f32 to vector<16xf32>
      tpu.vector_store_idx %arg5[%select_n3A_498], %broadcast_in_dim3A_500 masked %and3A_493 : memref<40960xf32, #tpu.memory_space<vmem>>[vector<16xi32>], vector<16xf32>, vector<16xi1>
      %mul3A_501 = arith.constant 4 : i32
      %mul3A_502 = arith.muli %scan3A_429, %mul3A_501 : i32
      %add3A_503 = arith.constant 2 : i32
      %add3A_504 = arith.addi %mul3A_502, %add3A_503 : i32
      %mul3A_505 = arith.constant 16 : i32
      %mul3A_506 = arith.muli %add3A_504, %mul3A_505 : i32
      %get3A_507 = arith.index_cast %mul3A_506 : i32 to index
      %get3A_508 = tpu.vector_load %arg7[%get3A_507] {strides = array<i32>} : memref<1024xi32, #tpu.memory_space<vmem>>, vector<16xi32>,
      %mul3A_509 = arith.constant 16 : i32
      %mul3A_510 = arith.muli %add3A_504, %mul3A_509 : i32
      %get3A_511 = arith.index_cast %mul3A_510 : i32 to index
      %get3A_512 = tpu.vector_load %arg8[%get3A_511] {strides = array<i32>} : memref<1024xf32, #tpu.memory_space<vmem>>, vector<16xf32>,
      %mul3A_513 = arith.constant 128 : i32
      %mul3A_514 = vector.broadcast %mul3A_513 : i32 to vector<16xi32>
      %mul3A_515 = arith.muli %get3A_508, %mul3A_514 : vector<16xi32>
      %mul3A_516 = arith.constant 2 : i32
      %mul3A_517 = arith.muli %add3A_504, %mul3A_516 : i32
      %add3A_518 = vector.broadcast %mul3A_517 : i32 to vector<16xi32>
      %add3A_519 = arith.addi %mul3A_515, %add3A_518 : vector<16xi32>
      %add3A_520 = arith.addi %add3A_519, %select_n3A : vector<16xi32>
      %ge3A_521 = vector.broadcast %mul3A_92 : i32 to vector<16xi32>
      %ge3A_522 = arith.cmpi sge, %add3A_520, %ge3A_521 : vector<16xi32>
      %add3A_523 = arith.constant 40960 : i32
      %add3A_524 = arith.addi %mul3A_92, %add3A_523 : i32
      %lt3A_525 = vector.broadcast %add3A_524 : i32 to vector<16xi32>
      %lt3A_526 = arith.cmpi slt, %add3A_520, %lt3A_525 : vector<16xi32>
      %and3A_527 = arith.andi %ge3A_522, %lt3A_526 : vector<16xi1>
      %gt3A_528 = arith.constant 0.000000e+00 : f32
      %gt3A_529 = vector.broadcast %gt3A_528 : f32 to vector<16xf32>
      %gt3A_530 = arith.cmpf ogt, %get3A_512, %gt3A_529 : vector<16xf32>
      %and3A_531 = arith.andi %and3A_527, %gt3A_530 : vector<16xi1>
      %sub3A_532 = vector.broadcast %mul3A_92 : i32 to vector<16xi32>
      %sub3A_533 = arith.subi %add3A_520, %sub3A_532 : vector<16xi32>
      %jit3A_534 = arith.constant 0 : i32
      %broadcast_in_dim3A_535 = vector.broadcast %jit3A_534 : i32 to vector<16xi32>
      %select_n3A_536 = arith.select %and3A_531, %sub3A_533, %broadcast_in_dim3A_535 : vector<16xi1>, vector<16xi32>
      %broadcast_in_dim3A_537 = arith.constant 0.000000e+00 : f32
      %broadcast_in_dim3A_538 = vector.broadcast %broadcast_in_dim3A_537 : f32 to vector<16xf32>
      tpu.vector_store_idx %arg5[%select_n3A_536], %broadcast_in_dim3A_538 masked %and3A_531 : memref<40960xf32, #tpu.memory_space<vmem>>[vector<16xi32>], vector<16xf32>, vector<16xi1>
      %mul3A_539 = arith.constant 4 : i32
      %mul3A_540 = arith.muli %scan3A_429, %mul3A_539 : i32
      %add3A_541 = arith.constant 3 : i32
      %add3A_542 = arith.addi %mul3A_540, %add3A_541 : i32
      %mul3A_543 = arith.constant 16 : i32
      %mul3A_544 = arith.muli %add3A_542, %mul3A_543 : i32
      %get3A_545 = arith.index_cast %mul3A_544 : i32 to index
      %get3A_546 = tpu.vector_load %arg7[%get3A_545] {strides = array<i32>} : memref<1024xi32, #tpu.memory_space<vmem>>, vector<16xi32>,
      %mul3A_547 = arith.constant 16 : i32
      %mul3A_548 = arith.muli %add3A_542, %mul3A_547 : i32
      %get3A_549 = arith.index_cast %mul3A_548 : i32 to index
      %get3A_550 = tpu.vector_load %arg8[%get3A_549] {strides = array<i32>} : memref<1024xf32, #tpu.memory_space<vmem>>, vector<16xf32>,
      %mul3A_551 = arith.constant 128 : i32
      %mul3A_552 = vector.broadcast %mul3A_551 : i32 to vector<16xi32>
      %mul3A_553 = arith.muli %get3A_546, %mul3A_552 : vector<16xi32>
      %mul3A_554 = arith.constant 2 : i32
      %mul3A_555 = arith.muli %add3A_542, %mul3A_554 : i32
      %add3A_556 = vector.broadcast %mul3A_555 : i32 to vector<16xi32>
      %add3A_557 = arith.addi %mul3A_553, %add3A_556 : vector<16xi32>
      %add3A_558 = arith.addi %add3A_557, %select_n3A : vector<16xi32>
      %ge3A_559 = vector.broadcast %mul3A_92 : i32 to vector<16xi32>
      %ge3A_560 = arith.cmpi sge, %add3A_558, %ge3A_559 : vector<16xi32>
      %add3A_561 = arith.constant 40960 : i32
      %add3A_562 = arith.addi %mul3A_92, %add3A_561 : i32
      %lt3A_563 = vector.broadcast %add3A_562 : i32 to vector<16xi32>
      %lt3A_564 = arith.cmpi slt, %add3A_558, %lt3A_563 : vector<16xi32>
      %and3A_565 = arith.andi %ge3A_560, %lt3A_564 : vector<16xi1>
      %gt3A_566 = arith.constant 0.000000e+00 : f32
      %gt3A_567 = vector.broadcast %gt3A_566 : f32 to vector<16xf32>
      %gt3A_568 = arith.cmpf ogt, %get3A_550, %gt3A_567 : vector<16xf32>
      %and3A_569 = arith.andi %and3A_565, %gt3A_568 : vector<16xi1>
      %sub3A_570 = vector.broadcast %mul3A_92 : i32 to vector<16xi32>
      %sub3A_571 = arith.subi %add3A_558, %sub3A_570 : vector<16xi32>
      %jit3A_572 = arith.constant 0 : i32
      %broadcast_in_dim3A_573 = vector.broadcast %jit3A_572 : i32 to vector<16xi32>
      %select_n3A_574 = arith.select %and3A_569, %sub3A_571, %broadcast_in_dim3A_573 : vector<16xi1>, vector<16xi32>
      %broadcast_in_dim3A_575 = arith.constant 0.000000e+00 : f32
      %broadcast_in_dim3A_576 = vector.broadcast %broadcast_in_dim3A_575 : f32 to vector<16xf32>
      tpu.vector_store_idx %arg5[%select_n3A_574], %broadcast_in_dim3A_576 masked %and3A_569 : memref<40960xf32, #tpu.memory_space<vmem>>[vector<16xi32>], vector<16xf32>, vector<16xi1>
    }
    %scan3A_98 = arith.constant 16 : i32
    %mul3A_99 = arith.constant 3125 : i32
    %mul3A_100 = arith.muli %add3A, %mul3A_99 : i32
    %add3A_101 = arith.constant 640 : i32
    %add3A_102 = arith.addi %mul3A_100, %add3A_101 : i32
    %mul3A_103 = arith.constant 128 : i32
    %mul3A_104 = arith.muli %add3A_102, %mul3A_103 : i32
    %scan3A_105 = arith.constant 0 : i32
    %scan3A_106 = arith.constant 0 : i32
    %scan3A_107 = arith.constant 16 : i32
    %scan3A_108 = arith.addi %scan3A_106, %scan3A_107 : i32
    %scan3A_109 = arith.constant 1 : i32
    scf.for %scan3A_429 = %scan3A_106 to %scan3A_108 step %scan3A_109  : i32 {
      %mul3A_430 = arith.constant 4 : i32
      %mul3A_431 = arith.muli %scan3A_429, %mul3A_430 : i32
      %add3A_432 = arith.constant 0 : i32
      %add3A_433 = arith.addi %mul3A_431, %add3A_432 : i32
      %mul3A_434 = arith.constant 16 : i32
      %mul3A_435 = arith.muli %add3A_433, %mul3A_434 : i32
      %get3A = arith.index_cast %mul3A_435 : i32 to index
      %get3A_436 = tpu.vector_load %arg7[%get3A] {strides = array<i32>} : memref<1024xi32, #tpu.memory_space<vmem>>, vector<16xi32>,
      %mul3A_437 = arith.constant 16 : i32
      %mul3A_438 = arith.muli %add3A_433, %mul3A_437 : i32
      %get3A_439 = arith.index_cast %mul3A_438 : i32 to index
      %get3A_440 = tpu.vector_load %arg8[%get3A_439] {strides = array<i32>} : memref<1024xf32, #tpu.memory_space<vmem>>, vector<16xf32>,
      %mul3A_441 = arith.constant 128 : i32
      %mul3A_442 = vector.broadcast %mul3A_441 : i32 to vector<16xi32>
      %mul3A_443 = arith.muli %get3A_436, %mul3A_442 : vector<16xi32>
      %mul3A_444 = arith.constant 2 : i32
      %mul3A_445 = arith.muli %add3A_433, %mul3A_444 : i32
      %add3A_446 = vector.broadcast %mul3A_445 : i32 to vector<16xi32>
      %add3A_447 = arith.addi %mul3A_443, %add3A_446 : vector<16xi32>
      %add3A_448 = arith.addi %add3A_447, %select_n3A : vector<16xi32>
      %ge3A = vector.broadcast %mul3A_104 : i32 to vector<16xi32>
      %ge3A_449 = arith.cmpi sge, %add3A_448, %ge3A : vector<16xi32>
      %add3A_450 = arith.constant 40960 : i32
      %add3A_451 = arith.addi %mul3A_104, %add3A_450 : i32
      %lt3A = vector.broadcast %add3A_451 : i32 to vector<16xi32>
      %lt3A_452 = arith.cmpi slt, %add3A_448, %lt3A : vector<16xi32>
      %and3A_453 = arith.andi %ge3A_449, %lt3A_452 : vector<16xi1>
      %gt3A = arith.constant 0.000000e+00 : f32
      %gt3A_454 = vector.broadcast %gt3A : f32 to vector<16xf32>
      %gt3A_455 = arith.cmpf ogt, %get3A_440, %gt3A_454 : vector<16xf32>
      %and3A_456 = arith.andi %and3A_453, %gt3A_455 : vector<16xi1>
      %sub3A_457 = vector.broadcast %mul3A_104 : i32 to vector<16xi32>
      %sub3A_458 = arith.subi %add3A_448, %sub3A_457 : vector<16xi32>
      %jit3A_459 = arith.constant 0 : i32
      %broadcast_in_dim3A = vector.broadcast %jit3A_459 : i32 to vector<16xi32>
      %select_n3A_460 = arith.select %and3A_456, %sub3A_458, %broadcast_in_dim3A : vector<16xi1>, vector<16xi32>
      tpu.vector_store_idx %arg5[%select_n3A_460], %get3A_440 masked %and3A_456 : memref<40960xf32, #tpu.memory_space<vmem>>[vector<16xi32>], vector<16xf32>, vector<16xi1>
      %mul3A_461 = arith.constant 4 : i32
      %mul3A_462 = arith.muli %scan3A_429, %mul3A_461 : i32
      %add3A_463 = arith.constant 1 : i32
      %add3A_464 = arith.addi %mul3A_462, %add3A_463 : i32
      %mul3A_465 = arith.constant 16 : i32
      %mul3A_466 = arith.muli %add3A_464, %mul3A_465 : i32
      %get3A_467 = arith.index_cast %mul3A_466 : i32 to index
      %get3A_468 = tpu.vector_load %arg7[%get3A_467] {strides = array<i32>} : memref<1024xi32, #tpu.memory_space<vmem>>, vector<16xi32>,
      %mul3A_469 = arith.constant 16 : i32
      %mul3A_470 = arith.muli %add3A_464, %mul3A_469 : i32
      %get3A_471 = arith.index_cast %mul3A_470 : i32 to index
      %get3A_472 = tpu.vector_load %arg8[%get3A_471] {strides = array<i32>} : memref<1024xf32, #tpu.memory_space<vmem>>, vector<16xf32>,
      %mul3A_473 = arith.constant 128 : i32
      %mul3A_474 = vector.broadcast %mul3A_473 : i32 to vector<16xi32>
      %mul3A_475 = arith.muli %get3A_468, %mul3A_474 : vector<16xi32>
      %mul3A_476 = arith.constant 2 : i32
      %mul3A_477 = arith.muli %add3A_464, %mul3A_476 : i32
      %add3A_478 = vector.broadcast %mul3A_477 : i32 to vector<16xi32>
      %add3A_479 = arith.addi %mul3A_475, %add3A_478 : vector<16xi32>
      %add3A_480 = arith.addi %add3A_479, %select_n3A : vector<16xi32>
      %ge3A_481 = vector.broadcast %mul3A_104 : i32 to vector<16xi32>
      %ge3A_482 = arith.cmpi sge, %add3A_480, %ge3A_481 : vector<16xi32>
      %add3A_483 = arith.constant 40960 : i32
      %add3A_484 = arith.addi %mul3A_104, %add3A_483 : i32
      %lt3A_485 = vector.broadcast %add3A_484 : i32 to vector<16xi32>
      %lt3A_486 = arith.cmpi slt, %add3A_480, %lt3A_485 : vector<16xi32>
      %and3A_487 = arith.andi %ge3A_482, %lt3A_486 : vector<16xi1>
      %gt3A_488 = arith.constant 0.000000e+00 : f32
      %gt3A_489 = vector.broadcast %gt3A_488 : f32 to vector<16xf32>
      %gt3A_490 = arith.cmpf ogt, %get3A_472, %gt3A_489 : vector<16xf32>
      %and3A_491 = arith.andi %and3A_487, %gt3A_490 : vector<16xi1>
      %sub3A_492 = vector.broadcast %mul3A_104 : i32 to vector<16xi32>
      %sub3A_493 = arith.subi %add3A_480, %sub3A_492 : vector<16xi32>
      %jit3A_494 = arith.constant 0 : i32
      %broadcast_in_dim3A_495 = vector.broadcast %jit3A_494 : i32 to vector<16xi32>
      %select_n3A_496 = arith.select %and3A_491, %sub3A_493, %broadcast_in_dim3A_495 : vector<16xi1>, vector<16xi32>
      tpu.vector_store_idx %arg5[%select_n3A_496], %get3A_472 masked %and3A_491 : memref<40960xf32, #tpu.memory_space<vmem>>[vector<16xi32>], vector<16xf32>, vector<16xi1>
      %mul3A_497 = arith.constant 4 : i32
      %mul3A_498 = arith.muli %scan3A_429, %mul3A_497 : i32
      %add3A_499 = arith.constant 2 : i32
      %add3A_500 = arith.addi %mul3A_498, %add3A_499 : i32
      %mul3A_501 = arith.constant 16 : i32
      %mul3A_502 = arith.muli %add3A_500, %mul3A_501 : i32
      %get3A_503 = arith.index_cast %mul3A_502 : i32 to index
      %get3A_504 = tpu.vector_load %arg7[%get3A_503] {strides = array<i32>} : memref<1024xi32, #tpu.memory_space<vmem>>, vector<16xi32>,
      %mul3A_505 = arith.constant 16 : i32
      %mul3A_506 = arith.muli %add3A_500, %mul3A_505 : i32
      %get3A_507 = arith.index_cast %mul3A_506 : i32 to index
      %get3A_508 = tpu.vector_load %arg8[%get3A_507] {strides = array<i32>} : memref<1024xf32, #tpu.memory_space<vmem>>, vector<16xf32>,
      %mul3A_509 = arith.constant 128 : i32
      %mul3A_510 = vector.broadcast %mul3A_509 : i32 to vector<16xi32>
      %mul3A_511 = arith.muli %get3A_504, %mul3A_510 : vector<16xi32>
      %mul3A_512 = arith.constant 2 : i32
      %mul3A_513 = arith.muli %add3A_500, %mul3A_512 : i32
      %add3A_514 = vector.broadcast %mul3A_513 : i32 to vector<16xi32>
      %add3A_515 = arith.addi %mul3A_511, %add3A_514 : vector<16xi32>
      %add3A_516 = arith.addi %add3A_515, %select_n3A : vector<16xi32>
      %ge3A_517 = vector.broadcast %mul3A_104 : i32 to vector<16xi32>
      %ge3A_518 = arith.cmpi sge, %add3A_516, %ge3A_517 : vector<16xi32>
      %add3A_519 = arith.constant 40960 : i32
      %add3A_520 = arith.addi %mul3A_104, %add3A_519 : i32
      %lt3A_521 = vector.broadcast %add3A_520 : i32 to vector<16xi32>
      %lt3A_522 = arith.cmpi slt, %add3A_516, %lt3A_521 : vector<16xi32>
      %and3A_523 = arith.andi %ge3A_518, %lt3A_522 : vector<16xi1>
      %gt3A_524 = arith.constant 0.000000e+00 : f32
      %gt3A_525 = vector.broadcast %gt3A_524 : f32 to vector<16xf32>
      %gt3A_526 = arith.cmpf ogt, %get3A_508, %gt3A_525 : vector<16xf32>
      %and3A_527 = arith.andi %and3A_523, %gt3A_526 : vector<16xi1>
      %sub3A_528 = vector.broadcast %mul3A_104 : i32 to vector<16xi32>
      %sub3A_529 = arith.subi %add3A_516, %sub3A_528 : vector<16xi32>
      %jit3A_530 = arith.constant 0 : i32
      %broadcast_in_dim3A_531 = vector.broadcast %jit3A_530 : i32 to vector<16xi32>
      %select_n3A_532 = arith.select %and3A_527, %sub3A_529, %broadcast_in_dim3A_531 : vector<16xi1>, vector<16xi32>
      tpu.vector_store_idx %arg5[%select_n3A_532], %get3A_508 masked %and3A_527 : memref<40960xf32, #tpu.memory_space<vmem>>[vector<16xi32>], vector<16xf32>, vector<16xi1>
      %mul3A_533 = arith.constant 4 : i32
      %mul3A_534 = arith.muli %scan3A_429, %mul3A_533 : i32
      %add3A_535 = arith.constant 3 : i32
      %add3A_536 = arith.addi %mul3A_534, %add3A_535 : i32
      %mul3A_537 = arith.constant 16 : i32
      %mul3A_538 = arith.muli %add3A_536, %mul3A_537 : i32
      %get3A_539 = arith.index_cast %mul3A_538 : i32 to index
      %get3A_540 = tpu.vector_load %arg7[%get3A_539] {strides = array<i32>} : memref<1024xi32, #tpu.memory_space<vmem>>, vector<16xi32>,
      %mul3A_541 = arith.constant 16 : i32
      %mul3A_542 = arith.muli %add3A_536, %mul3A_541 : i32
      %get3A_543 = arith.index_cast %mul3A_542 : i32 to index
      %get3A_544 = tpu.vector_load %arg8[%get3A_543] {strides = array<i32>} : memref<1024xf32, #tpu.memory_space<vmem>>, vector<16xf32>,
      %mul3A_545 = arith.constant 128 : i32
      %mul3A_546 = vector.broadcast %mul3A_545 : i32 to vector<16xi32>
      %mul3A_547 = arith.muli %get3A_540, %mul3A_546 : vector<16xi32>
      %mul3A_548 = arith.constant 2 : i32
      %mul3A_549 = arith.muli %add3A_536, %mul3A_548 : i32
      %add3A_550 = vector.broadcast %mul3A_549 : i32 to vector<16xi32>
      %add3A_551 = arith.addi %mul3A_547, %add3A_550 : vector<16xi32>
      %add3A_552 = arith.addi %add3A_551, %select_n3A : vector<16xi32>
      %ge3A_553 = vector.broadcast %mul3A_104 : i32 to vector<16xi32>
      %ge3A_554 = arith.cmpi sge, %add3A_552, %ge3A_553 : vector<16xi32>
      %add3A_555 = arith.constant 40960 : i32
      %add3A_556 = arith.addi %mul3A_104, %add3A_555 : i32
      %lt3A_557 = vector.broadcast %add3A_556 : i32 to vector<16xi32>
      %lt3A_558 = arith.cmpi slt, %add3A_552, %lt3A_557 : vector<16xi32>
      %and3A_559 = arith.andi %ge3A_554, %lt3A_558 : vector<16xi1>
      %gt3A_560 = arith.constant 0.000000e+00 : f32
      %gt3A_561 = vector.broadcast %gt3A_560 : f32 to vector<16xf32>
      %gt3A_562 = arith.cmpf ogt, %get3A_544, %gt3A_561 : vector<16xf32>
      %and3A_563 = arith.andi %and3A_559, %gt3A_562 : vector<16xi1>
      %sub3A_564 = vector.broadcast %mul3A_104 : i32 to vector<16xi32>
      %sub3A_565 = arith.subi %add3A_552, %sub3A_564 : vector<16xi32>
      %jit3A_566 = arith.constant 0 : i32
      %broadcast_in_dim3A_567 = vector.broadcast %jit3A_566 : i32 to vector<16xi32>
      %select_n3A_568 = arith.select %and3A_563, %sub3A_565, %broadcast_in_dim3A_567 : vector<16xi1>, vector<16xi32>
      tpu.vector_store_idx %arg5[%select_n3A_568], %get3A_544 masked %and3A_563 : memref<40960xf32, #tpu.memory_space<vmem>>[vector<16xi32>], vector<16xf32>, vector<16xi1>
    }
    %scan3A_110 = arith.constant 16 : i32
    %mul3A_111 = arith.constant 3125 : i32
    %mul3A_112 = arith.muli %add3A, %mul3A_111 : i32
    %add3A_113 = arith.constant 640 : i32
    %add3A_114 = arith.addi %mul3A_112, %add3A_113 : i32
    %mul3A_115 = arith.constant 128 : i32
    %mul3A_116 = arith.muli %add3A_114, %mul3A_115 : i32
    %dma_start3A_117 = arith.constant 0 : i32
    %dma_start3A_118 = tpu.memref_slice %arg5[%dma_start3A_117] : memref<40960xf32, #tpu.memory_space<vmem>> -> memref<40960xf32, #tpu.memory_space<vmem>>
    %dma_start3A_119 = tpu.memref_slice %arg4[%mul3A_116] : memref<12800000xf32, #tpu.memory_space<hbm>> -> memref<40960xf32, #tpu.memory_space<hbm>>
    %dma_start3A_120 = tpu.memref_slice %arg4[%mul3A_116] : memref<12800000xf32, #tpu.memory_space<hbm>> -> memref<40960xf32, #tpu.memory_space<hbm>>
    %dma_start3A_121 = arith.constant 0 : i32
    %dma_start3A_122 = tpu.memref_slice %arg5[%dma_start3A_121] : memref<40960xf32, #tpu.memory_space<vmem>> -> memref<40960xf32, #tpu.memory_space<vmem>>
    tpu.enqueue_dma source(%dma_start3A_122 : memref<40960xf32, #tpu.memory_space<vmem>>) target(%dma_start3A_120 : memref<40960xf32, #tpu.memory_space<hbm>>) target_semaphore(%arg9 : memref<!tpu.dma_semaphore, #tpu.memory_space<semaphore_mem>>)
    %dma_wait3A_123 = arith.constant 0 : i32
    %dma_wait3A_124 = tpu.memref_slice %arg6[%dma_wait3A_123] : memref<40960xf32, #tpu.memory_space<vmem>> -> memref<40960xf32, #tpu.memory_space<vmem>>
    %dma_wait3A_125 = tpu.memref_slice %arg4[%mul3A_75] : memref<12800000xf32, #tpu.memory_space<hbm>> -> memref<40960xf32, #tpu.memory_space<hbm>>
    %dma_wait3A_126 = tpu.memref_slice %arg4[%mul3A_75] : memref<12800000xf32, #tpu.memory_space<hbm>> -> memref<40960xf32, #tpu.memory_space<hbm>>
    %dma_wait3A_127 = arith.constant 0 : i32
    %dma_wait3A_128 = tpu.memref_slice %arg6[%dma_wait3A_127] : memref<40960xf32, #tpu.memory_space<vmem>> -> memref<40960xf32, #tpu.memory_space<vmem>>
    tpu.wait_dma2 semaphore(%arg10 : memref<!tpu.dma_semaphore, #tpu.memory_space<semaphore_mem>>) src(%dma_wait3A_128 : memref<40960xf32, #tpu.memory_space<vmem>>) dst(%dma_wait3A_126 : memref<40960xf32, #tpu.memory_space<hbm>>)
    %mul3A_129 = arith.constant 3125 : i32
    %mul3A_130 = arith.muli %add3A, %mul3A_129 : i32
    %add3A_131 = arith.constant 320 : i32
    %add3A_132 = arith.addi %mul3A_130, %add3A_131 : i32
    %mul3A_133 = arith.constant 128 : i32
    %mul3A_134 = arith.muli %add3A_132, %mul3A_133 : i32
    %scan3A_135 = arith.constant 0 : i32
    %scan3A_136 = arith.constant 0 : i32
    %scan3A_137 = arith.constant 16 : i32
    %scan3A_138 = arith.addi %scan3A_136, %scan3A_137 : i32
    %scan3A_139 = arith.constant 1 : i32
    scf.for %scan3A_429 = %scan3A_136 to %scan3A_138 step %scan3A_139  : i32 {
      %mul3A_430 = arith.constant 4 : i32
      %mul3A_431 = arith.muli %scan3A_429, %mul3A_430 : i32
      %add3A_432 = arith.constant 0 : i32
      %add3A_433 = arith.addi %mul3A_431, %add3A_432 : i32
      %mul3A_434 = arith.constant 16 : i32
      %mul3A_435 = arith.muli %add3A_433, %mul3A_434 : i32
      %get3A = arith.index_cast %mul3A_435 : i32 to index
      %get3A_436 = tpu.vector_load %arg7[%get3A] {strides = array<i32>} : memref<1024xi32, #tpu.memory_space<vmem>>, vector<16xi32>,
      %mul3A_437 = arith.constant 16 : i32
      %mul3A_438 = arith.muli %add3A_433, %mul3A_437 : i32
      %get3A_439 = arith.index_cast %mul3A_438 : i32 to index
      %get3A_440 = tpu.vector_load %arg8[%get3A_439] {strides = array<i32>} : memref<1024xf32, #tpu.memory_space<vmem>>, vector<16xf32>,
      %mul3A_441 = arith.constant 128 : i32
      %mul3A_442 = vector.broadcast %mul3A_441 : i32 to vector<16xi32>
      %mul3A_443 = arith.muli %get3A_436, %mul3A_442 : vector<16xi32>
      %mul3A_444 = arith.constant 2 : i32
      %mul3A_445 = arith.muli %add3A_433, %mul3A_444 : i32
      %add3A_446 = vector.broadcast %mul3A_445 : i32 to vector<16xi32>
      %add3A_447 = arith.addi %mul3A_443, %add3A_446 : vector<16xi32>
      %add3A_448 = arith.addi %add3A_447, %select_n3A : vector<16xi32>
      %ge3A = vector.broadcast %mul3A_134 : i32 to vector<16xi32>
      %ge3A_449 = arith.cmpi sge, %add3A_448, %ge3A : vector<16xi32>
      %add3A_450 = arith.constant 40960 : i32
      %add3A_451 = arith.addi %mul3A_134, %add3A_450 : i32
      %lt3A = vector.broadcast %add3A_451 : i32 to vector<16xi32>
      %lt3A_452 = arith.cmpi slt, %add3A_448, %lt3A : vector<16xi32>
      %and3A_453 = arith.andi %ge3A_449, %lt3A_452 : vector<16xi1>
      %gt3A = arith.constant 0.000000e+00 : f32
      %gt3A_454 = vector.broadcast %gt3A : f32 to vector<16xf32>
      %gt3A_455 = arith.cmpf ogt, %get3A_440, %gt3A_454 : vector<16xf32>
      %and3A_456 = arith.andi %and3A_453, %gt3A_455 : vector<16xi1>
      %sub3A_457 = vector.broadcast %mul3A_134 : i32 to vector<16xi32>
      %sub3A_458 = arith.subi %add3A_448, %sub3A_457 : vector<16xi32>
      %jit3A_459 = arith.constant 0 : i32
      %broadcast_in_dim3A = vector.broadcast %jit3A_459 : i32 to vector<16xi32>
      %select_n3A_460 = arith.select %and3A_456, %sub3A_458, %broadcast_in_dim3A : vector<16xi1>, vector<16xi32>
      %broadcast_in_dim3A_461 = arith.constant 0.000000e+00 : f32
      %broadcast_in_dim3A_462 = vector.broadcast %broadcast_in_dim3A_461 : f32 to vector<16xf32>
      tpu.vector_store_idx %arg6[%select_n3A_460], %broadcast_in_dim3A_462 masked %and3A_456 : memref<40960xf32, #tpu.memory_space<vmem>>[vector<16xi32>], vector<16xf32>, vector<16xi1>
      %mul3A_463 = arith.constant 4 : i32
      %mul3A_464 = arith.muli %scan3A_429, %mul3A_463 : i32
      %add3A_465 = arith.constant 1 : i32
      %add3A_466 = arith.addi %mul3A_464, %add3A_465 : i32
      %mul3A_467 = arith.constant 16 : i32
      %mul3A_468 = arith.muli %add3A_466, %mul3A_467 : i32
      %get3A_469 = arith.index_cast %mul3A_468 : i32 to index
      %get3A_470 = tpu.vector_load %arg7[%get3A_469] {strides = array<i32>} : memref<1024xi32, #tpu.memory_space<vmem>>, vector<16xi32>,
      %mul3A_471 = arith.constant 16 : i32
      %mul3A_472 = arith.muli %add3A_466, %mul3A_471 : i32
      %get3A_473 = arith.index_cast %mul3A_472 : i32 to index
      %get3A_474 = tpu.vector_load %arg8[%get3A_473] {strides = array<i32>} : memref<1024xf32, #tpu.memory_space<vmem>>, vector<16xf32>,
      %mul3A_475 = arith.constant 128 : i32
      %mul3A_476 = vector.broadcast %mul3A_475 : i32 to vector<16xi32>
      %mul3A_477 = arith.muli %get3A_470, %mul3A_476 : vector<16xi32>
      %mul3A_478 = arith.constant 2 : i32
      %mul3A_479 = arith.muli %add3A_466, %mul3A_478 : i32
      %add3A_480 = vector.broadcast %mul3A_479 : i32 to vector<16xi32>
      %add3A_481 = arith.addi %mul3A_477, %add3A_480 : vector<16xi32>
      %add3A_482 = arith.addi %add3A_481, %select_n3A : vector<16xi32>
      %ge3A_483 = vector.broadcast %mul3A_134 : i32 to vector<16xi32>
      %ge3A_484 = arith.cmpi sge, %add3A_482, %ge3A_483 : vector<16xi32>
      %add3A_485 = arith.constant 40960 : i32
      %add3A_486 = arith.addi %mul3A_134, %add3A_485 : i32
      %lt3A_487 = vector.broadcast %add3A_486 : i32 to vector<16xi32>
      %lt3A_488 = arith.cmpi slt, %add3A_482, %lt3A_487 : vector<16xi32>
      %and3A_489 = arith.andi %ge3A_484, %lt3A_488 : vector<16xi1>
      %gt3A_490 = arith.constant 0.000000e+00 : f32
      %gt3A_491 = vector.broadcast %gt3A_490 : f32 to vector<16xf32>
      %gt3A_492 = arith.cmpf ogt, %get3A_474, %gt3A_491 : vector<16xf32>
      %and3A_493 = arith.andi %and3A_489, %gt3A_492 : vector<16xi1>
      %sub3A_494 = vector.broadcast %mul3A_134 : i32 to vector<16xi32>
      %sub3A_495 = arith.subi %add3A_482, %sub3A_494 : vector<16xi32>
      %jit3A_496 = arith.constant 0 : i32
      %broadcast_in_dim3A_497 = vector.broadcast %jit3A_496 : i32 to vector<16xi32>
      %select_n3A_498 = arith.select %and3A_493, %sub3A_495, %broadcast_in_dim3A_497 : vector<16xi1>, vector<16xi32>
      %broadcast_in_dim3A_499 = arith.constant 0.000000e+00 : f32
      %broadcast_in_dim3A_500 = vector.broadcast %broadcast_in_dim3A_499 : f32 to vector<16xf32>
      tpu.vector_store_idx %arg6[%select_n3A_498], %broadcast_in_dim3A_500 masked %and3A_493 : memref<40960xf32, #tpu.memory_space<vmem>>[vector<16xi32>], vector<16xf32>, vector<16xi1>
      %mul3A_501 = arith.constant 4 : i32
      %mul3A_502 = arith.muli %scan3A_429, %mul3A_501 : i32
      %add3A_503 = arith.constant 2 : i32
      %add3A_504 = arith.addi %mul3A_502, %add3A_503 : i32
      %mul3A_505 = arith.constant 16 : i32
      %mul3A_506 = arith.muli %add3A_504, %mul3A_505 : i32
      %get3A_507 = arith.index_cast %mul3A_506 : i32 to index
      %get3A_508 = tpu.vector_load %arg7[%get3A_507] {strides = array<i32>} : memref<1024xi32, #tpu.memory_space<vmem>>, vector<16xi32>,
      %mul3A_509 = arith.constant 16 : i32
      %mul3A_510 = arith.muli %add3A_504, %mul3A_509 : i32
      %get3A_511 = arith.index_cast %mul3A_510 : i32 to index
      %get3A_512 = tpu.vector_load %arg8[%get3A_511] {strides = array<i32>} : memref<1024xf32, #tpu.memory_space<vmem>>, vector<16xf32>,
      %mul3A_513 = arith.constant 128 : i32
      %mul3A_514 = vector.broadcast %mul3A_513 : i32 to vector<16xi32>
      %mul3A_515 = arith.muli %get3A_508, %mul3A_514 : vector<16xi32>
      %mul3A_516 = arith.constant 2 : i32
      %mul3A_517 = arith.muli %add3A_504, %mul3A_516 : i32
      %add3A_518 = vector.broadcast %mul3A_517 : i32 to vector<16xi32>
      %add3A_519 = arith.addi %mul3A_515, %add3A_518 : vector<16xi32>
      %add3A_520 = arith.addi %add3A_519, %select_n3A : vector<16xi32>
      %ge3A_521 = vector.broadcast %mul3A_134 : i32 to vector<16xi32>
      %ge3A_522 = arith.cmpi sge, %add3A_520, %ge3A_521 : vector<16xi32>
      %add3A_523 = arith.constant 40960 : i32
      %add3A_524 = arith.addi %mul3A_134, %add3A_523 : i32
      %lt3A_525 = vector.broadcast %add3A_524 : i32 to vector<16xi32>
      %lt3A_526 = arith.cmpi slt, %add3A_520, %lt3A_525 : vector<16xi32>
      %and3A_527 = arith.andi %ge3A_522, %lt3A_526 : vector<16xi1>
      %gt3A_528 = arith.constant 0.000000e+00 : f32
      %gt3A_529 = vector.broadcast %gt3A_528 : f32 to vector<16xf32>
      %gt3A_530 = arith.cmpf ogt, %get3A_512, %gt3A_529 : vector<16xf32>
      %and3A_531 = arith.andi %and3A_527, %gt3A_530 : vector<16xi1>
      %sub3A_532 = vector.broadcast %mul3A_134 : i32 to vector<16xi32>
      %sub3A_533 = arith.subi %add3A_520, %sub3A_532 : vector<16xi32>
      %jit3A_534 = arith.constant 0 : i32
      %broadcast_in_dim3A_535 = vector.broadcast %jit3A_534 : i32 to vector<16xi32>
      %select_n3A_536 = arith.select %and3A_531, %sub3A_533, %broadcast_in_dim3A_535 : vector<16xi1>, vector<16xi32>
      %broadcast_in_dim3A_537 = arith.constant 0.000000e+00 : f32
      %broadcast_in_dim3A_538 = vector.broadcast %broadcast_in_dim3A_537 : f32 to vector<16xf32>
      tpu.vector_store_idx %arg6[%select_n3A_536], %broadcast_in_dim3A_538 masked %and3A_531 : memref<40960xf32, #tpu.memory_space<vmem>>[vector<16xi32>], vector<16xf32>, vector<16xi1>
      %mul3A_539 = arith.constant 4 : i32
      %mul3A_540 = arith.muli %scan3A_429, %mul3A_539 : i32
      %add3A_541 = arith.constant 3 : i32
      %add3A_542 = arith.addi %mul3A_540, %add3A_541 : i32
      %mul3A_543 = arith.constant 16 : i32
      %mul3A_544 = arith.muli %add3A_542, %mul3A_543 : i32
      %get3A_545 = arith.index_cast %mul3A_544 : i32 to index
      %get3A_546 = tpu.vector_load %arg7[%get3A_545] {strides = array<i32>} : memref<1024xi32, #tpu.memory_space<vmem>>, vector<16xi32>,
      %mul3A_547 = arith.constant 16 : i32
      %mul3A_548 = arith.muli %add3A_542, %mul3A_547 : i32
      %get3A_549 = arith.index_cast %mul3A_548 : i32 to index
      %get3A_550 = tpu.vector_load %arg8[%get3A_549] {strides = array<i32>} : memref<1024xf32, #tpu.memory_space<vmem>>, vector<16xf32>,
      %mul3A_551 = arith.constant 128 : i32
      %mul3A_552 = vector.broadcast %mul3A_551 : i32 to vector<16xi32>
      %mul3A_553 = arith.muli %get3A_546, %mul3A_552 : vector<16xi32>
      %mul3A_554 = arith.constant 2 : i32
      %mul3A_555 = arith.muli %add3A_542, %mul3A_554 : i32
      %add3A_556 = vector.broadcast %mul3A_555 : i32 to vector<16xi32>
      %add3A_557 = arith.addi %mul3A_553, %add3A_556 : vector<16xi32>
      %add3A_558 = arith.addi %add3A_557, %select_n3A : vector<16xi32>
      %ge3A_559 = vector.broadcast %mul3A_134 : i32 to vector<16xi32>
      %ge3A_560 = arith.cmpi sge, %add3A_558, %ge3A_559 : vector<16xi32>
      %add3A_561 = arith.constant 40960 : i32
      %add3A_562 = arith.addi %mul3A_134, %add3A_561 : i32
      %lt3A_563 = vector.broadcast %add3A_562 : i32 to vector<16xi32>
      %lt3A_564 = arith.cmpi slt, %add3A_558, %lt3A_563 : vector<16xi32>
      %and3A_565 = arith.andi %ge3A_560, %lt3A_564 : vector<16xi1>
      %gt3A_566 = arith.constant 0.000000e+00 : f32
      %gt3A_567 = vector.broadcast %gt3A_566 : f32 to vector<16xf32>
      %gt3A_568 = arith.cmpf ogt, %get3A_550, %gt3A_567 : vector<16xf32>
      %and3A_569 = arith.andi %and3A_565, %gt3A_568 : vector<16xi1>
      %sub3A_570 = vector.broadcast %mul3A_134 : i32 to vector<16xi32>
      %sub3A_571 = arith.subi %add3A_558, %sub3A_570 : vector<16xi32>
      %jit3A_572 = arith.constant 0 : i32
      %broadcast_in_dim3A_573 = vector.broadcast %jit3A_572 : i32 to vector<16xi32>
      %select_n3A_574 = arith.select %and3A_569, %sub3A_571, %broadcast_in_dim3A_573 : vector<16xi1>, vector<16xi32>
      %broadcast_in_dim3A_575 = arith.constant 0.000000e+00 : f32
      %broadcast_in_dim3A_576 = vector.broadcast %broadcast_in_dim3A_575 : f32 to vector<16xf32>
      tpu.vector_store_idx %arg6[%select_n3A_574], %broadcast_in_dim3A_576 masked %and3A_569 : memref<40960xf32, #tpu.memory_space<vmem>>[vector<16xi32>], vector<16xf32>, vector<16xi1>
    }
    %scan3A_140 = arith.constant 16 : i32
    %mul3A_141 = arith.constant 3125 : i32
    %mul3A_142 = arith.muli %add3A, %mul3A_141 : i32
    %add3A_143 = arith.constant 960 : i32
    %add3A_144 = arith.addi %mul3A_142, %add3A_143 : i32
    %mul3A_145 = arith.constant 128 : i32
    %mul3A_146 = arith.muli %add3A_144, %mul3A_145 : i32
    %scan3A_147 = arith.constant 0 : i32
    %scan3A_148 = arith.constant 0 : i32
    %scan3A_149 = arith.constant 16 : i32
    %scan3A_150 = arith.addi %scan3A_148, %scan3A_149 : i32
    %scan3A_151 = arith.constant 1 : i32
    scf.for %scan3A_429 = %scan3A_148 to %scan3A_150 step %scan3A_151  : i32 {
      %mul3A_430 = arith.constant 4 : i32
      %mul3A_431 = arith.muli %scan3A_429, %mul3A_430 : i32
      %add3A_432 = arith.constant 0 : i32
      %add3A_433 = arith.addi %mul3A_431, %add3A_432 : i32
      %mul3A_434 = arith.constant 16 : i32
      %mul3A_435 = arith.muli %add3A_433, %mul3A_434 : i32
      %get3A = arith.index_cast %mul3A_435 : i32 to index
      %get3A_436 = tpu.vector_load %arg7[%get3A] {strides = array<i32>} : memref<1024xi32, #tpu.memory_space<vmem>>, vector<16xi32>,
      %mul3A_437 = arith.constant 16 : i32
      %mul3A_438 = arith.muli %add3A_433, %mul3A_437 : i32
      %get3A_439 = arith.index_cast %mul3A_438 : i32 to index
      %get3A_440 = tpu.vector_load %arg8[%get3A_439] {strides = array<i32>} : memref<1024xf32, #tpu.memory_space<vmem>>, vector<16xf32>,
      %mul3A_441 = arith.constant 128 : i32
      %mul3A_442 = vector.broadcast %mul3A_441 : i32 to vector<16xi32>
      %mul3A_443 = arith.muli %get3A_436, %mul3A_442 : vector<16xi32>
      %mul3A_444 = arith.constant 2 : i32
      %mul3A_445 = arith.muli %add3A_433, %mul3A_444 : i32
      %add3A_446 = vector.broadcast %mul3A_445 : i32 to vector<16xi32>
      %add3A_447 = arith.addi %mul3A_443, %add3A_446 : vector<16xi32>
      %add3A_448 = arith.addi %add3A_447, %select_n3A : vector<16xi32>
      %ge3A = vector.broadcast %mul3A_146 : i32 to vector<16xi32>
      %ge3A_449 = arith.cmpi sge, %add3A_448, %ge3A : vector<16xi32>
      %add3A_450 = arith.constant 40960 : i32
      %add3A_451 = arith.addi %mul3A_146, %add3A_450 : i32
      %lt3A = vector.broadcast %add3A_451 : i32 to vector<16xi32>
      %lt3A_452 = arith.cmpi slt, %add3A_448, %lt3A : vector<16xi32>
      %and3A_453 = arith.andi %ge3A_449, %lt3A_452 : vector<16xi1>
      %gt3A = arith.constant 0.000000e+00 : f32
      %gt3A_454 = vector.broadcast %gt3A : f32 to vector<16xf32>
      %gt3A_455 = arith.cmpf ogt, %get3A_440, %gt3A_454 : vector<16xf32>
      %and3A_456 = arith.andi %and3A_453, %gt3A_455 : vector<16xi1>
      %sub3A_457 = vector.broadcast %mul3A_146 : i32 to vector<16xi32>
      %sub3A_458 = arith.subi %add3A_448, %sub3A_457 : vector<16xi32>
      %jit3A_459 = arith.constant 0 : i32
      %broadcast_in_dim3A = vector.broadcast %jit3A_459 : i32 to vector<16xi32>
      %select_n3A_460 = arith.select %and3A_456, %sub3A_458, %broadcast_in_dim3A : vector<16xi1>, vector<16xi32>
      tpu.vector_store_idx %arg6[%select_n3A_460], %get3A_440 masked %and3A_456 : memref<40960xf32, #tpu.memory_space<vmem>>[vector<16xi32>], vector<16xf32>, vector<16xi1>
      %mul3A_461 = arith.constant 4 : i32
      %mul3A_462 = arith.muli %scan3A_429, %mul3A_461 : i32
      %add3A_463 = arith.constant 1 : i32
      %add3A_464 = arith.addi %mul3A_462, %add3A_463 : i32
      %mul3A_465 = arith.constant 16 : i32
      %mul3A_466 = arith.muli %add3A_464, %mul3A_465 : i32
      %get3A_467 = arith.index_cast %mul3A_466 : i32 to index
      %get3A_468 = tpu.vector_load %arg7[%get3A_467] {strides = array<i32>} : memref<1024xi32, #tpu.memory_space<vmem>>, vector<16xi32>,
      %mul3A_469 = arith.constant 16 : i32
      %mul3A_470 = arith.muli %add3A_464, %mul3A_469 : i32
      %get3A_471 = arith.index_cast %mul3A_470 : i32 to index
      %get3A_472 = tpu.vector_load %arg8[%get3A_471] {strides = array<i32>} : memref<1024xf32, #tpu.memory_space<vmem>>, vector<16xf32>,
      %mul3A_473 = arith.constant 128 : i32
      %mul3A_474 = vector.broadcast %mul3A_473 : i32 to vector<16xi32>
      %mul3A_475 = arith.muli %get3A_468, %mul3A_474 : vector<16xi32>
      %mul3A_476 = arith.constant 2 : i32
      %mul3A_477 = arith.muli %add3A_464, %mul3A_476 : i32
      %add3A_478 = vector.broadcast %mul3A_477 : i32 to vector<16xi32>
      %add3A_479 = arith.addi %mul3A_475, %add3A_478 : vector<16xi32>
      %add3A_480 = arith.addi %add3A_479, %select_n3A : vector<16xi32>
      %ge3A_481 = vector.broadcast %mul3A_146 : i32 to vector<16xi32>
      %ge3A_482 = arith.cmpi sge, %add3A_480, %ge3A_481 : vector<16xi32>
      %add3A_483 = arith.constant 40960 : i32
      %add3A_484 = arith.addi %mul3A_146, %add3A_483 : i32
      %lt3A_485 = vector.broadcast %add3A_484 : i32 to vector<16xi32>
      %lt3A_486 = arith.cmpi slt, %add3A_480, %lt3A_485 : vector<16xi32>
      %and3A_487 = arith.andi %ge3A_482, %lt3A_486 : vector<16xi1>
      %gt3A_488 = arith.constant 0.000000e+00 : f32
      %gt3A_489 = vector.broadcast %gt3A_488 : f32 to vector<16xf32>
      %gt3A_490 = arith.cmpf ogt, %get3A_472, %gt3A_489 : vector<16xf32>
      %and3A_491 = arith.andi %and3A_487, %gt3A_490 : vector<16xi1>
      %sub3A_492 = vector.broadcast %mul3A_146 : i32 to vector<16xi32>
      %sub3A_493 = arith.subi %add3A_480, %sub3A_492 : vector<16xi32>
      %jit3A_494 = arith.constant 0 : i32
      %broadcast_in_dim3A_495 = vector.broadcast %jit3A_494 : i32 to vector<16xi32>
      %select_n3A_496 = arith.select %and3A_491, %sub3A_493, %broadcast_in_dim3A_495 : vector<16xi1>, vector<16xi32>
      tpu.vector_store_idx %arg6[%select_n3A_496], %get3A_472 masked %and3A_491 : memref<40960xf32, #tpu.memory_space<vmem>>[vector<16xi32>], vector<16xf32>, vector<16xi1>
      %mul3A_497 = arith.constant 4 : i32
      %mul3A_498 = arith.muli %scan3A_429, %mul3A_497 : i32
      %add3A_499 = arith.constant 2 : i32
      %add3A_500 = arith.addi %mul3A_498, %add3A_499 : i32
      %mul3A_501 = arith.constant 16 : i32
      %mul3A_502 = arith.muli %add3A_500, %mul3A_501 : i32
      %get3A_503 = arith.index_cast %mul3A_502 : i32 to index
      %get3A_504 = tpu.vector_load %arg7[%get3A_503] {strides = array<i32>} : memref<1024xi32, #tpu.memory_space<vmem>>, vector<16xi32>,
      %mul3A_505 = arith.constant 16 : i32
      %mul3A_506 = arith.muli %add3A_500, %mul3A_505 : i32
      %get3A_507 = arith.index_cast %mul3A_506 : i32 to index
      %get3A_508 = tpu.vector_load %arg8[%get3A_507] {strides = array<i32>} : memref<1024xf32, #tpu.memory_space<vmem>>, vector<16xf32>,
      %mul3A_509 = arith.constant 128 : i32
      %mul3A_510 = vector.broadcast %mul3A_509 : i32 to vector<16xi32>
      %mul3A_511 = arith.muli %get3A_504, %mul3A_510 : vector<16xi32>
      %mul3A_512 = arith.constant 2 : i32
      %mul3A_513 = arith.muli %add3A_500, %mul3A_512 : i32
      %add3A_514 = vector.broadcast %mul3A_513 : i32 to vector<16xi32>
      %add3A_515 = arith.addi %mul3A_511, %add3A_514 : vector<16xi32>
      %add3A_516 = arith.addi %add3A_515, %select_n3A : vector<16xi32>
      %ge3A_517 = vector.broadcast %mul3A_146 : i32 to vector<16xi32>
      %ge3A_518 = arith.cmpi sge, %add3A_516, %ge3A_517 : vector<16xi32>
      %add3A_519 = arith.constant 40960 : i32
      %add3A_520 = arith.addi %mul3A_146, %add3A_519 : i32
      %lt3A_521 = vector.broadcast %add3A_520 : i32 to vector<16xi32>
      %lt3A_522 = arith.cmpi slt, %add3A_516, %lt3A_521 : vector<16xi32>
      %and3A_523 = arith.andi %ge3A_518, %lt3A_522 : vector<16xi1>
      %gt3A_524 = arith.constant 0.000000e+00 : f32
      %gt3A_525 = vector.broadcast %gt3A_524 : f32 to vector<16xf32>
      %gt3A_526 = arith.cmpf ogt, %get3A_508, %gt3A_525 : vector<16xf32>
      %and3A_527 = arith.andi %and3A_523, %gt3A_526 : vector<16xi1>
      %sub3A_528 = vector.broadcast %mul3A_146 : i32 to vector<16xi32>
      %sub3A_529 = arith.subi %add3A_516, %sub3A_528 : vector<16xi32>
      %jit3A_530 = arith.constant 0 : i32
      %broadcast_in_dim3A_531 = vector.broadcast %jit3A_530 : i32 to vector<16xi32>
      %select_n3A_532 = arith.select %and3A_527, %sub3A_529, %broadcast_in_dim3A_531 : vector<16xi1>, vector<16xi32>
      tpu.vector_store_idx %arg6[%select_n3A_532], %get3A_508 masked %and3A_527 : memref<40960xf32, #tpu.memory_space<vmem>>[vector<16xi32>], vector<16xf32>, vector<16xi1>
      %mul3A_533 = arith.constant 4 : i32
      %mul3A_534 = arith.muli %scan3A_429, %mul3A_533 : i32
      %add3A_535 = arith.constant 3 : i32
      %add3A_536 = arith.addi %mul3A_534, %add3A_535 : i32
      %mul3A_537 = arith.constant 16 : i32
      %mul3A_538 = arith.muli %add3A_536, %mul3A_537 : i32
      %get3A_539 = arith.index_cast %mul3A_538 : i32 to index
      %get3A_540 = tpu.vector_load %arg7[%get3A_539] {strides = array<i32>} : memref<1024xi32, #tpu.memory_space<vmem>>, vector<16xi32>,
      %mul3A_541 = arith.constant 16 : i32
      %mul3A_542 = arith.muli %add3A_536, %mul3A_541 : i32
      %get3A_543 = arith.index_cast %mul3A_542 : i32 to index
      %get3A_544 = tpu.vector_load %arg8[%get3A_543] {strides = array<i32>} : memref<1024xf32, #tpu.memory_space<vmem>>, vector<16xf32>,
      %mul3A_545 = arith.constant 128 : i32
      %mul3A_546 = vector.broadcast %mul3A_545 : i32 to vector<16xi32>
      %mul3A_547 = arith.muli %get3A_540, %mul3A_546 : vector<16xi32>
      %mul3A_548 = arith.constant 2 : i32
      %mul3A_549 = arith.muli %add3A_536, %mul3A_548 : i32
      %add3A_550 = vector.broadcast %mul3A_549 : i32 to vector<16xi32>
      %add3A_551 = arith.addi %mul3A_547, %add3A_550 : vector<16xi32>
      %add3A_552 = arith.addi %add3A_551, %select_n3A : vector<16xi32>
      %ge3A_553 = vector.broadcast %mul3A_146 : i32 to vector<16xi32>
      %ge3A_554 = arith.cmpi sge, %add3A_552, %ge3A_553 : vector<16xi32>
      %add3A_555 = arith.constant 40960 : i32
      %add3A_556 = arith.addi %mul3A_146, %add3A_555 : i32
      %lt3A_557 = vector.broadcast %add3A_556 : i32 to vector<16xi32>
      %lt3A_558 = arith.cmpi slt, %add3A_552, %lt3A_557 : vector<16xi32>
      %and3A_559 = arith.andi %ge3A_554, %lt3A_558 : vector<16xi1>
      %gt3A_560 = arith.constant 0.000000e+00 : f32
      %gt3A_561 = vector.broadcast %gt3A_560 : f32 to vector<16xf32>
      %gt3A_562 = arith.cmpf ogt, %get3A_544, %gt3A_561 : vector<16xf32>
      %and3A_563 = arith.andi %and3A_559, %gt3A_562 : vector<16xi1>
      %sub3A_564 = vector.broadcast %mul3A_146 : i32 to vector<16xi32>
      %sub3A_565 = arith.subi %add3A_552, %sub3A_564 : vector<16xi32>
      %jit3A_566 = arith.constant 0 : i32
      %broadcast_in_dim3A_567 = vector.broadcast %jit3A_566 : i32 to vector<16xi32>
      %select_n3A_568 = arith.select %and3A_563, %sub3A_565, %broadcast_in_dim3A_567 : vector<16xi1>, vector<16xi32>
      tpu.vector_store_idx %arg6[%select_n3A_568], %get3A_544 masked %and3A_563 : memref<40960xf32, #tpu.memory_space<vmem>>[vector<16xi32>], vector<16xf32>, vector<16xi1>
    }
    %scan3A_152 = arith.constant 16 : i32
    %mul3A_153 = arith.constant 3125 : i32
    %mul3A_154 = arith.muli %add3A, %mul3A_153 : i32
    %add3A_155 = arith.constant 960 : i32
    %add3A_156 = arith.addi %mul3A_154, %add3A_155 : i32
    %mul3A_157 = arith.constant 128 : i32
    %mul3A_158 = arith.muli %add3A_156, %mul3A_157 : i32
    %dma_start3A_159 = arith.constant 0 : i32
    %dma_start3A_160 = tpu.memref_slice %arg6[%dma_start3A_159] : memref<40960xf32, #tpu.memory_space<vmem>> -> memref<40960xf32, #tpu.memory_space<vmem>>
    %dma_start3A_161 = tpu.memref_slice %arg4[%mul3A_158] : memref<12800000xf32, #tpu.memory_space<hbm>> -> memref<40960xf32, #tpu.memory_space<hbm>>
    %dma_start3A_162 = tpu.memref_slice %arg4[%mul3A_158] : memref<12800000xf32, #tpu.memory_space<hbm>> -> memref<40960xf32, #tpu.memory_space<hbm>>
    %dma_start3A_163 = arith.constant 0 : i32
    %dma_start3A_164 = tpu.memref_slice %arg6[%dma_start3A_163] : memref<40960xf32, #tpu.memory_space<vmem>> -> memref<40960xf32, #tpu.memory_space<vmem>>
    tpu.enqueue_dma source(%dma_start3A_164 : memref<40960xf32, #tpu.memory_space<vmem>>) target(%dma_start3A_162 : memref<40960xf32, #tpu.memory_space<hbm>>) target_semaphore(%arg10 : memref<!tpu.dma_semaphore, #tpu.memory_space<semaphore_mem>>)
    %dma_wait3A_165 = arith.constant 0 : i32
    %dma_wait3A_166 = tpu.memref_slice %arg5[%dma_wait3A_165] : memref<40960xf32, #tpu.memory_space<vmem>> -> memref<40960xf32, #tpu.memory_space<vmem>>
    %dma_wait3A_167 = tpu.memref_slice %arg4[%mul3A_116] : memref<12800000xf32, #tpu.memory_space<hbm>> -> memref<40960xf32, #tpu.memory_space<hbm>>
    %dma_wait3A_168 = tpu.memref_slice %arg4[%mul3A_116] : memref<12800000xf32, #tpu.memory_space<hbm>> -> memref<40960xf32, #tpu.memory_space<hbm>>
    %dma_wait3A_169 = arith.constant 0 : i32
    %dma_wait3A_170 = tpu.memref_slice %arg5[%dma_wait3A_169] : memref<40960xf32, #tpu.memory_space<vmem>> -> memref<40960xf32, #tpu.memory_space<vmem>>
    tpu.wait_dma2 semaphore(%arg9 : memref<!tpu.dma_semaphore, #tpu.memory_space<semaphore_mem>>) src(%dma_wait3A_170 : memref<40960xf32, #tpu.memory_space<vmem>>) dst(%dma_wait3A_168 : memref<40960xf32, #tpu.memory_space<hbm>>)
    %mul3A_171 = arith.constant 3125 : i32
    %mul3A_172 = arith.muli %add3A, %mul3A_171 : i32
    %add3A_173 = arith.constant 640 : i32
    %add3A_174 = arith.addi %mul3A_172, %add3A_173 : i32
    %mul3A_175 = arith.constant 128 : i32
    %mul3A_176 = arith.muli %add3A_174, %mul3A_175 : i32
    %scan3A_177 = arith.constant 0 : i32
    %scan3A_178 = arith.constant 0 : i32
    %scan3A_179 = arith.constant 16 : i32
    %scan3A_180 = arith.addi %scan3A_178, %scan3A_179 : i32
    %scan3A_181 = arith.constant 1 : i32
    scf.for %scan3A_429 = %scan3A_178 to %scan3A_180 step %scan3A_181  : i32 {
      %mul3A_430 = arith.constant 4 : i32
      %mul3A_431 = arith.muli %scan3A_429, %mul3A_430 : i32
      %add3A_432 = arith.constant 0 : i32
      %add3A_433 = arith.addi %mul3A_431, %add3A_432 : i32
      %mul3A_434 = arith.constant 16 : i32
      %mul3A_435 = arith.muli %add3A_433, %mul3A_434 : i32
      %get3A = arith.index_cast %mul3A_435 : i32 to index
      %get3A_436 = tpu.vector_load %arg7[%get3A] {strides = array<i32>} : memref<1024xi32, #tpu.memory_space<vmem>>, vector<16xi32>,
      %mul3A_437 = arith.constant 16 : i32
      %mul3A_438 = arith.muli %add3A_433, %mul3A_437 : i32
      %get3A_439 = arith.index_cast %mul3A_438 : i32 to index
      %get3A_440 = tpu.vector_load %arg8[%get3A_439] {strides = array<i32>} : memref<1024xf32, #tpu.memory_space<vmem>>, vector<16xf32>,
      %mul3A_441 = arith.constant 128 : i32
      %mul3A_442 = vector.broadcast %mul3A_441 : i32 to vector<16xi32>
      %mul3A_443 = arith.muli %get3A_436, %mul3A_442 : vector<16xi32>
      %mul3A_444 = arith.constant 2 : i32
      %mul3A_445 = arith.muli %add3A_433, %mul3A_444 : i32
      %add3A_446 = vector.broadcast %mul3A_445 : i32 to vector<16xi32>
      %add3A_447 = arith.addi %mul3A_443, %add3A_446 : vector<16xi32>
      %add3A_448 = arith.addi %add3A_447, %select_n3A : vector<16xi32>
      %ge3A = vector.broadcast %mul3A_176 : i32 to vector<16xi32>
      %ge3A_449 = arith.cmpi sge, %add3A_448, %ge3A : vector<16xi32>
      %add3A_450 = arith.constant 40960 : i32
      %add3A_451 = arith.addi %mul3A_176, %add3A_450 : i32
      %lt3A = vector.broadcast %add3A_451 : i32 to vector<16xi32>
      %lt3A_452 = arith.cmpi slt, %add3A_448, %lt3A : vector<16xi32>
      %and3A_453 = arith.andi %ge3A_449, %lt3A_452 : vector<16xi1>
      %gt3A = arith.constant 0.000000e+00 : f32
      %gt3A_454 = vector.broadcast %gt3A : f32 to vector<16xf32>
      %gt3A_455 = arith.cmpf ogt, %get3A_440, %gt3A_454 : vector<16xf32>
      %and3A_456 = arith.andi %and3A_453, %gt3A_455 : vector<16xi1>
      %sub3A_457 = vector.broadcast %mul3A_176 : i32 to vector<16xi32>
      %sub3A_458 = arith.subi %add3A_448, %sub3A_457 : vector<16xi32>
      %jit3A_459 = arith.constant 0 : i32
      %broadcast_in_dim3A = vector.broadcast %jit3A_459 : i32 to vector<16xi32>
      %select_n3A_460 = arith.select %and3A_456, %sub3A_458, %broadcast_in_dim3A : vector<16xi1>, vector<16xi32>
      %broadcast_in_dim3A_461 = arith.constant 0.000000e+00 : f32
      %broadcast_in_dim3A_462 = vector.broadcast %broadcast_in_dim3A_461 : f32 to vector<16xf32>
      tpu.vector_store_idx %arg5[%select_n3A_460], %broadcast_in_dim3A_462 masked %and3A_456 : memref<40960xf32, #tpu.memory_space<vmem>>[vector<16xi32>], vector<16xf32>, vector<16xi1>
      %mul3A_463 = arith.constant 4 : i32
      %mul3A_464 = arith.muli %scan3A_429, %mul3A_463 : i32
      %add3A_465 = arith.constant 1 : i32
      %add3A_466 = arith.addi %mul3A_464, %add3A_465 : i32
      %mul3A_467 = arith.constant 16 : i32
      %mul3A_468 = arith.muli %add3A_466, %mul3A_467 : i32
      %get3A_469 = arith.index_cast %mul3A_468 : i32 to index
      %get3A_470 = tpu.vector_load %arg7[%get3A_469] {strides = array<i32>} : memref<1024xi32, #tpu.memory_space<vmem>>, vector<16xi32>,
      %mul3A_471 = arith.constant 16 : i32
      %mul3A_472 = arith.muli %add3A_466, %mul3A_471 : i32
      %get3A_473 = arith.index_cast %mul3A_472 : i32 to index
      %get3A_474 = tpu.vector_load %arg8[%get3A_473] {strides = array<i32>} : memref<1024xf32, #tpu.memory_space<vmem>>, vector<16xf32>,
      %mul3A_475 = arith.constant 128 : i32
      %mul3A_476 = vector.broadcast %mul3A_475 : i32 to vector<16xi32>
      %mul3A_477 = arith.muli %get3A_470, %mul3A_476 : vector<16xi32>
      %mul3A_478 = arith.constant 2 : i32
      %mul3A_479 = arith.muli %add3A_466, %mul3A_478 : i32
      %add3A_480 = vector.broadcast %mul3A_479 : i32 to vector<16xi32>
      %add3A_481 = arith.addi %mul3A_477, %add3A_480 : vector<16xi32>
      %add3A_482 = arith.addi %add3A_481, %select_n3A : vector<16xi32>
      %ge3A_483 = vector.broadcast %mul3A_176 : i32 to vector<16xi32>
      %ge3A_484 = arith.cmpi sge, %add3A_482, %ge3A_483 : vector<16xi32>
      %add3A_485 = arith.constant 40960 : i32
      %add3A_486 = arith.addi %mul3A_176, %add3A_485 : i32
      %lt3A_487 = vector.broadcast %add3A_486 : i32 to vector<16xi32>
      %lt3A_488 = arith.cmpi slt, %add3A_482, %lt3A_487 : vector<16xi32>
      %and3A_489 = arith.andi %ge3A_484, %lt3A_488 : vector<16xi1>
      %gt3A_490 = arith.constant 0.000000e+00 : f32
      %gt3A_491 = vector.broadcast %gt3A_490 : f32 to vector<16xf32>
      %gt3A_492 = arith.cmpf ogt, %get3A_474, %gt3A_491 : vector<16xf32>
      %and3A_493 = arith.andi %and3A_489, %gt3A_492 : vector<16xi1>
      %sub3A_494 = vector.broadcast %mul3A_176 : i32 to vector<16xi32>
      %sub3A_495 = arith.subi %add3A_482, %sub3A_494 : vector<16xi32>
      %jit3A_496 = arith.constant 0 : i32
      %broadcast_in_dim3A_497 = vector.broadcast %jit3A_496 : i32 to vector<16xi32>
      %select_n3A_498 = arith.select %and3A_493, %sub3A_495, %broadcast_in_dim3A_497 : vector<16xi1>, vector<16xi32>
      %broadcast_in_dim3A_499 = arith.constant 0.000000e+00 : f32
      %broadcast_in_dim3A_500 = vector.broadcast %broadcast_in_dim3A_499 : f32 to vector<16xf32>
      tpu.vector_store_idx %arg5[%select_n3A_498], %broadcast_in_dim3A_500 masked %and3A_493 : memref<40960xf32, #tpu.memory_space<vmem>>[vector<16xi32>], vector<16xf32>, vector<16xi1>
      %mul3A_501 = arith.constant 4 : i32
      %mul3A_502 = arith.muli %scan3A_429, %mul3A_501 : i32
      %add3A_503 = arith.constant 2 : i32
      %add3A_504 = arith.addi %mul3A_502, %add3A_503 : i32
      %mul3A_505 = arith.constant 16 : i32
      %mul3A_506 = arith.muli %add3A_504, %mul3A_505 : i32
      %get3A_507 = arith.index_cast %mul3A_506 : i32 to index
      %get3A_508 = tpu.vector_load %arg7[%get3A_507] {strides = array<i32>} : memref<1024xi32, #tpu.memory_space<vmem>>, vector<16xi32>,
      %mul3A_509 = arith.constant 16 : i32
      %mul3A_510 = arith.muli %add3A_504, %mul3A_509 : i32
      %get3A_511 = arith.index_cast %mul3A_510 : i32 to index
      %get3A_512 = tpu.vector_load %arg8[%get3A_511] {strides = array<i32>} : memref<1024xf32, #tpu.memory_space<vmem>>, vector<16xf32>,
      %mul3A_513 = arith.constant 128 : i32
      %mul3A_514 = vector.broadcast %mul3A_513 : i32 to vector<16xi32>
      %mul3A_515 = arith.muli %get3A_508, %mul3A_514 : vector<16xi32>
      %mul3A_516 = arith.constant 2 : i32
      %mul3A_517 = arith.muli %add3A_504, %mul3A_516 : i32
      %add3A_518 = vector.broadcast %mul3A_517 : i32 to vector<16xi32>
      %add3A_519 = arith.addi %mul3A_515, %add3A_518 : vector<16xi32>
      %add3A_520 = arith.addi %add3A_519, %select_n3A : vector<16xi32>
      %ge3A_521 = vector.broadcast %mul3A_176 : i32 to vector<16xi32>
      %ge3A_522 = arith.cmpi sge, %add3A_520, %ge3A_521 : vector<16xi32>
      %add3A_523 = arith.constant 40960 : i32
      %add3A_524 = arith.addi %mul3A_176, %add3A_523 : i32
      %lt3A_525 = vector.broadcast %add3A_524 : i32 to vector<16xi32>
      %lt3A_526 = arith.cmpi slt, %add3A_520, %lt3A_525 : vector<16xi32>
      %and3A_527 = arith.andi %ge3A_522, %lt3A_526 : vector<16xi1>
      %gt3A_528 = arith.constant 0.000000e+00 : f32
      %gt3A_529 = vector.broadcast %gt3A_528 : f32 to vector<16xf32>
      %gt3A_530 = arith.cmpf ogt, %get3A_512, %gt3A_529 : vector<16xf32>
      %and3A_531 = arith.andi %and3A_527, %gt3A_530 : vector<16xi1>
      %sub3A_532 = vector.broadcast %mul3A_176 : i32 to vector<16xi32>
      %sub3A_533 = arith.subi %add3A_520, %sub3A_532 : vector<16xi32>
      %jit3A_534 = arith.constant 0 : i32
      %broadcast_in_dim3A_535 = vector.broadcast %jit3A_534 : i32 to vector<16xi32>
      %select_n3A_536 = arith.select %and3A_531, %sub3A_533, %broadcast_in_dim3A_535 : vector<16xi1>, vector<16xi32>
      %broadcast_in_dim3A_537 = arith.constant 0.000000e+00 : f32
      %broadcast_in_dim3A_538 = vector.broadcast %broadcast_in_dim3A_537 : f32 to vector<16xf32>
      tpu.vector_store_idx %arg5[%select_n3A_536], %broadcast_in_dim3A_538 masked %and3A_531 : memref<40960xf32, #tpu.memory_space<vmem>>[vector<16xi32>], vector<16xf32>, vector<16xi1>
      %mul3A_539 = arith.constant 4 : i32
      %mul3A_540 = arith.muli %scan3A_429, %mul3A_539 : i32
      %add3A_541 = arith.constant 3 : i32
      %add3A_542 = arith.addi %mul3A_540, %add3A_541 : i32
      %mul3A_543 = arith.constant 16 : i32
      %mul3A_544 = arith.muli %add3A_542, %mul3A_543 : i32
      %get3A_545 = arith.index_cast %mul3A_544 : i32 to index
      %get3A_546 = tpu.vector_load %arg7[%get3A_545] {strides = array<i32>} : memref<1024xi32, #tpu.memory_space<vmem>>, vector<16xi32>,
      %mul3A_547 = arith.constant 16 : i32
      %mul3A_548 = arith.muli %add3A_542, %mul3A_547 : i32
      %get3A_549 = arith.index_cast %mul3A_548 : i32 to index
      %get3A_550 = tpu.vector_load %arg8[%get3A_549] {strides = array<i32>} : memref<1024xf32, #tpu.memory_space<vmem>>, vector<16xf32>,
      %mul3A_551 = arith.constant 128 : i32
      %mul3A_552 = vector.broadcast %mul3A_551 : i32 to vector<16xi32>
      %mul3A_553 = arith.muli %get3A_546, %mul3A_552 : vector<16xi32>
      %mul3A_554 = arith.constant 2 : i32
      %mul3A_555 = arith.muli %add3A_542, %mul3A_554 : i32
      %add3A_556 = vector.broadcast %mul3A_555 : i32 to vector<16xi32>
      %add3A_557 = arith.addi %mul3A_553, %add3A_556 : vector<16xi32>
      %add3A_558 = arith.addi %add3A_557, %select_n3A : vector<16xi32>
      %ge3A_559 = vector.broadcast %mul3A_176 : i32 to vector<16xi32>
      %ge3A_560 = arith.cmpi sge, %add3A_558, %ge3A_559 : vector<16xi32>
      %add3A_561 = arith.constant 40960 : i32
      %add3A_562 = arith.addi %mul3A_176, %add3A_561 : i32
      %lt3A_563 = vector.broadcast %add3A_562 : i32 to vector<16xi32>
      %lt3A_564 = arith.cmpi slt, %add3A_558, %lt3A_563 : vector<16xi32>
      %and3A_565 = arith.andi %ge3A_560, %lt3A_564 : vector<16xi1>
      %gt3A_566 = arith.constant 0.000000e+00 : f32
      %gt3A_567 = vector.broadcast %gt3A_566 : f32 to vector<16xf32>
      %gt3A_568 = arith.cmpf ogt, %get3A_550, %gt3A_567 : vector<16xf32>
      %and3A_569 = arith.andi %and3A_565, %gt3A_568 : vector<16xi1>
      %sub3A_570 = vector.broadcast %mul3A_176 : i32 to vector<16xi32>
      %sub3A_571 = arith.subi %add3A_558, %sub3A_570 : vector<16xi32>
      %jit3A_572 = arith.constant 0 : i32
      %broadcast_in_dim3A_573 = vector.broadcast %jit3A_572 : i32 to vector<16xi32>
      %select_n3A_574 = arith.select %and3A_569, %sub3A_571, %broadcast_in_dim3A_573 : vector<16xi1>, vector<16xi32>
      %broadcast_in_dim3A_575 = arith.constant 0.000000e+00 : f32
      %broadcast_in_dim3A_576 = vector.broadcast %broadcast_in_dim3A_575 : f32 to vector<16xf32>
      tpu.vector_store_idx %arg5[%select_n3A_574], %broadcast_in_dim3A_576 masked %and3A_569 : memref<40960xf32, #tpu.memory_space<vmem>>[vector<16xi32>], vector<16xf32>, vector<16xi1>
    }
    %scan3A_182 = arith.constant 16 : i32
    %mul3A_183 = arith.constant 3125 : i32
    %mul3A_184 = arith.muli %add3A, %mul3A_183 : i32
    %add3A_185 = arith.constant 1280 : i32
    %add3A_186 = arith.addi %mul3A_184, %add3A_185 : i32
    %mul3A_187 = arith.constant 128 : i32
    %mul3A_188 = arith.muli %add3A_186, %mul3A_187 : i32
    %scan3A_189 = arith.constant 0 : i32
    %scan3A_190 = arith.constant 0 : i32
    %scan3A_191 = arith.constant 16 : i32
    %scan3A_192 = arith.addi %scan3A_190, %scan3A_191 : i32
    %scan3A_193 = arith.constant 1 : i32
    scf.for %scan3A_429 = %scan3A_190 to %scan3A_192 step %scan3A_193  : i32 {
      %mul3A_430 = arith.constant 4 : i32
      %mul3A_431 = arith.muli %scan3A_429, %mul3A_430 : i32
      %add3A_432 = arith.constant 0 : i32
      %add3A_433 = arith.addi %mul3A_431, %add3A_432 : i32
      %mul3A_434 = arith.constant 16 : i32
      %mul3A_435 = arith.muli %add3A_433, %mul3A_434 : i32
      %get3A = arith.index_cast %mul3A_435 : i32 to index
      %get3A_436 = tpu.vector_load %arg7[%get3A] {strides = array<i32>} : memref<1024xi32, #tpu.memory_space<vmem>>, vector<16xi32>,
      %mul3A_437 = arith.constant 16 : i32
      %mul3A_438 = arith.muli %add3A_433, %mul3A_437 : i32
      %get3A_439 = arith.index_cast %mul3A_438 : i32 to index
      %get3A_440 = tpu.vector_load %arg8[%get3A_439] {strides = array<i32>} : memref<1024xf32, #tpu.memory_space<vmem>>, vector<16xf32>,
      %mul3A_441 = arith.constant 128 : i32
      %mul3A_442 = vector.broadcast %mul3A_441 : i32 to vector<16xi32>
      %mul3A_443 = arith.muli %get3A_436, %mul3A_442 : vector<16xi32>
      %mul3A_444 = arith.constant 2 : i32
      %mul3A_445 = arith.muli %add3A_433, %mul3A_444 : i32
      %add3A_446 = vector.broadcast %mul3A_445 : i32 to vector<16xi32>
      %add3A_447 = arith.addi %mul3A_443, %add3A_446 : vector<16xi32>
      %add3A_448 = arith.addi %add3A_447, %select_n3A : vector<16xi32>
      %ge3A = vector.broadcast %mul3A_188 : i32 to vector<16xi32>
      %ge3A_449 = arith.cmpi sge, %add3A_448, %ge3A : vector<16xi32>
      %add3A_450 = arith.constant 40960 : i32
      %add3A_451 = arith.addi %mul3A_188, %add3A_450 : i32
      %lt3A = vector.broadcast %add3A_451 : i32 to vector<16xi32>
      %lt3A_452 = arith.cmpi slt, %add3A_448, %lt3A : vector<16xi32>
      %and3A_453 = arith.andi %ge3A_449, %lt3A_452 : vector<16xi1>
      %gt3A = arith.constant 0.000000e+00 : f32
      %gt3A_454 = vector.broadcast %gt3A : f32 to vector<16xf32>
      %gt3A_455 = arith.cmpf ogt, %get3A_440, %gt3A_454 : vector<16xf32>
      %and3A_456 = arith.andi %and3A_453, %gt3A_455 : vector<16xi1>
      %sub3A_457 = vector.broadcast %mul3A_188 : i32 to vector<16xi32>
      %sub3A_458 = arith.subi %add3A_448, %sub3A_457 : vector<16xi32>
      %jit3A_459 = arith.constant 0 : i32
      %broadcast_in_dim3A = vector.broadcast %jit3A_459 : i32 to vector<16xi32>
      %select_n3A_460 = arith.select %and3A_456, %sub3A_458, %broadcast_in_dim3A : vector<16xi1>, vector<16xi32>
      tpu.vector_store_idx %arg5[%select_n3A_460], %get3A_440 masked %and3A_456 : memref<40960xf32, #tpu.memory_space<vmem>>[vector<16xi32>], vector<16xf32>, vector<16xi1>
      %mul3A_461 = arith.constant 4 : i32
      %mul3A_462 = arith.muli %scan3A_429, %mul3A_461 : i32
      %add3A_463 = arith.constant 1 : i32
      %add3A_464 = arith.addi %mul3A_462, %add3A_463 : i32
      %mul3A_465 = arith.constant 16 : i32
      %mul3A_466 = arith.muli %add3A_464, %mul3A_465 : i32
      %get3A_467 = arith.index_cast %mul3A_466 : i32 to index
      %get3A_468 = tpu.vector_load %arg7[%get3A_467] {strides = array<i32>} : memref<1024xi32, #tpu.memory_space<vmem>>, vector<16xi32>,
      %mul3A_469 = arith.constant 16 : i32
      %mul3A_470 = arith.muli %add3A_464, %mul3A_469 : i32
      %get3A_471 = arith.index_cast %mul3A_470 : i32 to index
      %get3A_472 = tpu.vector_load %arg8[%get3A_471] {strides = array<i32>} : memref<1024xf32, #tpu.memory_space<vmem>>, vector<16xf32>,
      %mul3A_473 = arith.constant 128 : i32
      %mul3A_474 = vector.broadcast %mul3A_473 : i32 to vector<16xi32>
      %mul3A_475 = arith.muli %get3A_468, %mul3A_474 : vector<16xi32>
      %mul3A_476 = arith.constant 2 : i32
      %mul3A_477 = arith.muli %add3A_464, %mul3A_476 : i32
      %add3A_478 = vector.broadcast %mul3A_477 : i32 to vector<16xi32>
      %add3A_479 = arith.addi %mul3A_475, %add3A_478 : vector<16xi32>
      %add3A_480 = arith.addi %add3A_479, %select_n3A : vector<16xi32>
      %ge3A_481 = vector.broadcast %mul3A_188 : i32 to vector<16xi32>
      %ge3A_482 = arith.cmpi sge, %add3A_480, %ge3A_481 : vector<16xi32>
      %add3A_483 = arith.constant 40960 : i32
      %add3A_484 = arith.addi %mul3A_188, %add3A_483 : i32
      %lt3A_485 = vector.broadcast %add3A_484 : i32 to vector<16xi32>
      %lt3A_486 = arith.cmpi slt, %add3A_480, %lt3A_485 : vector<16xi32>
      %and3A_487 = arith.andi %ge3A_482, %lt3A_486 : vector<16xi1>
      %gt3A_488 = arith.constant 0.000000e+00 : f32
      %gt3A_489 = vector.broadcast %gt3A_488 : f32 to vector<16xf32>
      %gt3A_490 = arith.cmpf ogt, %get3A_472, %gt3A_489 : vector<16xf32>
      %and3A_491 = arith.andi %and3A_487, %gt3A_490 : vector<16xi1>
      %sub3A_492 = vector.broadcast %mul3A_188 : i32 to vector<16xi32>
      %sub3A_493 = arith.subi %add3A_480, %sub3A_492 : vector<16xi32>
      %jit3A_494 = arith.constant 0 : i32
      %broadcast_in_dim3A_495 = vector.broadcast %jit3A_494 : i32 to vector<16xi32>
      %select_n3A_496 = arith.select %and3A_491, %sub3A_493, %broadcast_in_dim3A_495 : vector<16xi1>, vector<16xi32>
      tpu.vector_store_idx %arg5[%select_n3A_496], %get3A_472 masked %and3A_491 : memref<40960xf32, #tpu.memory_space<vmem>>[vector<16xi32>], vector<16xf32>, vector<16xi1>
      %mul3A_497 = arith.constant 4 : i32
      %mul3A_498 = arith.muli %scan3A_429, %mul3A_497 : i32
      %add3A_499 = arith.constant 2 : i32
      %add3A_500 = arith.addi %mul3A_498, %add3A_499 : i32
      %mul3A_501 = arith.constant 16 : i32
      %mul3A_502 = arith.muli %add3A_500, %mul3A_501 : i32
      %get3A_503 = arith.index_cast %mul3A_502 : i32 to index
      %get3A_504 = tpu.vector_load %arg7[%get3A_503] {strides = array<i32>} : memref<1024xi32, #tpu.memory_space<vmem>>, vector<16xi32>,
      %mul3A_505 = arith.constant 16 : i32
      %mul3A_506 = arith.muli %add3A_500, %mul3A_505 : i32
      %get3A_507 = arith.index_cast %mul3A_506 : i32 to index
      %get3A_508 = tpu.vector_load %arg8[%get3A_507] {strides = array<i32>} : memref<1024xf32, #tpu.memory_space<vmem>>, vector<16xf32>,
      %mul3A_509 = arith.constant 128 : i32
      %mul3A_510 = vector.broadcast %mul3A_509 : i32 to vector<16xi32>
      %mul3A_511 = arith.muli %get3A_504, %mul3A_510 : vector<16xi32>
      %mul3A_512 = arith.constant 2 : i32
      %mul3A_513 = arith.muli %add3A_500, %mul3A_512 : i32
      %add3A_514 = vector.broadcast %mul3A_513 : i32 to vector<16xi32>
      %add3A_515 = arith.addi %mul3A_511, %add3A_514 : vector<16xi32>
      %add3A_516 = arith.addi %add3A_515, %select_n3A : vector<16xi32>
      %ge3A_517 = vector.broadcast %mul3A_188 : i32 to vector<16xi32>
      %ge3A_518 = arith.cmpi sge, %add3A_516, %ge3A_517 : vector<16xi32>
      %add3A_519 = arith.constant 40960 : i32
      %add3A_520 = arith.addi %mul3A_188, %add3A_519 : i32
      %lt3A_521 = vector.broadcast %add3A_520 : i32 to vector<16xi32>
      %lt3A_522 = arith.cmpi slt, %add3A_516, %lt3A_521 : vector<16xi32>
      %and3A_523 = arith.andi %ge3A_518, %lt3A_522 : vector<16xi1>
      %gt3A_524 = arith.constant 0.000000e+00 : f32
      %gt3A_525 = vector.broadcast %gt3A_524 : f32 to vector<16xf32>
      %gt3A_526 = arith.cmpf ogt, %get3A_508, %gt3A_525 : vector<16xf32>
      %and3A_527 = arith.andi %and3A_523, %gt3A_526 : vector<16xi1>
      %sub3A_528 = vector.broadcast %mul3A_188 : i32 to vector<16xi32>
      %sub3A_529 = arith.subi %add3A_516, %sub3A_528 : vector<16xi32>
      %jit3A_530 = arith.constant 0 : i32
      %broadcast_in_dim3A_531 = vector.broadcast %jit3A_530 : i32 to vector<16xi32>
      %select_n3A_532 = arith.select %and3A_527, %sub3A_529, %broadcast_in_dim3A_531 : vector<16xi1>, vector<16xi32>
      tpu.vector_store_idx %arg5[%select_n3A_532], %get3A_508 masked %and3A_527 : memref<40960xf32, #tpu.memory_space<vmem>>[vector<16xi32>], vector<16xf32>, vector<16xi1>
      %mul3A_533 = arith.constant 4 : i32
      %mul3A_534 = arith.muli %scan3A_429, %mul3A_533 : i32
      %add3A_535 = arith.constant 3 : i32
      %add3A_536 = arith.addi %mul3A_534, %add3A_535 : i32
      %mul3A_537 = arith.constant 16 : i32
      %mul3A_538 = arith.muli %add3A_536, %mul3A_537 : i32
      %get3A_539 = arith.index_cast %mul3A_538 : i32 to index
      %get3A_540 = tpu.vector_load %arg7[%get3A_539] {strides = array<i32>} : memref<1024xi32, #tpu.memory_space<vmem>>, vector<16xi32>,
      %mul3A_541 = arith.constant 16 : i32
      %mul3A_542 = arith.muli %add3A_536, %mul3A_541 : i32
      %get3A_543 = arith.index_cast %mul3A_542 : i32 to index
      %get3A_544 = tpu.vector_load %arg8[%get3A_543] {strides = array<i32>} : memref<1024xf32, #tpu.memory_space<vmem>>, vector<16xf32>,
      %mul3A_545 = arith.constant 128 : i32
      %mul3A_546 = vector.broadcast %mul3A_545 : i32 to vector<16xi32>
      %mul3A_547 = arith.muli %get3A_540, %mul3A_546 : vector<16xi32>
      %mul3A_548 = arith.constant 2 : i32
      %mul3A_549 = arith.muli %add3A_536, %mul3A_548 : i32
      %add3A_550 = vector.broadcast %mul3A_549 : i32 to vector<16xi32>
      %add3A_551 = arith.addi %mul3A_547, %add3A_550 : vector<16xi32>
      %add3A_552 = arith.addi %add3A_551, %select_n3A : vector<16xi32>
      %ge3A_553 = vector.broadcast %mul3A_188 : i32 to vector<16xi32>
      %ge3A_554 = arith.cmpi sge, %add3A_552, %ge3A_553 : vector<16xi32>
      %add3A_555 = arith.constant 40960 : i32
      %add3A_556 = arith.addi %mul3A_188, %add3A_555 : i32
      %lt3A_557 = vector.broadcast %add3A_556 : i32 to vector<16xi32>
      %lt3A_558 = arith.cmpi slt, %add3A_552, %lt3A_557 : vector<16xi32>
      %and3A_559 = arith.andi %ge3A_554, %lt3A_558 : vector<16xi1>
      %gt3A_560 = arith.constant 0.000000e+00 : f32
      %gt3A_561 = vector.broadcast %gt3A_560 : f32 to vector<16xf32>
      %gt3A_562 = arith.cmpf ogt, %get3A_544, %gt3A_561 : vector<16xf32>
      %and3A_563 = arith.andi %and3A_559, %gt3A_562 : vector<16xi1>
      %sub3A_564 = vector.broadcast %mul3A_188 : i32 to vector<16xi32>
      %sub3A_565 = arith.subi %add3A_552, %sub3A_564 : vector<16xi32>
      %jit3A_566 = arith.constant 0 : i32
      %broadcast_in_dim3A_567 = vector.broadcast %jit3A_566 : i32 to vector<16xi32>
      %select_n3A_568 = arith.select %and3A_563, %sub3A_565, %broadcast_in_dim3A_567 : vector<16xi1>, vector<16xi32>
      tpu.vector_store_idx %arg5[%select_n3A_568], %get3A_544 masked %and3A_563 : memref<40960xf32, #tpu.memory_space<vmem>>[vector<16xi32>], vector<16xf32>, vector<16xi1>
    }
    %scan3A_194 = arith.constant 16 : i32
    %mul3A_195 = arith.constant 3125 : i32
    %mul3A_196 = arith.muli %add3A, %mul3A_195 : i32
    %add3A_197 = arith.constant 1280 : i32
    %add3A_198 = arith.addi %mul3A_196, %add3A_197 : i32
    %mul3A_199 = arith.constant 128 : i32
    %mul3A_200 = arith.muli %add3A_198, %mul3A_199 : i32
    %dma_start3A_201 = arith.constant 0 : i32
    %dma_start3A_202 = tpu.memref_slice %arg5[%dma_start3A_201] : memref<40960xf32, #tpu.memory_space<vmem>> -> memref<40960xf32, #tpu.memory_space<vmem>>
    %dma_start3A_203 = tpu.memref_slice %arg4[%mul3A_200] : memref<12800000xf32, #tpu.memory_space<hbm>> -> memref<40960xf32, #tpu.memory_space<hbm>>
    %dma_start3A_204 = tpu.memref_slice %arg4[%mul3A_200] : memref<12800000xf32, #tpu.memory_space<hbm>> -> memref<40960xf32, #tpu.memory_space<hbm>>
    %dma_start3A_205 = arith.constant 0 : i32
    %dma_start3A_206 = tpu.memref_slice %arg5[%dma_start3A_205] : memref<40960xf32, #tpu.memory_space<vmem>> -> memref<40960xf32, #tpu.memory_space<vmem>>
    tpu.enqueue_dma source(%dma_start3A_206 : memref<40960xf32, #tpu.memory_space<vmem>>) target(%dma_start3A_204 : memref<40960xf32, #tpu.memory_space<hbm>>) target_semaphore(%arg9 : memref<!tpu.dma_semaphore, #tpu.memory_space<semaphore_mem>>)
    %dma_wait3A_207 = arith.constant 0 : i32
    %dma_wait3A_208 = tpu.memref_slice %arg6[%dma_wait3A_207] : memref<40960xf32, #tpu.memory_space<vmem>> -> memref<40960xf32, #tpu.memory_space<vmem>>
    %dma_wait3A_209 = tpu.memref_slice %arg4[%mul3A_158] : memref<12800000xf32, #tpu.memory_space<hbm>> -> memref<40960xf32, #tpu.memory_space<hbm>>
    %dma_wait3A_210 = tpu.memref_slice %arg4[%mul3A_158] : memref<12800000xf32, #tpu.memory_space<hbm>> -> memref<40960xf32, #tpu.memory_space<hbm>>
    %dma_wait3A_211 = arith.constant 0 : i32
    %dma_wait3A_212 = tpu.memref_slice %arg6[%dma_wait3A_211] : memref<40960xf32, #tpu.memory_space<vmem>> -> memref<40960xf32, #tpu.memory_space<vmem>>
    tpu.wait_dma2 semaphore(%arg10 : memref<!tpu.dma_semaphore, #tpu.memory_space<semaphore_mem>>) src(%dma_wait3A_212 : memref<40960xf32, #tpu.memory_space<vmem>>) dst(%dma_wait3A_210 : memref<40960xf32, #tpu.memory_space<hbm>>)
    %mul3A_213 = arith.constant 3125 : i32
    %mul3A_214 = arith.muli %add3A, %mul3A_213 : i32
    %add3A_215 = arith.constant 960 : i32
    %add3A_216 = arith.addi %mul3A_214, %add3A_215 : i32
    %mul3A_217 = arith.constant 128 : i32
    %mul3A_218 = arith.muli %add3A_216, %mul3A_217 : i32
    %scan3A_219 = arith.constant 0 : i32
    %scan3A_220 = arith.constant 0 : i32
    %scan3A_221 = arith.constant 16 : i32
    %scan3A_222 = arith.addi %scan3A_220, %scan3A_221 : i32
    %scan3A_223 = arith.constant 1 : i32
    scf.for %scan3A_429 = %scan3A_220 to %scan3A_222 step %scan3A_223  : i32 {
      %mul3A_430 = arith.constant 4 : i32
      %mul3A_431 = arith.muli %scan3A_429, %mul3A_430 : i32
      %add3A_432 = arith.constant 0 : i32
      %add3A_433 = arith.addi %mul3A_431, %add3A_432 : i32
      %mul3A_434 = arith.constant 16 : i32
      %mul3A_435 = arith.muli %add3A_433, %mul3A_434 : i32
      %get3A = arith.index_cast %mul3A_435 : i32 to index
      %get3A_436 = tpu.vector_load %arg7[%get3A] {strides = array<i32>} : memref<1024xi32, #tpu.memory_space<vmem>>, vector<16xi32>,
      %mul3A_437 = arith.constant 16 : i32
      %mul3A_438 = arith.muli %add3A_433, %mul3A_437 : i32
      %get3A_439 = arith.index_cast %mul3A_438 : i32 to index
      %get3A_440 = tpu.vector_load %arg8[%get3A_439] {strides = array<i32>} : memref<1024xf32, #tpu.memory_space<vmem>>, vector<16xf32>,
      %mul3A_441 = arith.constant 128 : i32
      %mul3A_442 = vector.broadcast %mul3A_441 : i32 to vector<16xi32>
      %mul3A_443 = arith.muli %get3A_436, %mul3A_442 : vector<16xi32>
      %mul3A_444 = arith.constant 2 : i32
      %mul3A_445 = arith.muli %add3A_433, %mul3A_444 : i32
      %add3A_446 = vector.broadcast %mul3A_445 : i32 to vector<16xi32>
      %add3A_447 = arith.addi %mul3A_443, %add3A_446 : vector<16xi32>
      %add3A_448 = arith.addi %add3A_447, %select_n3A : vector<16xi32>
      %ge3A = vector.broadcast %mul3A_218 : i32 to vector<16xi32>
      %ge3A_449 = arith.cmpi sge, %add3A_448, %ge3A : vector<16xi32>
      %add3A_450 = arith.constant 40960 : i32
      %add3A_451 = arith.addi %mul3A_218, %add3A_450 : i32
      %lt3A = vector.broadcast %add3A_451 : i32 to vector<16xi32>
      %lt3A_452 = arith.cmpi slt, %add3A_448, %lt3A : vector<16xi32>
      %and3A_453 = arith.andi %ge3A_449, %lt3A_452 : vector<16xi1>
      %gt3A = arith.constant 0.000000e+00 : f32
      %gt3A_454 = vector.broadcast %gt3A : f32 to vector<16xf32>
      %gt3A_455 = arith.cmpf ogt, %get3A_440, %gt3A_454 : vector<16xf32>
      %and3A_456 = arith.andi %and3A_453, %gt3A_455 : vector<16xi1>
      %sub3A_457 = vector.broadcast %mul3A_218 : i32 to vector<16xi32>
      %sub3A_458 = arith.subi %add3A_448, %sub3A_457 : vector<16xi32>
      %jit3A_459 = arith.constant 0 : i32
      %broadcast_in_dim3A = vector.broadcast %jit3A_459 : i32 to vector<16xi32>
      %select_n3A_460 = arith.select %and3A_456, %sub3A_458, %broadcast_in_dim3A : vector<16xi1>, vector<16xi32>
      %broadcast_in_dim3A_461 = arith.constant 0.000000e+00 : f32
      %broadcast_in_dim3A_462 = vector.broadcast %broadcast_in_dim3A_461 : f32 to vector<16xf32>
      tpu.vector_store_idx %arg6[%select_n3A_460], %broadcast_in_dim3A_462 masked %and3A_456 : memref<40960xf32, #tpu.memory_space<vmem>>[vector<16xi32>], vector<16xf32>, vector<16xi1>
      %mul3A_463 = arith.constant 4 : i32
      %mul3A_464 = arith.muli %scan3A_429, %mul3A_463 : i32
      %add3A_465 = arith.constant 1 : i32
      %add3A_466 = arith.addi %mul3A_464, %add3A_465 : i32
      %mul3A_467 = arith.constant 16 : i32
      %mul3A_468 = arith.muli %add3A_466, %mul3A_467 : i32
      %get3A_469 = arith.index_cast %mul3A_468 : i32 to index
      %get3A_470 = tpu.vector_load %arg7[%get3A_469] {strides = array<i32>} : memref<1024xi32, #tpu.memory_space<vmem>>, vector<16xi32>,
      %mul3A_471 = arith.constant 16 : i32
      %mul3A_472 = arith.muli %add3A_466, %mul3A_471 : i32
      %get3A_473 = arith.index_cast %mul3A_472 : i32 to index
      %get3A_474 = tpu.vector_load %arg8[%get3A_473] {strides = array<i32>} : memref<1024xf32, #tpu.memory_space<vmem>>, vector<16xf32>,
      %mul3A_475 = arith.constant 128 : i32
      %mul3A_476 = vector.broadcast %mul3A_475 : i32 to vector<16xi32>
      %mul3A_477 = arith.muli %get3A_470, %mul3A_476 : vector<16xi32>
      %mul3A_478 = arith.constant 2 : i32
      %mul3A_479 = arith.muli %add3A_466, %mul3A_478 : i32
      %add3A_480 = vector.broadcast %mul3A_479 : i32 to vector<16xi32>
      %add3A_481 = arith.addi %mul3A_477, %add3A_480 : vector<16xi32>
      %add3A_482 = arith.addi %add3A_481, %select_n3A : vector<16xi32>
      %ge3A_483 = vector.broadcast %mul3A_218 : i32 to vector<16xi32>
      %ge3A_484 = arith.cmpi sge, %add3A_482, %ge3A_483 : vector<16xi32>
      %add3A_485 = arith.constant 40960 : i32
      %add3A_486 = arith.addi %mul3A_218, %add3A_485 : i32
      %lt3A_487 = vector.broadcast %add3A_486 : i32 to vector<16xi32>
      %lt3A_488 = arith.cmpi slt, %add3A_482, %lt3A_487 : vector<16xi32>
      %and3A_489 = arith.andi %ge3A_484, %lt3A_488 : vector<16xi1>
      %gt3A_490 = arith.constant 0.000000e+00 : f32
      %gt3A_491 = vector.broadcast %gt3A_490 : f32 to vector<16xf32>
      %gt3A_492 = arith.cmpf ogt, %get3A_474, %gt3A_491 : vector<16xf32>
      %and3A_493 = arith.andi %and3A_489, %gt3A_492 : vector<16xi1>
      %sub3A_494 = vector.broadcast %mul3A_218 : i32 to vector<16xi32>
      %sub3A_495 = arith.subi %add3A_482, %sub3A_494 : vector<16xi32>
      %jit3A_496 = arith.constant 0 : i32
      %broadcast_in_dim3A_497 = vector.broadcast %jit3A_496 : i32 to vector<16xi32>
      %select_n3A_498 = arith.select %and3A_493, %sub3A_495, %broadcast_in_dim3A_497 : vector<16xi1>, vector<16xi32>
      %broadcast_in_dim3A_499 = arith.constant 0.000000e+00 : f32
      %broadcast_in_dim3A_500 = vector.broadcast %broadcast_in_dim3A_499 : f32 to vector<16xf32>
      tpu.vector_store_idx %arg6[%select_n3A_498], %broadcast_in_dim3A_500 masked %and3A_493 : memref<40960xf32, #tpu.memory_space<vmem>>[vector<16xi32>], vector<16xf32>, vector<16xi1>
      %mul3A_501 = arith.constant 4 : i32
      %mul3A_502 = arith.muli %scan3A_429, %mul3A_501 : i32
      %add3A_503 = arith.constant 2 : i32
      %add3A_504 = arith.addi %mul3A_502, %add3A_503 : i32
      %mul3A_505 = arith.constant 16 : i32
      %mul3A_506 = arith.muli %add3A_504, %mul3A_505 : i32
      %get3A_507 = arith.index_cast %mul3A_506 : i32 to index
      %get3A_508 = tpu.vector_load %arg7[%get3A_507] {strides = array<i32>} : memref<1024xi32, #tpu.memory_space<vmem>>, vector<16xi32>,
      %mul3A_509 = arith.constant 16 : i32
      %mul3A_510 = arith.muli %add3A_504, %mul3A_509 : i32
      %get3A_511 = arith.index_cast %mul3A_510 : i32 to index
      %get3A_512 = tpu.vector_load %arg8[%get3A_511] {strides = array<i32>} : memref<1024xf32, #tpu.memory_space<vmem>>, vector<16xf32>,
      %mul3A_513 = arith.constant 128 : i32
      %mul3A_514 = vector.broadcast %mul3A_513 : i32 to vector<16xi32>
      %mul3A_515 = arith.muli %get3A_508, %mul3A_514 : vector<16xi32>
      %mul3A_516 = arith.constant 2 : i32
      %mul3A_517 = arith.muli %add3A_504, %mul3A_516 : i32
      %add3A_518 = vector.broadcast %mul3A_517 : i32 to vector<16xi32>
      %add3A_519 = arith.addi %mul3A_515, %add3A_518 : vector<16xi32>
      %add3A_520 = arith.addi %add3A_519, %select_n3A : vector<16xi32>
      %ge3A_521 = vector.broadcast %mul3A_218 : i32 to vector<16xi32>
      %ge3A_522 = arith.cmpi sge, %add3A_520, %ge3A_521 : vector<16xi32>
      %add3A_523 = arith.constant 40960 : i32
      %add3A_524 = arith.addi %mul3A_218, %add3A_523 : i32
      %lt3A_525 = vector.broadcast %add3A_524 : i32 to vector<16xi32>
      %lt3A_526 = arith.cmpi slt, %add3A_520, %lt3A_525 : vector<16xi32>
      %and3A_527 = arith.andi %ge3A_522, %lt3A_526 : vector<16xi1>
      %gt3A_528 = arith.constant 0.000000e+00 : f32
      %gt3A_529 = vector.broadcast %gt3A_528 : f32 to vector<16xf32>
      %gt3A_530 = arith.cmpf ogt, %get3A_512, %gt3A_529 : vector<16xf32>
      %and3A_531 = arith.andi %and3A_527, %gt3A_530 : vector<16xi1>
      %sub3A_532 = vector.broadcast %mul3A_218 : i32 to vector<16xi32>
      %sub3A_533 = arith.subi %add3A_520, %sub3A_532 : vector<16xi32>
      %jit3A_534 = arith.constant 0 : i32
      %broadcast_in_dim3A_535 = vector.broadcast %jit3A_534 : i32 to vector<16xi32>
      %select_n3A_536 = arith.select %and3A_531, %sub3A_533, %broadcast_in_dim3A_535 : vector<16xi1>, vector<16xi32>
      %broadcast_in_dim3A_537 = arith.constant 0.000000e+00 : f32
      %broadcast_in_dim3A_538 = vector.broadcast %broadcast_in_dim3A_537 : f32 to vector<16xf32>
      tpu.vector_store_idx %arg6[%select_n3A_536], %broadcast_in_dim3A_538 masked %and3A_531 : memref<40960xf32, #tpu.memory_space<vmem>>[vector<16xi32>], vector<16xf32>, vector<16xi1>
      %mul3A_539 = arith.constant 4 : i32
      %mul3A_540 = arith.muli %scan3A_429, %mul3A_539 : i32
      %add3A_541 = arith.constant 3 : i32
      %add3A_542 = arith.addi %mul3A_540, %add3A_541 : i32
      %mul3A_543 = arith.constant 16 : i32
      %mul3A_544 = arith.muli %add3A_542, %mul3A_543 : i32
      %get3A_545 = arith.index_cast %mul3A_544 : i32 to index
      %get3A_546 = tpu.vector_load %arg7[%get3A_545] {strides = array<i32>} : memref<1024xi32, #tpu.memory_space<vmem>>, vector<16xi32>,
      %mul3A_547 = arith.constant 16 : i32
      %mul3A_548 = arith.muli %add3A_542, %mul3A_547 : i32
      %get3A_549 = arith.index_cast %mul3A_548 : i32 to index
      %get3A_550 = tpu.vector_load %arg8[%get3A_549] {strides = array<i32>} : memref<1024xf32, #tpu.memory_space<vmem>>, vector<16xf32>,
      %mul3A_551 = arith.constant 128 : i32
      %mul3A_552 = vector.broadcast %mul3A_551 : i32 to vector<16xi32>
      %mul3A_553 = arith.muli %get3A_546, %mul3A_552 : vector<16xi32>
      %mul3A_554 = arith.constant 2 : i32
      %mul3A_555 = arith.muli %add3A_542, %mul3A_554 : i32
      %add3A_556 = vector.broadcast %mul3A_555 : i32 to vector<16xi32>
      %add3A_557 = arith.addi %mul3A_553, %add3A_556 : vector<16xi32>
      %add3A_558 = arith.addi %add3A_557, %select_n3A : vector<16xi32>
      %ge3A_559 = vector.broadcast %mul3A_218 : i32 to vector<16xi32>
      %ge3A_560 = arith.cmpi sge, %add3A_558, %ge3A_559 : vector<16xi32>
      %add3A_561 = arith.constant 40960 : i32
      %add3A_562 = arith.addi %mul3A_218, %add3A_561 : i32
      %lt3A_563 = vector.broadcast %add3A_562 : i32 to vector<16xi32>
      %lt3A_564 = arith.cmpi slt, %add3A_558, %lt3A_563 : vector<16xi32>
      %and3A_565 = arith.andi %ge3A_560, %lt3A_564 : vector<16xi1>
      %gt3A_566 = arith.constant 0.000000e+00 : f32
      %gt3A_567 = vector.broadcast %gt3A_566 : f32 to vector<16xf32>
      %gt3A_568 = arith.cmpf ogt, %get3A_550, %gt3A_567 : vector<16xf32>
      %and3A_569 = arith.andi %and3A_565, %gt3A_568 : vector<16xi1>
      %sub3A_570 = vector.broadcast %mul3A_218 : i32 to vector<16xi32>
      %sub3A_571 = arith.subi %add3A_558, %sub3A_570 : vector<16xi32>
      %jit3A_572 = arith.constant 0 : i32
      %broadcast_in_dim3A_573 = vector.broadcast %jit3A_572 : i32 to vector<16xi32>
      %select_n3A_574 = arith.select %and3A_569, %sub3A_571, %broadcast_in_dim3A_573 : vector<16xi1>, vector<16xi32>
      %broadcast_in_dim3A_575 = arith.constant 0.000000e+00 : f32
      %broadcast_in_dim3A_576 = vector.broadcast %broadcast_in_dim3A_575 : f32 to vector<16xf32>
      tpu.vector_store_idx %arg6[%select_n3A_574], %broadcast_in_dim3A_576 masked %and3A_569 : memref<40960xf32, #tpu.memory_space<vmem>>[vector<16xi32>], vector<16xf32>, vector<16xi1>
    }
    %scan3A_224 = arith.constant 16 : i32
    %mul3A_225 = arith.constant 3125 : i32
    %mul3A_226 = arith.muli %add3A, %mul3A_225 : i32
    %add3A_227 = arith.constant 1600 : i32
    %add3A_228 = arith.addi %mul3A_226, %add3A_227 : i32
    %mul3A_229 = arith.constant 128 : i32
    %mul3A_230 = arith.muli %add3A_228, %mul3A_229 : i32
    %scan3A_231 = arith.constant 0 : i32
    %scan3A_232 = arith.constant 0 : i32
    %scan3A_233 = arith.constant 16 : i32
    %scan3A_234 = arith.addi %scan3A_232, %scan3A_233 : i32
    %scan3A_235 = arith.constant 1 : i32
    scf.for %scan3A_429 = %scan3A_232 to %scan3A_234 step %scan3A_235  : i32 {
      %mul3A_430 = arith.constant 4 : i32
      %mul3A_431 = arith.muli %scan3A_429, %mul3A_430 : i32
      %add3A_432 = arith.constant 0 : i32
      %add3A_433 = arith.addi %mul3A_431, %add3A_432 : i32
      %mul3A_434 = arith.constant 16 : i32
      %mul3A_435 = arith.muli %add3A_433, %mul3A_434 : i32
      %get3A = arith.index_cast %mul3A_435 : i32 to index
      %get3A_436 = tpu.vector_load %arg7[%get3A] {strides = array<i32>} : memref<1024xi32, #tpu.memory_space<vmem>>, vector<16xi32>,
      %mul3A_437 = arith.constant 16 : i32
      %mul3A_438 = arith.muli %add3A_433, %mul3A_437 : i32
      %get3A_439 = arith.index_cast %mul3A_438 : i32 to index
      %get3A_440 = tpu.vector_load %arg8[%get3A_439] {strides = array<i32>} : memref<1024xf32, #tpu.memory_space<vmem>>, vector<16xf32>,
      %mul3A_441 = arith.constant 128 : i32
      %mul3A_442 = vector.broadcast %mul3A_441 : i32 to vector<16xi32>
      %mul3A_443 = arith.muli %get3A_436, %mul3A_442 : vector<16xi32>
      %mul3A_444 = arith.constant 2 : i32
      %mul3A_445 = arith.muli %add3A_433, %mul3A_444 : i32
      %add3A_446 = vector.broadcast %mul3A_445 : i32 to vector<16xi32>
      %add3A_447 = arith.addi %mul3A_443, %add3A_446 : vector<16xi32>
      %add3A_448 = arith.addi %add3A_447, %select_n3A : vector<16xi32>
      %ge3A = vector.broadcast %mul3A_230 : i32 to vector<16xi32>
      %ge3A_449 = arith.cmpi sge, %add3A_448, %ge3A : vector<16xi32>
      %add3A_450 = arith.constant 40960 : i32
      %add3A_451 = arith.addi %mul3A_230, %add3A_450 : i32
      %lt3A = vector.broadcast %add3A_451 : i32 to vector<16xi32>
      %lt3A_452 = arith.cmpi slt, %add3A_448, %lt3A : vector<16xi32>
      %and3A_453 = arith.andi %ge3A_449, %lt3A_452 : vector<16xi1>
      %gt3A = arith.constant 0.000000e+00 : f32
      %gt3A_454 = vector.broadcast %gt3A : f32 to vector<16xf32>
      %gt3A_455 = arith.cmpf ogt, %get3A_440, %gt3A_454 : vector<16xf32>
      %and3A_456 = arith.andi %and3A_453, %gt3A_455 : vector<16xi1>
      %sub3A_457 = vector.broadcast %mul3A_230 : i32 to vector<16xi32>
      %sub3A_458 = arith.subi %add3A_448, %sub3A_457 : vector<16xi32>
      %jit3A_459 = arith.constant 0 : i32
      %broadcast_in_dim3A = vector.broadcast %jit3A_459 : i32 to vector<16xi32>
      %select_n3A_460 = arith.select %and3A_456, %sub3A_458, %broadcast_in_dim3A : vector<16xi1>, vector<16xi32>
      tpu.vector_store_idx %arg6[%select_n3A_460], %get3A_440 masked %and3A_456 : memref<40960xf32, #tpu.memory_space<vmem>>[vector<16xi32>], vector<16xf32>, vector<16xi1>
      %mul3A_461 = arith.constant 4 : i32
      %mul3A_462 = arith.muli %scan3A_429, %mul3A_461 : i32
      %add3A_463 = arith.constant 1 : i32
      %add3A_464 = arith.addi %mul3A_462, %add3A_463 : i32
      %mul3A_465 = arith.constant 16 : i32
      %mul3A_466 = arith.muli %add3A_464, %mul3A_465 : i32
      %get3A_467 = arith.index_cast %mul3A_466 : i32 to index
      %get3A_468 = tpu.vector_load %arg7[%get3A_467] {strides = array<i32>} : memref<1024xi32, #tpu.memory_space<vmem>>, vector<16xi32>,
      %mul3A_469 = arith.constant 16 : i32
      %mul3A_470 = arith.muli %add3A_464, %mul3A_469 : i32
      %get3A_471 = arith.index_cast %mul3A_470 : i32 to index
      %get3A_472 = tpu.vector_load %arg8[%get3A_471] {strides = array<i32>} : memref<1024xf32, #tpu.memory_space<vmem>>, vector<16xf32>,
      %mul3A_473 = arith.constant 128 : i32
      %mul3A_474 = vector.broadcast %mul3A_473 : i32 to vector<16xi32>
      %mul3A_475 = arith.muli %get3A_468, %mul3A_474 : vector<16xi32>
      %mul3A_476 = arith.constant 2 : i32
      %mul3A_477 = arith.muli %add3A_464, %mul3A_476 : i32
      %add3A_478 = vector.broadcast %mul3A_477 : i32 to vector<16xi32>
      %add3A_479 = arith.addi %mul3A_475, %add3A_478 : vector<16xi32>
      %add3A_480 = arith.addi %add3A_479, %select_n3A : vector<16xi32>
      %ge3A_481 = vector.broadcast %mul3A_230 : i32 to vector<16xi32>
      %ge3A_482 = arith.cmpi sge, %add3A_480, %ge3A_481 : vector<16xi32>
      %add3A_483 = arith.constant 40960 : i32
      %add3A_484 = arith.addi %mul3A_230, %add3A_483 : i32
      %lt3A_485 = vector.broadcast %add3A_484 : i32 to vector<16xi32>
      %lt3A_486 = arith.cmpi slt, %add3A_480, %lt3A_485 : vector<16xi32>
      %and3A_487 = arith.andi %ge3A_482, %lt3A_486 : vector<16xi1>
      %gt3A_488 = arith.constant 0.000000e+00 : f32
      %gt3A_489 = vector.broadcast %gt3A_488 : f32 to vector<16xf32>
      %gt3A_490 = arith.cmpf ogt, %get3A_472, %gt3A_489 : vector<16xf32>
      %and3A_491 = arith.andi %and3A_487, %gt3A_490 : vector<16xi1>
      %sub3A_492 = vector.broadcast %mul3A_230 : i32 to vector<16xi32>
      %sub3A_493 = arith.subi %add3A_480, %sub3A_492 : vector<16xi32>
      %jit3A_494 = arith.constant 0 : i32
      %broadcast_in_dim3A_495 = vector.broadcast %jit3A_494 : i32 to vector<16xi32>
      %select_n3A_496 = arith.select %and3A_491, %sub3A_493, %broadcast_in_dim3A_495 : vector<16xi1>, vector<16xi32>
      tpu.vector_store_idx %arg6[%select_n3A_496], %get3A_472 masked %and3A_491 : memref<40960xf32, #tpu.memory_space<vmem>>[vector<16xi32>], vector<16xf32>, vector<16xi1>
      %mul3A_497 = arith.constant 4 : i32
      %mul3A_498 = arith.muli %scan3A_429, %mul3A_497 : i32
      %add3A_499 = arith.constant 2 : i32
      %add3A_500 = arith.addi %mul3A_498, %add3A_499 : i32
      %mul3A_501 = arith.constant 16 : i32
      %mul3A_502 = arith.muli %add3A_500, %mul3A_501 : i32
      %get3A_503 = arith.index_cast %mul3A_502 : i32 to index
      %get3A_504 = tpu.vector_load %arg7[%get3A_503] {strides = array<i32>} : memref<1024xi32, #tpu.memory_space<vmem>>, vector<16xi32>,
      %mul3A_505 = arith.constant 16 : i32
      %mul3A_506 = arith.muli %add3A_500, %mul3A_505 : i32
      %get3A_507 = arith.index_cast %mul3A_506 : i32 to index
      %get3A_508 = tpu.vector_load %arg8[%get3A_507] {strides = array<i32>} : memref<1024xf32, #tpu.memory_space<vmem>>, vector<16xf32>,
      %mul3A_509 = arith.constant 128 : i32
      %mul3A_510 = vector.broadcast %mul3A_509 : i32 to vector<16xi32>
      %mul3A_511 = arith.muli %get3A_504, %mul3A_510 : vector<16xi32>
      %mul3A_512 = arith.constant 2 : i32
      %mul3A_513 = arith.muli %add3A_500, %mul3A_512 : i32
      %add3A_514 = vector.broadcast %mul3A_513 : i32 to vector<16xi32>
      %add3A_515 = arith.addi %mul3A_511, %add3A_514 : vector<16xi32>
      %add3A_516 = arith.addi %add3A_515, %select_n3A : vector<16xi32>
      %ge3A_517 = vector.broadcast %mul3A_230 : i32 to vector<16xi32>
      %ge3A_518 = arith.cmpi sge, %add3A_516, %ge3A_517 : vector<16xi32>
      %add3A_519 = arith.constant 40960 : i32
      %add3A_520 = arith.addi %mul3A_230, %add3A_519 : i32
      %lt3A_521 = vector.broadcast %add3A_520 : i32 to vector<16xi32>
      %lt3A_522 = arith.cmpi slt, %add3A_516, %lt3A_521 : vector<16xi32>
      %and3A_523 = arith.andi %ge3A_518, %lt3A_522 : vector<16xi1>
      %gt3A_524 = arith.constant 0.000000e+00 : f32
      %gt3A_525 = vector.broadcast %gt3A_524 : f32 to vector<16xf32>
      %gt3A_526 = arith.cmpf ogt, %get3A_508, %gt3A_525 : vector<16xf32>
      %and3A_527 = arith.andi %and3A_523, %gt3A_526 : vector<16xi1>
      %sub3A_528 = vector.broadcast %mul3A_230 : i32 to vector<16xi32>
      %sub3A_529 = arith.subi %add3A_516, %sub3A_528 : vector<16xi32>
      %jit3A_530 = arith.constant 0 : i32
      %broadcast_in_dim3A_531 = vector.broadcast %jit3A_530 : i32 to vector<16xi32>
      %select_n3A_532 = arith.select %and3A_527, %sub3A_529, %broadcast_in_dim3A_531 : vector<16xi1>, vector<16xi32>
      tpu.vector_store_idx %arg6[%select_n3A_532], %get3A_508 masked %and3A_527 : memref<40960xf32, #tpu.memory_space<vmem>>[vector<16xi32>], vector<16xf32>, vector<16xi1>
      %mul3A_533 = arith.constant 4 : i32
      %mul3A_534 = arith.muli %scan3A_429, %mul3A_533 : i32
      %add3A_535 = arith.constant 3 : i32
      %add3A_536 = arith.addi %mul3A_534, %add3A_535 : i32
      %mul3A_537 = arith.constant 16 : i32
      %mul3A_538 = arith.muli %add3A_536, %mul3A_537 : i32
      %get3A_539 = arith.index_cast %mul3A_538 : i32 to index
      %get3A_540 = tpu.vector_load %arg7[%get3A_539] {strides = array<i32>} : memref<1024xi32, #tpu.memory_space<vmem>>, vector<16xi32>,
      %mul3A_541 = arith.constant 16 : i32
      %mul3A_542 = arith.muli %add3A_536, %mul3A_541 : i32
      %get3A_543 = arith.index_cast %mul3A_542 : i32 to index
      %get3A_544 = tpu.vector_load %arg8[%get3A_543] {strides = array<i32>} : memref<1024xf32, #tpu.memory_space<vmem>>, vector<16xf32>,
      %mul3A_545 = arith.constant 128 : i32
      %mul3A_546 = vector.broadcast %mul3A_545 : i32 to vector<16xi32>
      %mul3A_547 = arith.muli %get3A_540, %mul3A_546 : vector<16xi32>
      %mul3A_548 = arith.constant 2 : i32
      %mul3A_549 = arith.muli %add3A_536, %mul3A_548 : i32
      %add3A_550 = vector.broadcast %mul3A_549 : i32 to vector<16xi32>
      %add3A_551 = arith.addi %mul3A_547, %add3A_550 : vector<16xi32>
      %add3A_552 = arith.addi %add3A_551, %select_n3A : vector<16xi32>
      %ge3A_553 = vector.broadcast %mul3A_230 : i32 to vector<16xi32>
      %ge3A_554 = arith.cmpi sge, %add3A_552, %ge3A_553 : vector<16xi32>
      %add3A_555 = arith.constant 40960 : i32
      %add3A_556 = arith.addi %mul3A_230, %add3A_555 : i32
      %lt3A_557 = vector.broadcast %add3A_556 : i32 to vector<16xi32>
      %lt3A_558 = arith.cmpi slt, %add3A_552, %lt3A_557 : vector<16xi32>
      %and3A_559 = arith.andi %ge3A_554, %lt3A_558 : vector<16xi1>
      %gt3A_560 = arith.constant 0.000000e+00 : f32
      %gt3A_561 = vector.broadcast %gt3A_560 : f32 to vector<16xf32>
      %gt3A_562 = arith.cmpf ogt, %get3A_544, %gt3A_561 : vector<16xf32>
      %and3A_563 = arith.andi %and3A_559, %gt3A_562 : vector<16xi1>
      %sub3A_564 = vector.broadcast %mul3A_230 : i32 to vector<16xi32>
      %sub3A_565 = arith.subi %add3A_552, %sub3A_564 : vector<16xi32>
      %jit3A_566 = arith.constant 0 : i32
      %broadcast_in_dim3A_567 = vector.broadcast %jit3A_566 : i32 to vector<16xi32>
      %select_n3A_568 = arith.select %and3A_563, %sub3A_565, %broadcast_in_dim3A_567 : vector<16xi1>, vector<16xi32>
      tpu.vector_store_idx %arg6[%select_n3A_568], %get3A_544 masked %and3A_563 : memref<40960xf32, #tpu.memory_space<vmem>>[vector<16xi32>], vector<16xf32>, vector<16xi1>
    }
    %scan3A_236 = arith.constant 16 : i32
    %mul3A_237 = arith.constant 3125 : i32
    %mul3A_238 = arith.muli %add3A, %mul3A_237 : i32
    %add3A_239 = arith.constant 1600 : i32
    %add3A_240 = arith.addi %mul3A_238, %add3A_239 : i32
    %mul3A_241 = arith.constant 128 : i32
    %mul3A_242 = arith.muli %add3A_240, %mul3A_241 : i32
    %dma_start3A_243 = arith.constant 0 : i32
    %dma_start3A_244 = tpu.memref_slice %arg6[%dma_start3A_243] : memref<40960xf32, #tpu.memory_space<vmem>> -> memref<40960xf32, #tpu.memory_space<vmem>>
    %dma_start3A_245 = tpu.memref_slice %arg4[%mul3A_242] : memref<12800000xf32, #tpu.memory_space<hbm>> -> memref<40960xf32, #tpu.memory_space<hbm>>
    %dma_start3A_246 = tpu.memref_slice %arg4[%mul3A_242] : memref<12800000xf32, #tpu.memory_space<hbm>> -> memref<40960xf32, #tpu.memory_space<hbm>>
    %dma_start3A_247 = arith.constant 0 : i32
    %dma_start3A_248 = tpu.memref_slice %arg6[%dma_start3A_247] : memref<40960xf32, #tpu.memory_space<vmem>> -> memref<40960xf32, #tpu.memory_space<vmem>>
    tpu.enqueue_dma source(%dma_start3A_248 : memref<40960xf32, #tpu.memory_space<vmem>>) target(%dma_start3A_246 : memref<40960xf32, #tpu.memory_space<hbm>>) target_semaphore(%arg10 : memref<!tpu.dma_semaphore, #tpu.memory_space<semaphore_mem>>)
    %dma_wait3A_249 = arith.constant 0 : i32
    %dma_wait3A_250 = tpu.memref_slice %arg5[%dma_wait3A_249] : memref<40960xf32, #tpu.memory_space<vmem>> -> memref<40960xf32, #tpu.memory_space<vmem>>
    %dma_wait3A_251 = tpu.memref_slice %arg4[%mul3A_200] : memref<12800000xf32, #tpu.memory_space<hbm>> -> memref<40960xf32, #tpu.memory_space<hbm>>
    %dma_wait3A_252 = tpu.memref_slice %arg4[%mul3A_200] : memref<12800000xf32, #tpu.memory_space<hbm>> -> memref<40960xf32, #tpu.memory_space<hbm>>
    %dma_wait3A_253 = arith.constant 0 : i32
    %dma_wait3A_254 = tpu.memref_slice %arg5[%dma_wait3A_253] : memref<40960xf32, #tpu.memory_space<vmem>> -> memref<40960xf32, #tpu.memory_space<vmem>>
    tpu.wait_dma2 semaphore(%arg9 : memref<!tpu.dma_semaphore, #tpu.memory_space<semaphore_mem>>) src(%dma_wait3A_254 : memref<40960xf32, #tpu.memory_space<vmem>>) dst(%dma_wait3A_252 : memref<40960xf32, #tpu.memory_space<hbm>>)
    %mul3A_255 = arith.constant 3125 : i32
    %mul3A_256 = arith.muli %add3A, %mul3A_255 : i32
    %add3A_257 = arith.constant 1280 : i32
    %add3A_258 = arith.addi %mul3A_256, %add3A_257 : i32
    %mul3A_259 = arith.constant 128 : i32
    %mul3A_260 = arith.muli %add3A_258, %mul3A_259 : i32
    %scan3A_261 = arith.constant 0 : i32
    %scan3A_262 = arith.constant 0 : i32
    %scan3A_263 = arith.constant 16 : i32
    %scan3A_264 = arith.addi %scan3A_262, %scan3A_263 : i32
    %scan3A_265 = arith.constant 1 : i32
    scf.for %scan3A_429 = %scan3A_262 to %scan3A_264 step %scan3A_265  : i32 {
      %mul3A_430 = arith.constant 4 : i32
      %mul3A_431 = arith.muli %scan3A_429, %mul3A_430 : i32
      %add3A_432 = arith.constant 0 : i32
      %add3A_433 = arith.addi %mul3A_431, %add3A_432 : i32
      %mul3A_434 = arith.constant 16 : i32
      %mul3A_435 = arith.muli %add3A_433, %mul3A_434 : i32
      %get3A = arith.index_cast %mul3A_435 : i32 to index
      %get3A_436 = tpu.vector_load %arg7[%get3A] {strides = array<i32>} : memref<1024xi32, #tpu.memory_space<vmem>>, vector<16xi32>,
      %mul3A_437 = arith.constant 16 : i32
      %mul3A_438 = arith.muli %add3A_433, %mul3A_437 : i32
      %get3A_439 = arith.index_cast %mul3A_438 : i32 to index
      %get3A_440 = tpu.vector_load %arg8[%get3A_439] {strides = array<i32>} : memref<1024xf32, #tpu.memory_space<vmem>>, vector<16xf32>,
      %mul3A_441 = arith.constant 128 : i32
      %mul3A_442 = vector.broadcast %mul3A_441 : i32 to vector<16xi32>
      %mul3A_443 = arith.muli %get3A_436, %mul3A_442 : vector<16xi32>
      %mul3A_444 = arith.constant 2 : i32
      %mul3A_445 = arith.muli %add3A_433, %mul3A_444 : i32
      %add3A_446 = vector.broadcast %mul3A_445 : i32 to vector<16xi32>
      %add3A_447 = arith.addi %mul3A_443, %add3A_446 : vector<16xi32>
      %add3A_448 = arith.addi %add3A_447, %select_n3A : vector<16xi32>
      %ge3A = vector.broadcast %mul3A_260 : i32 to vector<16xi32>
      %ge3A_449 = arith.cmpi sge, %add3A_448, %ge3A : vector<16xi32>
      %add3A_450 = arith.constant 40960 : i32
      %add3A_451 = arith.addi %mul3A_260, %add3A_450 : i32
      %lt3A = vector.broadcast %add3A_451 : i32 to vector<16xi32>
      %lt3A_452 = arith.cmpi slt, %add3A_448, %lt3A : vector<16xi32>
      %and3A_453 = arith.andi %ge3A_449, %lt3A_452 : vector<16xi1>
      %gt3A = arith.constant 0.000000e+00 : f32
      %gt3A_454 = vector.broadcast %gt3A : f32 to vector<16xf32>
      %gt3A_455 = arith.cmpf ogt, %get3A_440, %gt3A_454 : vector<16xf32>
      %and3A_456 = arith.andi %and3A_453, %gt3A_455 : vector<16xi1>
      %sub3A_457 = vector.broadcast %mul3A_260 : i32 to vector<16xi32>
      %sub3A_458 = arith.subi %add3A_448, %sub3A_457 : vector<16xi32>
      %jit3A_459 = arith.constant 0 : i32
      %broadcast_in_dim3A = vector.broadcast %jit3A_459 : i32 to vector<16xi32>
      %select_n3A_460 = arith.select %and3A_456, %sub3A_458, %broadcast_in_dim3A : vector<16xi1>, vector<16xi32>
      %broadcast_in_dim3A_461 = arith.constant 0.000000e+00 : f32
      %broadcast_in_dim3A_462 = vector.broadcast %broadcast_in_dim3A_461 : f32 to vector<16xf32>
      tpu.vector_store_idx %arg5[%select_n3A_460], %broadcast_in_dim3A_462 masked %and3A_456 : memref<40960xf32, #tpu.memory_space<vmem>>[vector<16xi32>], vector<16xf32>, vector<16xi1>
      %mul3A_463 = arith.constant 4 : i32
      %mul3A_464 = arith.muli %scan3A_429, %mul3A_463 : i32
      %add3A_465 = arith.constant 1 : i32
      %add3A_466 = arith.addi %mul3A_464, %add3A_465 : i32
      %mul3A_467 = arith.constant 16 : i32
      %mul3A_468 = arith.muli %add3A_466, %mul3A_467 : i32
      %get3A_469 = arith.index_cast %mul3A_468 : i32 to index
      %get3A_470 = tpu.vector_load %arg7[%get3A_469] {strides = array<i32>} : memref<1024xi32, #tpu.memory_space<vmem>>, vector<16xi32>,
      %mul3A_471 = arith.constant 16 : i32
      %mul3A_472 = arith.muli %add3A_466, %mul3A_471 : i32
      %get3A_473 = arith.index_cast %mul3A_472 : i32 to index
      %get3A_474 = tpu.vector_load %arg8[%get3A_473] {strides = array<i32>} : memref<1024xf32, #tpu.memory_space<vmem>>, vector<16xf32>,
      %mul3A_475 = arith.constant 128 : i32
      %mul3A_476 = vector.broadcast %mul3A_475 : i32 to vector<16xi32>
      %mul3A_477 = arith.muli %get3A_470, %mul3A_476 : vector<16xi32>
      %mul3A_478 = arith.constant 2 : i32
      %mul3A_479 = arith.muli %add3A_466, %mul3A_478 : i32
      %add3A_480 = vector.broadcast %mul3A_479 : i32 to vector<16xi32>
      %add3A_481 = arith.addi %mul3A_477, %add3A_480 : vector<16xi32>
      %add3A_482 = arith.addi %add3A_481, %select_n3A : vector<16xi32>
      %ge3A_483 = vector.broadcast %mul3A_260 : i32 to vector<16xi32>
      %ge3A_484 = arith.cmpi sge, %add3A_482, %ge3A_483 : vector<16xi32>
      %add3A_485 = arith.constant 40960 : i32
      %add3A_486 = arith.addi %mul3A_260, %add3A_485 : i32
      %lt3A_487 = vector.broadcast %add3A_486 : i32 to vector<16xi32>
      %lt3A_488 = arith.cmpi slt, %add3A_482, %lt3A_487 : vector<16xi32>
      %and3A_489 = arith.andi %ge3A_484, %lt3A_488 : vector<16xi1>
      %gt3A_490 = arith.constant 0.000000e+00 : f32
      %gt3A_491 = vector.broadcast %gt3A_490 : f32 to vector<16xf32>
      %gt3A_492 = arith.cmpf ogt, %get3A_474, %gt3A_491 : vector<16xf32>
      %and3A_493 = arith.andi %and3A_489, %gt3A_492 : vector<16xi1>
      %sub3A_494 = vector.broadcast %mul3A_260 : i32 to vector<16xi32>
      %sub3A_495 = arith.subi %add3A_482, %sub3A_494 : vector<16xi32>
      %jit3A_496 = arith.constant 0 : i32
      %broadcast_in_dim3A_497 = vector.broadcast %jit3A_496 : i32 to vector<16xi32>
      %select_n3A_498 = arith.select %and3A_493, %sub3A_495, %broadcast_in_dim3A_497 : vector<16xi1>, vector<16xi32>
      %broadcast_in_dim3A_499 = arith.constant 0.000000e+00 : f32
      %broadcast_in_dim3A_500 = vector.broadcast %broadcast_in_dim3A_499 : f32 to vector<16xf32>
      tpu.vector_store_idx %arg5[%select_n3A_498], %broadcast_in_dim3A_500 masked %and3A_493 : memref<40960xf32, #tpu.memory_space<vmem>>[vector<16xi32>], vector<16xf32>, vector<16xi1>
      %mul3A_501 = arith.constant 4 : i32
      %mul3A_502 = arith.muli %scan3A_429, %mul3A_501 : i32
      %add3A_503 = arith.constant 2 : i32
      %add3A_504 = arith.addi %mul3A_502, %add3A_503 : i32
      %mul3A_505 = arith.constant 16 : i32
      %mul3A_506 = arith.muli %add3A_504, %mul3A_505 : i32
      %get3A_507 = arith.index_cast %mul3A_506 : i32 to index
      %get3A_508 = tpu.vector_load %arg7[%get3A_507] {strides = array<i32>} : memref<1024xi32, #tpu.memory_space<vmem>>, vector<16xi32>,
      %mul3A_509 = arith.constant 16 : i32
      %mul3A_510 = arith.muli %add3A_504, %mul3A_509 : i32
      %get3A_511 = arith.index_cast %mul3A_510 : i32 to index
      %get3A_512 = tpu.vector_load %arg8[%get3A_511] {strides = array<i32>} : memref<1024xf32, #tpu.memory_space<vmem>>, vector<16xf32>,
      %mul3A_513 = arith.constant 128 : i32
      %mul3A_514 = vector.broadcast %mul3A_513 : i32 to vector<16xi32>
      %mul3A_515 = arith.muli %get3A_508, %mul3A_514 : vector<16xi32>
      %mul3A_516 = arith.constant 2 : i32
      %mul3A_517 = arith.muli %add3A_504, %mul3A_516 : i32
      %add3A_518 = vector.broadcast %mul3A_517 : i32 to vector<16xi32>
      %add3A_519 = arith.addi %mul3A_515, %add3A_518 : vector<16xi32>
      %add3A_520 = arith.addi %add3A_519, %select_n3A : vector<16xi32>
      %ge3A_521 = vector.broadcast %mul3A_260 : i32 to vector<16xi32>
      %ge3A_522 = arith.cmpi sge, %add3A_520, %ge3A_521 : vector<16xi32>
      %add3A_523 = arith.constant 40960 : i32
      %add3A_524 = arith.addi %mul3A_260, %add3A_523 : i32
      %lt3A_525 = vector.broadcast %add3A_524 : i32 to vector<16xi32>
      %lt3A_526 = arith.cmpi slt, %add3A_520, %lt3A_525 : vector<16xi32>
      %and3A_527 = arith.andi %ge3A_522, %lt3A_526 : vector<16xi1>
      %gt3A_528 = arith.constant 0.000000e+00 : f32
      %gt3A_529 = vector.broadcast %gt3A_528 : f32 to vector<16xf32>
      %gt3A_530 = arith.cmpf ogt, %get3A_512, %gt3A_529 : vector<16xf32>
      %and3A_531 = arith.andi %and3A_527, %gt3A_530 : vector<16xi1>
      %sub3A_532 = vector.broadcast %mul3A_260 : i32 to vector<16xi32>
      %sub3A_533 = arith.subi %add3A_520, %sub3A_532 : vector<16xi32>
      %jit3A_534 = arith.constant 0 : i32
      %broadcast_in_dim3A_535 = vector.broadcast %jit3A_534 : i32 to vector<16xi32>
      %select_n3A_536 = arith.select %and3A_531, %sub3A_533, %broadcast_in_dim3A_535 : vector<16xi1>, vector<16xi32>
      %broadcast_in_dim3A_537 = arith.constant 0.000000e+00 : f32
      %broadcast_in_dim3A_538 = vector.broadcast %broadcast_in_dim3A_537 : f32 to vector<16xf32>
      tpu.vector_store_idx %arg5[%select_n3A_536], %broadcast_in_dim3A_538 masked %and3A_531 : memref<40960xf32, #tpu.memory_space<vmem>>[vector<16xi32>], vector<16xf32>, vector<16xi1>
      %mul3A_539 = arith.constant 4 : i32
      %mul3A_540 = arith.muli %scan3A_429, %mul3A_539 : i32
      %add3A_541 = arith.constant 3 : i32
      %add3A_542 = arith.addi %mul3A_540, %add3A_541 : i32
      %mul3A_543 = arith.constant 16 : i32
      %mul3A_544 = arith.muli %add3A_542, %mul3A_543 : i32
      %get3A_545 = arith.index_cast %mul3A_544 : i32 to index
      %get3A_546 = tpu.vector_load %arg7[%get3A_545] {strides = array<i32>} : memref<1024xi32, #tpu.memory_space<vmem>>, vector<16xi32>,
      %mul3A_547 = arith.constant 16 : i32
      %mul3A_548 = arith.muli %add3A_542, %mul3A_547 : i32
      %get3A_549 = arith.index_cast %mul3A_548 : i32 to index
      %get3A_550 = tpu.vector_load %arg8[%get3A_549] {strides = array<i32>} : memref<1024xf32, #tpu.memory_space<vmem>>, vector<16xf32>,
      %mul3A_551 = arith.constant 128 : i32
      %mul3A_552 = vector.broadcast %mul3A_551 : i32 to vector<16xi32>
      %mul3A_553 = arith.muli %get3A_546, %mul3A_552 : vector<16xi32>
      %mul3A_554 = arith.constant 2 : i32
      %mul3A_555 = arith.muli %add3A_542, %mul3A_554 : i32
      %add3A_556 = vector.broadcast %mul3A_555 : i32 to vector<16xi32>
      %add3A_557 = arith.addi %mul3A_553, %add3A_556 : vector<16xi32>
      %add3A_558 = arith.addi %add3A_557, %select_n3A : vector<16xi32>
      %ge3A_559 = vector.broadcast %mul3A_260 : i32 to vector<16xi32>
      %ge3A_560 = arith.cmpi sge, %add3A_558, %ge3A_559 : vector<16xi32>
      %add3A_561 = arith.constant 40960 : i32
      %add3A_562 = arith.addi %mul3A_260, %add3A_561 : i32
      %lt3A_563 = vector.broadcast %add3A_562 : i32 to vector<16xi32>
      %lt3A_564 = arith.cmpi slt, %add3A_558, %lt3A_563 : vector<16xi32>
      %and3A_565 = arith.andi %ge3A_560, %lt3A_564 : vector<16xi1>
      %gt3A_566 = arith.constant 0.000000e+00 : f32
      %gt3A_567 = vector.broadcast %gt3A_566 : f32 to vector<16xf32>
      %gt3A_568 = arith.cmpf ogt, %get3A_550, %gt3A_567 : vector<16xf32>
      %and3A_569 = arith.andi %and3A_565, %gt3A_568 : vector<16xi1>
      %sub3A_570 = vector.broadcast %mul3A_260 : i32 to vector<16xi32>
      %sub3A_571 = arith.subi %add3A_558, %sub3A_570 : vector<16xi32>
      %jit3A_572 = arith.constant 0 : i32
      %broadcast_in_dim3A_573 = vector.broadcast %jit3A_572 : i32 to vector<16xi32>
      %select_n3A_574 = arith.select %and3A_569, %sub3A_571, %broadcast_in_dim3A_573 : vector<16xi1>, vector<16xi32>
      %broadcast_in_dim3A_575 = arith.constant 0.000000e+00 : f32
      %broadcast_in_dim3A_576 = vector.broadcast %broadcast_in_dim3A_575 : f32 to vector<16xf32>
      tpu.vector_store_idx %arg5[%select_n3A_574], %broadcast_in_dim3A_576 masked %and3A_569 : memref<40960xf32, #tpu.memory_space<vmem>>[vector<16xi32>], vector<16xf32>, vector<16xi1>
    }
    %scan3A_266 = arith.constant 16 : i32
    %mul3A_267 = arith.constant 3125 : i32
    %mul3A_268 = arith.muli %add3A, %mul3A_267 : i32
    %add3A_269 = arith.constant 1920 : i32
    %add3A_270 = arith.addi %mul3A_268, %add3A_269 : i32
    %mul3A_271 = arith.constant 128 : i32
    %mul3A_272 = arith.muli %add3A_270, %mul3A_271 : i32
    %scan3A_273 = arith.constant 0 : i32
    %scan3A_274 = arith.constant 0 : i32
    %scan3A_275 = arith.constant 16 : i32
    %scan3A_276 = arith.addi %scan3A_274, %scan3A_275 : i32
    %scan3A_277 = arith.constant 1 : i32
    scf.for %scan3A_429 = %scan3A_274 to %scan3A_276 step %scan3A_277  : i32 {
      %mul3A_430 = arith.constant 4 : i32
      %mul3A_431 = arith.muli %scan3A_429, %mul3A_430 : i32
      %add3A_432 = arith.constant 0 : i32
      %add3A_433 = arith.addi %mul3A_431, %add3A_432 : i32
      %mul3A_434 = arith.constant 16 : i32
      %mul3A_435 = arith.muli %add3A_433, %mul3A_434 : i32
      %get3A = arith.index_cast %mul3A_435 : i32 to index
      %get3A_436 = tpu.vector_load %arg7[%get3A] {strides = array<i32>} : memref<1024xi32, #tpu.memory_space<vmem>>, vector<16xi32>,
      %mul3A_437 = arith.constant 16 : i32
      %mul3A_438 = arith.muli %add3A_433, %mul3A_437 : i32
      %get3A_439 = arith.index_cast %mul3A_438 : i32 to index
      %get3A_440 = tpu.vector_load %arg8[%get3A_439] {strides = array<i32>} : memref<1024xf32, #tpu.memory_space<vmem>>, vector<16xf32>,
      %mul3A_441 = arith.constant 128 : i32
      %mul3A_442 = vector.broadcast %mul3A_441 : i32 to vector<16xi32>
      %mul3A_443 = arith.muli %get3A_436, %mul3A_442 : vector<16xi32>
      %mul3A_444 = arith.constant 2 : i32
      %mul3A_445 = arith.muli %add3A_433, %mul3A_444 : i32
      %add3A_446 = vector.broadcast %mul3A_445 : i32 to vector<16xi32>
      %add3A_447 = arith.addi %mul3A_443, %add3A_446 : vector<16xi32>
      %add3A_448 = arith.addi %add3A_447, %select_n3A : vector<16xi32>
      %ge3A = vector.broadcast %mul3A_272 : i32 to vector<16xi32>
      %ge3A_449 = arith.cmpi sge, %add3A_448, %ge3A : vector<16xi32>
      %add3A_450 = arith.constant 40960 : i32
      %add3A_451 = arith.addi %mul3A_272, %add3A_450 : i32
      %lt3A = vector.broadcast %add3A_451 : i32 to vector<16xi32>
      %lt3A_452 = arith.cmpi slt, %add3A_448, %lt3A : vector<16xi32>
      %and3A_453 = arith.andi %ge3A_449, %lt3A_452 : vector<16xi1>
      %gt3A = arith.constant 0.000000e+00 : f32
      %gt3A_454 = vector.broadcast %gt3A : f32 to vector<16xf32>
      %gt3A_455 = arith.cmpf ogt, %get3A_440, %gt3A_454 : vector<16xf32>
      %and3A_456 = arith.andi %and3A_453, %gt3A_455 : vector<16xi1>
      %sub3A_457 = vector.broadcast %mul3A_272 : i32 to vector<16xi32>
      %sub3A_458 = arith.subi %add3A_448, %sub3A_457 : vector<16xi32>
      %jit3A_459 = arith.constant 0 : i32
      %broadcast_in_dim3A = vector.broadcast %jit3A_459 : i32 to vector<16xi32>
      %select_n3A_460 = arith.select %and3A_456, %sub3A_458, %broadcast_in_dim3A : vector<16xi1>, vector<16xi32>
      tpu.vector_store_idx %arg5[%select_n3A_460], %get3A_440 masked %and3A_456 : memref<40960xf32, #tpu.memory_space<vmem>>[vector<16xi32>], vector<16xf32>, vector<16xi1>
      %mul3A_461 = arith.constant 4 : i32
      %mul3A_462 = arith.muli %scan3A_429, %mul3A_461 : i32
      %add3A_463 = arith.constant 1 : i32
      %add3A_464 = arith.addi %mul3A_462, %add3A_463 : i32
      %mul3A_465 = arith.constant 16 : i32
      %mul3A_466 = arith.muli %add3A_464, %mul3A_465 : i32
      %get3A_467 = arith.index_cast %mul3A_466 : i32 to index
      %get3A_468 = tpu.vector_load %arg7[%get3A_467] {strides = array<i32>} : memref<1024xi32, #tpu.memory_space<vmem>>, vector<16xi32>,
      %mul3A_469 = arith.constant 16 : i32
      %mul3A_470 = arith.muli %add3A_464, %mul3A_469 : i32
      %get3A_471 = arith.index_cast %mul3A_470 : i32 to index
      %get3A_472 = tpu.vector_load %arg8[%get3A_471] {strides = array<i32>} : memref<1024xf32, #tpu.memory_space<vmem>>, vector<16xf32>,
      %mul3A_473 = arith.constant 128 : i32
      %mul3A_474 = vector.broadcast %mul3A_473 : i32 to vector<16xi32>
      %mul3A_475 = arith.muli %get3A_468, %mul3A_474 : vector<16xi32>
      %mul3A_476 = arith.constant 2 : i32
      %mul3A_477 = arith.muli %add3A_464, %mul3A_476 : i32
      %add3A_478 = vector.broadcast %mul3A_477 : i32 to vector<16xi32>
      %add3A_479 = arith.addi %mul3A_475, %add3A_478 : vector<16xi32>
      %add3A_480 = arith.addi %add3A_479, %select_n3A : vector<16xi32>
      %ge3A_481 = vector.broadcast %mul3A_272 : i32 to vector<16xi32>
      %ge3A_482 = arith.cmpi sge, %add3A_480, %ge3A_481 : vector<16xi32>
      %add3A_483 = arith.constant 40960 : i32
      %add3A_484 = arith.addi %mul3A_272, %add3A_483 : i32
      %lt3A_485 = vector.broadcast %add3A_484 : i32 to vector<16xi32>
      %lt3A_486 = arith.cmpi slt, %add3A_480, %lt3A_485 : vector<16xi32>
      %and3A_487 = arith.andi %ge3A_482, %lt3A_486 : vector<16xi1>
      %gt3A_488 = arith.constant 0.000000e+00 : f32
      %gt3A_489 = vector.broadcast %gt3A_488 : f32 to vector<16xf32>
      %gt3A_490 = arith.cmpf ogt, %get3A_472, %gt3A_489 : vector<16xf32>
      %and3A_491 = arith.andi %and3A_487, %gt3A_490 : vector<16xi1>
      %sub3A_492 = vector.broadcast %mul3A_272 : i32 to vector<16xi32>
      %sub3A_493 = arith.subi %add3A_480, %sub3A_492 : vector<16xi32>
      %jit3A_494 = arith.constant 0 : i32
      %broadcast_in_dim3A_495 = vector.broadcast %jit3A_494 : i32 to vector<16xi32>
      %select_n3A_496 = arith.select %and3A_491, %sub3A_493, %broadcast_in_dim3A_495 : vector<16xi1>, vector<16xi32>
      tpu.vector_store_idx %arg5[%select_n3A_496], %get3A_472 masked %and3A_491 : memref<40960xf32, #tpu.memory_space<vmem>>[vector<16xi32>], vector<16xf32>, vector<16xi1>
      %mul3A_497 = arith.constant 4 : i32
      %mul3A_498 = arith.muli %scan3A_429, %mul3A_497 : i32
      %add3A_499 = arith.constant 2 : i32
      %add3A_500 = arith.addi %mul3A_498, %add3A_499 : i32
      %mul3A_501 = arith.constant 16 : i32
      %mul3A_502 = arith.muli %add3A_500, %mul3A_501 : i32
      %get3A_503 = arith.index_cast %mul3A_502 : i32 to index
      %get3A_504 = tpu.vector_load %arg7[%get3A_503] {strides = array<i32>} : memref<1024xi32, #tpu.memory_space<vmem>>, vector<16xi32>,
      %mul3A_505 = arith.constant 16 : i32
      %mul3A_506 = arith.muli %add3A_500, %mul3A_505 : i32
      %get3A_507 = arith.index_cast %mul3A_506 : i32 to index
      %get3A_508 = tpu.vector_load %arg8[%get3A_507] {strides = array<i32>} : memref<1024xf32, #tpu.memory_space<vmem>>, vector<16xf32>,
      %mul3A_509 = arith.constant 128 : i32
      %mul3A_510 = vector.broadcast %mul3A_509 : i32 to vector<16xi32>
      %mul3A_511 = arith.muli %get3A_504, %mul3A_510 : vector<16xi32>
      %mul3A_512 = arith.constant 2 : i32
      %mul3A_513 = arith.muli %add3A_500, %mul3A_512 : i32
      %add3A_514 = vector.broadcast %mul3A_513 : i32 to vector<16xi32>
      %add3A_515 = arith.addi %mul3A_511, %add3A_514 : vector<16xi32>
      %add3A_516 = arith.addi %add3A_515, %select_n3A : vector<16xi32>
      %ge3A_517 = vector.broadcast %mul3A_272 : i32 to vector<16xi32>
      %ge3A_518 = arith.cmpi sge, %add3A_516, %ge3A_517 : vector<16xi32>
      %add3A_519 = arith.constant 40960 : i32
      %add3A_520 = arith.addi %mul3A_272, %add3A_519 : i32
      %lt3A_521 = vector.broadcast %add3A_520 : i32 to vector<16xi32>
      %lt3A_522 = arith.cmpi slt, %add3A_516, %lt3A_521 : vector<16xi32>
      %and3A_523 = arith.andi %ge3A_518, %lt3A_522 : vector<16xi1>
      %gt3A_524 = arith.constant 0.000000e+00 : f32
      %gt3A_525 = vector.broadcast %gt3A_524 : f32 to vector<16xf32>
      %gt3A_526 = arith.cmpf ogt, %get3A_508, %gt3A_525 : vector<16xf32>
      %and3A_527 = arith.andi %and3A_523, %gt3A_526 : vector<16xi1>
      %sub3A_528 = vector.broadcast %mul3A_272 : i32 to vector<16xi32>
      %sub3A_529 = arith.subi %add3A_516, %sub3A_528 : vector<16xi32>
      %jit3A_530 = arith.constant 0 : i32
      %broadcast_in_dim3A_531 = vector.broadcast %jit3A_530 : i32 to vector<16xi32>
      %select_n3A_532 = arith.select %and3A_527, %sub3A_529, %broadcast_in_dim3A_531 : vector<16xi1>, vector<16xi32>
      tpu.vector_store_idx %arg5[%select_n3A_532], %get3A_508 masked %and3A_527 : memref<40960xf32, #tpu.memory_space<vmem>>[vector<16xi32>], vector<16xf32>, vector<16xi1>
      %mul3A_533 = arith.constant 4 : i32
      %mul3A_534 = arith.muli %scan3A_429, %mul3A_533 : i32
      %add3A_535 = arith.constant 3 : i32
      %add3A_536 = arith.addi %mul3A_534, %add3A_535 : i32
      %mul3A_537 = arith.constant 16 : i32
      %mul3A_538 = arith.muli %add3A_536, %mul3A_537 : i32
      %get3A_539 = arith.index_cast %mul3A_538 : i32 to index
      %get3A_540 = tpu.vector_load %arg7[%get3A_539] {strides = array<i32>} : memref<1024xi32, #tpu.memory_space<vmem>>, vector<16xi32>,
      %mul3A_541 = arith.constant 16 : i32
      %mul3A_542 = arith.muli %add3A_536, %mul3A_541 : i32
      %get3A_543 = arith.index_cast %mul3A_542 : i32 to index
      %get3A_544 = tpu.vector_load %arg8[%get3A_543] {strides = array<i32>} : memref<1024xf32, #tpu.memory_space<vmem>>, vector<16xf32>,
      %mul3A_545 = arith.constant 128 : i32
      %mul3A_546 = vector.broadcast %mul3A_545 : i32 to vector<16xi32>
      %mul3A_547 = arith.muli %get3A_540, %mul3A_546 : vector<16xi32>
      %mul3A_548 = arith.constant 2 : i32
      %mul3A_549 = arith.muli %add3A_536, %mul3A_548 : i32
      %add3A_550 = vector.broadcast %mul3A_549 : i32 to vector<16xi32>
      %add3A_551 = arith.addi %mul3A_547, %add3A_550 : vector<16xi32>
      %add3A_552 = arith.addi %add3A_551, %select_n3A : vector<16xi32>
      %ge3A_553 = vector.broadcast %mul3A_272 : i32 to vector<16xi32>
      %ge3A_554 = arith.cmpi sge, %add3A_552, %ge3A_553 : vector<16xi32>
      %add3A_555 = arith.constant 40960 : i32
      %add3A_556 = arith.addi %mul3A_272, %add3A_555 : i32
      %lt3A_557 = vector.broadcast %add3A_556 : i32 to vector<16xi32>
      %lt3A_558 = arith.cmpi slt, %add3A_552, %lt3A_557 : vector<16xi32>
      %and3A_559 = arith.andi %ge3A_554, %lt3A_558 : vector<16xi1>
      %gt3A_560 = arith.constant 0.000000e+00 : f32
      %gt3A_561 = vector.broadcast %gt3A_560 : f32 to vector<16xf32>
      %gt3A_562 = arith.cmpf ogt, %get3A_544, %gt3A_561 : vector<16xf32>
      %and3A_563 = arith.andi %and3A_559, %gt3A_562 : vector<16xi1>
      %sub3A_564 = vector.broadcast %mul3A_272 : i32 to vector<16xi32>
      %sub3A_565 = arith.subi %add3A_552, %sub3A_564 : vector<16xi32>
      %jit3A_566 = arith.constant 0 : i32
      %broadcast_in_dim3A_567 = vector.broadcast %jit3A_566 : i32 to vector<16xi32>
      %select_n3A_568 = arith.select %and3A_563, %sub3A_565, %broadcast_in_dim3A_567 : vector<16xi1>, vector<16xi32>
      tpu.vector_store_idx %arg5[%select_n3A_568], %get3A_544 masked %and3A_563 : memref<40960xf32, #tpu.memory_space<vmem>>[vector<16xi32>], vector<16xf32>, vector<16xi1>
    }
    %scan3A_278 = arith.constant 16 : i32
    %mul3A_279 = arith.constant 3125 : i32
    %mul3A_280 = arith.muli %add3A, %mul3A_279 : i32
    %add3A_281 = arith.constant 1920 : i32
    %add3A_282 = arith.addi %mul3A_280, %add3A_281 : i32
    %mul3A_283 = arith.constant 128 : i32
    %mul3A_284 = arith.muli %add3A_282, %mul3A_283 : i32
    %dma_start3A_285 = arith.constant 0 : i32
    %dma_start3A_286 = tpu.memref_slice %arg5[%dma_start3A_285] : memref<40960xf32, #tpu.memory_space<vmem>> -> memref<40960xf32, #tpu.memory_space<vmem>>
    %dma_start3A_287 = tpu.memref_slice %arg4[%mul3A_284] : memref<12800000xf32, #tpu.memory_space<hbm>> -> memref<40960xf32, #tpu.memory_space<hbm>>
    %dma_start3A_288 = tpu.memref_slice %arg4[%mul3A_284] : memref<12800000xf32, #tpu.memory_space<hbm>> -> memref<40960xf32, #tpu.memory_space<hbm>>
    %dma_start3A_289 = arith.constant 0 : i32
    %dma_start3A_290 = tpu.memref_slice %arg5[%dma_start3A_289] : memref<40960xf32, #tpu.memory_space<vmem>> -> memref<40960xf32, #tpu.memory_space<vmem>>
    tpu.enqueue_dma source(%dma_start3A_290 : memref<40960xf32, #tpu.memory_space<vmem>>) target(%dma_start3A_288 : memref<40960xf32, #tpu.memory_space<hbm>>) target_semaphore(%arg9 : memref<!tpu.dma_semaphore, #tpu.memory_space<semaphore_mem>>)
    %dma_wait3A_291 = arith.constant 0 : i32
    %dma_wait3A_292 = tpu.memref_slice %arg6[%dma_wait3A_291] : memref<40960xf32, #tpu.memory_space<vmem>> -> memref<40960xf32, #tpu.memory_space<vmem>>
    %dma_wait3A_293 = tpu.memref_slice %arg4[%mul3A_242] : memref<12800000xf32, #tpu.memory_space<hbm>> -> memref<40960xf32, #tpu.memory_space<hbm>>
    %dma_wait3A_294 = tpu.memref_slice %arg4[%mul3A_242] : memref<12800000xf32, #tpu.memory_space<hbm>> -> memref<40960xf32, #tpu.memory_space<hbm>>
    %dma_wait3A_295 = arith.constant 0 : i32
    %dma_wait3A_296 = tpu.memref_slice %arg6[%dma_wait3A_295] : memref<40960xf32, #tpu.memory_space<vmem>> -> memref<40960xf32, #tpu.memory_space<vmem>>
    tpu.wait_dma2 semaphore(%arg10 : memref<!tpu.dma_semaphore, #tpu.memory_space<semaphore_mem>>) src(%dma_wait3A_296 : memref<40960xf32, #tpu.memory_space<vmem>>) dst(%dma_wait3A_294 : memref<40960xf32, #tpu.memory_space<hbm>>)
    %mul3A_297 = arith.constant 3125 : i32
    %mul3A_298 = arith.muli %add3A, %mul3A_297 : i32
    %add3A_299 = arith.constant 1600 : i32
    %add3A_300 = arith.addi %mul3A_298, %add3A_299 : i32
    %mul3A_301 = arith.constant 128 : i32
    %mul3A_302 = arith.muli %add3A_300, %mul3A_301 : i32
    %scan3A_303 = arith.constant 0 : i32
    %scan3A_304 = arith.constant 0 : i32
    %scan3A_305 = arith.constant 16 : i32
    %scan3A_306 = arith.addi %scan3A_304, %scan3A_305 : i32
    %scan3A_307 = arith.constant 1 : i32
    scf.for %scan3A_429 = %scan3A_304 to %scan3A_306 step %scan3A_307  : i32 {
      %mul3A_430 = arith.constant 4 : i32
      %mul3A_431 = arith.muli %scan3A_429, %mul3A_430 : i32
      %add3A_432 = arith.constant 0 : i32
      %add3A_433 = arith.addi %mul3A_431, %add3A_432 : i32
      %mul3A_434 = arith.constant 16 : i32
      %mul3A_435 = arith.muli %add3A_433, %mul3A_434 : i32
      %get3A = arith.index_cast %mul3A_435 : i32 to index
      %get3A_436 = tpu.vector_load %arg7[%get3A] {strides = array<i32>} : memref<1024xi32, #tpu.memory_space<vmem>>, vector<16xi32>,
      %mul3A_437 = arith.constant 16 : i32
      %mul3A_438 = arith.muli %add3A_433, %mul3A_437 : i32
      %get3A_439 = arith.index_cast %mul3A_438 : i32 to index
      %get3A_440 = tpu.vector_load %arg8[%get3A_439] {strides = array<i32>} : memref<1024xf32, #tpu.memory_space<vmem>>, vector<16xf32>,
      %mul3A_441 = arith.constant 128 : i32
      %mul3A_442 = vector.broadcast %mul3A_441 : i32 to vector<16xi32>
      %mul3A_443 = arith.muli %get3A_436, %mul3A_442 : vector<16xi32>
      %mul3A_444 = arith.constant 2 : i32
      %mul3A_445 = arith.muli %add3A_433, %mul3A_444 : i32
      %add3A_446 = vector.broadcast %mul3A_445 : i32 to vector<16xi32>
      %add3A_447 = arith.addi %mul3A_443, %add3A_446 : vector<16xi32>
      %add3A_448 = arith.addi %add3A_447, %select_n3A : vector<16xi32>
      %ge3A = vector.broadcast %mul3A_302 : i32 to vector<16xi32>
      %ge3A_449 = arith.cmpi sge, %add3A_448, %ge3A : vector<16xi32>
      %add3A_450 = arith.constant 40960 : i32
      %add3A_451 = arith.addi %mul3A_302, %add3A_450 : i32
      %lt3A = vector.broadcast %add3A_451 : i32 to vector<16xi32>
      %lt3A_452 = arith.cmpi slt, %add3A_448, %lt3A : vector<16xi32>
      %and3A_453 = arith.andi %ge3A_449, %lt3A_452 : vector<16xi1>
      %gt3A = arith.constant 0.000000e+00 : f32
      %gt3A_454 = vector.broadcast %gt3A : f32 to vector<16xf32>
      %gt3A_455 = arith.cmpf ogt, %get3A_440, %gt3A_454 : vector<16xf32>
      %and3A_456 = arith.andi %and3A_453, %gt3A_455 : vector<16xi1>
      %sub3A_457 = vector.broadcast %mul3A_302 : i32 to vector<16xi32>
      %sub3A_458 = arith.subi %add3A_448, %sub3A_457 : vector<16xi32>
      %jit3A_459 = arith.constant 0 : i32
      %broadcast_in_dim3A = vector.broadcast %jit3A_459 : i32 to vector<16xi32>
      %select_n3A_460 = arith.select %and3A_456, %sub3A_458, %broadcast_in_dim3A : vector<16xi1>, vector<16xi32>
      %broadcast_in_dim3A_461 = arith.constant 0.000000e+00 : f32
      %broadcast_in_dim3A_462 = vector.broadcast %broadcast_in_dim3A_461 : f32 to vector<16xf32>
      tpu.vector_store_idx %arg6[%select_n3A_460], %broadcast_in_dim3A_462 masked %and3A_456 : memref<40960xf32, #tpu.memory_space<vmem>>[vector<16xi32>], vector<16xf32>, vector<16xi1>
      %mul3A_463 = arith.constant 4 : i32
      %mul3A_464 = arith.muli %scan3A_429, %mul3A_463 : i32
      %add3A_465 = arith.constant 1 : i32
      %add3A_466 = arith.addi %mul3A_464, %add3A_465 : i32
      %mul3A_467 = arith.constant 16 : i32
      %mul3A_468 = arith.muli %add3A_466, %mul3A_467 : i32
      %get3A_469 = arith.index_cast %mul3A_468 : i32 to index
      %get3A_470 = tpu.vector_load %arg7[%get3A_469] {strides = array<i32>} : memref<1024xi32, #tpu.memory_space<vmem>>, vector<16xi32>,
      %mul3A_471 = arith.constant 16 : i32
      %mul3A_472 = arith.muli %add3A_466, %mul3A_471 : i32
      %get3A_473 = arith.index_cast %mul3A_472 : i32 to index
      %get3A_474 = tpu.vector_load %arg8[%get3A_473] {strides = array<i32>} : memref<1024xf32, #tpu.memory_space<vmem>>, vector<16xf32>,
      %mul3A_475 = arith.constant 128 : i32
      %mul3A_476 = vector.broadcast %mul3A_475 : i32 to vector<16xi32>
      %mul3A_477 = arith.muli %get3A_470, %mul3A_476 : vector<16xi32>
      %mul3A_478 = arith.constant 2 : i32
      %mul3A_479 = arith.muli %add3A_466, %mul3A_478 : i32
      %add3A_480 = vector.broadcast %mul3A_479 : i32 to vector<16xi32>
      %add3A_481 = arith.addi %mul3A_477, %add3A_480 : vector<16xi32>
      %add3A_482 = arith.addi %add3A_481, %select_n3A : vector<16xi32>
      %ge3A_483 = vector.broadcast %mul3A_302 : i32 to vector<16xi32>
      %ge3A_484 = arith.cmpi sge, %add3A_482, %ge3A_483 : vector<16xi32>
      %add3A_485 = arith.constant 40960 : i32
      %add3A_486 = arith.addi %mul3A_302, %add3A_485 : i32
      %lt3A_487 = vector.broadcast %add3A_486 : i32 to vector<16xi32>
      %lt3A_488 = arith.cmpi slt, %add3A_482, %lt3A_487 : vector<16xi32>
      %and3A_489 = arith.andi %ge3A_484, %lt3A_488 : vector<16xi1>
      %gt3A_490 = arith.constant 0.000000e+00 : f32
      %gt3A_491 = vector.broadcast %gt3A_490 : f32 to vector<16xf32>
      %gt3A_492 = arith.cmpf ogt, %get3A_474, %gt3A_491 : vector<16xf32>
      %and3A_493 = arith.andi %and3A_489, %gt3A_492 : vector<16xi1>
      %sub3A_494 = vector.broadcast %mul3A_302 : i32 to vector<16xi32>
      %sub3A_495 = arith.subi %add3A_482, %sub3A_494 : vector<16xi32>
      %jit3A_496 = arith.constant 0 : i32
      %broadcast_in_dim3A_497 = vector.broadcast %jit3A_496 : i32 to vector<16xi32>
      %select_n3A_498 = arith.select %and3A_493, %sub3A_495, %broadcast_in_dim3A_497 : vector<16xi1>, vector<16xi32>
      %broadcast_in_dim3A_499 = arith.constant 0.000000e+00 : f32
      %broadcast_in_dim3A_500 = vector.broadcast %broadcast_in_dim3A_499 : f32 to vector<16xf32>
      tpu.vector_store_idx %arg6[%select_n3A_498], %broadcast_in_dim3A_500 masked %and3A_493 : memref<40960xf32, #tpu.memory_space<vmem>>[vector<16xi32>], vector<16xf32>, vector<16xi1>
      %mul3A_501 = arith.constant 4 : i32
      %mul3A_502 = arith.muli %scan3A_429, %mul3A_501 : i32
      %add3A_503 = arith.constant 2 : i32
      %add3A_504 = arith.addi %mul3A_502, %add3A_503 : i32
      %mul3A_505 = arith.constant 16 : i32
      %mul3A_506 = arith.muli %add3A_504, %mul3A_505 : i32
      %get3A_507 = arith.index_cast %mul3A_506 : i32 to index
      %get3A_508 = tpu.vector_load %arg7[%get3A_507] {strides = array<i32>} : memref<1024xi32, #tpu.memory_space<vmem>>, vector<16xi32>,
      %mul3A_509 = arith.constant 16 : i32
      %mul3A_510 = arith.muli %add3A_504, %mul3A_509 : i32
      %get3A_511 = arith.index_cast %mul3A_510 : i32 to index
      %get3A_512 = tpu.vector_load %arg8[%get3A_511] {strides = array<i32>} : memref<1024xf32, #tpu.memory_space<vmem>>, vector<16xf32>,
      %mul3A_513 = arith.constant 128 : i32
      %mul3A_514 = vector.broadcast %mul3A_513 : i32 to vector<16xi32>
      %mul3A_515 = arith.muli %get3A_508, %mul3A_514 : vector<16xi32>
      %mul3A_516 = arith.constant 2 : i32
      %mul3A_517 = arith.muli %add3A_504, %mul3A_516 : i32
      %add3A_518 = vector.broadcast %mul3A_517 : i32 to vector<16xi32>
      %add3A_519 = arith.addi %mul3A_515, %add3A_518 : vector<16xi32>
      %add3A_520 = arith.addi %add3A_519, %select_n3A : vector<16xi32>
      %ge3A_521 = vector.broadcast %mul3A_302 : i32 to vector<16xi32>
      %ge3A_522 = arith.cmpi sge, %add3A_520, %ge3A_521 : vector<16xi32>
      %add3A_523 = arith.constant 40960 : i32
      %add3A_524 = arith.addi %mul3A_302, %add3A_523 : i32
      %lt3A_525 = vector.broadcast %add3A_524 : i32 to vector<16xi32>
      %lt3A_526 = arith.cmpi slt, %add3A_520, %lt3A_525 : vector<16xi32>
      %and3A_527 = arith.andi %ge3A_522, %lt3A_526 : vector<16xi1>
      %gt3A_528 = arith.constant 0.000000e+00 : f32
      %gt3A_529 = vector.broadcast %gt3A_528 : f32 to vector<16xf32>
      %gt3A_530 = arith.cmpf ogt, %get3A_512, %gt3A_529 : vector<16xf32>
      %and3A_531 = arith.andi %and3A_527, %gt3A_530 : vector<16xi1>
      %sub3A_532 = vector.broadcast %mul3A_302 : i32 to vector<16xi32>
      %sub3A_533 = arith.subi %add3A_520, %sub3A_532 : vector<16xi32>
      %jit3A_534 = arith.constant 0 : i32
      %broadcast_in_dim3A_535 = vector.broadcast %jit3A_534 : i32 to vector<16xi32>
      %select_n3A_536 = arith.select %and3A_531, %sub3A_533, %broadcast_in_dim3A_535 : vector<16xi1>, vector<16xi32>
      %broadcast_in_dim3A_537 = arith.constant 0.000000e+00 : f32
      %broadcast_in_dim3A_538 = vector.broadcast %broadcast_in_dim3A_537 : f32 to vector<16xf32>
      tpu.vector_store_idx %arg6[%select_n3A_536], %broadcast_in_dim3A_538 masked %and3A_531 : memref<40960xf32, #tpu.memory_space<vmem>>[vector<16xi32>], vector<16xf32>, vector<16xi1>
      %mul3A_539 = arith.constant 4 : i32
      %mul3A_540 = arith.muli %scan3A_429, %mul3A_539 : i32
      %add3A_541 = arith.constant 3 : i32
      %add3A_542 = arith.addi %mul3A_540, %add3A_541 : i32
      %mul3A_543 = arith.constant 16 : i32
      %mul3A_544 = arith.muli %add3A_542, %mul3A_543 : i32
      %get3A_545 = arith.index_cast %mul3A_544 : i32 to index
      %get3A_546 = tpu.vector_load %arg7[%get3A_545] {strides = array<i32>} : memref<1024xi32, #tpu.memory_space<vmem>>, vector<16xi32>,
      %mul3A_547 = arith.constant 16 : i32
      %mul3A_548 = arith.muli %add3A_542, %mul3A_547 : i32
      %get3A_549 = arith.index_cast %mul3A_548 : i32 to index
      %get3A_550 = tpu.vector_load %arg8[%get3A_549] {strides = array<i32>} : memref<1024xf32, #tpu.memory_space<vmem>>, vector<16xf32>,
      %mul3A_551 = arith.constant 128 : i32
      %mul3A_552 = vector.broadcast %mul3A_551 : i32 to vector<16xi32>
      %mul3A_553 = arith.muli %get3A_546, %mul3A_552 : vector<16xi32>
      %mul3A_554 = arith.constant 2 : i32
      %mul3A_555 = arith.muli %add3A_542, %mul3A_554 : i32
      %add3A_556 = vector.broadcast %mul3A_555 : i32 to vector<16xi32>
      %add3A_557 = arith.addi %mul3A_553, %add3A_556 : vector<16xi32>
      %add3A_558 = arith.addi %add3A_557, %select_n3A : vector<16xi32>
      %ge3A_559 = vector.broadcast %mul3A_302 : i32 to vector<16xi32>
      %ge3A_560 = arith.cmpi sge, %add3A_558, %ge3A_559 : vector<16xi32>
      %add3A_561 = arith.constant 40960 : i32
      %add3A_562 = arith.addi %mul3A_302, %add3A_561 : i32
      %lt3A_563 = vector.broadcast %add3A_562 : i32 to vector<16xi32>
      %lt3A_564 = arith.cmpi slt, %add3A_558, %lt3A_563 : vector<16xi32>
      %and3A_565 = arith.andi %ge3A_560, %lt3A_564 : vector<16xi1>
      %gt3A_566 = arith.constant 0.000000e+00 : f32
      %gt3A_567 = vector.broadcast %gt3A_566 : f32 to vector<16xf32>
      %gt3A_568 = arith.cmpf ogt, %get3A_550, %gt3A_567 : vector<16xf32>
      %and3A_569 = arith.andi %and3A_565, %gt3A_568 : vector<16xi1>
      %sub3A_570 = vector.broadcast %mul3A_302 : i32 to vector<16xi32>
      %sub3A_571 = arith.subi %add3A_558, %sub3A_570 : vector<16xi32>
      %jit3A_572 = arith.constant 0 : i32
      %broadcast_in_dim3A_573 = vector.broadcast %jit3A_572 : i32 to vector<16xi32>
      %select_n3A_574 = arith.select %and3A_569, %sub3A_571, %broadcast_in_dim3A_573 : vector<16xi1>, vector<16xi32>
      %broadcast_in_dim3A_575 = arith.constant 0.000000e+00 : f32
      %broadcast_in_dim3A_576 = vector.broadcast %broadcast_in_dim3A_575 : f32 to vector<16xf32>
      tpu.vector_store_idx %arg6[%select_n3A_574], %broadcast_in_dim3A_576 masked %and3A_569 : memref<40960xf32, #tpu.memory_space<vmem>>[vector<16xi32>], vector<16xf32>, vector<16xi1>
    }
    %scan3A_308 = arith.constant 16 : i32
    %mul3A_309 = arith.constant 3125 : i32
    %mul3A_310 = arith.muli %add3A, %mul3A_309 : i32
    %add3A_311 = arith.constant 2240 : i32
    %add3A_312 = arith.addi %mul3A_310, %add3A_311 : i32
    %mul3A_313 = arith.constant 128 : i32
    %mul3A_314 = arith.muli %add3A_312, %mul3A_313 : i32
    %scan3A_315 = arith.constant 0 : i32
    %scan3A_316 = arith.constant 0 : i32
    %scan3A_317 = arith.constant 16 : i32
    %scan3A_318 = arith.addi %scan3A_316, %scan3A_317 : i32
    %scan3A_319 = arith.constant 1 : i32
    scf.for %scan3A_429 = %scan3A_316 to %scan3A_318 step %scan3A_319  : i32 {
      %mul3A_430 = arith.constant 4 : i32
      %mul3A_431 = arith.muli %scan3A_429, %mul3A_430 : i32
      %add3A_432 = arith.constant 0 : i32
      %add3A_433 = arith.addi %mul3A_431, %add3A_432 : i32
      %mul3A_434 = arith.constant 16 : i32
      %mul3A_435 = arith.muli %add3A_433, %mul3A_434 : i32
      %get3A = arith.index_cast %mul3A_435 : i32 to index
      %get3A_436 = tpu.vector_load %arg7[%get3A] {strides = array<i32>} : memref<1024xi32, #tpu.memory_space<vmem>>, vector<16xi32>,
      %mul3A_437 = arith.constant 16 : i32
      %mul3A_438 = arith.muli %add3A_433, %mul3A_437 : i32
      %get3A_439 = arith.index_cast %mul3A_438 : i32 to index
      %get3A_440 = tpu.vector_load %arg8[%get3A_439] {strides = array<i32>} : memref<1024xf32, #tpu.memory_space<vmem>>, vector<16xf32>,
      %mul3A_441 = arith.constant 128 : i32
      %mul3A_442 = vector.broadcast %mul3A_441 : i32 to vector<16xi32>
      %mul3A_443 = arith.muli %get3A_436, %mul3A_442 : vector<16xi32>
      %mul3A_444 = arith.constant 2 : i32
      %mul3A_445 = arith.muli %add3A_433, %mul3A_444 : i32
      %add3A_446 = vector.broadcast %mul3A_445 : i32 to vector<16xi32>
      %add3A_447 = arith.addi %mul3A_443, %add3A_446 : vector<16xi32>
      %add3A_448 = arith.addi %add3A_447, %select_n3A : vector<16xi32>
      %ge3A = vector.broadcast %mul3A_314 : i32 to vector<16xi32>
      %ge3A_449 = arith.cmpi sge, %add3A_448, %ge3A : vector<16xi32>
      %add3A_450 = arith.constant 40960 : i32
      %add3A_451 = arith.addi %mul3A_314, %add3A_450 : i32
      %lt3A = vector.broadcast %add3A_451 : i32 to vector<16xi32>
      %lt3A_452 = arith.cmpi slt, %add3A_448, %lt3A : vector<16xi32>
      %and3A_453 = arith.andi %ge3A_449, %lt3A_452 : vector<16xi1>
      %gt3A = arith.constant 0.000000e+00 : f32
      %gt3A_454 = vector.broadcast %gt3A : f32 to vector<16xf32>
      %gt3A_455 = arith.cmpf ogt, %get3A_440, %gt3A_454 : vector<16xf32>
      %and3A_456 = arith.andi %and3A_453, %gt3A_455 : vector<16xi1>
      %sub3A_457 = vector.broadcast %mul3A_314 : i32 to vector<16xi32>
      %sub3A_458 = arith.subi %add3A_448, %sub3A_457 : vector<16xi32>
      %jit3A_459 = arith.constant 0 : i32
      %broadcast_in_dim3A = vector.broadcast %jit3A_459 : i32 to vector<16xi32>
      %select_n3A_460 = arith.select %and3A_456, %sub3A_458, %broadcast_in_dim3A : vector<16xi1>, vector<16xi32>
      tpu.vector_store_idx %arg6[%select_n3A_460], %get3A_440 masked %and3A_456 : memref<40960xf32, #tpu.memory_space<vmem>>[vector<16xi32>], vector<16xf32>, vector<16xi1>
      %mul3A_461 = arith.constant 4 : i32
      %mul3A_462 = arith.muli %scan3A_429, %mul3A_461 : i32
      %add3A_463 = arith.constant 1 : i32
      %add3A_464 = arith.addi %mul3A_462, %add3A_463 : i32
      %mul3A_465 = arith.constant 16 : i32
      %mul3A_466 = arith.muli %add3A_464, %mul3A_465 : i32
      %get3A_467 = arith.index_cast %mul3A_466 : i32 to index
      %get3A_468 = tpu.vector_load %arg7[%get3A_467] {strides = array<i32>} : memref<1024xi32, #tpu.memory_space<vmem>>, vector<16xi32>,
      %mul3A_469 = arith.constant 16 : i32
      %mul3A_470 = arith.muli %add3A_464, %mul3A_469 : i32
      %get3A_471 = arith.index_cast %mul3A_470 : i32 to index
      %get3A_472 = tpu.vector_load %arg8[%get3A_471] {strides = array<i32>} : memref<1024xf32, #tpu.memory_space<vmem>>, vector<16xf32>,
      %mul3A_473 = arith.constant 128 : i32
      %mul3A_474 = vector.broadcast %mul3A_473 : i32 to vector<16xi32>
      %mul3A_475 = arith.muli %get3A_468, %mul3A_474 : vector<16xi32>
      %mul3A_476 = arith.constant 2 : i32
      %mul3A_477 = arith.muli %add3A_464, %mul3A_476 : i32
      %add3A_478 = vector.broadcast %mul3A_477 : i32 to vector<16xi32>
      %add3A_479 = arith.addi %mul3A_475, %add3A_478 : vector<16xi32>
      %add3A_480 = arith.addi %add3A_479, %select_n3A : vector<16xi32>
      %ge3A_481 = vector.broadcast %mul3A_314 : i32 to vector<16xi32>
      %ge3A_482 = arith.cmpi sge, %add3A_480, %ge3A_481 : vector<16xi32>
      %add3A_483 = arith.constant 40960 : i32
      %add3A_484 = arith.addi %mul3A_314, %add3A_483 : i32
      %lt3A_485 = vector.broadcast %add3A_484 : i32 to vector<16xi32>
      %lt3A_486 = arith.cmpi slt, %add3A_480, %lt3A_485 : vector<16xi32>
      %and3A_487 = arith.andi %ge3A_482, %lt3A_486 : vector<16xi1>
      %gt3A_488 = arith.constant 0.000000e+00 : f32
      %gt3A_489 = vector.broadcast %gt3A_488 : f32 to vector<16xf32>
      %gt3A_490 = arith.cmpf ogt, %get3A_472, %gt3A_489 : vector<16xf32>
      %and3A_491 = arith.andi %and3A_487, %gt3A_490 : vector<16xi1>
      %sub3A_492 = vector.broadcast %mul3A_314 : i32 to vector<16xi32>
      %sub3A_493 = arith.subi %add3A_480, %sub3A_492 : vector<16xi32>
      %jit3A_494 = arith.constant 0 : i32
      %broadcast_in_dim3A_495 = vector.broadcast %jit3A_494 : i32 to vector<16xi32>
      %select_n3A_496 = arith.select %and3A_491, %sub3A_493, %broadcast_in_dim3A_495 : vector<16xi1>, vector<16xi32>
      tpu.vector_store_idx %arg6[%select_n3A_496], %get3A_472 masked %and3A_491 : memref<40960xf32, #tpu.memory_space<vmem>>[vector<16xi32>], vector<16xf32>, vector<16xi1>
      %mul3A_497 = arith.constant 4 : i32
      %mul3A_498 = arith.muli %scan3A_429, %mul3A_497 : i32
      %add3A_499 = arith.constant 2 : i32
      %add3A_500 = arith.addi %mul3A_498, %add3A_499 : i32
      %mul3A_501 = arith.constant 16 : i32
      %mul3A_502 = arith.muli %add3A_500, %mul3A_501 : i32
      %get3A_503 = arith.index_cast %mul3A_502 : i32 to index
      %get3A_504 = tpu.vector_load %arg7[%get3A_503] {strides = array<i32>} : memref<1024xi32, #tpu.memory_space<vmem>>, vector<16xi32>,
      %mul3A_505 = arith.constant 16 : i32
      %mul3A_506 = arith.muli %add3A_500, %mul3A_505 : i32
      %get3A_507 = arith.index_cast %mul3A_506 : i32 to index
      %get3A_508 = tpu.vector_load %arg8[%get3A_507] {strides = array<i32>} : memref<1024xf32, #tpu.memory_space<vmem>>, vector<16xf32>,
      %mul3A_509 = arith.constant 128 : i32
      %mul3A_510 = vector.broadcast %mul3A_509 : i32 to vector<16xi32>
      %mul3A_511 = arith.muli %get3A_504, %mul3A_510 : vector<16xi32>
      %mul3A_512 = arith.constant 2 : i32
      %mul3A_513 = arith.muli %add3A_500, %mul3A_512 : i32
      %add3A_514 = vector.broadcast %mul3A_513 : i32 to vector<16xi32>
      %add3A_515 = arith.addi %mul3A_511, %add3A_514 : vector<16xi32>
      %add3A_516 = arith.addi %add3A_515, %select_n3A : vector<16xi32>
      %ge3A_517 = vector.broadcast %mul3A_314 : i32 to vector<16xi32>
      %ge3A_518 = arith.cmpi sge, %add3A_516, %ge3A_517 : vector<16xi32>
      %add3A_519 = arith.constant 40960 : i32
      %add3A_520 = arith.addi %mul3A_314, %add3A_519 : i32
      %lt3A_521 = vector.broadcast %add3A_520 : i32 to vector<16xi32>
      %lt3A_522 = arith.cmpi slt, %add3A_516, %lt3A_521 : vector<16xi32>
      %and3A_523 = arith.andi %ge3A_518, %lt3A_522 : vector<16xi1>
      %gt3A_524 = arith.constant 0.000000e+00 : f32
      %gt3A_525 = vector.broadcast %gt3A_524 : f32 to vector<16xf32>
      %gt3A_526 = arith.cmpf ogt, %get3A_508, %gt3A_525 : vector<16xf32>
      %and3A_527 = arith.andi %and3A_523, %gt3A_526 : vector<16xi1>
      %sub3A_528 = vector.broadcast %mul3A_314 : i32 to vector<16xi32>
      %sub3A_529 = arith.subi %add3A_516, %sub3A_528 : vector<16xi32>
      %jit3A_530 = arith.constant 0 : i32
      %broadcast_in_dim3A_531 = vector.broadcast %jit3A_530 : i32 to vector<16xi32>
      %select_n3A_532 = arith.select %and3A_527, %sub3A_529, %broadcast_in_dim3A_531 : vector<16xi1>, vector<16xi32>
      tpu.vector_store_idx %arg6[%select_n3A_532], %get3A_508 masked %and3A_527 : memref<40960xf32, #tpu.memory_space<vmem>>[vector<16xi32>], vector<16xf32>, vector<16xi1>
      %mul3A_533 = arith.constant 4 : i32
      %mul3A_534 = arith.muli %scan3A_429, %mul3A_533 : i32
      %add3A_535 = arith.constant 3 : i32
      %add3A_536 = arith.addi %mul3A_534, %add3A_535 : i32
      %mul3A_537 = arith.constant 16 : i32
      %mul3A_538 = arith.muli %add3A_536, %mul3A_537 : i32
      %get3A_539 = arith.index_cast %mul3A_538 : i32 to index
      %get3A_540 = tpu.vector_load %arg7[%get3A_539] {strides = array<i32>} : memref<1024xi32, #tpu.memory_space<vmem>>, vector<16xi32>,
      %mul3A_541 = arith.constant 16 : i32
      %mul3A_542 = arith.muli %add3A_536, %mul3A_541 : i32
      %get3A_543 = arith.index_cast %mul3A_542 : i32 to index
      %get3A_544 = tpu.vector_load %arg8[%get3A_543] {strides = array<i32>} : memref<1024xf32, #tpu.memory_space<vmem>>, vector<16xf32>,
      %mul3A_545 = arith.constant 128 : i32
      %mul3A_546 = vector.broadcast %mul3A_545 : i32 to vector<16xi32>
      %mul3A_547 = arith.muli %get3A_540, %mul3A_546 : vector<16xi32>
      %mul3A_548 = arith.constant 2 : i32
      %mul3A_549 = arith.muli %add3A_536, %mul3A_548 : i32
      %add3A_550 = vector.broadcast %mul3A_549 : i32 to vector<16xi32>
      %add3A_551 = arith.addi %mul3A_547, %add3A_550 : vector<16xi32>
      %add3A_552 = arith.addi %add3A_551, %select_n3A : vector<16xi32>
      %ge3A_553 = vector.broadcast %mul3A_314 : i32 to vector<16xi32>
      %ge3A_554 = arith.cmpi sge, %add3A_552, %ge3A_553 : vector<16xi32>
      %add3A_555 = arith.constant 40960 : i32
      %add3A_556 = arith.addi %mul3A_314, %add3A_555 : i32
      %lt3A_557 = vector.broadcast %add3A_556 : i32 to vector<16xi32>
      %lt3A_558 = arith.cmpi slt, %add3A_552, %lt3A_557 : vector<16xi32>
      %and3A_559 = arith.andi %ge3A_554, %lt3A_558 : vector<16xi1>
      %gt3A_560 = arith.constant 0.000000e+00 : f32
      %gt3A_561 = vector.broadcast %gt3A_560 : f32 to vector<16xf32>
      %gt3A_562 = arith.cmpf ogt, %get3A_544, %gt3A_561 : vector<16xf32>
      %and3A_563 = arith.andi %and3A_559, %gt3A_562 : vector<16xi1>
      %sub3A_564 = vector.broadcast %mul3A_314 : i32 to vector<16xi32>
      %sub3A_565 = arith.subi %add3A_552, %sub3A_564 : vector<16xi32>
      %jit3A_566 = arith.constant 0 : i32
      %broadcast_in_dim3A_567 = vector.broadcast %jit3A_566 : i32 to vector<16xi32>
      %select_n3A_568 = arith.select %and3A_563, %sub3A_565, %broadcast_in_dim3A_567 : vector<16xi1>, vector<16xi32>
      tpu.vector_store_idx %arg6[%select_n3A_568], %get3A_544 masked %and3A_563 : memref<40960xf32, #tpu.memory_space<vmem>>[vector<16xi32>], vector<16xf32>, vector<16xi1>
    }
    %scan3A_320 = arith.constant 16 : i32
    %mul3A_321 = arith.constant 3125 : i32
    %mul3A_322 = arith.muli %add3A, %mul3A_321 : i32
    %add3A_323 = arith.constant 2240 : i32
    %add3A_324 = arith.addi %mul3A_322, %add3A_323 : i32
    %mul3A_325 = arith.constant 128 : i32
    %mul3A_326 = arith.muli %add3A_324, %mul3A_325 : i32
    %dma_start3A_327 = arith.constant 0 : i32
    %dma_start3A_328 = tpu.memref_slice %arg6[%dma_start3A_327] : memref<40960xf32, #tpu.memory_space<vmem>> -> memref<40960xf32, #tpu.memory_space<vmem>>
    %dma_start3A_329 = tpu.memref_slice %arg4[%mul3A_326] : memref<12800000xf32, #tpu.memory_space<hbm>> -> memref<40960xf32, #tpu.memory_space<hbm>>
    %dma_start3A_330 = tpu.memref_slice %arg4[%mul3A_326] : memref<12800000xf32, #tpu.memory_space<hbm>> -> memref<40960xf32, #tpu.memory_space<hbm>>
    %dma_start3A_331 = arith.constant 0 : i32
    %dma_start3A_332 = tpu.memref_slice %arg6[%dma_start3A_331] : memref<40960xf32, #tpu.memory_space<vmem>> -> memref<40960xf32, #tpu.memory_space<vmem>>
    tpu.enqueue_dma source(%dma_start3A_332 : memref<40960xf32, #tpu.memory_space<vmem>>) target(%dma_start3A_330 : memref<40960xf32, #tpu.memory_space<hbm>>) target_semaphore(%arg10 : memref<!tpu.dma_semaphore, #tpu.memory_space<semaphore_mem>>)
    %dma_wait3A_333 = arith.constant 0 : i32
    %dma_wait3A_334 = tpu.memref_slice %arg5[%dma_wait3A_333] : memref<40960xf32, #tpu.memory_space<vmem>> -> memref<40960xf32, #tpu.memory_space<vmem>>
    %dma_wait3A_335 = tpu.memref_slice %arg4[%mul3A_284] : memref<12800000xf32, #tpu.memory_space<hbm>> -> memref<40960xf32, #tpu.memory_space<hbm>>
    %dma_wait3A_336 = tpu.memref_slice %arg4[%mul3A_284] : memref<12800000xf32, #tpu.memory_space<hbm>> -> memref<40960xf32, #tpu.memory_space<hbm>>
    %dma_wait3A_337 = arith.constant 0 : i32
    %dma_wait3A_338 = tpu.memref_slice %arg5[%dma_wait3A_337] : memref<40960xf32, #tpu.memory_space<vmem>> -> memref<40960xf32, #tpu.memory_space<vmem>>
    tpu.wait_dma2 semaphore(%arg9 : memref<!tpu.dma_semaphore, #tpu.memory_space<semaphore_mem>>) src(%dma_wait3A_338 : memref<40960xf32, #tpu.memory_space<vmem>>) dst(%dma_wait3A_336 : memref<40960xf32, #tpu.memory_space<hbm>>)
    %mul3A_339 = arith.constant 3125 : i32
    %mul3A_340 = arith.muli %add3A, %mul3A_339 : i32
    %add3A_341 = arith.constant 1920 : i32
    %add3A_342 = arith.addi %mul3A_340, %add3A_341 : i32
    %mul3A_343 = arith.constant 128 : i32
    %mul3A_344 = arith.muli %add3A_342, %mul3A_343 : i32
    %scan3A_345 = arith.constant 0 : i32
    %scan3A_346 = arith.constant 0 : i32
    %scan3A_347 = arith.constant 16 : i32
    %scan3A_348 = arith.addi %scan3A_346, %scan3A_347 : i32
    %scan3A_349 = arith.constant 1 : i32
    scf.for %scan3A_429 = %scan3A_346 to %scan3A_348 step %scan3A_349  : i32 {
      %mul3A_430 = arith.constant 4 : i32
      %mul3A_431 = arith.muli %scan3A_429, %mul3A_430 : i32
      %add3A_432 = arith.constant 0 : i32
      %add3A_433 = arith.addi %mul3A_431, %add3A_432 : i32
      %mul3A_434 = arith.constant 16 : i32
      %mul3A_435 = arith.muli %add3A_433, %mul3A_434 : i32
      %get3A = arith.index_cast %mul3A_435 : i32 to index
      %get3A_436 = tpu.vector_load %arg7[%get3A] {strides = array<i32>} : memref<1024xi32, #tpu.memory_space<vmem>>, vector<16xi32>,
      %mul3A_437 = arith.constant 16 : i32
      %mul3A_438 = arith.muli %add3A_433, %mul3A_437 : i32
      %get3A_439 = arith.index_cast %mul3A_438 : i32 to index
      %get3A_440 = tpu.vector_load %arg8[%get3A_439] {strides = array<i32>} : memref<1024xf32, #tpu.memory_space<vmem>>, vector<16xf32>,
      %mul3A_441 = arith.constant 128 : i32
      %mul3A_442 = vector.broadcast %mul3A_441 : i32 to vector<16xi32>
      %mul3A_443 = arith.muli %get3A_436, %mul3A_442 : vector<16xi32>
      %mul3A_444 = arith.constant 2 : i32
      %mul3A_445 = arith.muli %add3A_433, %mul3A_444 : i32
      %add3A_446 = vector.broadcast %mul3A_445 : i32 to vector<16xi32>
      %add3A_447 = arith.addi %mul3A_443, %add3A_446 : vector<16xi32>
      %add3A_448 = arith.addi %add3A_447, %select_n3A : vector<16xi32>
      %ge3A = vector.broadcast %mul3A_344 : i32 to vector<16xi32>
      %ge3A_449 = arith.cmpi sge, %add3A_448, %ge3A : vector<16xi32>
      %add3A_450 = arith.constant 40960 : i32
      %add3A_451 = arith.addi %mul3A_344, %add3A_450 : i32
      %lt3A = vector.broadcast %add3A_451 : i32 to vector<16xi32>
      %lt3A_452 = arith.cmpi slt, %add3A_448, %lt3A : vector<16xi32>
      %and3A_453 = arith.andi %ge3A_449, %lt3A_452 : vector<16xi1>
      %gt3A = arith.constant 0.000000e+00 : f32
      %gt3A_454 = vector.broadcast %gt3A : f32 to vector<16xf32>
      %gt3A_455 = arith.cmpf ogt, %get3A_440, %gt3A_454 : vector<16xf32>
      %and3A_456 = arith.andi %and3A_453, %gt3A_455 : vector<16xi1>
      %sub3A_457 = vector.broadcast %mul3A_344 : i32 to vector<16xi32>
      %sub3A_458 = arith.subi %add3A_448, %sub3A_457 : vector<16xi32>
      %jit3A_459 = arith.constant 0 : i32
      %broadcast_in_dim3A = vector.broadcast %jit3A_459 : i32 to vector<16xi32>
      %select_n3A_460 = arith.select %and3A_456, %sub3A_458, %broadcast_in_dim3A : vector<16xi1>, vector<16xi32>
      %broadcast_in_dim3A_461 = arith.constant 0.000000e+00 : f32
      %broadcast_in_dim3A_462 = vector.broadcast %broadcast_in_dim3A_461 : f32 to vector<16xf32>
      tpu.vector_store_idx %arg5[%select_n3A_460], %broadcast_in_dim3A_462 masked %and3A_456 : memref<40960xf32, #tpu.memory_space<vmem>>[vector<16xi32>], vector<16xf32>, vector<16xi1>
      %mul3A_463 = arith.constant 4 : i32
      %mul3A_464 = arith.muli %scan3A_429, %mul3A_463 : i32
      %add3A_465 = arith.constant 1 : i32
      %add3A_466 = arith.addi %mul3A_464, %add3A_465 : i32
      %mul3A_467 = arith.constant 16 : i32
      %mul3A_468 = arith.muli %add3A_466, %mul3A_467 : i32
      %get3A_469 = arith.index_cast %mul3A_468 : i32 to index
      %get3A_470 = tpu.vector_load %arg7[%get3A_469] {strides = array<i32>} : memref<1024xi32, #tpu.memory_space<vmem>>, vector<16xi32>,
      %mul3A_471 = arith.constant 16 : i32
      %mul3A_472 = arith.muli %add3A_466, %mul3A_471 : i32
      %get3A_473 = arith.index_cast %mul3A_472 : i32 to index
      %get3A_474 = tpu.vector_load %arg8[%get3A_473] {strides = array<i32>} : memref<1024xf32, #tpu.memory_space<vmem>>, vector<16xf32>,
      %mul3A_475 = arith.constant 128 : i32
      %mul3A_476 = vector.broadcast %mul3A_475 : i32 to vector<16xi32>
      %mul3A_477 = arith.muli %get3A_470, %mul3A_476 : vector<16xi32>
      %mul3A_478 = arith.constant 2 : i32
      %mul3A_479 = arith.muli %add3A_466, %mul3A_478 : i32
      %add3A_480 = vector.broadcast %mul3A_479 : i32 to vector<16xi32>
      %add3A_481 = arith.addi %mul3A_477, %add3A_480 : vector<16xi32>
      %add3A_482 = arith.addi %add3A_481, %select_n3A : vector<16xi32>
      %ge3A_483 = vector.broadcast %mul3A_344 : i32 to vector<16xi32>
      %ge3A_484 = arith.cmpi sge, %add3A_482, %ge3A_483 : vector<16xi32>
      %add3A_485 = arith.constant 40960 : i32
      %add3A_486 = arith.addi %mul3A_344, %add3A_485 : i32
      %lt3A_487 = vector.broadcast %add3A_486 : i32 to vector<16xi32>
      %lt3A_488 = arith.cmpi slt, %add3A_482, %lt3A_487 : vector<16xi32>
      %and3A_489 = arith.andi %ge3A_484, %lt3A_488 : vector<16xi1>
      %gt3A_490 = arith.constant 0.000000e+00 : f32
      %gt3A_491 = vector.broadcast %gt3A_490 : f32 to vector<16xf32>
      %gt3A_492 = arith.cmpf ogt, %get3A_474, %gt3A_491 : vector<16xf32>
      %and3A_493 = arith.andi %and3A_489, %gt3A_492 : vector<16xi1>
      %sub3A_494 = vector.broadcast %mul3A_344 : i32 to vector<16xi32>
      %sub3A_495 = arith.subi %add3A_482, %sub3A_494 : vector<16xi32>
      %jit3A_496 = arith.constant 0 : i32
      %broadcast_in_dim3A_497 = vector.broadcast %jit3A_496 : i32 to vector<16xi32>
      %select_n3A_498 = arith.select %and3A_493, %sub3A_495, %broadcast_in_dim3A_497 : vector<16xi1>, vector<16xi32>
      %broadcast_in_dim3A_499 = arith.constant 0.000000e+00 : f32
      %broadcast_in_dim3A_500 = vector.broadcast %broadcast_in_dim3A_499 : f32 to vector<16xf32>
      tpu.vector_store_idx %arg5[%select_n3A_498], %broadcast_in_dim3A_500 masked %and3A_493 : memref<40960xf32, #tpu.memory_space<vmem>>[vector<16xi32>], vector<16xf32>, vector<16xi1>
      %mul3A_501 = arith.constant 4 : i32
      %mul3A_502 = arith.muli %scan3A_429, %mul3A_501 : i32
      %add3A_503 = arith.constant 2 : i32
      %add3A_504 = arith.addi %mul3A_502, %add3A_503 : i32
      %mul3A_505 = arith.constant 16 : i32
      %mul3A_506 = arith.muli %add3A_504, %mul3A_505 : i32
      %get3A_507 = arith.index_cast %mul3A_506 : i32 to index
      %get3A_508 = tpu.vector_load %arg7[%get3A_507] {strides = array<i32>} : memref<1024xi32, #tpu.memory_space<vmem>>, vector<16xi32>,
      %mul3A_509 = arith.constant 16 : i32
      %mul3A_510 = arith.muli %add3A_504, %mul3A_509 : i32
      %get3A_511 = arith.index_cast %mul3A_510 : i32 to index
      %get3A_512 = tpu.vector_load %arg8[%get3A_511] {strides = array<i32>} : memref<1024xf32, #tpu.memory_space<vmem>>, vector<16xf32>,
      %mul3A_513 = arith.constant 128 : i32
      %mul3A_514 = vector.broadcast %mul3A_513 : i32 to vector<16xi32>
      %mul3A_515 = arith.muli %get3A_508, %mul3A_514 : vector<16xi32>
      %mul3A_516 = arith.constant 2 : i32
      %mul3A_517 = arith.muli %add3A_504, %mul3A_516 : i32
      %add3A_518 = vector.broadcast %mul3A_517 : i32 to vector<16xi32>
      %add3A_519 = arith.addi %mul3A_515, %add3A_518 : vector<16xi32>
      %add3A_520 = arith.addi %add3A_519, %select_n3A : vector<16xi32>
      %ge3A_521 = vector.broadcast %mul3A_344 : i32 to vector<16xi32>
      %ge3A_522 = arith.cmpi sge, %add3A_520, %ge3A_521 : vector<16xi32>
      %add3A_523 = arith.constant 40960 : i32
      %add3A_524 = arith.addi %mul3A_344, %add3A_523 : i32
      %lt3A_525 = vector.broadcast %add3A_524 : i32 to vector<16xi32>
      %lt3A_526 = arith.cmpi slt, %add3A_520, %lt3A_525 : vector<16xi32>
      %and3A_527 = arith.andi %ge3A_522, %lt3A_526 : vector<16xi1>
      %gt3A_528 = arith.constant 0.000000e+00 : f32
      %gt3A_529 = vector.broadcast %gt3A_528 : f32 to vector<16xf32>
      %gt3A_530 = arith.cmpf ogt, %get3A_512, %gt3A_529 : vector<16xf32>
      %and3A_531 = arith.andi %and3A_527, %gt3A_530 : vector<16xi1>
      %sub3A_532 = vector.broadcast %mul3A_344 : i32 to vector<16xi32>
      %sub3A_533 = arith.subi %add3A_520, %sub3A_532 : vector<16xi32>
      %jit3A_534 = arith.constant 0 : i32
      %broadcast_in_dim3A_535 = vector.broadcast %jit3A_534 : i32 to vector<16xi32>
      %select_n3A_536 = arith.select %and3A_531, %sub3A_533, %broadcast_in_dim3A_535 : vector<16xi1>, vector<16xi32>
      %broadcast_in_dim3A_537 = arith.constant 0.000000e+00 : f32
      %broadcast_in_dim3A_538 = vector.broadcast %broadcast_in_dim3A_537 : f32 to vector<16xf32>
      tpu.vector_store_idx %arg5[%select_n3A_536], %broadcast_in_dim3A_538 masked %and3A_531 : memref<40960xf32, #tpu.memory_space<vmem>>[vector<16xi32>], vector<16xf32>, vector<16xi1>
      %mul3A_539 = arith.constant 4 : i32
      %mul3A_540 = arith.muli %scan3A_429, %mul3A_539 : i32
      %add3A_541 = arith.constant 3 : i32
      %add3A_542 = arith.addi %mul3A_540, %add3A_541 : i32
      %mul3A_543 = arith.constant 16 : i32
      %mul3A_544 = arith.muli %add3A_542, %mul3A_543 : i32
      %get3A_545 = arith.index_cast %mul3A_544 : i32 to index
      %get3A_546 = tpu.vector_load %arg7[%get3A_545] {strides = array<i32>} : memref<1024xi32, #tpu.memory_space<vmem>>, vector<16xi32>,
      %mul3A_547 = arith.constant 16 : i32
      %mul3A_548 = arith.muli %add3A_542, %mul3A_547 : i32
      %get3A_549 = arith.index_cast %mul3A_548 : i32 to index
      %get3A_550 = tpu.vector_load %arg8[%get3A_549] {strides = array<i32>} : memref<1024xf32, #tpu.memory_space<vmem>>, vector<16xf32>,
      %mul3A_551 = arith.constant 128 : i32
      %mul3A_552 = vector.broadcast %mul3A_551 : i32 to vector<16xi32>
      %mul3A_553 = arith.muli %get3A_546, %mul3A_552 : vector<16xi32>
      %mul3A_554 = arith.constant 2 : i32
      %mul3A_555 = arith.muli %add3A_542, %mul3A_554 : i32
      %add3A_556 = vector.broadcast %mul3A_555 : i32 to vector<16xi32>
      %add3A_557 = arith.addi %mul3A_553, %add3A_556 : vector<16xi32>
      %add3A_558 = arith.addi %add3A_557, %select_n3A : vector<16xi32>
      %ge3A_559 = vector.broadcast %mul3A_344 : i32 to vector<16xi32>
      %ge3A_560 = arith.cmpi sge, %add3A_558, %ge3A_559 : vector<16xi32>
      %add3A_561 = arith.constant 40960 : i32
      %add3A_562 = arith.addi %mul3A_344, %add3A_561 : i32
      %lt3A_563 = vector.broadcast %add3A_562 : i32 to vector<16xi32>
      %lt3A_564 = arith.cmpi slt, %add3A_558, %lt3A_563 : vector<16xi32>
      %and3A_565 = arith.andi %ge3A_560, %lt3A_564 : vector<16xi1>
      %gt3A_566 = arith.constant 0.000000e+00 : f32
      %gt3A_567 = vector.broadcast %gt3A_566 : f32 to vector<16xf32>
      %gt3A_568 = arith.cmpf ogt, %get3A_550, %gt3A_567 : vector<16xf32>
      %and3A_569 = arith.andi %and3A_565, %gt3A_568 : vector<16xi1>
      %sub3A_570 = vector.broadcast %mul3A_344 : i32 to vector<16xi32>
      %sub3A_571 = arith.subi %add3A_558, %sub3A_570 : vector<16xi32>
      %jit3A_572 = arith.constant 0 : i32
      %broadcast_in_dim3A_573 = vector.broadcast %jit3A_572 : i32 to vector<16xi32>
      %select_n3A_574 = arith.select %and3A_569, %sub3A_571, %broadcast_in_dim3A_573 : vector<16xi1>, vector<16xi32>
      %broadcast_in_dim3A_575 = arith.constant 0.000000e+00 : f32
      %broadcast_in_dim3A_576 = vector.broadcast %broadcast_in_dim3A_575 : f32 to vector<16xf32>
      tpu.vector_store_idx %arg5[%select_n3A_574], %broadcast_in_dim3A_576 masked %and3A_569 : memref<40960xf32, #tpu.memory_space<vmem>>[vector<16xi32>], vector<16xf32>, vector<16xi1>
    }
    %scan3A_350 = arith.constant 16 : i32
    %mul3A_351 = arith.constant 3125 : i32
    %mul3A_352 = arith.muli %add3A, %mul3A_351 : i32
    %add3A_353 = arith.constant 2560 : i32
    %add3A_354 = arith.addi %mul3A_352, %add3A_353 : i32
    %mul3A_355 = arith.constant 128 : i32
    %mul3A_356 = arith.muli %add3A_354, %mul3A_355 : i32
    %scan3A_357 = arith.constant 0 : i32
    %scan3A_358 = arith.constant 0 : i32
    %scan3A_359 = arith.constant 16 : i32
    %scan3A_360 = arith.addi %scan3A_358, %scan3A_359 : i32
    %scan3A_361 = arith.constant 1 : i32
    scf.for %scan3A_429 = %scan3A_358 to %scan3A_360 step %scan3A_361  : i32 {
      %mul3A_430 = arith.constant 4 : i32
      %mul3A_431 = arith.muli %scan3A_429, %mul3A_430 : i32
      %add3A_432 = arith.constant 0 : i32
      %add3A_433 = arith.addi %mul3A_431, %add3A_432 : i32
      %mul3A_434 = arith.constant 16 : i32
      %mul3A_435 = arith.muli %add3A_433, %mul3A_434 : i32
      %get3A = arith.index_cast %mul3A_435 : i32 to index
      %get3A_436 = tpu.vector_load %arg7[%get3A] {strides = array<i32>} : memref<1024xi32, #tpu.memory_space<vmem>>, vector<16xi32>,
      %mul3A_437 = arith.constant 16 : i32
      %mul3A_438 = arith.muli %add3A_433, %mul3A_437 : i32
      %get3A_439 = arith.index_cast %mul3A_438 : i32 to index
      %get3A_440 = tpu.vector_load %arg8[%get3A_439] {strides = array<i32>} : memref<1024xf32, #tpu.memory_space<vmem>>, vector<16xf32>,
      %mul3A_441 = arith.constant 128 : i32
      %mul3A_442 = vector.broadcast %mul3A_441 : i32 to vector<16xi32>
      %mul3A_443 = arith.muli %get3A_436, %mul3A_442 : vector<16xi32>
      %mul3A_444 = arith.constant 2 : i32
      %mul3A_445 = arith.muli %add3A_433, %mul3A_444 : i32
      %add3A_446 = vector.broadcast %mul3A_445 : i32 to vector<16xi32>
      %add3A_447 = arith.addi %mul3A_443, %add3A_446 : vector<16xi32>
      %add3A_448 = arith.addi %add3A_447, %select_n3A : vector<16xi32>
      %ge3A = vector.broadcast %mul3A_356 : i32 to vector<16xi32>
      %ge3A_449 = arith.cmpi sge, %add3A_448, %ge3A : vector<16xi32>
      %add3A_450 = arith.constant 40960 : i32
      %add3A_451 = arith.addi %mul3A_356, %add3A_450 : i32
      %lt3A = vector.broadcast %add3A_451 : i32 to vector<16xi32>
      %lt3A_452 = arith.cmpi slt, %add3A_448, %lt3A : vector<16xi32>
      %and3A_453 = arith.andi %ge3A_449, %lt3A_452 : vector<16xi1>
      %gt3A = arith.constant 0.000000e+00 : f32
      %gt3A_454 = vector.broadcast %gt3A : f32 to vector<16xf32>
      %gt3A_455 = arith.cmpf ogt, %get3A_440, %gt3A_454 : vector<16xf32>
      %and3A_456 = arith.andi %and3A_453, %gt3A_455 : vector<16xi1>
      %sub3A_457 = vector.broadcast %mul3A_356 : i32 to vector<16xi32>
      %sub3A_458 = arith.subi %add3A_448, %sub3A_457 : vector<16xi32>
      %jit3A_459 = arith.constant 0 : i32
      %broadcast_in_dim3A = vector.broadcast %jit3A_459 : i32 to vector<16xi32>
      %select_n3A_460 = arith.select %and3A_456, %sub3A_458, %broadcast_in_dim3A : vector<16xi1>, vector<16xi32>
      tpu.vector_store_idx %arg5[%select_n3A_460], %get3A_440 masked %and3A_456 : memref<40960xf32, #tpu.memory_space<vmem>>[vector<16xi32>], vector<16xf32>, vector<16xi1>
      %mul3A_461 = arith.constant 4 : i32
      %mul3A_462 = arith.muli %scan3A_429, %mul3A_461 : i32
      %add3A_463 = arith.constant 1 : i32
      %add3A_464 = arith.addi %mul3A_462, %add3A_463 : i32
      %mul3A_465 = arith.constant 16 : i32
      %mul3A_466 = arith.muli %add3A_464, %mul3A_465 : i32
      %get3A_467 = arith.index_cast %mul3A_466 : i32 to index
      %get3A_468 = tpu.vector_load %arg7[%get3A_467] {strides = array<i32>} : memref<1024xi32, #tpu.memory_space<vmem>>, vector<16xi32>,
      %mul3A_469 = arith.constant 16 : i32
      %mul3A_470 = arith.muli %add3A_464, %mul3A_469 : i32
      %get3A_471 = arith.index_cast %mul3A_470 : i32 to index
      %get3A_472 = tpu.vector_load %arg8[%get3A_471] {strides = array<i32>} : memref<1024xf32, #tpu.memory_space<vmem>>, vector<16xf32>,
      %mul3A_473 = arith.constant 128 : i32
      %mul3A_474 = vector.broadcast %mul3A_473 : i32 to vector<16xi32>
      %mul3A_475 = arith.muli %get3A_468, %mul3A_474 : vector<16xi32>
      %mul3A_476 = arith.constant 2 : i32
      %mul3A_477 = arith.muli %add3A_464, %mul3A_476 : i32
      %add3A_478 = vector.broadcast %mul3A_477 : i32 to vector<16xi32>
      %add3A_479 = arith.addi %mul3A_475, %add3A_478 : vector<16xi32>
      %add3A_480 = arith.addi %add3A_479, %select_n3A : vector<16xi32>
      %ge3A_481 = vector.broadcast %mul3A_356 : i32 to vector<16xi32>
      %ge3A_482 = arith.cmpi sge, %add3A_480, %ge3A_481 : vector<16xi32>
      %add3A_483 = arith.constant 40960 : i32
      %add3A_484 = arith.addi %mul3A_356, %add3A_483 : i32
      %lt3A_485 = vector.broadcast %add3A_484 : i32 to vector<16xi32>
      %lt3A_486 = arith.cmpi slt, %add3A_480, %lt3A_485 : vector<16xi32>
      %and3A_487 = arith.andi %ge3A_482, %lt3A_486 : vector<16xi1>
      %gt3A_488 = arith.constant 0.000000e+00 : f32
      %gt3A_489 = vector.broadcast %gt3A_488 : f32 to vector<16xf32>
      %gt3A_490 = arith.cmpf ogt, %get3A_472, %gt3A_489 : vector<16xf32>
      %and3A_491 = arith.andi %and3A_487, %gt3A_490 : vector<16xi1>
      %sub3A_492 = vector.broadcast %mul3A_356 : i32 to vector<16xi32>
      %sub3A_493 = arith.subi %add3A_480, %sub3A_492 : vector<16xi32>
      %jit3A_494 = arith.constant 0 : i32
      %broadcast_in_dim3A_495 = vector.broadcast %jit3A_494 : i32 to vector<16xi32>
      %select_n3A_496 = arith.select %and3A_491, %sub3A_493, %broadcast_in_dim3A_495 : vector<16xi1>, vector<16xi32>
      tpu.vector_store_idx %arg5[%select_n3A_496], %get3A_472 masked %and3A_491 : memref<40960xf32, #tpu.memory_space<vmem>>[vector<16xi32>], vector<16xf32>, vector<16xi1>
      %mul3A_497 = arith.constant 4 : i32
      %mul3A_498 = arith.muli %scan3A_429, %mul3A_497 : i32
      %add3A_499 = arith.constant 2 : i32
      %add3A_500 = arith.addi %mul3A_498, %add3A_499 : i32
      %mul3A_501 = arith.constant 16 : i32
      %mul3A_502 = arith.muli %add3A_500, %mul3A_501 : i32
      %get3A_503 = arith.index_cast %mul3A_502 : i32 to index
      %get3A_504 = tpu.vector_load %arg7[%get3A_503] {strides = array<i32>} : memref<1024xi32, #tpu.memory_space<vmem>>, vector<16xi32>,
      %mul3A_505 = arith.constant 16 : i32
      %mul3A_506 = arith.muli %add3A_500, %mul3A_505 : i32
      %get3A_507 = arith.index_cast %mul3A_506 : i32 to index
      %get3A_508 = tpu.vector_load %arg8[%get3A_507] {strides = array<i32>} : memref<1024xf32, #tpu.memory_space<vmem>>, vector<16xf32>,
      %mul3A_509 = arith.constant 128 : i32
      %mul3A_510 = vector.broadcast %mul3A_509 : i32 to vector<16xi32>
      %mul3A_511 = arith.muli %get3A_504, %mul3A_510 : vector<16xi32>
      %mul3A_512 = arith.constant 2 : i32
      %mul3A_513 = arith.muli %add3A_500, %mul3A_512 : i32
      %add3A_514 = vector.broadcast %mul3A_513 : i32 to vector<16xi32>
      %add3A_515 = arith.addi %mul3A_511, %add3A_514 : vector<16xi32>
      %add3A_516 = arith.addi %add3A_515, %select_n3A : vector<16xi32>
      %ge3A_517 = vector.broadcast %mul3A_356 : i32 to vector<16xi32>
      %ge3A_518 = arith.cmpi sge, %add3A_516, %ge3A_517 : vector<16xi32>
      %add3A_519 = arith.constant 40960 : i32
      %add3A_520 = arith.addi %mul3A_356, %add3A_519 : i32
      %lt3A_521 = vector.broadcast %add3A_520 : i32 to vector<16xi32>
      %lt3A_522 = arith.cmpi slt, %add3A_516, %lt3A_521 : vector<16xi32>
      %and3A_523 = arith.andi %ge3A_518, %lt3A_522 : vector<16xi1>
      %gt3A_524 = arith.constant 0.000000e+00 : f32
      %gt3A_525 = vector.broadcast %gt3A_524 : f32 to vector<16xf32>
      %gt3A_526 = arith.cmpf ogt, %get3A_508, %gt3A_525 : vector<16xf32>
      %and3A_527 = arith.andi %and3A_523, %gt3A_526 : vector<16xi1>
      %sub3A_528 = vector.broadcast %mul3A_356 : i32 to vector<16xi32>
      %sub3A_529 = arith.subi %add3A_516, %sub3A_528 : vector<16xi32>
      %jit3A_530 = arith.constant 0 : i32
      %broadcast_in_dim3A_531 = vector.broadcast %jit3A_530 : i32 to vector<16xi32>
      %select_n3A_532 = arith.select %and3A_527, %sub3A_529, %broadcast_in_dim3A_531 : vector<16xi1>, vector<16xi32>
      tpu.vector_store_idx %arg5[%select_n3A_532], %get3A_508 masked %and3A_527 : memref<40960xf32, #tpu.memory_space<vmem>>[vector<16xi32>], vector<16xf32>, vector<16xi1>
      %mul3A_533 = arith.constant 4 : i32
      %mul3A_534 = arith.muli %scan3A_429, %mul3A_533 : i32
      %add3A_535 = arith.constant 3 : i32
      %add3A_536 = arith.addi %mul3A_534, %add3A_535 : i32
      %mul3A_537 = arith.constant 16 : i32
      %mul3A_538 = arith.muli %add3A_536, %mul3A_537 : i32
      %get3A_539 = arith.index_cast %mul3A_538 : i32 to index
      %get3A_540 = tpu.vector_load %arg7[%get3A_539] {strides = array<i32>} : memref<1024xi32, #tpu.memory_space<vmem>>, vector<16xi32>,
      %mul3A_541 = arith.constant 16 : i32
      %mul3A_542 = arith.muli %add3A_536, %mul3A_541 : i32
      %get3A_543 = arith.index_cast %mul3A_542 : i32 to index
      %get3A_544 = tpu.vector_load %arg8[%get3A_543] {strides = array<i32>} : memref<1024xf32, #tpu.memory_space<vmem>>, vector<16xf32>,
      %mul3A_545 = arith.constant 128 : i32
      %mul3A_546 = vector.broadcast %mul3A_545 : i32 to vector<16xi32>
      %mul3A_547 = arith.muli %get3A_540, %mul3A_546 : vector<16xi32>
      %mul3A_548 = arith.constant 2 : i32
      %mul3A_549 = arith.muli %add3A_536, %mul3A_548 : i32
      %add3A_550 = vector.broadcast %mul3A_549 : i32 to vector<16xi32>
      %add3A_551 = arith.addi %mul3A_547, %add3A_550 : vector<16xi32>
      %add3A_552 = arith.addi %add3A_551, %select_n3A : vector<16xi32>
      %ge3A_553 = vector.broadcast %mul3A_356 : i32 to vector<16xi32>
      %ge3A_554 = arith.cmpi sge, %add3A_552, %ge3A_553 : vector<16xi32>
      %add3A_555 = arith.constant 40960 : i32
      %add3A_556 = arith.addi %mul3A_356, %add3A_555 : i32
      %lt3A_557 = vector.broadcast %add3A_556 : i32 to vector<16xi32>
      %lt3A_558 = arith.cmpi slt, %add3A_552, %lt3A_557 : vector<16xi32>
      %and3A_559 = arith.andi %ge3A_554, %lt3A_558 : vector<16xi1>
      %gt3A_560 = arith.constant 0.000000e+00 : f32
      %gt3A_561 = vector.broadcast %gt3A_560 : f32 to vector<16xf32>
      %gt3A_562 = arith.cmpf ogt, %get3A_544, %gt3A_561 : vector<16xf32>
      %and3A_563 = arith.andi %and3A_559, %gt3A_562 : vector<16xi1>
      %sub3A_564 = vector.broadcast %mul3A_356 : i32 to vector<16xi32>
      %sub3A_565 = arith.subi %add3A_552, %sub3A_564 : vector<16xi32>
      %jit3A_566 = arith.constant 0 : i32
      %broadcast_in_dim3A_567 = vector.broadcast %jit3A_566 : i32 to vector<16xi32>
      %select_n3A_568 = arith.select %and3A_563, %sub3A_565, %broadcast_in_dim3A_567 : vector<16xi1>, vector<16xi32>
      tpu.vector_store_idx %arg5[%select_n3A_568], %get3A_544 masked %and3A_563 : memref<40960xf32, #tpu.memory_space<vmem>>[vector<16xi32>], vector<16xf32>, vector<16xi1>
    }
    %scan3A_362 = arith.constant 16 : i32
    %mul3A_363 = arith.constant 3125 : i32
    %mul3A_364 = arith.muli %add3A, %mul3A_363 : i32
    %add3A_365 = arith.constant 2560 : i32
    %add3A_366 = arith.addi %mul3A_364, %add3A_365 : i32
    %mul3A_367 = arith.constant 128 : i32
    %mul3A_368 = arith.muli %add3A_366, %mul3A_367 : i32
    %dma_start3A_369 = arith.constant 0 : i32
    %dma_start3A_370 = tpu.memref_slice %arg5[%dma_start3A_369] : memref<40960xf32, #tpu.memory_space<vmem>> -> memref<40960xf32, #tpu.memory_space<vmem>>
    %dma_start3A_371 = tpu.memref_slice %arg4[%mul3A_368] : memref<12800000xf32, #tpu.memory_space<hbm>> -> memref<40960xf32, #tpu.memory_space<hbm>>
    %dma_start3A_372 = tpu.memref_slice %arg4[%mul3A_368] : memref<12800000xf32, #tpu.memory_space<hbm>> -> memref<40960xf32, #tpu.memory_space<hbm>>
    %dma_start3A_373 = arith.constant 0 : i32
    %dma_start3A_374 = tpu.memref_slice %arg5[%dma_start3A_373] : memref<40960xf32, #tpu.memory_space<vmem>> -> memref<40960xf32, #tpu.memory_space<vmem>>
    tpu.enqueue_dma source(%dma_start3A_374 : memref<40960xf32, #tpu.memory_space<vmem>>) target(%dma_start3A_372 : memref<40960xf32, #tpu.memory_space<hbm>>) target_semaphore(%arg9 : memref<!tpu.dma_semaphore, #tpu.memory_space<semaphore_mem>>)
    %dma_wait3A_375 = arith.constant 0 : i32
    %dma_wait3A_376 = tpu.memref_slice %arg6[%dma_wait3A_375] : memref<40960xf32, #tpu.memory_space<vmem>> -> memref<40960xf32, #tpu.memory_space<vmem>>
    %dma_wait3A_377 = tpu.memref_slice %arg4[%mul3A_326] : memref<12800000xf32, #tpu.memory_space<hbm>> -> memref<40960xf32, #tpu.memory_space<hbm>>
    %dma_wait3A_378 = tpu.memref_slice %arg4[%mul3A_326] : memref<12800000xf32, #tpu.memory_space<hbm>> -> memref<40960xf32, #tpu.memory_space<hbm>>
    %dma_wait3A_379 = arith.constant 0 : i32
    %dma_wait3A_380 = tpu.memref_slice %arg6[%dma_wait3A_379] : memref<40960xf32, #tpu.memory_space<vmem>> -> memref<40960xf32, #tpu.memory_space<vmem>>
    tpu.wait_dma2 semaphore(%arg10 : memref<!tpu.dma_semaphore, #tpu.memory_space<semaphore_mem>>) src(%dma_wait3A_380 : memref<40960xf32, #tpu.memory_space<vmem>>) dst(%dma_wait3A_378 : memref<40960xf32, #tpu.memory_space<hbm>>)
    %mul3A_381 = arith.constant 3125 : i32
    %mul3A_382 = arith.muli %add3A, %mul3A_381 : i32
    %add3A_383 = arith.constant 2240 : i32
    %add3A_384 = arith.addi %mul3A_382, %add3A_383 : i32
    %mul3A_385 = arith.constant 128 : i32
    %mul3A_386 = arith.muli %add3A_384, %mul3A_385 : i32
    %scan3A_387 = arith.constant 0 : i32
    %scan3A_388 = arith.constant 0 : i32
    %scan3A_389 = arith.constant 16 : i32
    %scan3A_390 = arith.addi %scan3A_388, %scan3A_389 : i32
    %scan3A_391 = arith.constant 1 : i32
    scf.for %scan3A_429 = %scan3A_388 to %scan3A_390 step %scan3A_391  : i32 {
      %mul3A_430 = arith.constant 4 : i32
      %mul3A_431 = arith.muli %scan3A_429, %mul3A_430 : i32
      %add3A_432 = arith.constant 0 : i32
      %add3A_433 = arith.addi %mul3A_431, %add3A_432 : i32
      %mul3A_434 = arith.constant 16 : i32
      %mul3A_435 = arith.muli %add3A_433, %mul3A_434 : i32
      %get3A = arith.index_cast %mul3A_435 : i32 to index
      %get3A_436 = tpu.vector_load %arg7[%get3A] {strides = array<i32>} : memref<1024xi32, #tpu.memory_space<vmem>>, vector<16xi32>,
      %mul3A_437 = arith.constant 16 : i32
      %mul3A_438 = arith.muli %add3A_433, %mul3A_437 : i32
      %get3A_439 = arith.index_cast %mul3A_438 : i32 to index
      %get3A_440 = tpu.vector_load %arg8[%get3A_439] {strides = array<i32>} : memref<1024xf32, #tpu.memory_space<vmem>>, vector<16xf32>,
      %mul3A_441 = arith.constant 128 : i32
      %mul3A_442 = vector.broadcast %mul3A_441 : i32 to vector<16xi32>
      %mul3A_443 = arith.muli %get3A_436, %mul3A_442 : vector<16xi32>
      %mul3A_444 = arith.constant 2 : i32
      %mul3A_445 = arith.muli %add3A_433, %mul3A_444 : i32
      %add3A_446 = vector.broadcast %mul3A_445 : i32 to vector<16xi32>
      %add3A_447 = arith.addi %mul3A_443, %add3A_446 : vector<16xi32>
      %add3A_448 = arith.addi %add3A_447, %select_n3A : vector<16xi32>
      %ge3A = vector.broadcast %mul3A_386 : i32 to vector<16xi32>
      %ge3A_449 = arith.cmpi sge, %add3A_448, %ge3A : vector<16xi32>
      %add3A_450 = arith.constant 40960 : i32
      %add3A_451 = arith.addi %mul3A_386, %add3A_450 : i32
      %lt3A = vector.broadcast %add3A_451 : i32 to vector<16xi32>
      %lt3A_452 = arith.cmpi slt, %add3A_448, %lt3A : vector<16xi32>
      %and3A_453 = arith.andi %ge3A_449, %lt3A_452 : vector<16xi1>
      %gt3A = arith.constant 0.000000e+00 : f32
      %gt3A_454 = vector.broadcast %gt3A : f32 to vector<16xf32>
      %gt3A_455 = arith.cmpf ogt, %get3A_440, %gt3A_454 : vector<16xf32>
      %and3A_456 = arith.andi %and3A_453, %gt3A_455 : vector<16xi1>
      %sub3A_457 = vector.broadcast %mul3A_386 : i32 to vector<16xi32>
      %sub3A_458 = arith.subi %add3A_448, %sub3A_457 : vector<16xi32>
      %jit3A_459 = arith.constant 0 : i32
      %broadcast_in_dim3A = vector.broadcast %jit3A_459 : i32 to vector<16xi32>
      %select_n3A_460 = arith.select %and3A_456, %sub3A_458, %broadcast_in_dim3A : vector<16xi1>, vector<16xi32>
      %broadcast_in_dim3A_461 = arith.constant 0.000000e+00 : f32
      %broadcast_in_dim3A_462 = vector.broadcast %broadcast_in_dim3A_461 : f32 to vector<16xf32>
      tpu.vector_store_idx %arg6[%select_n3A_460], %broadcast_in_dim3A_462 masked %and3A_456 : memref<40960xf32, #tpu.memory_space<vmem>>[vector<16xi32>], vector<16xf32>, vector<16xi1>
      %mul3A_463 = arith.constant 4 : i32
      %mul3A_464 = arith.muli %scan3A_429, %mul3A_463 : i32
      %add3A_465 = arith.constant 1 : i32
      %add3A_466 = arith.addi %mul3A_464, %add3A_465 : i32
      %mul3A_467 = arith.constant 16 : i32
      %mul3A_468 = arith.muli %add3A_466, %mul3A_467 : i32
      %get3A_469 = arith.index_cast %mul3A_468 : i32 to index
      %get3A_470 = tpu.vector_load %arg7[%get3A_469] {strides = array<i32>} : memref<1024xi32, #tpu.memory_space<vmem>>, vector<16xi32>,
      %mul3A_471 = arith.constant 16 : i32
      %mul3A_472 = arith.muli %add3A_466, %mul3A_471 : i32
      %get3A_473 = arith.index_cast %mul3A_472 : i32 to index
      %get3A_474 = tpu.vector_load %arg8[%get3A_473] {strides = array<i32>} : memref<1024xf32, #tpu.memory_space<vmem>>, vector<16xf32>,
      %mul3A_475 = arith.constant 128 : i32
      %mul3A_476 = vector.broadcast %mul3A_475 : i32 to vector<16xi32>
      %mul3A_477 = arith.muli %get3A_470, %mul3A_476 : vector<16xi32>
      %mul3A_478 = arith.constant 2 : i32
      %mul3A_479 = arith.muli %add3A_466, %mul3A_478 : i32
      %add3A_480 = vector.broadcast %mul3A_479 : i32 to vector<16xi32>
      %add3A_481 = arith.addi %mul3A_477, %add3A_480 : vector<16xi32>
      %add3A_482 = arith.addi %add3A_481, %select_n3A : vector<16xi32>
      %ge3A_483 = vector.broadcast %mul3A_386 : i32 to vector<16xi32>
      %ge3A_484 = arith.cmpi sge, %add3A_482, %ge3A_483 : vector<16xi32>
      %add3A_485 = arith.constant 40960 : i32
      %add3A_486 = arith.addi %mul3A_386, %add3A_485 : i32
      %lt3A_487 = vector.broadcast %add3A_486 : i32 to vector<16xi32>
      %lt3A_488 = arith.cmpi slt, %add3A_482, %lt3A_487 : vector<16xi32>
      %and3A_489 = arith.andi %ge3A_484, %lt3A_488 : vector<16xi1>
      %gt3A_490 = arith.constant 0.000000e+00 : f32
      %gt3A_491 = vector.broadcast %gt3A_490 : f32 to vector<16xf32>
      %gt3A_492 = arith.cmpf ogt, %get3A_474, %gt3A_491 : vector<16xf32>
      %and3A_493 = arith.andi %and3A_489, %gt3A_492 : vector<16xi1>
      %sub3A_494 = vector.broadcast %mul3A_386 : i32 to vector<16xi32>
      %sub3A_495 = arith.subi %add3A_482, %sub3A_494 : vector<16xi32>
      %jit3A_496 = arith.constant 0 : i32
      %broadcast_in_dim3A_497 = vector.broadcast %jit3A_496 : i32 to vector<16xi32>
      %select_n3A_498 = arith.select %and3A_493, %sub3A_495, %broadcast_in_dim3A_497 : vector<16xi1>, vector<16xi32>
      %broadcast_in_dim3A_499 = arith.constant 0.000000e+00 : f32
      %broadcast_in_dim3A_500 = vector.broadcast %broadcast_in_dim3A_499 : f32 to vector<16xf32>
      tpu.vector_store_idx %arg6[%select_n3A_498], %broadcast_in_dim3A_500 masked %and3A_493 : memref<40960xf32, #tpu.memory_space<vmem>>[vector<16xi32>], vector<16xf32>, vector<16xi1>
      %mul3A_501 = arith.constant 4 : i32
      %mul3A_502 = arith.muli %scan3A_429, %mul3A_501 : i32
      %add3A_503 = arith.constant 2 : i32
      %add3A_504 = arith.addi %mul3A_502, %add3A_503 : i32
      %mul3A_505 = arith.constant 16 : i32
      %mul3A_506 = arith.muli %add3A_504, %mul3A_505 : i32
      %get3A_507 = arith.index_cast %mul3A_506 : i32 to index
      %get3A_508 = tpu.vector_load %arg7[%get3A_507] {strides = array<i32>} : memref<1024xi32, #tpu.memory_space<vmem>>, vector<16xi32>,
      %mul3A_509 = arith.constant 16 : i32
      %mul3A_510 = arith.muli %add3A_504, %mul3A_509 : i32
      %get3A_511 = arith.index_cast %mul3A_510 : i32 to index
      %get3A_512 = tpu.vector_load %arg8[%get3A_511] {strides = array<i32>} : memref<1024xf32, #tpu.memory_space<vmem>>, vector<16xf32>,
      %mul3A_513 = arith.constant 128 : i32
      %mul3A_514 = vector.broadcast %mul3A_513 : i32 to vector<16xi32>
      %mul3A_515 = arith.muli %get3A_508, %mul3A_514 : vector<16xi32>
      %mul3A_516 = arith.constant 2 : i32
      %mul3A_517 = arith.muli %add3A_504, %mul3A_516 : i32
      %add3A_518 = vector.broadcast %mul3A_517 : i32 to vector<16xi32>
      %add3A_519 = arith.addi %mul3A_515, %add3A_518 : vector<16xi32>
      %add3A_520 = arith.addi %add3A_519, %select_n3A : vector<16xi32>
      %ge3A_521 = vector.broadcast %mul3A_386 : i32 to vector<16xi32>
      %ge3A_522 = arith.cmpi sge, %add3A_520, %ge3A_521 : vector<16xi32>
      %add3A_523 = arith.constant 40960 : i32
      %add3A_524 = arith.addi %mul3A_386, %add3A_523 : i32
      %lt3A_525 = vector.broadcast %add3A_524 : i32 to vector<16xi32>
      %lt3A_526 = arith.cmpi slt, %add3A_520, %lt3A_525 : vector<16xi32>
      %and3A_527 = arith.andi %ge3A_522, %lt3A_526 : vector<16xi1>
      %gt3A_528 = arith.constant 0.000000e+00 : f32
      %gt3A_529 = vector.broadcast %gt3A_528 : f32 to vector<16xf32>
      %gt3A_530 = arith.cmpf ogt, %get3A_512, %gt3A_529 : vector<16xf32>
      %and3A_531 = arith.andi %and3A_527, %gt3A_530 : vector<16xi1>
      %sub3A_532 = vector.broadcast %mul3A_386 : i32 to vector<16xi32>
      %sub3A_533 = arith.subi %add3A_520, %sub3A_532 : vector<16xi32>
      %jit3A_534 = arith.constant 0 : i32
      %broadcast_in_dim3A_535 = vector.broadcast %jit3A_534 : i32 to vector<16xi32>
      %select_n3A_536 = arith.select %and3A_531, %sub3A_533, %broadcast_in_dim3A_535 : vector<16xi1>, vector<16xi32>
      %broadcast_in_dim3A_537 = arith.constant 0.000000e+00 : f32
      %broadcast_in_dim3A_538 = vector.broadcast %broadcast_in_dim3A_537 : f32 to vector<16xf32>
      tpu.vector_store_idx %arg6[%select_n3A_536], %broadcast_in_dim3A_538 masked %and3A_531 : memref<40960xf32, #tpu.memory_space<vmem>>[vector<16xi32>], vector<16xf32>, vector<16xi1>
      %mul3A_539 = arith.constant 4 : i32
      %mul3A_540 = arith.muli %scan3A_429, %mul3A_539 : i32
      %add3A_541 = arith.constant 3 : i32
      %add3A_542 = arith.addi %mul3A_540, %add3A_541 : i32
      %mul3A_543 = arith.constant 16 : i32
      %mul3A_544 = arith.muli %add3A_542, %mul3A_543 : i32
      %get3A_545 = arith.index_cast %mul3A_544 : i32 to index
      %get3A_546 = tpu.vector_load %arg7[%get3A_545] {strides = array<i32>} : memref<1024xi32, #tpu.memory_space<vmem>>, vector<16xi32>,
      %mul3A_547 = arith.constant 16 : i32
      %mul3A_548 = arith.muli %add3A_542, %mul3A_547 : i32
      %get3A_549 = arith.index_cast %mul3A_548 : i32 to index
      %get3A_550 = tpu.vector_load %arg8[%get3A_549] {strides = array<i32>} : memref<1024xf32, #tpu.memory_space<vmem>>, vector<16xf32>,
      %mul3A_551 = arith.constant 128 : i32
      %mul3A_552 = vector.broadcast %mul3A_551 : i32 to vector<16xi32>
      %mul3A_553 = arith.muli %get3A_546, %mul3A_552 : vector<16xi32>
      %mul3A_554 = arith.constant 2 : i32
      %mul3A_555 = arith.muli %add3A_542, %mul3A_554 : i32
      %add3A_556 = vector.broadcast %mul3A_555 : i32 to vector<16xi32>
      %add3A_557 = arith.addi %mul3A_553, %add3A_556 : vector<16xi32>
      %add3A_558 = arith.addi %add3A_557, %select_n3A : vector<16xi32>
      %ge3A_559 = vector.broadcast %mul3A_386 : i32 to vector<16xi32>
      %ge3A_560 = arith.cmpi sge, %add3A_558, %ge3A_559 : vector<16xi32>
      %add3A_561 = arith.constant 40960 : i32
      %add3A_562 = arith.addi %mul3A_386, %add3A_561 : i32
      %lt3A_563 = vector.broadcast %add3A_562 : i32 to vector<16xi32>
      %lt3A_564 = arith.cmpi slt, %add3A_558, %lt3A_563 : vector<16xi32>
      %and3A_565 = arith.andi %ge3A_560, %lt3A_564 : vector<16xi1>
      %gt3A_566 = arith.constant 0.000000e+00 : f32
      %gt3A_567 = vector.broadcast %gt3A_566 : f32 to vector<16xf32>
      %gt3A_568 = arith.cmpf ogt, %get3A_550, %gt3A_567 : vector<16xf32>
      %and3A_569 = arith.andi %and3A_565, %gt3A_568 : vector<16xi1>
      %sub3A_570 = vector.broadcast %mul3A_386 : i32 to vector<16xi32>
      %sub3A_571 = arith.subi %add3A_558, %sub3A_570 : vector<16xi32>
      %jit3A_572 = arith.constant 0 : i32
      %broadcast_in_dim3A_573 = vector.broadcast %jit3A_572 : i32 to vector<16xi32>
      %select_n3A_574 = arith.select %and3A_569, %sub3A_571, %broadcast_in_dim3A_573 : vector<16xi1>, vector<16xi32>
      %broadcast_in_dim3A_575 = arith.constant 0.000000e+00 : f32
      %broadcast_in_dim3A_576 = vector.broadcast %broadcast_in_dim3A_575 : f32 to vector<16xf32>
      tpu.vector_store_idx %arg6[%select_n3A_574], %broadcast_in_dim3A_576 masked %and3A_569 : memref<40960xf32, #tpu.memory_space<vmem>>[vector<16xi32>], vector<16xf32>, vector<16xi1>
    }
    %scan3A_392 = arith.constant 16 : i32
    %mul3A_393 = arith.constant 3125 : i32
    %mul3A_394 = arith.muli %add3A, %mul3A_393 : i32
    %add3A_395 = arith.constant 2880 : i32
    %add3A_396 = arith.addi %mul3A_394, %add3A_395 : i32
    %mul3A_397 = arith.constant 128 : i32
    %mul3A_398 = arith.muli %add3A_396, %mul3A_397 : i32
    %scan3A_399 = arith.constant 0 : i32
    %scan3A_400 = arith.constant 0 : i32
    %scan3A_401 = arith.constant 16 : i32
    %scan3A_402 = arith.addi %scan3A_400, %scan3A_401 : i32
    %scan3A_403 = arith.constant 1 : i32
    scf.for %scan3A_429 = %scan3A_400 to %scan3A_402 step %scan3A_403  : i32 {
      %mul3A_430 = arith.constant 4 : i32
      %mul3A_431 = arith.muli %scan3A_429, %mul3A_430 : i32
      %add3A_432 = arith.constant 0 : i32
      %add3A_433 = arith.addi %mul3A_431, %add3A_432 : i32
      %mul3A_434 = arith.constant 16 : i32
      %mul3A_435 = arith.muli %add3A_433, %mul3A_434 : i32
      %get3A = arith.index_cast %mul3A_435 : i32 to index
      %get3A_436 = tpu.vector_load %arg7[%get3A] {strides = array<i32>} : memref<1024xi32, #tpu.memory_space<vmem>>, vector<16xi32>,
      %mul3A_437 = arith.constant 16 : i32
      %mul3A_438 = arith.muli %add3A_433, %mul3A_437 : i32
      %get3A_439 = arith.index_cast %mul3A_438 : i32 to index
      %get3A_440 = tpu.vector_load %arg8[%get3A_439] {strides = array<i32>} : memref<1024xf32, #tpu.memory_space<vmem>>, vector<16xf32>,
      %mul3A_441 = arith.constant 128 : i32
      %mul3A_442 = vector.broadcast %mul3A_441 : i32 to vector<16xi32>
      %mul3A_443 = arith.muli %get3A_436, %mul3A_442 : vector<16xi32>
      %mul3A_444 = arith.constant 2 : i32
      %mul3A_445 = arith.muli %add3A_433, %mul3A_444 : i32
      %add3A_446 = vector.broadcast %mul3A_445 : i32 to vector<16xi32>
      %add3A_447 = arith.addi %mul3A_443, %add3A_446 : vector<16xi32>
      %add3A_448 = arith.addi %add3A_447, %select_n3A : vector<16xi32>
      %ge3A = vector.broadcast %mul3A_398 : i32 to vector<16xi32>
      %ge3A_449 = arith.cmpi sge, %add3A_448, %ge3A : vector<16xi32>
      %add3A_450 = arith.constant 31360 : i32
      %add3A_451 = arith.addi %mul3A_398, %add3A_450 : i32
      %lt3A = vector.broadcast %add3A_451 : i32 to vector<16xi32>
      %lt3A_452 = arith.cmpi slt, %add3A_448, %lt3A : vector<16xi32>
      %and3A_453 = arith.andi %ge3A_449, %lt3A_452 : vector<16xi1>
      %gt3A = arith.constant 0.000000e+00 : f32
      %gt3A_454 = vector.broadcast %gt3A : f32 to vector<16xf32>
      %gt3A_455 = arith.cmpf ogt, %get3A_440, %gt3A_454 : vector<16xf32>
      %and3A_456 = arith.andi %and3A_453, %gt3A_455 : vector<16xi1>
      %sub3A_457 = vector.broadcast %mul3A_398 : i32 to vector<16xi32>
      %sub3A_458 = arith.subi %add3A_448, %sub3A_457 : vector<16xi32>
      %jit3A_459 = arith.constant 0 : i32
      %broadcast_in_dim3A = vector.broadcast %jit3A_459 : i32 to vector<16xi32>
      %select_n3A_460 = arith.select %and3A_456, %sub3A_458, %broadcast_in_dim3A : vector<16xi1>, vector<16xi32>
      tpu.vector_store_idx %arg6[%select_n3A_460], %get3A_440 masked %and3A_456 : memref<40960xf32, #tpu.memory_space<vmem>>[vector<16xi32>], vector<16xf32>, vector<16xi1>
      %mul3A_461 = arith.constant 4 : i32
      %mul3A_462 = arith.muli %scan3A_429, %mul3A_461 : i32
      %add3A_463 = arith.constant 1 : i32
      %add3A_464 = arith.addi %mul3A_462, %add3A_463 : i32
      %mul3A_465 = arith.constant 16 : i32
      %mul3A_466 = arith.muli %add3A_464, %mul3A_465 : i32
      %get3A_467 = arith.index_cast %mul3A_466 : i32 to index
      %get3A_468 = tpu.vector_load %arg7[%get3A_467] {strides = array<i32>} : memref<1024xi32, #tpu.memory_space<vmem>>, vector<16xi32>,
      %mul3A_469 = arith.constant 16 : i32
      %mul3A_470 = arith.muli %add3A_464, %mul3A_469 : i32
      %get3A_471 = arith.index_cast %mul3A_470 : i32 to index
      %get3A_472 = tpu.vector_load %arg8[%get3A_471] {strides = array<i32>} : memref<1024xf32, #tpu.memory_space<vmem>>, vector<16xf32>,
      %mul3A_473 = arith.constant 128 : i32
      %mul3A_474 = vector.broadcast %mul3A_473 : i32 to vector<16xi32>
      %mul3A_475 = arith.muli %get3A_468, %mul3A_474 : vector<16xi32>
      %mul3A_476 = arith.constant 2 : i32
      %mul3A_477 = arith.muli %add3A_464, %mul3A_476 : i32
      %add3A_478 = vector.broadcast %mul3A_477 : i32 to vector<16xi32>
      %add3A_479 = arith.addi %mul3A_475, %add3A_478 : vector<16xi32>
      %add3A_480 = arith.addi %add3A_479, %select_n3A : vector<16xi32>
      %ge3A_481 = vector.broadcast %mul3A_398 : i32 to vector<16xi32>
      %ge3A_482 = arith.cmpi sge, %add3A_480, %ge3A_481 : vector<16xi32>
      %add3A_483 = arith.constant 31360 : i32
      %add3A_484 = arith.addi %mul3A_398, %add3A_483 : i32
      %lt3A_485 = vector.broadcast %add3A_484 : i32 to vector<16xi32>
      %lt3A_486 = arith.cmpi slt, %add3A_480, %lt3A_485 : vector<16xi32>
      %and3A_487 = arith.andi %ge3A_482, %lt3A_486 : vector<16xi1>
      %gt3A_488 = arith.constant 0.000000e+00 : f32
      %gt3A_489 = vector.broadcast %gt3A_488 : f32 to vector<16xf32>
      %gt3A_490 = arith.cmpf ogt, %get3A_472, %gt3A_489 : vector<16xf32>
      %and3A_491 = arith.andi %and3A_487, %gt3A_490 : vector<16xi1>
      %sub3A_492 = vector.broadcast %mul3A_398 : i32 to vector<16xi32>
      %sub3A_493 = arith.subi %add3A_480, %sub3A_492 : vector<16xi32>
      %jit3A_494 = arith.constant 0 : i32
      %broadcast_in_dim3A_495 = vector.broadcast %jit3A_494 : i32 to vector<16xi32>
      %select_n3A_496 = arith.select %and3A_491, %sub3A_493, %broadcast_in_dim3A_495 : vector<16xi1>, vector<16xi32>
      tpu.vector_store_idx %arg6[%select_n3A_496], %get3A_472 masked %and3A_491 : memref<40960xf32, #tpu.memory_space<vmem>>[vector<16xi32>], vector<16xf32>, vector<16xi1>
      %mul3A_497 = arith.constant 4 : i32
      %mul3A_498 = arith.muli %scan3A_429, %mul3A_497 : i32
      %add3A_499 = arith.constant 2 : i32
      %add3A_500 = arith.addi %mul3A_498, %add3A_499 : i32
      %mul3A_501 = arith.constant 16 : i32
      %mul3A_502 = arith.muli %add3A_500, %mul3A_501 : i32
      %get3A_503 = arith.index_cast %mul3A_502 : i32 to index
      %get3A_504 = tpu.vector_load %arg7[%get3A_503] {strides = array<i32>} : memref<1024xi32, #tpu.memory_space<vmem>>, vector<16xi32>,
      %mul3A_505 = arith.constant 16 : i32
      %mul3A_506 = arith.muli %add3A_500, %mul3A_505 : i32
      %get3A_507 = arith.index_cast %mul3A_506 : i32 to index
      %get3A_508 = tpu.vector_load %arg8[%get3A_507] {strides = array<i32>} : memref<1024xf32, #tpu.memory_space<vmem>>, vector<16xf32>,
      %mul3A_509 = arith.constant 128 : i32
      %mul3A_510 = vector.broadcast %mul3A_509 : i32 to vector<16xi32>
      %mul3A_511 = arith.muli %get3A_504, %mul3A_510 : vector<16xi32>
      %mul3A_512 = arith.constant 2 : i32
      %mul3A_513 = arith.muli %add3A_500, %mul3A_512 : i32
      %add3A_514 = vector.broadcast %mul3A_513 : i32 to vector<16xi32>
      %add3A_515 = arith.addi %mul3A_511, %add3A_514 : vector<16xi32>
      %add3A_516 = arith.addi %add3A_515, %select_n3A : vector<16xi32>
      %ge3A_517 = vector.broadcast %mul3A_398 : i32 to vector<16xi32>
      %ge3A_518 = arith.cmpi sge, %add3A_516, %ge3A_517 : vector<16xi32>
      %add3A_519 = arith.constant 31360 : i32
      %add3A_520 = arith.addi %mul3A_398, %add3A_519 : i32
      %lt3A_521 = vector.broadcast %add3A_520 : i32 to vector<16xi32>
      %lt3A_522 = arith.cmpi slt, %add3A_516, %lt3A_521 : vector<16xi32>
      %and3A_523 = arith.andi %ge3A_518, %lt3A_522 : vector<16xi1>
      %gt3A_524 = arith.constant 0.000000e+00 : f32
      %gt3A_525 = vector.broadcast %gt3A_524 : f32 to vector<16xf32>
      %gt3A_526 = arith.cmpf ogt, %get3A_508, %gt3A_525 : vector<16xf32>
      %and3A_527 = arith.andi %and3A_523, %gt3A_526 : vector<16xi1>
      %sub3A_528 = vector.broadcast %mul3A_398 : i32 to vector<16xi32>
      %sub3A_529 = arith.subi %add3A_516, %sub3A_528 : vector<16xi32>
      %jit3A_530 = arith.constant 0 : i32
      %broadcast_in_dim3A_531 = vector.broadcast %jit3A_530 : i32 to vector<16xi32>
      %select_n3A_532 = arith.select %and3A_527, %sub3A_529, %broadcast_in_dim3A_531 : vector<16xi1>, vector<16xi32>
      tpu.vector_store_idx %arg6[%select_n3A_532], %get3A_508 masked %and3A_527 : memref<40960xf32, #tpu.memory_space<vmem>>[vector<16xi32>], vector<16xf32>, vector<16xi1>
      %mul3A_533 = arith.constant 4 : i32
      %mul3A_534 = arith.muli %scan3A_429, %mul3A_533 : i32
      %add3A_535 = arith.constant 3 : i32
      %add3A_536 = arith.addi %mul3A_534, %add3A_535 : i32
      %mul3A_537 = arith.constant 16 : i32
      %mul3A_538 = arith.muli %add3A_536, %mul3A_537 : i32
      %get3A_539 = arith.index_cast %mul3A_538 : i32 to index
      %get3A_540 = tpu.vector_load %arg7[%get3A_539] {strides = array<i32>} : memref<1024xi32, #tpu.memory_space<vmem>>, vector<16xi32>,
      %mul3A_541 = arith.constant 16 : i32
      %mul3A_542 = arith.muli %add3A_536, %mul3A_541 : i32
      %get3A_543 = arith.index_cast %mul3A_542 : i32 to index
      %get3A_544 = tpu.vector_load %arg8[%get3A_543] {strides = array<i32>} : memref<1024xf32, #tpu.memory_space<vmem>>, vector<16xf32>,
      %mul3A_545 = arith.constant 128 : i32
      %mul3A_546 = vector.broadcast %mul3A_545 : i32 to vector<16xi32>
      %mul3A_547 = arith.muli %get3A_540, %mul3A_546 : vector<16xi32>
      %mul3A_548 = arith.constant 2 : i32
      %mul3A_549 = arith.muli %add3A_536, %mul3A_548 : i32
      %add3A_550 = vector.broadcast %mul3A_549 : i32 to vector<16xi32>
      %add3A_551 = arith.addi %mul3A_547, %add3A_550 : vector<16xi32>
      %add3A_552 = arith.addi %add3A_551, %select_n3A : vector<16xi32>
      %ge3A_553 = vector.broadcast %mul3A_398 : i32 to vector<16xi32>
      %ge3A_554 = arith.cmpi sge, %add3A_552, %ge3A_553 : vector<16xi32>
      %add3A_555 = arith.constant 31360 : i32
      %add3A_556 = arith.addi %mul3A_398, %add3A_555 : i32
      %lt3A_557 = vector.broadcast %add3A_556 : i32 to vector<16xi32>
      %lt3A_558 = arith.cmpi slt, %add3A_552, %lt3A_557 : vector<16xi32>
      %and3A_559 = arith.andi %ge3A_554, %lt3A_558 : vector<16xi1>
      %gt3A_560 = arith.constant 0.000000e+00 : f32
      %gt3A_561 = vector.broadcast %gt3A_560 : f32 to vector<16xf32>
      %gt3A_562 = arith.cmpf ogt, %get3A_544, %gt3A_561 : vector<16xf32>
      %and3A_563 = arith.andi %and3A_559, %gt3A_562 : vector<16xi1>
      %sub3A_564 = vector.broadcast %mul3A_398 : i32 to vector<16xi32>
      %sub3A_565 = arith.subi %add3A_552, %sub3A_564 : vector<16xi32>
      %jit3A_566 = arith.constant 0 : i32
      %broadcast_in_dim3A_567 = vector.broadcast %jit3A_566 : i32 to vector<16xi32>
      %select_n3A_568 = arith.select %and3A_563, %sub3A_565, %broadcast_in_dim3A_567 : vector<16xi1>, vector<16xi32>
      tpu.vector_store_idx %arg6[%select_n3A_568], %get3A_544 masked %and3A_563 : memref<40960xf32, #tpu.memory_space<vmem>>[vector<16xi32>], vector<16xf32>, vector<16xi1>
    }
    %scan3A_404 = arith.constant 16 : i32
    %mul3A_405 = arith.constant 3125 : i32
    %mul3A_406 = arith.muli %add3A, %mul3A_405 : i32
    %add3A_407 = arith.constant 2880 : i32
    %add3A_408 = arith.addi %mul3A_406, %add3A_407 : i32
    %mul3A_409 = arith.constant 128 : i32
    %mul3A_410 = arith.muli %add3A_408, %mul3A_409 : i32
    %dma_start3A_411 = arith.constant 0 : i32
    %dma_start3A_412 = tpu.memref_slice %arg6[%dma_start3A_411] : memref<40960xf32, #tpu.memory_space<vmem>> -> memref<31360xf32, #tpu.memory_space<vmem>>
    %dma_start3A_413 = tpu.memref_slice %arg4[%mul3A_410] : memref<12800000xf32, #tpu.memory_space<hbm>> -> memref<31360xf32, #tpu.memory_space<hbm>>
    %dma_start3A_414 = tpu.memref_slice %arg4[%mul3A_410] : memref<12800000xf32, #tpu.memory_space<hbm>> -> memref<31360xf32, #tpu.memory_space<hbm>>
    %dma_start3A_415 = arith.constant 0 : i32
    %dma_start3A_416 = tpu.memref_slice %arg6[%dma_start3A_415] : memref<40960xf32, #tpu.memory_space<vmem>> -> memref<31360xf32, #tpu.memory_space<vmem>>
    tpu.enqueue_dma source(%dma_start3A_416 : memref<31360xf32, #tpu.memory_space<vmem>>) target(%dma_start3A_414 : memref<31360xf32, #tpu.memory_space<hbm>>) target_semaphore(%arg10 : memref<!tpu.dma_semaphore, #tpu.memory_space<semaphore_mem>>)
    %dma_wait3A_417 = arith.constant 0 : i32
    %dma_wait3A_418 = tpu.memref_slice %arg5[%dma_wait3A_417] : memref<40960xf32, #tpu.memory_space<vmem>> -> memref<40960xf32, #tpu.memory_space<vmem>>
    %dma_wait3A_419 = tpu.memref_slice %arg4[%mul3A_368] : memref<12800000xf32, #tpu.memory_space<hbm>> -> memref<40960xf32, #tpu.memory_space<hbm>>
    %dma_wait3A_420 = tpu.memref_slice %arg4[%mul3A_368] : memref<12800000xf32, #tpu.memory_space<hbm>> -> memref<40960xf32, #tpu.memory_space<hbm>>
    %dma_wait3A_421 = arith.constant 0 : i32
    %dma_wait3A_422 = tpu.memref_slice %arg5[%dma_wait3A_421] : memref<40960xf32, #tpu.memory_space<vmem>> -> memref<40960xf32, #tpu.memory_space<vmem>>
    tpu.wait_dma2 semaphore(%arg9 : memref<!tpu.dma_semaphore, #tpu.memory_space<semaphore_mem>>) src(%dma_wait3A_422 : memref<40960xf32, #tpu.memory_space<vmem>>) dst(%dma_wait3A_420 : memref<40960xf32, #tpu.memory_space<hbm>>)
    %dma_wait3A_423 = arith.constant 0 : i32
    %dma_wait3A_424 = tpu.memref_slice %arg6[%dma_wait3A_423] : memref<40960xf32, #tpu.memory_space<vmem>> -> memref<31360xf32, #tpu.memory_space<vmem>>
    %dma_wait3A_425 = tpu.memref_slice %arg4[%mul3A_410] : memref<12800000xf32, #tpu.memory_space<hbm>> -> memref<31360xf32, #tpu.memory_space<hbm>>
    %dma_wait3A_426 = tpu.memref_slice %arg4[%mul3A_410] : memref<12800000xf32, #tpu.memory_space<hbm>> -> memref<31360xf32, #tpu.memory_space<hbm>>
    %dma_wait3A_427 = arith.constant 0 : i32
    %dma_wait3A_428 = tpu.memref_slice %arg6[%dma_wait3A_427] : memref<40960xf32, #tpu.memory_space<vmem>> -> memref<31360xf32, #tpu.memory_space<vmem>>
    tpu.wait_dma2 semaphore(%arg10 : memref<!tpu.dma_semaphore, #tpu.memory_space<semaphore_mem>>) src(%dma_wait3A_428 : memref<31360xf32, #tpu.memory_space<vmem>>) dst(%dma_wait3A_426 : memref<31360xf32, #tpu.memory_space<hbm>>)
    return
  }
}

#map = affine_map<(d0, d1) -> (0, 0)>
#map1 = affine_map<(d0, d1) -> (0)>
module attributes {stable_mosaic.version = 14 : i64} {
  func.func @gather(%arg0: i32, %arg1: i32, %arg2: memref<100000x128xf32, #tpu.memory_space<hbm>>, %arg3: memref<10240xi32, #tpu.memory_space<hbm>>, %arg4: memref<10240x128xf32, #tpu.memory_space<hbm>>, %arg5: memref<320xi32, #tpu.memory_space<vmem>>, %arg6: memref<320x128xf32, #tpu.memory_space<vmem>>, %arg7: memref<!tpu.dma_semaphore, #tpu.memory_space<semaphore_mem>>) attributes {dimension_semantics = [#tpu.dimension_semantics<core_parallel>, #tpu.dimension_semantics<subcore_parallel>], iteration_bounds = array<i64: 2, 16>, scalar_prefetch = 0 : i64, scratch_operands = 3 : i64, tpu.core_type = #tpu.core_type<sc_vector_subcore>, window_params = [{transform_indices = #map}, {transform_indices = #map1}, {transform_indices = #map}]} {
    %mul3A = arith.constant 2 : i32
    %mul3A_0 = arith.muli %arg1, %mul3A : i32
    %add3A = arith.addi %mul3A_0, %arg0 : i32
    %mul3A_1 = arith.constant 320 : i32
    %mul3A_2 = arith.muli %add3A, %mul3A_1 : i32
    "tpu.region"() ({
      %run_scoped3A = tpu.sem_alloc : memref<!tpu.dma_semaphore, #tpu.memory_space<semaphore_mem>>
      %dma_start3A_49 = tpu.memref_slice %arg3[%mul3A_2] : memref<10240xi32, #tpu.memory_space<hbm>> -> memref<320xi32, #tpu.memory_space<hbm>>
      %dma_start3A_50 = tpu.memref_slice %arg3[%mul3A_2] : memref<10240xi32, #tpu.memory_space<hbm>> -> memref<320xi32, #tpu.memory_space<hbm>>
      tpu.enqueue_dma source(%dma_start3A_50 : memref<320xi32, #tpu.memory_space<hbm>>) target(%arg5 : memref<320xi32, #tpu.memory_space<vmem>>) target_semaphore(%run_scoped3A : memref<!tpu.dma_semaphore, #tpu.memory_space<semaphore_mem>>)
      %dma_wait3A_51 = tpu.memref_slice %arg3[%mul3A_2] : memref<10240xi32, #tpu.memory_space<hbm>> -> memref<320xi32, #tpu.memory_space<hbm>>
      %dma_wait3A_52 = tpu.memref_slice %arg3[%mul3A_2] : memref<10240xi32, #tpu.memory_space<hbm>> -> memref<320xi32, #tpu.memory_space<hbm>>
      tpu.wait_dma2 semaphore(%run_scoped3A : memref<!tpu.dma_semaphore, #tpu.memory_space<semaphore_mem>>) src(%dma_wait3A_52 : memref<320xi32, #tpu.memory_space<hbm>>) dst(%arg5 : memref<320xi32, #tpu.memory_space<vmem>>)
      tpu.yield
    }) : () -> ()
    %dma_start3A = arith.constant 0 : i32
    %dma_start3A_3 = arith.constant 0 : i32
    %dma_start3A_4 = tpu.memref_slice %arg6[%dma_start3A, %dma_start3A_3] : memref<320x128xf32, #tpu.memory_space<vmem>> -> memref<128x128xf32, #tpu.memory_space<vmem>>
    %dma_start3A_5 = arith.constant 0 : i32
    %dma_start3A_6 = tpu.memref_slice %arg5[%dma_start3A_5] : memref<320xi32, #tpu.memory_space<vmem>> -> memref<128xi32, #tpu.memory_space<vmem>>
    %dma_start3A_7 = arith.constant 0 : i32
    %dma_start3A_8 = arith.constant 0 : i32
    %dma_start3A_9 = tpu.memref_slice %arg2[%dma_start3A_7, %dma_start3A_8] : memref<100000x128xf32, #tpu.memory_space<hbm>> -> memref<100000x128xf32, #tpu.memory_space<hbm>>
    tpu.enqueue_indirect_dma source(%dma_start3A_9 : memref<100000x128xf32, #tpu.memory_space<hbm>>) target(%dma_start3A_4 : memref<128x128xf32, #tpu.memory_space<vmem>>) offsets(%dma_start3A_6 : memref<128xi32, #tpu.memory_space<vmem>>) semaphore(%arg7 : memref<!tpu.dma_semaphore, #tpu.memory_space<semaphore_mem>>)
    %dma_start3A_10 = arith.constant 128 : i32
    %dma_start3A_11 = arith.constant 0 : i32
    %dma_start3A_12 = tpu.memref_slice %arg6[%dma_start3A_10, %dma_start3A_11] : memref<320x128xf32, #tpu.memory_space<vmem>> -> memref<128x128xf32, #tpu.memory_space<vmem>>
    %dma_start3A_13 = arith.constant 128 : i32
    %dma_start3A_14 = tpu.memref_slice %arg5[%dma_start3A_13] : memref<320xi32, #tpu.memory_space<vmem>> -> memref<128xi32, #tpu.memory_space<vmem>>
    %dma_start3A_15 = arith.constant 0 : i32
    %dma_start3A_16 = arith.constant 0 : i32
    %dma_start3A_17 = tpu.memref_slice %arg2[%dma_start3A_15, %dma_start3A_16] : memref<100000x128xf32, #tpu.memory_space<hbm>> -> memref<100000x128xf32, #tpu.memory_space<hbm>>
    tpu.enqueue_indirect_dma source(%dma_start3A_17 : memref<100000x128xf32, #tpu.memory_space<hbm>>) target(%dma_start3A_12 : memref<128x128xf32, #tpu.memory_space<vmem>>) offsets(%dma_start3A_14 : memref<128xi32, #tpu.memory_space<vmem>>) semaphore(%arg7 : memref<!tpu.dma_semaphore, #tpu.memory_space<semaphore_mem>>)
    %dma_start3A_18 = arith.constant 256 : i32
    %dma_start3A_19 = arith.constant 0 : i32
    %dma_start3A_20 = tpu.memref_slice %arg6[%dma_start3A_18, %dma_start3A_19] : memref<320x128xf32, #tpu.memory_space<vmem>> -> memref<64x128xf32, #tpu.memory_space<vmem>>
    %dma_start3A_21 = arith.constant 256 : i32
    %dma_start3A_22 = tpu.memref_slice %arg5[%dma_start3A_21] : memref<320xi32, #tpu.memory_space<vmem>> -> memref<64xi32, #tpu.memory_space<vmem>>
    %dma_start3A_23 = arith.constant 0 : i32
    %dma_start3A_24 = arith.constant 0 : i32
    %dma_start3A_25 = tpu.memref_slice %arg2[%dma_start3A_23, %dma_start3A_24] : memref<100000x128xf32, #tpu.memory_space<hbm>> -> memref<100000x128xf32, #tpu.memory_space<hbm>>
    tpu.enqueue_indirect_dma source(%dma_start3A_25 : memref<100000x128xf32, #tpu.memory_space<hbm>>) target(%dma_start3A_20 : memref<64x128xf32, #tpu.memory_space<vmem>>) offsets(%dma_start3A_22 : memref<64xi32, #tpu.memory_space<vmem>>) semaphore(%arg7 : memref<!tpu.dma_semaphore, #tpu.memory_space<semaphore_mem>>)
    %dma_wait3A = arith.constant 0 : i32
    %dma_wait3A_26 = arith.constant 0 : i32
    %dma_wait3A_27 = tpu.memref_slice %arg6[%dma_wait3A, %dma_wait3A_26] : memref<320x128xf32, #tpu.memory_space<vmem>> -> memref<128x128xf32, #tpu.memory_space<vmem>>
    %dma_wait3A_28 = arith.constant 0 : i32
    %dma_wait3A_29 = tpu.memref_slice %arg5[%dma_wait3A_28] : memref<320xi32, #tpu.memory_space<vmem>> -> memref<128xi32, #tpu.memory_space<vmem>>
    %dma_wait3A_30 = arith.constant 0 : i32
    %dma_wait3A_31 = arith.constant 0 : i32
    %dma_wait3A_32 = tpu.memref_slice %arg2[%dma_wait3A_30, %dma_wait3A_31] : memref<100000x128xf32, #tpu.memory_space<hbm>> -> memref<100000x128xf32, #tpu.memory_space<hbm>>
    tpu.wait_indirect_dma semaphore(%arg7 : memref<!tpu.dma_semaphore, #tpu.memory_space<semaphore_mem>>) src(%dma_wait3A_32 : memref<100000x128xf32, #tpu.memory_space<hbm>>) dst(%dma_wait3A_27 : memref<128x128xf32, #tpu.memory_space<vmem>>)
    %dma_wait3A_33 = arith.constant 128 : i32
    %dma_wait3A_34 = arith.constant 0 : i32
    %dma_wait3A_35 = tpu.memref_slice %arg6[%dma_wait3A_33, %dma_wait3A_34] : memref<320x128xf32, #tpu.memory_space<vmem>> -> memref<128x128xf32, #tpu.memory_space<vmem>>
    %dma_wait3A_36 = arith.constant 128 : i32
    %dma_wait3A_37 = tpu.memref_slice %arg5[%dma_wait3A_36] : memref<320xi32, #tpu.memory_space<vmem>> -> memref<128xi32, #tpu.memory_space<vmem>>
    %dma_wait3A_38 = arith.constant 0 : i32
    %dma_wait3A_39 = arith.constant 0 : i32
    %dma_wait3A_40 = tpu.memref_slice %arg2[%dma_wait3A_38, %dma_wait3A_39] : memref<100000x128xf32, #tpu.memory_space<hbm>> -> memref<100000x128xf32, #tpu.memory_space<hbm>>
    tpu.wait_indirect_dma semaphore(%arg7 : memref<!tpu.dma_semaphore, #tpu.memory_space<semaphore_mem>>) src(%dma_wait3A_40 : memref<100000x128xf32, #tpu.memory_space<hbm>>) dst(%dma_wait3A_35 : memref<128x128xf32, #tpu.memory_space<vmem>>)
    %dma_wait3A_41 = arith.constant 256 : i32
    %dma_wait3A_42 = arith.constant 0 : i32
    %dma_wait3A_43 = tpu.memref_slice %arg6[%dma_wait3A_41, %dma_wait3A_42] : memref<320x128xf32, #tpu.memory_space<vmem>> -> memref<64x128xf32, #tpu.memory_space<vmem>>
    %dma_wait3A_44 = arith.constant 256 : i32
    %dma_wait3A_45 = tpu.memref_slice %arg5[%dma_wait3A_44] : memref<320xi32, #tpu.memory_space<vmem>> -> memref<64xi32, #tpu.memory_space<vmem>>
    %dma_wait3A_46 = arith.constant 0 : i32
    %dma_wait3A_47 = arith.constant 0 : i32
    %dma_wait3A_48 = tpu.memref_slice %arg2[%dma_wait3A_46, %dma_wait3A_47] : memref<100000x128xf32, #tpu.memory_space<hbm>> -> memref<100000x128xf32, #tpu.memory_space<hbm>>
    tpu.wait_indirect_dma semaphore(%arg7 : memref<!tpu.dma_semaphore, #tpu.memory_space<semaphore_mem>>) src(%dma_wait3A_48 : memref<100000x128xf32, #tpu.memory_space<hbm>>) dst(%dma_wait3A_43 : memref<64x128xf32, #tpu.memory_space<vmem>>)
    "tpu.region"() ({
      %run_scoped3A = tpu.sem_alloc : memref<!tpu.dma_semaphore, #tpu.memory_space<semaphore_mem>>
      %dma_start3A_49 = arith.constant 0 : i32
      %dma_start3A_50 = tpu.memref_slice %arg4[%mul3A_2, %dma_start3A_49] : memref<10240x128xf32, #tpu.memory_space<hbm>> -> memref<320x128xf32, #tpu.memory_space<hbm>>
      %dma_start3A_51 = arith.constant 0 : i32
      %dma_start3A_52 = tpu.memref_slice %arg4[%mul3A_2, %dma_start3A_51] : memref<10240x128xf32, #tpu.memory_space<hbm>> -> memref<320x128xf32, #tpu.memory_space<hbm>>
      tpu.enqueue_dma source(%arg6 : memref<320x128xf32, #tpu.memory_space<vmem>>) target(%dma_start3A_52 : memref<320x128xf32, #tpu.memory_space<hbm>>) target_semaphore(%run_scoped3A : memref<!tpu.dma_semaphore, #tpu.memory_space<semaphore_mem>>)
      %dma_wait3A_53 = arith.constant 0 : i32
      %dma_wait3A_54 = tpu.memref_slice %arg4[%mul3A_2, %dma_wait3A_53] : memref<10240x128xf32, #tpu.memory_space<hbm>> -> memref<320x128xf32, #tpu.memory_space<hbm>>
      %dma_wait3A_55 = arith.constant 0 : i32
      %dma_wait3A_56 = tpu.memref_slice %arg4[%mul3A_2, %dma_wait3A_55] : memref<10240x128xf32, #tpu.memory_space<hbm>> -> memref<320x128xf32, #tpu.memory_space<hbm>>
      tpu.wait_dma2 semaphore(%run_scoped3A : memref<!tpu.dma_semaphore, #tpu.memory_space<semaphore_mem>>) src(%arg6 : memref<320x128xf32, #tpu.memory_space<vmem>>) dst(%dma_wait3A_56 : memref<320x128xf32, #tpu.memory_space<hbm>>)
      tpu.yield
    }) : () -> ()
    return
  }
}

module attributes {stable_mosaic.version = 14 : i64} {
  func.func @_k1_body(%arg0: i32, %arg1: memref<12800x128xf32, #tpu.memory_space<vmem>>, %arg2: memref<128x80xi32, #tpu.memory_space<vmem>>, %arg3: memref<128x80xi32, #tpu.memory_space<vmem>>, %arg4: memref<8x32x128xf32, #tpu.memory_space<vmem>>) attributes {dimension_semantics = [#tpu.dimension_semantics<arbitrary>], iteration_bounds = array<i64: 8>, scalar_prefetch = 0 : i64, scratch_operands = 1 : i64, tpu.core_type = #tpu.core_type<tc>, window_params = [{transform_indices = @transform_0, window_bounds = array<i64: 12800, 128>}, {pipeline_mode = #tpu.pipeline_mode<synchronous>, transform_indices = @transform_1, window_bounds = array<i64: 128, 80>}, {pipeline_mode = #tpu.pipeline_mode<synchronous>, transform_indices = @transform_2, window_bounds = array<i64: 128, 80>}]} {
    %get3A = arith.constant 0 : index
    %get3A_0 = arith.constant 0 : index
    %get3A_1 = vector.load %arg1[%get3A, %get3A_0] : memref<12800x128xf32, #tpu.memory_space<vmem>>, vector<12800x128xf32>
    %slice3A = vector.extract_strided_slice %get3A_1 {offsets = [0, 0], sizes = [512, 128], strides = [1, 1]} : vector<12800x128xf32> to vector<512x128xf32>
    %reduce_max3A = arith.constant dense<0xFF800000> : vector<128xf32>
    %reduce_max3A_2 = vector.multi_reduction <maximumf>, %slice3A, %reduce_max3A [0] : vector<512x128xf32> to vector<128xf32>
    %broadcast_in_dim3A = vector.shape_cast %reduce_max3A_2 : vector<128xf32> to vector<1x128xf32>
    %slice3A_3 = vector.extract_strided_slice %get3A_1 {offsets = [512, 0], sizes = [512, 128], strides = [1, 1]} : vector<12800x128xf32> to vector<512x128xf32>
    %reduce_max3A_4 = arith.constant dense<0xFF800000> : vector<128xf32>
    %reduce_max3A_5 = vector.multi_reduction <maximumf>, %slice3A_3, %reduce_max3A_4 [0] : vector<512x128xf32> to vector<128xf32>
    %broadcast_in_dim3A_6 = vector.shape_cast %reduce_max3A_5 : vector<128xf32> to vector<1x128xf32>
    %slice3A_7 = vector.extract_strided_slice %get3A_1 {offsets = [1024, 0], sizes = [512, 128], strides = [1, 1]} : vector<12800x128xf32> to vector<512x128xf32>
    %reduce_max3A_8 = arith.constant dense<0xFF800000> : vector<128xf32>
    %reduce_max3A_9 = vector.multi_reduction <maximumf>, %slice3A_7, %reduce_max3A_8 [0] : vector<512x128xf32> to vector<128xf32>
    %broadcast_in_dim3A_10 = vector.shape_cast %reduce_max3A_9 : vector<128xf32> to vector<1x128xf32>
    %slice3A_11 = vector.extract_strided_slice %get3A_1 {offsets = [1536, 0], sizes = [512, 128], strides = [1, 1]} : vector<12800x128xf32> to vector<512x128xf32>
    %reduce_max3A_12 = arith.constant dense<0xFF800000> : vector<128xf32>
    %reduce_max3A_13 = vector.multi_reduction <maximumf>, %slice3A_11, %reduce_max3A_12 [0] : vector<512x128xf32> to vector<128xf32>
    %broadcast_in_dim3A_14 = vector.shape_cast %reduce_max3A_13 : vector<128xf32> to vector<1x128xf32>
    %slice3A_15 = vector.extract_strided_slice %get3A_1 {offsets = [2048, 0], sizes = [512, 128], strides = [1, 1]} : vector<12800x128xf32> to vector<512x128xf32>
    %reduce_max3A_16 = arith.constant dense<0xFF800000> : vector<128xf32>
    %reduce_max3A_17 = vector.multi_reduction <maximumf>, %slice3A_15, %reduce_max3A_16 [0] : vector<512x128xf32> to vector<128xf32>
    %broadcast_in_dim3A_18 = vector.shape_cast %reduce_max3A_17 : vector<128xf32> to vector<1x128xf32>
    %slice3A_19 = vector.extract_strided_slice %get3A_1 {offsets = [2560, 0], sizes = [512, 128], strides = [1, 1]} : vector<12800x128xf32> to vector<512x128xf32>
    %reduce_max3A_20 = arith.constant dense<0xFF800000> : vector<128xf32>
    %reduce_max3A_21 = vector.multi_reduction <maximumf>, %slice3A_19, %reduce_max3A_20 [0] : vector<512x128xf32> to vector<128xf32>
    %broadcast_in_dim3A_22 = vector.shape_cast %reduce_max3A_21 : vector<128xf32> to vector<1x128xf32>
    %slice3A_23 = vector.extract_strided_slice %get3A_1 {offsets = [3072, 0], sizes = [512, 128], strides = [1, 1]} : vector<12800x128xf32> to vector<512x128xf32>
    %reduce_max3A_24 = arith.constant dense<0xFF800000> : vector<128xf32>
    %reduce_max3A_25 = vector.multi_reduction <maximumf>, %slice3A_23, %reduce_max3A_24 [0] : vector<512x128xf32> to vector<128xf32>
    %broadcast_in_dim3A_26 = vector.shape_cast %reduce_max3A_25 : vector<128xf32> to vector<1x128xf32>
    %slice3A_27 = vector.extract_strided_slice %get3A_1 {offsets = [3584, 0], sizes = [512, 128], strides = [1, 1]} : vector<12800x128xf32> to vector<512x128xf32>
    %reduce_max3A_28 = arith.constant dense<0xFF800000> : vector<128xf32>
    %reduce_max3A_29 = vector.multi_reduction <maximumf>, %slice3A_27, %reduce_max3A_28 [0] : vector<512x128xf32> to vector<128xf32>
    %broadcast_in_dim3A_30 = vector.shape_cast %reduce_max3A_29 : vector<128xf32> to vector<1x128xf32>
    %slice3A_31 = vector.extract_strided_slice %get3A_1 {offsets = [4096, 0], sizes = [512, 128], strides = [1, 1]} : vector<12800x128xf32> to vector<512x128xf32>
    %reduce_max3A_32 = arith.constant dense<0xFF800000> : vector<128xf32>
    %reduce_max3A_33 = vector.multi_reduction <maximumf>, %slice3A_31, %reduce_max3A_32 [0] : vector<512x128xf32> to vector<128xf32>
    %broadcast_in_dim3A_34 = vector.shape_cast %reduce_max3A_33 : vector<128xf32> to vector<1x128xf32>
    %slice3A_35 = vector.extract_strided_slice %get3A_1 {offsets = [4608, 0], sizes = [512, 128], strides = [1, 1]} : vector<12800x128xf32> to vector<512x128xf32>
    %reduce_max3A_36 = arith.constant dense<0xFF800000> : vector<128xf32>
    %reduce_max3A_37 = vector.multi_reduction <maximumf>, %slice3A_35, %reduce_max3A_36 [0] : vector<512x128xf32> to vector<128xf32>
    %broadcast_in_dim3A_38 = vector.shape_cast %reduce_max3A_37 : vector<128xf32> to vector<1x128xf32>
    %slice3A_39 = vector.extract_strided_slice %get3A_1 {offsets = [5120, 0], sizes = [512, 128], strides = [1, 1]} : vector<12800x128xf32> to vector<512x128xf32>
    %reduce_max3A_40 = arith.constant dense<0xFF800000> : vector<128xf32>
    %reduce_max3A_41 = vector.multi_reduction <maximumf>, %slice3A_39, %reduce_max3A_40 [0] : vector<512x128xf32> to vector<128xf32>
    %broadcast_in_dim3A_42 = vector.shape_cast %reduce_max3A_41 : vector<128xf32> to vector<1x128xf32>
    %slice3A_43 = vector.extract_strided_slice %get3A_1 {offsets = [5632, 0], sizes = [512, 128], strides = [1, 1]} : vector<12800x128xf32> to vector<512x128xf32>
    %reduce_max3A_44 = arith.constant dense<0xFF800000> : vector<128xf32>
    %reduce_max3A_45 = vector.multi_reduction <maximumf>, %slice3A_43, %reduce_max3A_44 [0] : vector<512x128xf32> to vector<128xf32>
    %broadcast_in_dim3A_46 = vector.shape_cast %reduce_max3A_45 : vector<128xf32> to vector<1x128xf32>
    %slice3A_47 = vector.extract_strided_slice %get3A_1 {offsets = [6144, 0], sizes = [512, 128], strides = [1, 1]} : vector<12800x128xf32> to vector<512x128xf32>
    %reduce_max3A_48 = arith.constant dense<0xFF800000> : vector<128xf32>
    %reduce_max3A_49 = vector.multi_reduction <maximumf>, %slice3A_47, %reduce_max3A_48 [0] : vector<512x128xf32> to vector<128xf32>
    %broadcast_in_dim3A_50 = vector.shape_cast %reduce_max3A_49 : vector<128xf32> to vector<1x128xf32>
    %slice3A_51 = vector.extract_strided_slice %get3A_1 {offsets = [6656, 0], sizes = [512, 128], strides = [1, 1]} : vector<12800x128xf32> to vector<512x128xf32>
    %reduce_max3A_52 = arith.constant dense<0xFF800000> : vector<128xf32>
    %reduce_max3A_53 = vector.multi_reduction <maximumf>, %slice3A_51, %reduce_max3A_52 [0] : vector<512x128xf32> to vector<128xf32>
    %broadcast_in_dim3A_54 = vector.shape_cast %reduce_max3A_53 : vector<128xf32> to vector<1x128xf32>
    %slice3A_55 = vector.extract_strided_slice %get3A_1 {offsets = [7168, 0], sizes = [512, 128], strides = [1, 1]} : vector<12800x128xf32> to vector<512x128xf32>
    %reduce_max3A_56 = arith.constant dense<0xFF800000> : vector<128xf32>
    %reduce_max3A_57 = vector.multi_reduction <maximumf>, %slice3A_55, %reduce_max3A_56 [0] : vector<512x128xf32> to vector<128xf32>
    %broadcast_in_dim3A_58 = vector.shape_cast %reduce_max3A_57 : vector<128xf32> to vector<1x128xf32>
    %slice3A_59 = vector.extract_strided_slice %get3A_1 {offsets = [7680, 0], sizes = [512, 128], strides = [1, 1]} : vector<12800x128xf32> to vector<512x128xf32>
    %reduce_max3A_60 = arith.constant dense<0xFF800000> : vector<128xf32>
    %reduce_max3A_61 = vector.multi_reduction <maximumf>, %slice3A_59, %reduce_max3A_60 [0] : vector<512x128xf32> to vector<128xf32>
    %broadcast_in_dim3A_62 = vector.shape_cast %reduce_max3A_61 : vector<128xf32> to vector<1x128xf32>
    %slice3A_63 = vector.extract_strided_slice %get3A_1 {offsets = [8192, 0], sizes = [512, 128], strides = [1, 1]} : vector<12800x128xf32> to vector<512x128xf32>
    %reduce_max3A_64 = arith.constant dense<0xFF800000> : vector<128xf32>
    %reduce_max3A_65 = vector.multi_reduction <maximumf>, %slice3A_63, %reduce_max3A_64 [0] : vector<512x128xf32> to vector<128xf32>
    %broadcast_in_dim3A_66 = vector.shape_cast %reduce_max3A_65 : vector<128xf32> to vector<1x128xf32>
    %slice3A_67 = vector.extract_strided_slice %get3A_1 {offsets = [8704, 0], sizes = [512, 128], strides = [1, 1]} : vector<12800x128xf32> to vector<512x128xf32>
    %reduce_max3A_68 = arith.constant dense<0xFF800000> : vector<128xf32>
    %reduce_max3A_69 = vector.multi_reduction <maximumf>, %slice3A_67, %reduce_max3A_68 [0] : vector<512x128xf32> to vector<128xf32>
    %broadcast_in_dim3A_70 = vector.shape_cast %reduce_max3A_69 : vector<128xf32> to vector<1x128xf32>
    %slice3A_71 = vector.extract_strided_slice %get3A_1 {offsets = [9216, 0], sizes = [512, 128], strides = [1, 1]} : vector<12800x128xf32> to vector<512x128xf32>
    %reduce_max3A_72 = arith.constant dense<0xFF800000> : vector<128xf32>
    %reduce_max3A_73 = vector.multi_reduction <maximumf>, %slice3A_71, %reduce_max3A_72 [0] : vector<512x128xf32> to vector<128xf32>
    %broadcast_in_dim3A_74 = vector.shape_cast %reduce_max3A_73 : vector<128xf32> to vector<1x128xf32>
    %slice3A_75 = vector.extract_strided_slice %get3A_1 {offsets = [9728, 0], sizes = [512, 128], strides = [1, 1]} : vector<12800x128xf32> to vector<512x128xf32>
    %reduce_max3A_76 = arith.constant dense<0xFF800000> : vector<128xf32>
    %reduce_max3A_77 = vector.multi_reduction <maximumf>, %slice3A_75, %reduce_max3A_76 [0] : vector<512x128xf32> to vector<128xf32>
    %broadcast_in_dim3A_78 = vector.shape_cast %reduce_max3A_77 : vector<128xf32> to vector<1x128xf32>
    %slice3A_79 = vector.extract_strided_slice %get3A_1 {offsets = [10240, 0], sizes = [512, 128], strides = [1, 1]} : vector<12800x128xf32> to vector<512x128xf32>
    %iota3A = tpu.iota {dimensions = array<i32: 0>} : vector<512x128xi32>
    %mul3A = arith.constant 12800 : i32
    %mul3A_80 = arith.muli %arg0, %mul3A : i32
    %add3A = vector.broadcast %mul3A_80 : i32 to vector<512x128xi32>
    %add3A_81 = arith.addi %iota3A, %add3A : vector<512x128xi32>
    %add3A_82 = arith.constant 10240 : i32
    %add3A_83 = vector.broadcast %add3A_82 : i32 to vector<512x128xi32>
    %add3A_84 = arith.addi %add3A_81, %add3A_83 : vector<512x128xi32>
    %lt3A = arith.constant 100000 : i32
    %lt3A_85 = vector.broadcast %lt3A : i32 to vector<512x128xi32>
    %lt3A_86 = arith.cmpi slt, %add3A_84, %lt3A_85 : vector<512x128xi32>
    %jit3A = arith.constant 0xFF800000 : f32
    %broadcast_in_dim3A_87 = vector.broadcast %jit3A : f32 to vector<512x128xf32>
    %select_n3A = arith.select %lt3A_86, %slice3A_79, %broadcast_in_dim3A_87 : vector<512x128xi1>, vector<512x128xf32>
    %reduce_max3A_88 = arith.constant dense<0xFF800000> : vector<128xf32>
    %reduce_max3A_89 = vector.multi_reduction <maximumf>, %select_n3A, %reduce_max3A_88 [0] : vector<512x128xf32> to vector<128xf32>
    %broadcast_in_dim3A_90 = vector.shape_cast %reduce_max3A_89 : vector<128xf32> to vector<1x128xf32>
    %slice3A_91 = vector.extract_strided_slice %get3A_1 {offsets = [10752, 0], sizes = [512, 128], strides = [1, 1]} : vector<12800x128xf32> to vector<512x128xf32>
    %iota3A_92 = tpu.iota {dimensions = array<i32: 0>} : vector<512x128xi32>
    %mul3A_93 = arith.constant 12800 : i32
    %mul3A_94 = arith.muli %arg0, %mul3A_93 : i32
    %add3A_95 = vector.broadcast %mul3A_94 : i32 to vector<512x128xi32>
    %add3A_96 = arith.addi %iota3A_92, %add3A_95 : vector<512x128xi32>
    %add3A_97 = arith.constant 10752 : i32
    %add3A_98 = vector.broadcast %add3A_97 : i32 to vector<512x128xi32>
    %add3A_99 = arith.addi %add3A_96, %add3A_98 : vector<512x128xi32>
    %lt3A_100 = arith.constant 100000 : i32
    %lt3A_101 = vector.broadcast %lt3A_100 : i32 to vector<512x128xi32>
    %lt3A_102 = arith.cmpi slt, %add3A_99, %lt3A_101 : vector<512x128xi32>
    %jit3A_103 = arith.constant 0xFF800000 : f32
    %broadcast_in_dim3A_104 = vector.broadcast %jit3A_103 : f32 to vector<512x128xf32>
    %select_n3A_105 = arith.select %lt3A_102, %slice3A_91, %broadcast_in_dim3A_104 : vector<512x128xi1>, vector<512x128xf32>
    %reduce_max3A_106 = arith.constant dense<0xFF800000> : vector<128xf32>
    %reduce_max3A_107 = vector.multi_reduction <maximumf>, %select_n3A_105, %reduce_max3A_106 [0] : vector<512x128xf32> to vector<128xf32>
    %broadcast_in_dim3A_108 = vector.shape_cast %reduce_max3A_107 : vector<128xf32> to vector<1x128xf32>
    %slice3A_109 = vector.extract_strided_slice %get3A_1 {offsets = [11264, 0], sizes = [512, 128], strides = [1, 1]} : vector<12800x128xf32> to vector<512x128xf32>
    %iota3A_110 = tpu.iota {dimensions = array<i32: 0>} : vector<512x128xi32>
    %mul3A_111 = arith.constant 12800 : i32
    %mul3A_112 = arith.muli %arg0, %mul3A_111 : i32
    %add3A_113 = vector.broadcast %mul3A_112 : i32 to vector<512x128xi32>
    %add3A_114 = arith.addi %iota3A_110, %add3A_113 : vector<512x128xi32>
    %add3A_115 = arith.constant 11264 : i32
    %add3A_116 = vector.broadcast %add3A_115 : i32 to vector<512x128xi32>
    %add3A_117 = arith.addi %add3A_114, %add3A_116 : vector<512x128xi32>
    %lt3A_118 = arith.constant 100000 : i32
    %lt3A_119 = vector.broadcast %lt3A_118 : i32 to vector<512x128xi32>
    %lt3A_120 = arith.cmpi slt, %add3A_117, %lt3A_119 : vector<512x128xi32>
    %jit3A_121 = arith.constant 0xFF800000 : f32
    %broadcast_in_dim3A_122 = vector.broadcast %jit3A_121 : f32 to vector<512x128xf32>
    %select_n3A_123 = arith.select %lt3A_120, %slice3A_109, %broadcast_in_dim3A_122 : vector<512x128xi1>, vector<512x128xf32>
    %reduce_max3A_124 = arith.constant dense<0xFF800000> : vector<128xf32>
    %reduce_max3A_125 = vector.multi_reduction <maximumf>, %select_n3A_123, %reduce_max3A_124 [0] : vector<512x128xf32> to vector<128xf32>
    %broadcast_in_dim3A_126 = vector.shape_cast %reduce_max3A_125 : vector<128xf32> to vector<1x128xf32>
    %slice3A_127 = vector.extract_strided_slice %get3A_1 {offsets = [11776, 0], sizes = [512, 128], strides = [1, 1]} : vector<12800x128xf32> to vector<512x128xf32>
    %iota3A_128 = tpu.iota {dimensions = array<i32: 0>} : vector<512x128xi32>
    %mul3A_129 = arith.constant 12800 : i32
    %mul3A_130 = arith.muli %arg0, %mul3A_129 : i32
    %add3A_131 = vector.broadcast %mul3A_130 : i32 to vector<512x128xi32>
    %add3A_132 = arith.addi %iota3A_128, %add3A_131 : vector<512x128xi32>
    %add3A_133 = arith.constant 11776 : i32
    %add3A_134 = vector.broadcast %add3A_133 : i32 to vector<512x128xi32>
    %add3A_135 = arith.addi %add3A_132, %add3A_134 : vector<512x128xi32>
    %lt3A_136 = arith.constant 100000 : i32
    %lt3A_137 = vector.broadcast %lt3A_136 : i32 to vector<512x128xi32>
    %lt3A_138 = arith.cmpi slt, %add3A_135, %lt3A_137 : vector<512x128xi32>
    %jit3A_139 = arith.constant 0xFF800000 : f32
    %broadcast_in_dim3A_140 = vector.broadcast %jit3A_139 : f32 to vector<512x128xf32>
    %select_n3A_141 = arith.select %lt3A_138, %slice3A_127, %broadcast_in_dim3A_140 : vector<512x128xi1>, vector<512x128xf32>
    %reduce_max3A_142 = arith.constant dense<0xFF800000> : vector<128xf32>
    %reduce_max3A_143 = vector.multi_reduction <maximumf>, %select_n3A_141, %reduce_max3A_142 [0] : vector<512x128xf32> to vector<128xf32>
    %broadcast_in_dim3A_144 = vector.shape_cast %reduce_max3A_143 : vector<128xf32> to vector<1x128xf32>
    %slice3A_145 = vector.extract_strided_slice %get3A_1 {offsets = [12288, 0], sizes = [512, 128], strides = [1, 1]} : vector<12800x128xf32> to vector<512x128xf32>
    %iota3A_146 = tpu.iota {dimensions = array<i32: 0>} : vector<512x128xi32>
    %mul3A_147 = arith.constant 12800 : i32
    %mul3A_148 = arith.muli %arg0, %mul3A_147 : i32
    %add3A_149 = vector.broadcast %mul3A_148 : i32 to vector<512x128xi32>
    %add3A_150 = arith.addi %iota3A_146, %add3A_149 : vector<512x128xi32>
    %add3A_151 = arith.constant 12288 : i32
    %add3A_152 = vector.broadcast %add3A_151 : i32 to vector<512x128xi32>
    %add3A_153 = arith.addi %add3A_150, %add3A_152 : vector<512x128xi32>
    %lt3A_154 = arith.constant 100000 : i32
    %lt3A_155 = vector.broadcast %lt3A_154 : i32 to vector<512x128xi32>
    %lt3A_156 = arith.cmpi slt, %add3A_153, %lt3A_155 : vector<512x128xi32>
    %jit3A_157 = arith.constant 0xFF800000 : f32
    %broadcast_in_dim3A_158 = vector.broadcast %jit3A_157 : f32 to vector<512x128xf32>
    %select_n3A_159 = arith.select %lt3A_156, %slice3A_145, %broadcast_in_dim3A_158 : vector<512x128xi1>, vector<512x128xf32>
    %reduce_max3A_160 = arith.constant dense<0xFF800000> : vector<128xf32>
    %reduce_max3A_161 = vector.multi_reduction <maximumf>, %select_n3A_159, %reduce_max3A_160 [0] : vector<512x128xf32> to vector<128xf32>
    %broadcast_in_dim3A_162 = vector.shape_cast %reduce_max3A_161 : vector<128xf32> to vector<1x128xf32>
    %broadcast_in_dim3A_163 = arith.constant 0xFF800000 : f32
    %broadcast_in_dim3A_164 = vector.broadcast %broadcast_in_dim3A_163 : f32 to vector<7x128xf32>
    %concatenate3A = tpu.concatenate %broadcast_in_dim3A, %broadcast_in_dim3A_6, %broadcast_in_dim3A_10, %broadcast_in_dim3A_14, %broadcast_in_dim3A_18, %broadcast_in_dim3A_22, %broadcast_in_dim3A_26, %broadcast_in_dim3A_30, %broadcast_in_dim3A_34, %broadcast_in_dim3A_38, %broadcast_in_dim3A_42, %broadcast_in_dim3A_46, %broadcast_in_dim3A_50, %broadcast_in_dim3A_54, %broadcast_in_dim3A_58, %broadcast_in_dim3A_62, %broadcast_in_dim3A_66, %broadcast_in_dim3A_70, %broadcast_in_dim3A_74, %broadcast_in_dim3A_78, %broadcast_in_dim3A_90, %broadcast_in_dim3A_108, %broadcast_in_dim3A_126, %broadcast_in_dim3A_144, %broadcast_in_dim3A_162, %broadcast_in_dim3A_164 in 0 : vector<1x128xf32>, vector<1x128xf32>, vector<1x128xf32>, vector<1x128xf32>, vector<1x128xf32>, vector<1x128xf32>, vector<1x128xf32>, vector<1x128xf32>, vector<1x128xf32>, vector<1x128xf32>, vector<1x128xf32>, vector<1x128xf32>, vector<1x128xf32>, vector<1x128xf32>, vector<1x128xf32>, vector<1x128xf32>, vector<1x128xf32>, vector<1x128xf32>, vector<1x128xf32>, vector<1x128xf32>, vector<1x128xf32>, vector<1x128xf32>, vector<1x128xf32>, vector<1x128xf32>, vector<1x128xf32>, vector<7x128xf32> -> vector<32x128xf32>
    %broadcast_in_dim3A_165 = vector.shape_cast %concatenate3A : vector<32x128xf32> to vector<1x32x128xf32>
    %swap3A = arith.index_cast %arg0 : i32 to index
    %swap3A_166 = arith.constant 0 : index
    %swap3A_167 = arith.constant 0 : index
    %swap3A_168 = vector.load %arg4[%swap3A, %swap3A_166, %swap3A_167] : memref<8x32x128xf32, #tpu.memory_space<vmem>>, vector<1x32x128xf32>
    tpu.vector_store %arg4[%swap3A, %swap3A_166, %swap3A_167], %broadcast_in_dim3A_165 {strides = array<i32>} : memref<8x32x128xf32, #tpu.memory_space<vmem>>, vector<1x32x128xf32>,
    %eq3A = arith.constant 7 : i32
    %eq3A_169 = arith.cmpi eq, %arg0, %eq3A : i32
    %convert_element_type3A = arith.extui %eq3A_169 : i1 to i32
    %cond3A = arith.constant 0 : i32
    %cond3A_170 = arith.cmpi ne, %convert_element_type3A, %cond3A : i32
    scf.if %cond3A_170 {
      %iota3A_171 = tpu.iota {dimensions = array<i32: 0>} : vector<256x128xi32>
      %get3A_172 = arith.constant 0 : index
      %get3A_173 = arith.constant 0 : index
      %get3A_174 = arith.constant 0 : index
      %get3A_175 = vector.load %arg4[%get3A_172, %get3A_173, %get3A_174] : memref<8x32x128xf32, #tpu.memory_space<vmem>>, vector<8x32x128xf32>
      %reshape3A = vector.shape_cast %get3A_175 : vector<8x32x128xf32> to vector<256x128xf32>
      %reduce_max3A_176 = arith.constant dense<0xFF800000> : vector<128xf32>
      %reduce_max3A_177 = vector.multi_reduction <maximumf>, %reshape3A, %reduce_max3A_176 [0] : vector<256x128xf32> to vector<128xf32>
      %broadcast_in_dim3A_178 = vector.shape_cast %reduce_max3A_177 : vector<128xf32> to vector<1x128xf32>
      %eq3A_179 = vector.broadcast %broadcast_in_dim3A_178 : vector<1x128xf32> to vector<256x128xf32>
      %eq3A_180 = arith.cmpf oeq, %reshape3A, %eq3A_179 : vector<256x128xf32>
      %jit3A_181 = arith.constant 256 : i32
      %broadcast_in_dim3A_182 = vector.broadcast %jit3A_181 : i32 to vector<256x128xi32>
      %select_n3A_183 = arith.select %eq3A_180, %iota3A_171, %broadcast_in_dim3A_182 : vector<256x128xi1>, vector<256x128xi32>
      %reduce_min3A = arith.constant dense<2147483647> : vector<128xi32>
      %reduce_min3A_184 = vector.multi_reduction <minsi>, %select_n3A_183, %reduce_min3A [0] : vector<256x128xi32> to vector<128xi32>
      %broadcast_in_dim3A_185 = vector.shape_cast %reduce_min3A_184 : vector<128xi32> to vector<1x128xi32>
      %eq3A_186 = vector.broadcast %broadcast_in_dim3A_185 : vector<1x128xi32> to vector<256x128xi32>
      %eq3A_187 = arith.cmpi eq, %iota3A_171, %eq3A_186 : vector<256x128xi32>
      %jit3A_188 = arith.constant 0xFF800000 : f32
      %broadcast_in_dim3A_189 = vector.broadcast %jit3A_188 : f32 to vector<256x128xf32>
      %select_n3A_190 = arith.select %eq3A_187, %broadcast_in_dim3A_189, %reshape3A : vector<256x128xi1>, vector<256x128xf32>
      %reduce_max3A_191 = arith.constant dense<0xFF800000> : vector<128xf32>
      %reduce_max3A_192 = vector.multi_reduction <maximumf>, %select_n3A_190, %reduce_max3A_191 [0] : vector<256x128xf32> to vector<128xf32>
      %broadcast_in_dim3A_193 = vector.shape_cast %reduce_max3A_192 : vector<128xf32> to vector<1x128xf32>
      %eq3A_194 = vector.broadcast %broadcast_in_dim3A_193 : vector<1x128xf32> to vector<256x128xf32>
      %eq3A_195 = arith.cmpf oeq, %select_n3A_190, %eq3A_194 : vector<256x128xf32>
      %jit3A_196 = arith.constant 256 : i32
      %broadcast_in_dim3A_197 = vector.broadcast %jit3A_196 : i32 to vector<256x128xi32>
      %select_n3A_198 = arith.select %eq3A_195, %iota3A_171, %broadcast_in_dim3A_197 : vector<256x128xi1>, vector<256x128xi32>
      %reduce_min3A_199 = arith.constant dense<2147483647> : vector<128xi32>
      %reduce_min3A_200 = vector.multi_reduction <minsi>, %select_n3A_198, %reduce_min3A_199 [0] : vector<256x128xi32> to vector<128xi32>
      %broadcast_in_dim3A_201 = vector.shape_cast %reduce_min3A_200 : vector<128xi32> to vector<1x128xi32>
      %eq3A_202 = vector.broadcast %broadcast_in_dim3A_201 : vector<1x128xi32> to vector<256x128xi32>
      %eq3A_203 = arith.cmpi eq, %iota3A_171, %eq3A_202 : vector<256x128xi32>
      %jit3A_204 = arith.constant 0xFF800000 : f32
      %broadcast_in_dim3A_205 = vector.broadcast %jit3A_204 : f32 to vector<256x128xf32>
      %select_n3A_206 = arith.select %eq3A_203, %broadcast_in_dim3A_205, %select_n3A_190 : vector<256x128xi1>, vector<256x128xf32>
      %reduce_max3A_207 = arith.constant dense<0xFF800000> : vector<128xf32>
      %reduce_max3A_208 = vector.multi_reduction <maximumf>, %select_n3A_206, %reduce_max3A_207 [0] : vector<256x128xf32> to vector<128xf32>
      %broadcast_in_dim3A_209 = vector.shape_cast %reduce_max3A_208 : vector<128xf32> to vector<1x128xf32>
      %eq3A_210 = vector.broadcast %broadcast_in_dim3A_209 : vector<1x128xf32> to vector<256x128xf32>
      %eq3A_211 = arith.cmpf oeq, %select_n3A_206, %eq3A_210 : vector<256x128xf32>
      %jit3A_212 = arith.constant 256 : i32
      %broadcast_in_dim3A_213 = vector.broadcast %jit3A_212 : i32 to vector<256x128xi32>
      %select_n3A_214 = arith.select %eq3A_211, %iota3A_171, %broadcast_in_dim3A_213 : vector<256x128xi1>, vector<256x128xi32>
      %reduce_min3A_215 = arith.constant dense<2147483647> : vector<128xi32>
      %reduce_min3A_216 = vector.multi_reduction <minsi>, %select_n3A_214, %reduce_min3A_215 [0] : vector<256x128xi32> to vector<128xi32>
      %broadcast_in_dim3A_217 = vector.shape_cast %reduce_min3A_216 : vector<128xi32> to vector<1x128xi32>
      %eq3A_218 = vector.broadcast %broadcast_in_dim3A_217 : vector<1x128xi32> to vector<256x128xi32>
      %eq3A_219 = arith.cmpi eq, %iota3A_171, %eq3A_218 : vector<256x128xi32>
      %jit3A_220 = arith.constant 0xFF800000 : f32
      %broadcast_in_dim3A_221 = vector.broadcast %jit3A_220 : f32 to vector<256x128xf32>
      %select_n3A_222 = arith.select %eq3A_219, %broadcast_in_dim3A_221, %select_n3A_206 : vector<256x128xi1>, vector<256x128xf32>
      %reduce_max3A_223 = arith.constant dense<0xFF800000> : vector<128xf32>
      %reduce_max3A_224 = vector.multi_reduction <maximumf>, %select_n3A_222, %reduce_max3A_223 [0] : vector<256x128xf32> to vector<128xf32>
      %broadcast_in_dim3A_225 = vector.shape_cast %reduce_max3A_224 : vector<128xf32> to vector<1x128xf32>
      %eq3A_226 = vector.broadcast %broadcast_in_dim3A_225 : vector<1x128xf32> to vector<256x128xf32>
      %eq3A_227 = arith.cmpf oeq, %select_n3A_222, %eq3A_226 : vector<256x128xf32>
      %jit3A_228 = arith.constant 256 : i32
      %broadcast_in_dim3A_229 = vector.broadcast %jit3A_228 : i32 to vector<256x128xi32>
      %select_n3A_230 = arith.select %eq3A_227, %iota3A_171, %broadcast_in_dim3A_229 : vector<256x128xi1>, vector<256x128xi32>
      %reduce_min3A_231 = arith.constant dense<2147483647> : vector<128xi32>
      %reduce_min3A_232 = vector.multi_reduction <minsi>, %select_n3A_230, %reduce_min3A_231 [0] : vector<256x128xi32> to vector<128xi32>
      %broadcast_in_dim3A_233 = vector.shape_cast %reduce_min3A_232 : vector<128xi32> to vector<1x128xi32>
      %eq3A_234 = vector.broadcast %broadcast_in_dim3A_233 : vector<1x128xi32> to vector<256x128xi32>
      %eq3A_235 = arith.cmpi eq, %iota3A_171, %eq3A_234 : vector<256x128xi32>
      %jit3A_236 = arith.constant 0xFF800000 : f32
      %broadcast_in_dim3A_237 = vector.broadcast %jit3A_236 : f32 to vector<256x128xf32>
      %select_n3A_238 = arith.select %eq3A_235, %broadcast_in_dim3A_237, %select_n3A_222 : vector<256x128xi1>, vector<256x128xf32>
      %reduce_max3A_239 = arith.constant dense<0xFF800000> : vector<128xf32>
      %reduce_max3A_240 = vector.multi_reduction <maximumf>, %select_n3A_238, %reduce_max3A_239 [0] : vector<256x128xf32> to vector<128xf32>
      %broadcast_in_dim3A_241 = vector.shape_cast %reduce_max3A_240 : vector<128xf32> to vector<1x128xf32>
      %eq3A_242 = vector.broadcast %broadcast_in_dim3A_241 : vector<1x128xf32> to vector<256x128xf32>
      %eq3A_243 = arith.cmpf oeq, %select_n3A_238, %eq3A_242 : vector<256x128xf32>
      %jit3A_244 = arith.constant 256 : i32
      %broadcast_in_dim3A_245 = vector.broadcast %jit3A_244 : i32 to vector<256x128xi32>
      %select_n3A_246 = arith.select %eq3A_243, %iota3A_171, %broadcast_in_dim3A_245 : vector<256x128xi1>, vector<256x128xi32>
      %reduce_min3A_247 = arith.constant dense<2147483647> : vector<128xi32>
      %reduce_min3A_248 = vector.multi_reduction <minsi>, %select_n3A_246, %reduce_min3A_247 [0] : vector<256x128xi32> to vector<128xi32>
      %broadcast_in_dim3A_249 = vector.shape_cast %reduce_min3A_248 : vector<128xi32> to vector<1x128xi32>
      %eq3A_250 = vector.broadcast %broadcast_in_dim3A_249 : vector<1x128xi32> to vector<256x128xi32>
      %eq3A_251 = arith.cmpi eq, %iota3A_171, %eq3A_250 : vector<256x128xi32>
      %jit3A_252 = arith.constant 0xFF800000 : f32
      %broadcast_in_dim3A_253 = vector.broadcast %jit3A_252 : f32 to vector<256x128xf32>
      %select_n3A_254 = arith.select %eq3A_251, %broadcast_in_dim3A_253, %select_n3A_238 : vector<256x128xi1>, vector<256x128xf32>
      %reduce_max3A_255 = arith.constant dense<0xFF800000> : vector<128xf32>
      %reduce_max3A_256 = vector.multi_reduction <maximumf>, %select_n3A_254, %reduce_max3A_255 [0] : vector<256x128xf32> to vector<128xf32>
      %broadcast_in_dim3A_257 = vector.shape_cast %reduce_max3A_256 : vector<128xf32> to vector<1x128xf32>
      %eq3A_258 = vector.broadcast %broadcast_in_dim3A_257 : vector<1x128xf32> to vector<256x128xf32>
      %eq3A_259 = arith.cmpf oeq, %select_n3A_254, %eq3A_258 : vector<256x128xf32>
      %jit3A_260 = arith.constant 256 : i32
      %broadcast_in_dim3A_261 = vector.broadcast %jit3A_260 : i32 to vector<256x128xi32>
      %select_n3A_262 = arith.select %eq3A_259, %iota3A_171, %broadcast_in_dim3A_261 : vector<256x128xi1>, vector<256x128xi32>
      %reduce_min3A_263 = arith.constant dense<2147483647> : vector<128xi32>
      %reduce_min3A_264 = vector.multi_reduction <minsi>, %select_n3A_262, %reduce_min3A_263 [0] : vector<256x128xi32> to vector<128xi32>
      %broadcast_in_dim3A_265 = vector.shape_cast %reduce_min3A_264 : vector<128xi32> to vector<1x128xi32>
      %eq3A_266 = vector.broadcast %broadcast_in_dim3A_265 : vector<1x128xi32> to vector<256x128xi32>
      %eq3A_267 = arith.cmpi eq, %iota3A_171, %eq3A_266 : vector<256x128xi32>
      %jit3A_268 = arith.constant 0xFF800000 : f32
      %broadcast_in_dim3A_269 = vector.broadcast %jit3A_268 : f32 to vector<256x128xf32>
      %select_n3A_270 = arith.select %eq3A_267, %broadcast_in_dim3A_269, %select_n3A_254 : vector<256x128xi1>, vector<256x128xf32>
      %reduce_max3A_271 = arith.constant dense<0xFF800000> : vector<128xf32>
      %reduce_max3A_272 = vector.multi_reduction <maximumf>, %select_n3A_270, %reduce_max3A_271 [0] : vector<256x128xf32> to vector<128xf32>
      %broadcast_in_dim3A_273 = vector.shape_cast %reduce_max3A_272 : vector<128xf32> to vector<1x128xf32>
      %eq3A_274 = vector.broadcast %broadcast_in_dim3A_273 : vector<1x128xf32> to vector<256x128xf32>
      %eq3A_275 = arith.cmpf oeq, %select_n3A_270, %eq3A_274 : vector<256x128xf32>
      %jit3A_276 = arith.constant 256 : i32
      %broadcast_in_dim3A_277 = vector.broadcast %jit3A_276 : i32 to vector<256x128xi32>
      %select_n3A_278 = arith.select %eq3A_275, %iota3A_171, %broadcast_in_dim3A_277 : vector<256x128xi1>, vector<256x128xi32>
      %reduce_min3A_279 = arith.constant dense<2147483647> : vector<128xi32>
      %reduce_min3A_280 = vector.multi_reduction <minsi>, %select_n3A_278, %reduce_min3A_279 [0] : vector<256x128xi32> to vector<128xi32>
      %broadcast_in_dim3A_281 = vector.shape_cast %reduce_min3A_280 : vector<128xi32> to vector<1x128xi32>
      %eq3A_282 = vector.broadcast %broadcast_in_dim3A_281 : vector<1x128xi32> to vector<256x128xi32>
      %eq3A_283 = arith.cmpi eq, %iota3A_171, %eq3A_282 : vector<256x128xi32>
      %jit3A_284 = arith.constant 0xFF800000 : f32
      %broadcast_in_dim3A_285 = vector.broadcast %jit3A_284 : f32 to vector<256x128xf32>
      %select_n3A_286 = arith.select %eq3A_283, %broadcast_in_dim3A_285, %select_n3A_270 : vector<256x128xi1>, vector<256x128xf32>
      %reduce_max3A_287 = arith.constant dense<0xFF800000> : vector<128xf32>
      %reduce_max3A_288 = vector.multi_reduction <maximumf>, %select_n3A_286, %reduce_max3A_287 [0] : vector<256x128xf32> to vector<128xf32>
      %broadcast_in_dim3A_289 = vector.shape_cast %reduce_max3A_288 : vector<128xf32> to vector<1x128xf32>
      %eq3A_290 = vector.broadcast %broadcast_in_dim3A_289 : vector<1x128xf32> to vector<256x128xf32>
      %eq3A_291 = arith.cmpf oeq, %select_n3A_286, %eq3A_290 : vector<256x128xf32>
      %jit3A_292 = arith.constant 256 : i32
      %broadcast_in_dim3A_293 = vector.broadcast %jit3A_292 : i32 to vector<256x128xi32>
      %select_n3A_294 = arith.select %eq3A_291, %iota3A_171, %broadcast_in_dim3A_293 : vector<256x128xi1>, vector<256x128xi32>
      %reduce_min3A_295 = arith.constant dense<2147483647> : vector<128xi32>
      %reduce_min3A_296 = vector.multi_reduction <minsi>, %select_n3A_294, %reduce_min3A_295 [0] : vector<256x128xi32> to vector<128xi32>
      %broadcast_in_dim3A_297 = vector.shape_cast %reduce_min3A_296 : vector<128xi32> to vector<1x128xi32>
      %eq3A_298 = vector.broadcast %broadcast_in_dim3A_297 : vector<1x128xi32> to vector<256x128xi32>
      %eq3A_299 = arith.cmpi eq, %iota3A_171, %eq3A_298 : vector<256x128xi32>
      %jit3A_300 = arith.constant 0xFF800000 : f32
      %broadcast_in_dim3A_301 = vector.broadcast %jit3A_300 : f32 to vector<256x128xf32>
      %select_n3A_302 = arith.select %eq3A_299, %broadcast_in_dim3A_301, %select_n3A_286 : vector<256x128xi1>, vector<256x128xf32>
      %reduce_max3A_303 = arith.constant dense<0xFF800000> : vector<128xf32>
      %reduce_max3A_304 = vector.multi_reduction <maximumf>, %select_n3A_302, %reduce_max3A_303 [0] : vector<256x128xf32> to vector<128xf32>
      %broadcast_in_dim3A_305 = vector.shape_cast %reduce_max3A_304 : vector<128xf32> to vector<1x128xf32>
      %eq3A_306 = vector.broadcast %broadcast_in_dim3A_305 : vector<1x128xf32> to vector<256x128xf32>
      %eq3A_307 = arith.cmpf oeq, %select_n3A_302, %eq3A_306 : vector<256x128xf32>
      %jit3A_308 = arith.constant 256 : i32
      %broadcast_in_dim3A_309 = vector.broadcast %jit3A_308 : i32 to vector<256x128xi32>
      %select_n3A_310 = arith.select %eq3A_307, %iota3A_171, %broadcast_in_dim3A_309 : vector<256x128xi1>, vector<256x128xi32>
      %reduce_min3A_311 = arith.constant dense<2147483647> : vector<128xi32>
      %reduce_min3A_312 = vector.multi_reduction <minsi>, %select_n3A_310, %reduce_min3A_311 [0] : vector<256x128xi32> to vector<128xi32>
      %broadcast_in_dim3A_313 = vector.shape_cast %reduce_min3A_312 : vector<128xi32> to vector<1x128xi32>
      %eq3A_314 = vector.broadcast %broadcast_in_dim3A_313 : vector<1x128xi32> to vector<256x128xi32>
      %eq3A_315 = arith.cmpi eq, %iota3A_171, %eq3A_314 : vector<256x128xi32>
      %jit3A_316 = arith.constant 0xFF800000 : f32
      %broadcast_in_dim3A_317 = vector.broadcast %jit3A_316 : f32 to vector<256x128xf32>
      %select_n3A_318 = arith.select %eq3A_315, %broadcast_in_dim3A_317, %select_n3A_302 : vector<256x128xi1>, vector<256x128xf32>
      %reduce_max3A_319 = arith.constant dense<0xFF800000> : vector<128xf32>
      %reduce_max3A_320 = vector.multi_reduction <maximumf>, %select_n3A_318, %reduce_max3A_319 [0] : vector<256x128xf32> to vector<128xf32>
      %broadcast_in_dim3A_321 = vector.shape_cast %reduce_max3A_320 : vector<128xf32> to vector<1x128xf32>
      %eq3A_322 = vector.broadcast %broadcast_in_dim3A_321 : vector<1x128xf32> to vector<256x128xf32>
      %eq3A_323 = arith.cmpf oeq, %select_n3A_318, %eq3A_322 : vector<256x128xf32>
      %jit3A_324 = arith.constant 256 : i32
      %broadcast_in_dim3A_325 = vector.broadcast %jit3A_324 : i32 to vector<256x128xi32>
      %select_n3A_326 = arith.select %eq3A_323, %iota3A_171, %broadcast_in_dim3A_325 : vector<256x128xi1>, vector<256x128xi32>
      %reduce_min3A_327 = arith.constant dense<2147483647> : vector<128xi32>
      %reduce_min3A_328 = vector.multi_reduction <minsi>, %select_n3A_326, %reduce_min3A_327 [0] : vector<256x128xi32> to vector<128xi32>
      %broadcast_in_dim3A_329 = vector.shape_cast %reduce_min3A_328 : vector<128xi32> to vector<1x128xi32>
      %eq3A_330 = vector.broadcast %broadcast_in_dim3A_329 : vector<1x128xi32> to vector<256x128xi32>
      %eq3A_331 = arith.cmpi eq, %iota3A_171, %eq3A_330 : vector<256x128xi32>
      %jit3A_332 = arith.constant 0xFF800000 : f32
      %broadcast_in_dim3A_333 = vector.broadcast %jit3A_332 : f32 to vector<256x128xf32>
      %select_n3A_334 = arith.select %eq3A_331, %broadcast_in_dim3A_333, %select_n3A_318 : vector<256x128xi1>, vector<256x128xf32>
      %reduce_max3A_335 = arith.constant dense<0xFF800000> : vector<128xf32>
      %reduce_max3A_336 = vector.multi_reduction <maximumf>, %select_n3A_334, %reduce_max3A_335 [0] : vector<256x128xf32> to vector<128xf32>
      %broadcast_in_dim3A_337 = vector.shape_cast %reduce_max3A_336 : vector<128xf32> to vector<1x128xf32>
      %eq3A_338 = vector.broadcast %broadcast_in_dim3A_337 : vector<1x128xf32> to vector<256x128xf32>
      %eq3A_339 = arith.cmpf oeq, %select_n3A_334, %eq3A_338 : vector<256x128xf32>
      %jit3A_340 = arith.constant 256 : i32
      %broadcast_in_dim3A_341 = vector.broadcast %jit3A_340 : i32 to vector<256x128xi32>
      %select_n3A_342 = arith.select %eq3A_339, %iota3A_171, %broadcast_in_dim3A_341 : vector<256x128xi1>, vector<256x128xi32>
      %reduce_min3A_343 = arith.constant dense<2147483647> : vector<128xi32>
      %reduce_min3A_344 = vector.multi_reduction <minsi>, %select_n3A_342, %reduce_min3A_343 [0] : vector<256x128xi32> to vector<128xi32>
      %broadcast_in_dim3A_345 = vector.shape_cast %reduce_min3A_344 : vector<128xi32> to vector<1x128xi32>
      %eq3A_346 = vector.broadcast %broadcast_in_dim3A_345 : vector<1x128xi32> to vector<256x128xi32>
      %eq3A_347 = arith.cmpi eq, %iota3A_171, %eq3A_346 : vector<256x128xi32>
      %jit3A_348 = arith.constant 0xFF800000 : f32
      %broadcast_in_dim3A_349 = vector.broadcast %jit3A_348 : f32 to vector<256x128xf32>
      %select_n3A_350 = arith.select %eq3A_347, %broadcast_in_dim3A_349, %select_n3A_334 : vector<256x128xi1>, vector<256x128xf32>
      %reduce_max3A_351 = arith.constant dense<0xFF800000> : vector<128xf32>
      %reduce_max3A_352 = vector.multi_reduction <maximumf>, %select_n3A_350, %reduce_max3A_351 [0] : vector<256x128xf32> to vector<128xf32>
      %broadcast_in_dim3A_353 = vector.shape_cast %reduce_max3A_352 : vector<128xf32> to vector<1x128xf32>
      %eq3A_354 = vector.broadcast %broadcast_in_dim3A_353 : vector<1x128xf32> to vector<256x128xf32>
      %eq3A_355 = arith.cmpf oeq, %select_n3A_350, %eq3A_354 : vector<256x128xf32>
      %jit3A_356 = arith.constant 256 : i32
      %broadcast_in_dim3A_357 = vector.broadcast %jit3A_356 : i32 to vector<256x128xi32>
      %select_n3A_358 = arith.select %eq3A_355, %iota3A_171, %broadcast_in_dim3A_357 : vector<256x128xi1>, vector<256x128xi32>
      %reduce_min3A_359 = arith.constant dense<2147483647> : vector<128xi32>
      %reduce_min3A_360 = vector.multi_reduction <minsi>, %select_n3A_358, %reduce_min3A_359 [0] : vector<256x128xi32> to vector<128xi32>
      %broadcast_in_dim3A_361 = vector.shape_cast %reduce_min3A_360 : vector<128xi32> to vector<1x128xi32>
      %eq3A_362 = vector.broadcast %broadcast_in_dim3A_361 : vector<1x128xi32> to vector<256x128xi32>
      %eq3A_363 = arith.cmpi eq, %iota3A_171, %eq3A_362 : vector<256x128xi32>
      %jit3A_364 = arith.constant 0xFF800000 : f32
      %broadcast_in_dim3A_365 = vector.broadcast %jit3A_364 : f32 to vector<256x128xf32>
      %select_n3A_366 = arith.select %eq3A_363, %broadcast_in_dim3A_365, %select_n3A_350 : vector<256x128xi1>, vector<256x128xf32>
      %reduce_max3A_367 = arith.constant dense<0xFF800000> : vector<128xf32>
      %reduce_max3A_368 = vector.multi_reduction <maximumf>, %select_n3A_366, %reduce_max3A_367 [0] : vector<256x128xf32> to vector<128xf32>
      %broadcast_in_dim3A_369 = vector.shape_cast %reduce_max3A_368 : vector<128xf32> to vector<1x128xf32>
      %eq3A_370 = vector.broadcast %broadcast_in_dim3A_369 : vector<1x128xf32> to vector<256x128xf32>
      %eq3A_371 = arith.cmpf oeq, %select_n3A_366, %eq3A_370 : vector<256x128xf32>
      %jit3A_372 = arith.constant 256 : i32
      %broadcast_in_dim3A_373 = vector.broadcast %jit3A_372 : i32 to vector<256x128xi32>
      %select_n3A_374 = arith.select %eq3A_371, %iota3A_171, %broadcast_in_dim3A_373 : vector<256x128xi1>, vector<256x128xi32>
      %reduce_min3A_375 = arith.constant dense<2147483647> : vector<128xi32>
      %reduce_min3A_376 = vector.multi_reduction <minsi>, %select_n3A_374, %reduce_min3A_375 [0] : vector<256x128xi32> to vector<128xi32>
      %broadcast_in_dim3A_377 = vector.shape_cast %reduce_min3A_376 : vector<128xi32> to vector<1x128xi32>
      %eq3A_378 = vector.broadcast %broadcast_in_dim3A_377 : vector<1x128xi32> to vector<256x128xi32>
      %eq3A_379 = arith.cmpi eq, %iota3A_171, %eq3A_378 : vector<256x128xi32>
      %jit3A_380 = arith.constant 0xFF800000 : f32
      %broadcast_in_dim3A_381 = vector.broadcast %jit3A_380 : f32 to vector<256x128xf32>
      %select_n3A_382 = arith.select %eq3A_379, %broadcast_in_dim3A_381, %select_n3A_366 : vector<256x128xi1>, vector<256x128xf32>
      %reduce_max3A_383 = arith.constant dense<0xFF800000> : vector<128xf32>
      %reduce_max3A_384 = vector.multi_reduction <maximumf>, %select_n3A_382, %reduce_max3A_383 [0] : vector<256x128xf32> to vector<128xf32>
      %broadcast_in_dim3A_385 = vector.shape_cast %reduce_max3A_384 : vector<128xf32> to vector<1x128xf32>
      %eq3A_386 = vector.broadcast %broadcast_in_dim3A_385 : vector<1x128xf32> to vector<256x128xf32>
      %eq3A_387 = arith.cmpf oeq, %select_n3A_382, %eq3A_386 : vector<256x128xf32>
      %jit3A_388 = arith.constant 256 : i32
      %broadcast_in_dim3A_389 = vector.broadcast %jit3A_388 : i32 to vector<256x128xi32>
      %select_n3A_390 = arith.select %eq3A_387, %iota3A_171, %broadcast_in_dim3A_389 : vector<256x128xi1>, vector<256x128xi32>
      %reduce_min3A_391 = arith.constant dense<2147483647> : vector<128xi32>
      %reduce_min3A_392 = vector.multi_reduction <minsi>, %select_n3A_390, %reduce_min3A_391 [0] : vector<256x128xi32> to vector<128xi32>
      %broadcast_in_dim3A_393 = vector.shape_cast %reduce_min3A_392 : vector<128xi32> to vector<1x128xi32>
      %eq3A_394 = vector.broadcast %broadcast_in_dim3A_393 : vector<1x128xi32> to vector<256x128xi32>
      %eq3A_395 = arith.cmpi eq, %iota3A_171, %eq3A_394 : vector<256x128xi32>
      %jit3A_396 = arith.constant 0xFF800000 : f32
      %broadcast_in_dim3A_397 = vector.broadcast %jit3A_396 : f32 to vector<256x128xf32>
      %select_n3A_398 = arith.select %eq3A_395, %broadcast_in_dim3A_397, %select_n3A_382 : vector<256x128xi1>, vector<256x128xf32>
      %reduce_max3A_399 = arith.constant dense<0xFF800000> : vector<128xf32>
      %reduce_max3A_400 = vector.multi_reduction <maximumf>, %select_n3A_398, %reduce_max3A_399 [0] : vector<256x128xf32> to vector<128xf32>
      %broadcast_in_dim3A_401 = vector.shape_cast %reduce_max3A_400 : vector<128xf32> to vector<1x128xf32>
      %eq3A_402 = vector.broadcast %broadcast_in_dim3A_401 : vector<1x128xf32> to vector<256x128xf32>
      %eq3A_403 = arith.cmpf oeq, %select_n3A_398, %eq3A_402 : vector<256x128xf32>
      %jit3A_404 = arith.constant 256 : i32
      %broadcast_in_dim3A_405 = vector.broadcast %jit3A_404 : i32 to vector<256x128xi32>
      %select_n3A_406 = arith.select %eq3A_403, %iota3A_171, %broadcast_in_dim3A_405 : vector<256x128xi1>, vector<256x128xi32>
      %reduce_min3A_407 = arith.constant dense<2147483647> : vector<128xi32>
      %reduce_min3A_408 = vector.multi_reduction <minsi>, %select_n3A_406, %reduce_min3A_407 [0] : vector<256x128xi32> to vector<128xi32>
      %broadcast_in_dim3A_409 = vector.shape_cast %reduce_min3A_408 : vector<128xi32> to vector<1x128xi32>
      %eq3A_410 = vector.broadcast %broadcast_in_dim3A_409 : vector<1x128xi32> to vector<256x128xi32>
      %eq3A_411 = arith.cmpi eq, %iota3A_171, %eq3A_410 : vector<256x128xi32>
      %jit3A_412 = arith.constant 0xFF800000 : f32
      %broadcast_in_dim3A_413 = vector.broadcast %jit3A_412 : f32 to vector<256x128xf32>
      %select_n3A_414 = arith.select %eq3A_411, %broadcast_in_dim3A_413, %select_n3A_398 : vector<256x128xi1>, vector<256x128xf32>
      %reduce_max3A_415 = arith.constant dense<0xFF800000> : vector<128xf32>
      %reduce_max3A_416 = vector.multi_reduction <maximumf>, %select_n3A_414, %reduce_max3A_415 [0] : vector<256x128xf32> to vector<128xf32>
      %broadcast_in_dim3A_417 = vector.shape_cast %reduce_max3A_416 : vector<128xf32> to vector<1x128xf32>
      %eq3A_418 = vector.broadcast %broadcast_in_dim3A_417 : vector<1x128xf32> to vector<256x128xf32>
      %eq3A_419 = arith.cmpf oeq, %select_n3A_414, %eq3A_418 : vector<256x128xf32>
      %jit3A_420 = arith.constant 256 : i32
      %broadcast_in_dim3A_421 = vector.broadcast %jit3A_420 : i32 to vector<256x128xi32>
      %select_n3A_422 = arith.select %eq3A_419, %iota3A_171, %broadcast_in_dim3A_421 : vector<256x128xi1>, vector<256x128xi32>
      %reduce_min3A_423 = arith.constant dense<2147483647> : vector<128xi32>
      %reduce_min3A_424 = vector.multi_reduction <minsi>, %select_n3A_422, %reduce_min3A_423 [0] : vector<256x128xi32> to vector<128xi32>
      %broadcast_in_dim3A_425 = vector.shape_cast %reduce_min3A_424 : vector<128xi32> to vector<1x128xi32>
      %concatenate3A_426 = tpu.concatenate %broadcast_in_dim3A_185, %broadcast_in_dim3A_201, %broadcast_in_dim3A_217, %broadcast_in_dim3A_233, %broadcast_in_dim3A_249, %broadcast_in_dim3A_265, %broadcast_in_dim3A_281, %broadcast_in_dim3A_297, %broadcast_in_dim3A_313, %broadcast_in_dim3A_329, %broadcast_in_dim3A_345, %broadcast_in_dim3A_361, %broadcast_in_dim3A_377, %broadcast_in_dim3A_393, %broadcast_in_dim3A_409, %broadcast_in_dim3A_425 in 0 : vector<1x128xi32>, vector<1x128xi32>, vector<1x128xi32>, vector<1x128xi32>, vector<1x128xi32>, vector<1x128xi32>, vector<1x128xi32>, vector<1x128xi32>, vector<1x128xi32>, vector<1x128xi32>, vector<1x128xi32>, vector<1x128xi32>, vector<1x128xi32>, vector<1x128xi32>, vector<1x128xi32>, vector<1x128xi32> -> vector<16x128xi32>
      %shift_right_arithmetic3A = arith.constant 5 : i32
      %shift_right_arithmetic3A_427 = vector.broadcast %shift_right_arithmetic3A : i32 to vector<16x128xi32>
      %shift_right_arithmetic3A_428 = arith.shrsi %concatenate3A_426, %shift_right_arithmetic3A_427 : vector<16x128xi32>
      %mul3A_429 = arith.constant 25 : i32
      %mul3A_430 = vector.broadcast %mul3A_429 : i32 to vector<16x128xi32>
      %mul3A_431 = arith.muli %shift_right_arithmetic3A_428, %mul3A_430 : vector<16x128xi32>
      %and3A = arith.constant 31 : i32
      %and3A_432 = vector.broadcast %and3A : i32 to vector<16x128xi32>
      %and3A_433 = arith.andi %concatenate3A_426, %and3A_432 : vector<16x128xi32>
      %add3A_434 = arith.addi %mul3A_431, %and3A_433 : vector<16x128xi32>
      %transpose3A = tpu.transpose %add3A_434, [1, 0] : vector<16x128xi32> -> vector<128x16xi32>
      %iota3A_435 = tpu.iota {dimensions = array<i32: 1>} : vector<128x80xi32>
      %jit3A_436 = arith.constant 5 : i32
      %div3A = vector.broadcast %jit3A_436 : i32 to vector<128x80xi32>
      %div3A_437 = arith.divsi %iota3A_435, %div3A : vector<128x80xi32>
      %sign3A = arith.constant 0 : i32
      %sign3A_438 = vector.broadcast %sign3A : i32 to vector<128x80xi32>
      %sign3A_439 = arith.cmpi sgt, %iota3A_435, %sign3A_438 : vector<128x80xi32>
      %sign3A_440 = arith.extui %sign3A_439 : vector<128x80xi1> to vector<128x80xi32>
      %sign3A_441 = arith.constant 0 : i32
      %sign3A_442 = vector.broadcast %sign3A_441 : i32 to vector<128x80xi32>
      %sign3A_443 = arith.cmpi slt, %iota3A_435, %sign3A_442 : vector<128x80xi32>
      %sign3A_444 = arith.extui %sign3A_443 : vector<128x80xi1> to vector<128x80xi32>
      %sign3A_445 = arith.subi %sign3A_440, %sign3A_444 : vector<128x80xi32>
      %sign3A_446 = arith.constant 0 : i32
      %sign3A_447 = arith.cmpi sgt, %jit3A_436, %sign3A_446 : i32
      %sign3A_448 = arith.extui %sign3A_447 : i1 to i32
      %sign3A_449 = arith.constant 0 : i32
      %sign3A_450 = arith.cmpi slt, %jit3A_436, %sign3A_449 : i32
      %sign3A_451 = arith.extui %sign3A_450 : i1 to i32
      %sign3A_452 = arith.subi %sign3A_448, %sign3A_451 : i32
      %ne3A = vector.broadcast %sign3A_452 : i32 to vector<128x80xi32>
      %ne3A_453 = arith.cmpi ne, %sign3A_445, %ne3A : vector<128x80xi32>
      %rem3A = vector.broadcast %jit3A_436 : i32 to vector<128x80xi32>
      %rem3A_454 = arith.remsi %iota3A_435, %rem3A : vector<128x80xi32>
      %ne3A_455 = arith.constant 0 : i32
      %ne3A_456 = vector.broadcast %ne3A_455 : i32 to vector<128x80xi32>
      %ne3A_457 = arith.cmpi ne, %rem3A_454, %ne3A_456 : vector<128x80xi32>
      %and3A_458 = arith.andi %ne3A_453, %ne3A_457 : vector<128x80xi1>
      %sub3A = arith.constant 1 : i32
      %sub3A_459 = vector.broadcast %sub3A : i32 to vector<128x80xi32>
      %sub3A_460 = arith.subi %div3A_437, %sub3A_459 : vector<128x80xi32>
      %select_n3A_461 = arith.select %and3A_458, %sub3A_460, %div3A_437 : vector<128x80xi1>, vector<128x80xi32>
      %iota3A_462 = tpu.iota {dimensions = array<i32: 1>} : vector<128x16xi32>
      %broadcast_in_dim3A_463 = arith.constant 0 : i32
      %broadcast_in_dim3A_464 = vector.broadcast %broadcast_in_dim3A_463 : i32 to vector<128x80xi32>
      %eq3A_465 = arith.constant 0 : i32
      %eq3A_466 = vector.broadcast %eq3A_465 : i32 to vector<128x16xi32>
      %eq3A_467 = arith.cmpi eq, %iota3A_462, %eq3A_466 : vector<128x16xi32>
      %jit3A_468 = arith.constant 0 : i32
      %broadcast_in_dim3A_469 = vector.broadcast %jit3A_468 : i32 to vector<128x16xi32>
      %select_n3A_470 = arith.select %eq3A_467, %transpose3A, %broadcast_in_dim3A_469 : vector<128x16xi1>, vector<128x16xi32>
      %reduce_sum3A = arith.constant dense<0> : vector<128xi32>
      %reduce_sum3A_471 = vector.multi_reduction <add>, %select_n3A_470, %reduce_sum3A [1] : vector<128x16xi32> to vector<128xi32>
      %broadcast_in_dim3A_472 = vector.shape_cast %reduce_sum3A_471 : vector<128xi32> to vector<128x1xi32>
      %eq3A_473 = arith.constant 0 : i32
      %eq3A_474 = vector.broadcast %eq3A_473 : i32 to vector<128x80xi32>
      %eq3A_475 = arith.cmpi eq, %select_n3A_461, %eq3A_474 : vector<128x80xi32>
      %broadcast_in_dim3A_476 = vector.shape_cast %broadcast_in_dim3A_472 : vector<128x1xi32> to vector<128x1xi32>
      %broadcast_in_dim3A_477 = vector.broadcast %broadcast_in_dim3A_476 : vector<128x1xi32> to vector<128x80xi32>
      %select_n3A_478 = arith.select %eq3A_475, %broadcast_in_dim3A_477, %broadcast_in_dim3A_464 : vector<128x80xi1>, vector<128x80xi32>
      %eq3A_479 = arith.constant 1 : i32
      %eq3A_480 = vector.broadcast %eq3A_479 : i32 to vector<128x16xi32>
      %eq3A_481 = arith.cmpi eq, %iota3A_462, %eq3A_480 : vector<128x16xi32>
      %jit3A_482 = arith.constant 0 : i32
      %broadcast_in_dim3A_483 = vector.broadcast %jit3A_482 : i32 to vector<128x16xi32>
      %select_n3A_484 = arith.select %eq3A_481, %transpose3A, %broadcast_in_dim3A_483 : vector<128x16xi1>, vector<128x16xi32>
      %reduce_sum3A_485 = arith.constant dense<0> : vector<128xi32>
      %reduce_sum3A_486 = vector.multi_reduction <add>, %select_n3A_484, %reduce_sum3A_485 [1] : vector<128x16xi32> to vector<128xi32>
      %broadcast_in_dim3A_487 = vector.shape_cast %reduce_sum3A_486 : vector<128xi32> to vector<128x1xi32>
      %eq3A_488 = arith.constant 1 : i32
      %eq3A_489 = vector.broadcast %eq3A_488 : i32 to vector<128x80xi32>
      %eq3A_490 = arith.cmpi eq, %select_n3A_461, %eq3A_489 : vector<128x80xi32>
      %broadcast_in_dim3A_491 = vector.shape_cast %broadcast_in_dim3A_487 : vector<128x1xi32> to vector<128x1xi32>
      %broadcast_in_dim3A_492 = vector.broadcast %broadcast_in_dim3A_491 : vector<128x1xi32> to vector<128x80xi32>
      %select_n3A_493 = arith.select %eq3A_490, %broadcast_in_dim3A_492, %select_n3A_478 : vector<128x80xi1>, vector<128x80xi32>
      %eq3A_494 = arith.constant 2 : i32
      %eq3A_495 = vector.broadcast %eq3A_494 : i32 to vector<128x16xi32>
      %eq3A_496 = arith.cmpi eq, %iota3A_462, %eq3A_495 : vector<128x16xi32>
      %jit3A_497 = arith.constant 0 : i32
      %broadcast_in_dim3A_498 = vector.broadcast %jit3A_497 : i32 to vector<128x16xi32>
      %select_n3A_499 = arith.select %eq3A_496, %transpose3A, %broadcast_in_dim3A_498 : vector<128x16xi1>, vector<128x16xi32>
      %reduce_sum3A_500 = arith.constant dense<0> : vector<128xi32>
      %reduce_sum3A_501 = vector.multi_reduction <add>, %select_n3A_499, %reduce_sum3A_500 [1] : vector<128x16xi32> to vector<128xi32>
      %broadcast_in_dim3A_502 = vector.shape_cast %reduce_sum3A_501 : vector<128xi32> to vector<128x1xi32>
      %eq3A_503 = arith.constant 2 : i32
      %eq3A_504 = vector.broadcast %eq3A_503 : i32 to vector<128x80xi32>
      %eq3A_505 = arith.cmpi eq, %select_n3A_461, %eq3A_504 : vector<128x80xi32>
      %broadcast_in_dim3A_506 = vector.shape_cast %broadcast_in_dim3A_502 : vector<128x1xi32> to vector<128x1xi32>
      %broadcast_in_dim3A_507 = vector.broadcast %broadcast_in_dim3A_506 : vector<128x1xi32> to vector<128x80xi32>
      %select_n3A_508 = arith.select %eq3A_505, %broadcast_in_dim3A_507, %select_n3A_493 : vector<128x80xi1>, vector<128x80xi32>
      %eq3A_509 = arith.constant 3 : i32
      %eq3A_510 = vector.broadcast %eq3A_509 : i32 to vector<128x16xi32>
      %eq3A_511 = arith.cmpi eq, %iota3A_462, %eq3A_510 : vector<128x16xi32>
      %jit3A_512 = arith.constant 0 : i32
      %broadcast_in_dim3A_513 = vector.broadcast %jit3A_512 : i32 to vector<128x16xi32>
      %select_n3A_514 = arith.select %eq3A_511, %transpose3A, %broadcast_in_dim3A_513 : vector<128x16xi1>, vector<128x16xi32>
      %reduce_sum3A_515 = arith.constant dense<0> : vector<128xi32>
      %reduce_sum3A_516 = vector.multi_reduction <add>, %select_n3A_514, %reduce_sum3A_515 [1] : vector<128x16xi32> to vector<128xi32>
      %broadcast_in_dim3A_517 = vector.shape_cast %reduce_sum3A_516 : vector<128xi32> to vector<128x1xi32>
      %eq3A_518 = arith.constant 3 : i32
      %eq3A_519 = vector.broadcast %eq3A_518 : i32 to vector<128x80xi32>
      %eq3A_520 = arith.cmpi eq, %select_n3A_461, %eq3A_519 : vector<128x80xi32>
      %broadcast_in_dim3A_521 = vector.shape_cast %broadcast_in_dim3A_517 : vector<128x1xi32> to vector<128x1xi32>
      %broadcast_in_dim3A_522 = vector.broadcast %broadcast_in_dim3A_521 : vector<128x1xi32> to vector<128x80xi32>
      %select_n3A_523 = arith.select %eq3A_520, %broadcast_in_dim3A_522, %select_n3A_508 : vector<128x80xi1>, vector<128x80xi32>
      %eq3A_524 = arith.constant 4 : i32
      %eq3A_525 = vector.broadcast %eq3A_524 : i32 to vector<128x16xi32>
      %eq3A_526 = arith.cmpi eq, %iota3A_462, %eq3A_525 : vector<128x16xi32>
      %jit3A_527 = arith.constant 0 : i32
      %broadcast_in_dim3A_528 = vector.broadcast %jit3A_527 : i32 to vector<128x16xi32>
      %select_n3A_529 = arith.select %eq3A_526, %transpose3A, %broadcast_in_dim3A_528 : vector<128x16xi1>, vector<128x16xi32>
      %reduce_sum3A_530 = arith.constant dense<0> : vector<128xi32>
      %reduce_sum3A_531 = vector.multi_reduction <add>, %select_n3A_529, %reduce_sum3A_530 [1] : vector<128x16xi32> to vector<128xi32>
      %broadcast_in_dim3A_532 = vector.shape_cast %reduce_sum3A_531 : vector<128xi32> to vector<128x1xi32>
      %eq3A_533 = arith.constant 4 : i32
      %eq3A_534 = vector.broadcast %eq3A_533 : i32 to vector<128x80xi32>
      %eq3A_535 = arith.cmpi eq, %select_n3A_461, %eq3A_534 : vector<128x80xi32>
      %broadcast_in_dim3A_536 = vector.shape_cast %broadcast_in_dim3A_532 : vector<128x1xi32> to vector<128x1xi32>
      %broadcast_in_dim3A_537 = vector.broadcast %broadcast_in_dim3A_536 : vector<128x1xi32> to vector<128x80xi32>
      %select_n3A_538 = arith.select %eq3A_535, %broadcast_in_dim3A_537, %select_n3A_523 : vector<128x80xi1>, vector<128x80xi32>
      %eq3A_539 = arith.constant 5 : i32
      %eq3A_540 = vector.broadcast %eq3A_539 : i32 to vector<128x16xi32>
      %eq3A_541 = arith.cmpi eq, %iota3A_462, %eq3A_540 : vector<128x16xi32>
      %jit3A_542 = arith.constant 0 : i32
      %broadcast_in_dim3A_543 = vector.broadcast %jit3A_542 : i32 to vector<128x16xi32>
      %select_n3A_544 = arith.select %eq3A_541, %transpose3A, %broadcast_in_dim3A_543 : vector<128x16xi1>, vector<128x16xi32>
      %reduce_sum3A_545 = arith.constant dense<0> : vector<128xi32>
      %reduce_sum3A_546 = vector.multi_reduction <add>, %select_n3A_544, %reduce_sum3A_545 [1] : vector<128x16xi32> to vector<128xi32>
      %broadcast_in_dim3A_547 = vector.shape_cast %reduce_sum3A_546 : vector<128xi32> to vector<128x1xi32>
      %eq3A_548 = arith.constant 5 : i32
      %eq3A_549 = vector.broadcast %eq3A_548 : i32 to vector<128x80xi32>
      %eq3A_550 = arith.cmpi eq, %select_n3A_461, %eq3A_549 : vector<128x80xi32>
      %broadcast_in_dim3A_551 = vector.shape_cast %broadcast_in_dim3A_547 : vector<128x1xi32> to vector<128x1xi32>
      %broadcast_in_dim3A_552 = vector.broadcast %broadcast_in_dim3A_551 : vector<128x1xi32> to vector<128x80xi32>
      %select_n3A_553 = arith.select %eq3A_550, %broadcast_in_dim3A_552, %select_n3A_538 : vector<128x80xi1>, vector<128x80xi32>
      %eq3A_554 = arith.constant 6 : i32
      %eq3A_555 = vector.broadcast %eq3A_554 : i32 to vector<128x16xi32>
      %eq3A_556 = arith.cmpi eq, %iota3A_462, %eq3A_555 : vector<128x16xi32>
      %jit3A_557 = arith.constant 0 : i32
      %broadcast_in_dim3A_558 = vector.broadcast %jit3A_557 : i32 to vector<128x16xi32>
      %select_n3A_559 = arith.select %eq3A_556, %transpose3A, %broadcast_in_dim3A_558 : vector<128x16xi1>, vector<128x16xi32>
      %reduce_sum3A_560 = arith.constant dense<0> : vector<128xi32>
      %reduce_sum3A_561 = vector.multi_reduction <add>, %select_n3A_559, %reduce_sum3A_560 [1] : vector<128x16xi32> to vector<128xi32>
      %broadcast_in_dim3A_562 = vector.shape_cast %reduce_sum3A_561 : vector<128xi32> to vector<128x1xi32>
      %eq3A_563 = arith.constant 6 : i32
      %eq3A_564 = vector.broadcast %eq3A_563 : i32 to vector<128x80xi32>
      %eq3A_565 = arith.cmpi eq, %select_n3A_461, %eq3A_564 : vector<128x80xi32>
      %broadcast_in_dim3A_566 = vector.shape_cast %broadcast_in_dim3A_562 : vector<128x1xi32> to vector<128x1xi32>
      %broadcast_in_dim3A_567 = vector.broadcast %broadcast_in_dim3A_566 : vector<128x1xi32> to vector<128x80xi32>
      %select_n3A_568 = arith.select %eq3A_565, %broadcast_in_dim3A_567, %select_n3A_553 : vector<128x80xi1>, vector<128x80xi32>
      %eq3A_569 = arith.constant 7 : i32
      %eq3A_570 = vector.broadcast %eq3A_569 : i32 to vector<128x16xi32>
      %eq3A_571 = arith.cmpi eq, %iota3A_462, %eq3A_570 : vector<128x16xi32>
      %jit3A_572 = arith.constant 0 : i32
      %broadcast_in_dim3A_573 = vector.broadcast %jit3A_572 : i32 to vector<128x16xi32>
      %select_n3A_574 = arith.select %eq3A_571, %transpose3A, %broadcast_in_dim3A_573 : vector<128x16xi1>, vector<128x16xi32>
      %reduce_sum3A_575 = arith.constant dense<0> : vector<128xi32>
      %reduce_sum3A_576 = vector.multi_reduction <add>, %select_n3A_574, %reduce_sum3A_575 [1] : vector<128x16xi32> to vector<128xi32>
      %broadcast_in_dim3A_577 = vector.shape_cast %reduce_sum3A_576 : vector<128xi32> to vector<128x1xi32>
      %eq3A_578 = arith.constant 7 : i32
      %eq3A_579 = vector.broadcast %eq3A_578 : i32 to vector<128x80xi32>
      %eq3A_580 = arith.cmpi eq, %select_n3A_461, %eq3A_579 : vector<128x80xi32>
      %broadcast_in_dim3A_581 = vector.shape_cast %broadcast_in_dim3A_577 : vector<128x1xi32> to vector<128x1xi32>
      %broadcast_in_dim3A_582 = vector.broadcast %broadcast_in_dim3A_581 : vector<128x1xi32> to vector<128x80xi32>
      %select_n3A_583 = arith.select %eq3A_580, %broadcast_in_dim3A_582, %select_n3A_568 : vector<128x80xi1>, vector<128x80xi32>
      %eq3A_584 = arith.constant 8 : i32
      %eq3A_585 = vector.broadcast %eq3A_584 : i32 to vector<128x16xi32>
      %eq3A_586 = arith.cmpi eq, %iota3A_462, %eq3A_585 : vector<128x16xi32>
      %jit3A_587 = arith.constant 0 : i32
      %broadcast_in_dim3A_588 = vector.broadcast %jit3A_587 : i32 to vector<128x16xi32>
      %select_n3A_589 = arith.select %eq3A_586, %transpose3A, %broadcast_in_dim3A_588 : vector<128x16xi1>, vector<128x16xi32>
      %reduce_sum3A_590 = arith.constant dense<0> : vector<128xi32>
      %reduce_sum3A_591 = vector.multi_reduction <add>, %select_n3A_589, %reduce_sum3A_590 [1] : vector<128x16xi32> to vector<128xi32>
      %broadcast_in_dim3A_592 = vector.shape_cast %reduce_sum3A_591 : vector<128xi32> to vector<128x1xi32>
      %eq3A_593 = arith.constant 8 : i32
      %eq3A_594 = vector.broadcast %eq3A_593 : i32 to vector<128x80xi32>
      %eq3A_595 = arith.cmpi eq, %select_n3A_461, %eq3A_594 : vector<128x80xi32>
      %broadcast_in_dim3A_596 = vector.shape_cast %broadcast_in_dim3A_592 : vector<128x1xi32> to vector<128x1xi32>
      %broadcast_in_dim3A_597 = vector.broadcast %broadcast_in_dim3A_596 : vector<128x1xi32> to vector<128x80xi32>
      %select_n3A_598 = arith.select %eq3A_595, %broadcast_in_dim3A_597, %select_n3A_583 : vector<128x80xi1>, vector<128x80xi32>
      %eq3A_599 = arith.constant 9 : i32
      %eq3A_600 = vector.broadcast %eq3A_599 : i32 to vector<128x16xi32>
      %eq3A_601 = arith.cmpi eq, %iota3A_462, %eq3A_600 : vector<128x16xi32>
      %jit3A_602 = arith.constant 0 : i32
      %broadcast_in_dim3A_603 = vector.broadcast %jit3A_602 : i32 to vector<128x16xi32>
      %select_n3A_604 = arith.select %eq3A_601, %transpose3A, %broadcast_in_dim3A_603 : vector<128x16xi1>, vector<128x16xi32>
      %reduce_sum3A_605 = arith.constant dense<0> : vector<128xi32>
      %reduce_sum3A_606 = vector.multi_reduction <add>, %select_n3A_604, %reduce_sum3A_605 [1] : vector<128x16xi32> to vector<128xi32>
      %broadcast_in_dim3A_607 = vector.shape_cast %reduce_sum3A_606 : vector<128xi32> to vector<128x1xi32>
      %eq3A_608 = arith.constant 9 : i32
      %eq3A_609 = vector.broadcast %eq3A_608 : i32 to vector<128x80xi32>
      %eq3A_610 = arith.cmpi eq, %select_n3A_461, %eq3A_609 : vector<128x80xi32>
      %broadcast_in_dim3A_611 = vector.shape_cast %broadcast_in_dim3A_607 : vector<128x1xi32> to vector<128x1xi32>
      %broadcast_in_dim3A_612 = vector.broadcast %broadcast_in_dim3A_611 : vector<128x1xi32> to vector<128x80xi32>
      %select_n3A_613 = arith.select %eq3A_610, %broadcast_in_dim3A_612, %select_n3A_598 : vector<128x80xi1>, vector<128x80xi32>
      %eq3A_614 = arith.constant 10 : i32
      %eq3A_615 = vector.broadcast %eq3A_614 : i32 to vector<128x16xi32>
      %eq3A_616 = arith.cmpi eq, %iota3A_462, %eq3A_615 : vector<128x16xi32>
      %jit3A_617 = arith.constant 0 : i32
      %broadcast_in_dim3A_618 = vector.broadcast %jit3A_617 : i32 to vector<128x16xi32>
      %select_n3A_619 = arith.select %eq3A_616, %transpose3A, %broadcast_in_dim3A_618 : vector<128x16xi1>, vector<128x16xi32>
      %reduce_sum3A_620 = arith.constant dense<0> : vector<128xi32>
      %reduce_sum3A_621 = vector.multi_reduction <add>, %select_n3A_619, %reduce_sum3A_620 [1] : vector<128x16xi32> to vector<128xi32>
      %broadcast_in_dim3A_622 = vector.shape_cast %reduce_sum3A_621 : vector<128xi32> to vector<128x1xi32>
      %eq3A_623 = arith.constant 10 : i32
      %eq3A_624 = vector.broadcast %eq3A_623 : i32 to vector<128x80xi32>
      %eq3A_625 = arith.cmpi eq, %select_n3A_461, %eq3A_624 : vector<128x80xi32>
      %broadcast_in_dim3A_626 = vector.shape_cast %broadcast_in_dim3A_622 : vector<128x1xi32> to vector<128x1xi32>
      %broadcast_in_dim3A_627 = vector.broadcast %broadcast_in_dim3A_626 : vector<128x1xi32> to vector<128x80xi32>
      %select_n3A_628 = arith.select %eq3A_625, %broadcast_in_dim3A_627, %select_n3A_613 : vector<128x80xi1>, vector<128x80xi32>
      %eq3A_629 = arith.constant 11 : i32
      %eq3A_630 = vector.broadcast %eq3A_629 : i32 to vector<128x16xi32>
      %eq3A_631 = arith.cmpi eq, %iota3A_462, %eq3A_630 : vector<128x16xi32>
      %jit3A_632 = arith.constant 0 : i32
      %broadcast_in_dim3A_633 = vector.broadcast %jit3A_632 : i32 to vector<128x16xi32>
      %select_n3A_634 = arith.select %eq3A_631, %transpose3A, %broadcast_in_dim3A_633 : vector<128x16xi1>, vector<128x16xi32>
      %reduce_sum3A_635 = arith.constant dense<0> : vector<128xi32>
      %reduce_sum3A_636 = vector.multi_reduction <add>, %select_n3A_634, %reduce_sum3A_635 [1] : vector<128x16xi32> to vector<128xi32>
      %broadcast_in_dim3A_637 = vector.shape_cast %reduce_sum3A_636 : vector<128xi32> to vector<128x1xi32>
      %eq3A_638 = arith.constant 11 : i32
      %eq3A_639 = vector.broadcast %eq3A_638 : i32 to vector<128x80xi32>
      %eq3A_640 = arith.cmpi eq, %select_n3A_461, %eq3A_639 : vector<128x80xi32>
      %broadcast_in_dim3A_641 = vector.shape_cast %broadcast_in_dim3A_637 : vector<128x1xi32> to vector<128x1xi32>
      %broadcast_in_dim3A_642 = vector.broadcast %broadcast_in_dim3A_641 : vector<128x1xi32> to vector<128x80xi32>
      %select_n3A_643 = arith.select %eq3A_640, %broadcast_in_dim3A_642, %select_n3A_628 : vector<128x80xi1>, vector<128x80xi32>
      %eq3A_644 = arith.constant 12 : i32
      %eq3A_645 = vector.broadcast %eq3A_644 : i32 to vector<128x16xi32>
      %eq3A_646 = arith.cmpi eq, %iota3A_462, %eq3A_645 : vector<128x16xi32>
      %jit3A_647 = arith.constant 0 : i32
      %broadcast_in_dim3A_648 = vector.broadcast %jit3A_647 : i32 to vector<128x16xi32>
      %select_n3A_649 = arith.select %eq3A_646, %transpose3A, %broadcast_in_dim3A_648 : vector<128x16xi1>, vector<128x16xi32>
      %reduce_sum3A_650 = arith.constant dense<0> : vector<128xi32>
      %reduce_sum3A_651 = vector.multi_reduction <add>, %select_n3A_649, %reduce_sum3A_650 [1] : vector<128x16xi32> to vector<128xi32>
      %broadcast_in_dim3A_652 = vector.shape_cast %reduce_sum3A_651 : vector<128xi32> to vector<128x1xi32>
      %eq3A_653 = arith.constant 12 : i32
      %eq3A_654 = vector.broadcast %eq3A_653 : i32 to vector<128x80xi32>
      %eq3A_655 = arith.cmpi eq, %select_n3A_461, %eq3A_654 : vector<128x80xi32>
      %broadcast_in_dim3A_656 = vector.shape_cast %broadcast_in_dim3A_652 : vector<128x1xi32> to vector<128x1xi32>
      %broadcast_in_dim3A_657 = vector.broadcast %broadcast_in_dim3A_656 : vector<128x1xi32> to vector<128x80xi32>
      %select_n3A_658 = arith.select %eq3A_655, %broadcast_in_dim3A_657, %select_n3A_643 : vector<128x80xi1>, vector<128x80xi32>
      %eq3A_659 = arith.constant 13 : i32
      %eq3A_660 = vector.broadcast %eq3A_659 : i32 to vector<128x16xi32>
      %eq3A_661 = arith.cmpi eq, %iota3A_462, %eq3A_660 : vector<128x16xi32>
      %jit3A_662 = arith.constant 0 : i32
      %broadcast_in_dim3A_663 = vector.broadcast %jit3A_662 : i32 to vector<128x16xi32>
      %select_n3A_664 = arith.select %eq3A_661, %transpose3A, %broadcast_in_dim3A_663 : vector<128x16xi1>, vector<128x16xi32>
      %reduce_sum3A_665 = arith.constant dense<0> : vector<128xi32>
      %reduce_sum3A_666 = vector.multi_reduction <add>, %select_n3A_664, %reduce_sum3A_665 [1] : vector<128x16xi32> to vector<128xi32>
      %broadcast_in_dim3A_667 = vector.shape_cast %reduce_sum3A_666 : vector<128xi32> to vector<128x1xi32>
      %eq3A_668 = arith.constant 13 : i32
      %eq3A_669 = vector.broadcast %eq3A_668 : i32 to vector<128x80xi32>
      %eq3A_670 = arith.cmpi eq, %select_n3A_461, %eq3A_669 : vector<128x80xi32>
      %broadcast_in_dim3A_671 = vector.shape_cast %broadcast_in_dim3A_667 : vector<128x1xi32> to vector<128x1xi32>
      %broadcast_in_dim3A_672 = vector.broadcast %broadcast_in_dim3A_671 : vector<128x1xi32> to vector<128x80xi32>
      %select_n3A_673 = arith.select %eq3A_670, %broadcast_in_dim3A_672, %select_n3A_658 : vector<128x80xi1>, vector<128x80xi32>
      %eq3A_674 = arith.constant 14 : i32
      %eq3A_675 = vector.broadcast %eq3A_674 : i32 to vector<128x16xi32>
      %eq3A_676 = arith.cmpi eq, %iota3A_462, %eq3A_675 : vector<128x16xi32>
      %jit3A_677 = arith.constant 0 : i32
      %broadcast_in_dim3A_678 = vector.broadcast %jit3A_677 : i32 to vector<128x16xi32>
      %select_n3A_679 = arith.select %eq3A_676, %transpose3A, %broadcast_in_dim3A_678 : vector<128x16xi1>, vector<128x16xi32>
      %reduce_sum3A_680 = arith.constant dense<0> : vector<128xi32>
      %reduce_sum3A_681 = vector.multi_reduction <add>, %select_n3A_679, %reduce_sum3A_680 [1] : vector<128x16xi32> to vector<128xi32>
      %broadcast_in_dim3A_682 = vector.shape_cast %reduce_sum3A_681 : vector<128xi32> to vector<128x1xi32>
      %eq3A_683 = arith.constant 14 : i32
      %eq3A_684 = vector.broadcast %eq3A_683 : i32 to vector<128x80xi32>
      %eq3A_685 = arith.cmpi eq, %select_n3A_461, %eq3A_684 : vector<128x80xi32>
      %broadcast_in_dim3A_686 = vector.shape_cast %broadcast_in_dim3A_682 : vector<128x1xi32> to vector<128x1xi32>
      %broadcast_in_dim3A_687 = vector.broadcast %broadcast_in_dim3A_686 : vector<128x1xi32> to vector<128x80xi32>
      %select_n3A_688 = arith.select %eq3A_685, %broadcast_in_dim3A_687, %select_n3A_673 : vector<128x80xi1>, vector<128x80xi32>
      %eq3A_689 = arith.constant 15 : i32
      %eq3A_690 = vector.broadcast %eq3A_689 : i32 to vector<128x16xi32>
      %eq3A_691 = arith.cmpi eq, %iota3A_462, %eq3A_690 : vector<128x16xi32>
      %jit3A_692 = arith.constant 0 : i32
      %broadcast_in_dim3A_693 = vector.broadcast %jit3A_692 : i32 to vector<128x16xi32>
      %select_n3A_694 = arith.select %eq3A_691, %transpose3A, %broadcast_in_dim3A_693 : vector<128x16xi1>, vector<128x16xi32>
      %reduce_sum3A_695 = arith.constant dense<0> : vector<128xi32>
      %reduce_sum3A_696 = vector.multi_reduction <add>, %select_n3A_694, %reduce_sum3A_695 [1] : vector<128x16xi32> to vector<128xi32>
      %broadcast_in_dim3A_697 = vector.shape_cast %reduce_sum3A_696 : vector<128xi32> to vector<128x1xi32>
      %eq3A_698 = arith.constant 15 : i32
      %eq3A_699 = vector.broadcast %eq3A_698 : i32 to vector<128x80xi32>
      %eq3A_700 = arith.cmpi eq, %select_n3A_461, %eq3A_699 : vector<128x80xi32>
      %broadcast_in_dim3A_701 = vector.shape_cast %broadcast_in_dim3A_697 : vector<128x1xi32> to vector<128x1xi32>
      %broadcast_in_dim3A_702 = vector.broadcast %broadcast_in_dim3A_701 : vector<128x1xi32> to vector<128x80xi32>
      %select_n3A_703 = arith.select %eq3A_700, %broadcast_in_dim3A_702, %select_n3A_688 : vector<128x80xi1>, vector<128x80xi32>
      %iota3A_704 = tpu.iota {dimensions = array<i32: 0>} : vector<128x80xi32>
      %mul3A_705 = arith.constant 100000 : i32
      %mul3A_706 = vector.broadcast %mul3A_705 : i32 to vector<128x80xi32>
      %mul3A_707 = arith.muli %iota3A_704, %mul3A_706 : vector<128x80xi32>
      %mul3A_708 = arith.constant 512 : i32
      %mul3A_709 = vector.broadcast %mul3A_708 : i32 to vector<128x80xi32>
      %mul3A_710 = arith.muli %select_n3A_703, %mul3A_709 : vector<128x80xi32>
      %add3A_711 = arith.addi %mul3A_707, %mul3A_710 : vector<128x80xi32>
      %iota3A_712 = tpu.iota {dimensions = array<i32: 1>} : vector<128x80xi32>
      %jit3A_713 = arith.constant 5 : i32
      %eq3A_714 = arith.constant 0 : i32
      %eq3A_715 = arith.cmpi eq, %jit3A_713, %eq3A_714 : i32
      %jit3A_716 = arith.constant 1 : i32
      %select_n3A_717 = arith.select %eq3A_715, %jit3A_716, %jit3A_713 : i32
      %rem3A_718 = vector.broadcast %select_n3A_717 : i32 to vector<128x80xi32>
      %rem3A_719 = arith.remsi %iota3A_712, %rem3A_718 : vector<128x80xi32>
      %ne3A_720 = arith.constant 0 : i32
      %ne3A_721 = vector.broadcast %ne3A_720 : i32 to vector<128x80xi32>
      %ne3A_722 = arith.cmpi ne, %rem3A_719, %ne3A_721 : vector<128x80xi32>
      %lt3A_723 = arith.constant 0 : i32
      %lt3A_724 = vector.broadcast %lt3A_723 : i32 to vector<128x80xi32>
      %lt3A_725 = arith.cmpi slt, %rem3A_719, %lt3A_724 : vector<128x80xi32>
      %lt3A_726 = arith.constant 0 : i32
      %lt3A_727 = arith.cmpi slt, %select_n3A_717, %lt3A_726 : i32
      %ne3A_728 = vector.broadcast %lt3A_727 : i1 to vector<128x80xi1>
      %ne3A_729 = vector.broadcast %ne3A_728 : vector<128x80xi1> to vector<128x80xi1>
      %ne3A_730 = arith.xori %lt3A_725, %ne3A_729 : vector<128x80xi1>
      %and3A_731 = arith.andi %ne3A_730, %ne3A_722 : vector<128x80xi1>
      %add3A_732 = vector.broadcast %select_n3A_717 : i32 to vector<128x80xi32>
      %add3A_733 = arith.addi %rem3A_719, %add3A_732 : vector<128x80xi32>
      %select_n3A_734 = arith.select %and3A_731, %add3A_733, %rem3A_719 : vector<128x80xi1>, vector<128x80xi32>
      %shift_right_arithmetic3A_735 = arith.constant 7 : i32
      %shift_right_arithmetic3A_736 = vector.broadcast %shift_right_arithmetic3A_735 : i32 to vector<128x80xi32>
      %shift_right_arithmetic3A_737 = arith.shrsi %add3A_711, %shift_right_arithmetic3A_736 : vector<128x80xi32>
      %add3A_738 = arith.addi %shift_right_arithmetic3A_737, %select_n3A_734 : vector<128x80xi32>
      %min3A = arith.constant 99999 : i32
      %min3A_739 = vector.broadcast %min3A : i32 to vector<128x80xi32>
      %min3A_740 = arith.minsi %add3A_738, %min3A_739 : vector<128x80xi32>
      %swap3A_741 = arith.constant 0 : index
      %swap3A_742 = arith.constant 0 : index
      %swap3A_743 = vector.load %arg2[%swap3A_741, %swap3A_742] : memref<128x80xi32, #tpu.memory_space<vmem>>, vector<128x80xi32>
      tpu.vector_store %arg2[%swap3A_741, %swap3A_742], %min3A_740 {strides = array<i32>} : memref<128x80xi32, #tpu.memory_space<vmem>>, vector<128x80xi32>,
      %swap3A_744 = arith.constant 0 : index
      %swap3A_745 = arith.constant 0 : index
      %swap3A_746 = vector.load %arg3[%swap3A_744, %swap3A_745] : memref<128x80xi32, #tpu.memory_space<vmem>>, vector<128x80xi32>
      tpu.vector_store %arg3[%swap3A_744, %swap3A_745], %add3A_711 {strides = array<i32>} : memref<128x80xi32, #tpu.memory_space<vmem>>, vector<128x80xi32>,
    } else {
    }
    return
  }
  func.func @transform_0(%arg0: i32) -> (i32, i32) {
    %c0_i32 = arith.constant 0 : i32
    %c0_i32_0 = arith.constant 0 : i32
    return %arg0, %c0_i32 : i32, i32
  }
  func.func @transform_1(%arg0: i32) -> (i32, i32) {
    %c0_i32 = arith.constant 0 : i32
    %c0_i32_0 = arith.constant 0 : i32
    %c0_i32_1 = arith.constant 0 : i32
    return %c0_i32, %c0_i32_0 : i32, i32
  }
  func.func @transform_2(%arg0: i32) -> (i32, i32) {
    %c0_i32 = arith.constant 0 : i32
    %c0_i32_0 = arith.constant 0 : i32
    %c0_i32_1 = arith.constant 0 : i32
    return %c0_i32, %c0_i32_0 : i32, i32
  }
}

module attributes {stable_mosaic.version = 14 : i64} {
  func.func @_k3_body(%arg0: memref<128x80x128xf32, #tpu.memory_space<vmem>>, %arg1: memref<128x80xi32, #tpu.memory_space<vmem>>, %arg2: memref<128x8xf32, #tpu.memory_space<vmem>>, %arg3: memref<128x1xi32, #tpu.memory_space<vmem>>, %arg4: memref<128x8xi32, #tpu.memory_space<vmem>>, %arg5: memref<128x8xf32, #tpu.memory_space<vmem>>) attributes {dimension_semantics = [], scalar_prefetch = 0 : i64, scratch_operands = 0 : i64, tpu.core_type = #tpu.core_type<tc>} {
    %get3A = arith.constant 0 : index
    %get3A_0 = arith.constant 0 : index
    %get3A_1 = arith.constant 0 : index
    %get3A_2 = vector.load %arg0[%get3A, %get3A_0, %get3A_1] : memref<128x80x128xf32, #tpu.memory_space<vmem>>, vector<128x80x128xf32>
    %get3A_3 = arith.constant 0 : index
    %get3A_4 = arith.constant 0 : index
    %get3A_5 = vector.load %arg1[%get3A_3, %get3A_4] : memref<128x80xi32, #tpu.memory_space<vmem>>, vector<128x80xi32>
    %iota3A = tpu.iota {dimensions = array<i32: 0>} : vector<128x1xi32>
    %mul3A = arith.constant 100000 : i32
    %mul3A_6 = vector.broadcast %mul3A : i32 to vector<128x1xi32>
    %mul3A_7 = arith.muli %iota3A, %mul3A_6 : vector<128x1xi32>
    %broadcast_in_dim3A = vector.shape_cast %get3A_5 : vector<128x80xi32> to vector<128x80x1xi32>
    %shift_right_arithmetic3A = arith.constant 7 : i32
    %shift_right_arithmetic3A_8 = vector.broadcast %shift_right_arithmetic3A : i32 to vector<128x80x1xi32>
    %shift_right_arithmetic3A_9 = arith.shrsi %broadcast_in_dim3A, %shift_right_arithmetic3A_8 : vector<128x80x1xi32>
    %iota3A_10 = tpu.iota {dimensions = array<i32: 1>} : vector<128x80x128xi32>
    %jit3A = arith.constant 5 : i32
    %eq3A = arith.constant 0 : i32
    %eq3A_11 = arith.cmpi eq, %jit3A, %eq3A : i32
    %jit3A_12 = arith.constant 1 : i32
    %select_n3A = arith.select %eq3A_11, %jit3A_12, %jit3A : i32
    %rem3A = vector.broadcast %select_n3A : i32 to vector<128x80x128xi32>
    %rem3A_13 = arith.remsi %iota3A_10, %rem3A : vector<128x80x128xi32>
    %ne3A = arith.constant 0 : i32
    %ne3A_14 = vector.broadcast %ne3A : i32 to vector<128x80x128xi32>
    %ne3A_15 = arith.cmpi ne, %rem3A_13, %ne3A_14 : vector<128x80x128xi32>
    %lt3A = arith.constant 0 : i32
    %lt3A_16 = vector.broadcast %lt3A : i32 to vector<128x80x128xi32>
    %lt3A_17 = arith.cmpi slt, %rem3A_13, %lt3A_16 : vector<128x80x128xi32>
    %lt3A_18 = arith.constant 0 : i32
    %lt3A_19 = arith.cmpi slt, %select_n3A, %lt3A_18 : i32
    %ne3A_20 = vector.broadcast %lt3A_19 : i1 to vector<128x80x128xi1>
    %ne3A_21 = vector.broadcast %ne3A_20 : vector<128x80x128xi1> to vector<128x80x128xi1>
    %ne3A_22 = arith.xori %lt3A_17, %ne3A_21 : vector<128x80x128xi1>
    %and3A = arith.andi %ne3A_22, %ne3A_15 : vector<128x80x128xi1>
    %add3A = vector.broadcast %select_n3A : i32 to vector<128x80x128xi32>
    %add3A_23 = arith.addi %rem3A_13, %add3A : vector<128x80x128xi32>
    %select_n3A_24 = arith.select %and3A, %add3A_23, %rem3A_13 : vector<128x80x128xi1>, vector<128x80x128xi32>
    %add3A_25 = vector.broadcast %shift_right_arithmetic3A_9 : vector<128x80x1xi32> to vector<128x80x128xi32>
    %add3A_26 = arith.addi %add3A_25, %select_n3A_24 : vector<128x80x128xi32>
    %mul3A_27 = arith.constant 128 : i32
    %mul3A_28 = vector.broadcast %mul3A_27 : i32 to vector<128x80x128xi32>
    %mul3A_29 = arith.muli %add3A_26, %mul3A_28 : vector<128x80x128xi32>
    %iota3A_30 = tpu.iota {dimensions = array<i32: 2>} : vector<128x80x128xi32>
    %add3A_31 = arith.addi %mul3A_29, %iota3A_30 : vector<128x80x128xi32>
    %sub3A = vector.broadcast %broadcast_in_dim3A : vector<128x80x1xi32> to vector<128x80x128xi32>
    %sub3A_32 = arith.subi %add3A_31, %sub3A : vector<128x80x128xi32>
    %broadcast_in_dim3A_33 = vector.shape_cast %mul3A_7 : vector<128x1xi32> to vector<128x1x1xi32>
    %sub3A_34 = vector.broadcast %broadcast_in_dim3A_33 : vector<128x1x1xi32> to vector<128x80x1xi32>
    %sub3A_35 = arith.subi %broadcast_in_dim3A, %sub3A_34 : vector<128x80x1xi32>
    %add3A_36 = vector.broadcast %sub3A_35 : vector<128x80x1xi32> to vector<128x80x128xi32>
    %add3A_37 = arith.addi %add3A_36, %sub3A_32 : vector<128x80x128xi32>
    %ge3A = arith.constant 0 : i32
    %ge3A_38 = vector.broadcast %ge3A : i32 to vector<128x80x128xi32>
    %ge3A_39 = arith.cmpi sge, %sub3A_32, %ge3A_38 : vector<128x80x128xi32>
    %lt3A_40 = arith.constant 512 : i32
    %lt3A_41 = vector.broadcast %lt3A_40 : i32 to vector<128x80x128xi32>
    %lt3A_42 = arith.cmpi slt, %sub3A_32, %lt3A_41 : vector<128x80x128xi32>
    %and3A_43 = arith.andi %ge3A_39, %lt3A_42 : vector<128x80x128xi1>
    %lt3A_44 = arith.constant 100000 : i32
    %lt3A_45 = vector.broadcast %lt3A_44 : i32 to vector<128x80x128xi32>
    %lt3A_46 = arith.cmpi slt, %add3A_37, %lt3A_45 : vector<128x80x128xi32>
    %and3A_47 = arith.andi %and3A_43, %lt3A_46 : vector<128x80x128xi1>
    %lt3A_48 = arith.constant 100000 : i32
    %lt3A_49 = vector.broadcast %lt3A_48 : i32 to vector<128x80x128xi32>
    %lt3A_50 = arith.cmpi slt, %add3A_26, %lt3A_49 : vector<128x80x128xi32>
    %and3A_51 = arith.andi %and3A_47, %lt3A_50 : vector<128x80x128xi1>
    %jit3A_52 = arith.constant 0xFF800000 : f32
    %broadcast_in_dim3A_53 = vector.broadcast %jit3A_52 : f32 to vector<128x80x128xf32>
    %select_n3A_54 = arith.select %and3A_51, %get3A_2, %broadcast_in_dim3A_53 : vector<128x80x128xi1>, vector<128x80x128xf32>
    %reshape3A = vector.shape_cast %select_n3A_54 : vector<128x80x128xf32> to vector<128x10240xf32>
    %iota3A_55 = tpu.iota {dimensions = array<i32: 1>} : vector<128x10240xi32>
    %iota3A_56 = tpu.iota {dimensions = array<i32: 1>} : vector<128x80xi32>
    %reduce_max3A = arith.constant dense<0xFF800000> : vector<128xf32>
    %reduce_max3A_57 = vector.multi_reduction <maximumf>, %reshape3A, %reduce_max3A [1] : vector<128x10240xf32> to vector<128xf32>
    %broadcast_in_dim3A_58 = vector.shape_cast %reduce_max3A_57 : vector<128xf32> to vector<128x1xf32>
    %eq3A_59 = vector.broadcast %broadcast_in_dim3A_58 : vector<128x1xf32> to vector<128x10240xf32>
    %eq3A_60 = arith.cmpf oeq, %reshape3A, %eq3A_59 : vector<128x10240xf32>
    %jit3A_61 = arith.constant 10240 : i32
    %broadcast_in_dim3A_62 = vector.broadcast %jit3A_61 : i32 to vector<128x10240xi32>
    %select_n3A_63 = arith.select %eq3A_60, %iota3A_55, %broadcast_in_dim3A_62 : vector<128x10240xi1>, vector<128x10240xi32>
    %reduce_min3A = arith.constant dense<2147483647> : vector<128xi32>
    %reduce_min3A_64 = vector.multi_reduction <minsi>, %select_n3A_63, %reduce_min3A [1] : vector<128x10240xi32> to vector<128xi32>
    %broadcast_in_dim3A_65 = vector.shape_cast %reduce_min3A_64 : vector<128xi32> to vector<128x1xi32>
    %eq3A_66 = vector.broadcast %broadcast_in_dim3A_65 : vector<128x1xi32> to vector<128x10240xi32>
    %eq3A_67 = arith.cmpi eq, %iota3A_55, %eq3A_66 : vector<128x10240xi32>
    %jit3A_68 = arith.constant 0xFF800000 : f32
    %broadcast_in_dim3A_69 = vector.broadcast %jit3A_68 : f32 to vector<128x10240xf32>
    %select_n3A_70 = arith.select %eq3A_67, %broadcast_in_dim3A_69, %reshape3A : vector<128x10240xi1>, vector<128x10240xf32>
    %shift_right_arithmetic3A_71 = arith.constant 7 : i32
    %shift_right_arithmetic3A_72 = vector.broadcast %shift_right_arithmetic3A_71 : i32 to vector<128x1xi32>
    %shift_right_arithmetic3A_73 = arith.shrsi %broadcast_in_dim3A_65, %shift_right_arithmetic3A_72 : vector<128x1xi32>
    %mul3A_74 = arith.constant 128 : i32
    %mul3A_75 = vector.broadcast %mul3A_74 : i32 to vector<128x1xi32>
    %mul3A_76 = arith.muli %shift_right_arithmetic3A_73, %mul3A_75 : vector<128x1xi32>
    %sub3A_77 = arith.subi %broadcast_in_dim3A_65, %mul3A_76 : vector<128x1xi32>
    %eq3A_78 = vector.broadcast %shift_right_arithmetic3A_73 : vector<128x1xi32> to vector<128x80xi32>
    %eq3A_79 = arith.cmpi eq, %iota3A_56, %eq3A_78 : vector<128x80xi32>
    %jit3A_80 = arith.constant 0 : i32
    %broadcast_in_dim3A_81 = vector.broadcast %jit3A_80 : i32 to vector<128x80xi32>
    %select_n3A_82 = arith.select %eq3A_79, %get3A_5, %broadcast_in_dim3A_81 : vector<128x80xi1>, vector<128x80xi32>
    %reduce_sum3A = arith.constant dense<0> : vector<128xi32>
    %reduce_sum3A_83 = vector.multi_reduction <add>, %select_n3A_82, %reduce_sum3A [1] : vector<128x80xi32> to vector<128xi32>
    %broadcast_in_dim3A_84 = vector.shape_cast %reduce_sum3A_83 : vector<128xi32> to vector<128x1xi32>
    %shift_right_arithmetic3A_85 = arith.constant 7 : i32
    %shift_right_arithmetic3A_86 = vector.broadcast %shift_right_arithmetic3A_85 : i32 to vector<128x1xi32>
    %shift_right_arithmetic3A_87 = arith.shrsi %broadcast_in_dim3A_84, %shift_right_arithmetic3A_86 : vector<128x1xi32>
    %jit3A_88 = arith.constant 5 : i32
    %eq3A_89 = arith.constant 0 : i32
    %eq3A_90 = arith.cmpi eq, %jit3A_88, %eq3A_89 : i32
    %jit3A_91 = arith.constant 1 : i32
    %select_n3A_92 = arith.select %eq3A_90, %jit3A_91, %jit3A_88 : i32
    %rem3A_93 = vector.broadcast %select_n3A_92 : i32 to vector<128x1xi32>
    %rem3A_94 = arith.remsi %shift_right_arithmetic3A_73, %rem3A_93 : vector<128x1xi32>
    %ne3A_95 = arith.constant 0 : i32
    %ne3A_96 = vector.broadcast %ne3A_95 : i32 to vector<128x1xi32>
    %ne3A_97 = arith.cmpi ne, %rem3A_94, %ne3A_96 : vector<128x1xi32>
    %lt3A_98 = arith.constant 0 : i32
    %lt3A_99 = vector.broadcast %lt3A_98 : i32 to vector<128x1xi32>
    %lt3A_100 = arith.cmpi slt, %rem3A_94, %lt3A_99 : vector<128x1xi32>
    %lt3A_101 = arith.constant 0 : i32
    %lt3A_102 = arith.cmpi slt, %select_n3A_92, %lt3A_101 : i32
    %ne3A_103 = vector.broadcast %lt3A_102 : i1 to vector<128x1xi1>
    %ne3A_104 = vector.broadcast %ne3A_103 : vector<128x1xi1> to vector<128x1xi1>
    %ne3A_105 = arith.xori %lt3A_100, %ne3A_104 : vector<128x1xi1>
    %and3A_106 = arith.andi %ne3A_105, %ne3A_97 : vector<128x1xi1>
    %add3A_107 = vector.broadcast %select_n3A_92 : i32 to vector<128x1xi32>
    %add3A_108 = arith.addi %rem3A_94, %add3A_107 : vector<128x1xi32>
    %select_n3A_109 = arith.select %and3A_106, %add3A_108, %rem3A_94 : vector<128x1xi1>, vector<128x1xi32>
    %add3A_110 = arith.addi %shift_right_arithmetic3A_87, %select_n3A_109 : vector<128x1xi32>
    %mul3A_111 = arith.constant 128 : i32
    %mul3A_112 = vector.broadcast %mul3A_111 : i32 to vector<128x1xi32>
    %mul3A_113 = arith.muli %add3A_110, %mul3A_112 : vector<128x1xi32>
    %add3A_114 = arith.addi %mul3A_113, %sub3A_77 : vector<128x1xi32>
    %sub3A_115 = arith.subi %add3A_114, %mul3A_7 : vector<128x1xi32>
    %reduce_max3A_116 = arith.constant dense<0xFF800000> : vector<128xf32>
    %reduce_max3A_117 = vector.multi_reduction <maximumf>, %select_n3A_70, %reduce_max3A_116 [1] : vector<128x10240xf32> to vector<128xf32>
    %broadcast_in_dim3A_118 = vector.shape_cast %reduce_max3A_117 : vector<128xf32> to vector<128x1xf32>
    %eq3A_119 = vector.broadcast %broadcast_in_dim3A_118 : vector<128x1xf32> to vector<128x10240xf32>
    %eq3A_120 = arith.cmpf oeq, %select_n3A_70, %eq3A_119 : vector<128x10240xf32>
    %jit3A_121 = arith.constant 10240 : i32
    %broadcast_in_dim3A_122 = vector.broadcast %jit3A_121 : i32 to vector<128x10240xi32>
    %select_n3A_123 = arith.select %eq3A_120, %iota3A_55, %broadcast_in_dim3A_122 : vector<128x10240xi1>, vector<128x10240xi32>
    %reduce_min3A_124 = arith.constant dense<2147483647> : vector<128xi32>
    %reduce_min3A_125 = vector.multi_reduction <minsi>, %select_n3A_123, %reduce_min3A_124 [1] : vector<128x10240xi32> to vector<128xi32>
    %broadcast_in_dim3A_126 = vector.shape_cast %reduce_min3A_125 : vector<128xi32> to vector<128x1xi32>
    %eq3A_127 = vector.broadcast %broadcast_in_dim3A_126 : vector<128x1xi32> to vector<128x10240xi32>
    %eq3A_128 = arith.cmpi eq, %iota3A_55, %eq3A_127 : vector<128x10240xi32>
    %jit3A_129 = arith.constant 0xFF800000 : f32
    %broadcast_in_dim3A_130 = vector.broadcast %jit3A_129 : f32 to vector<128x10240xf32>
    %select_n3A_131 = arith.select %eq3A_128, %broadcast_in_dim3A_130, %select_n3A_70 : vector<128x10240xi1>, vector<128x10240xf32>
    %shift_right_arithmetic3A_132 = arith.constant 7 : i32
    %shift_right_arithmetic3A_133 = vector.broadcast %shift_right_arithmetic3A_132 : i32 to vector<128x1xi32>
    %shift_right_arithmetic3A_134 = arith.shrsi %broadcast_in_dim3A_126, %shift_right_arithmetic3A_133 : vector<128x1xi32>
    %mul3A_135 = arith.constant 128 : i32
    %mul3A_136 = vector.broadcast %mul3A_135 : i32 to vector<128x1xi32>
    %mul3A_137 = arith.muli %shift_right_arithmetic3A_134, %mul3A_136 : vector<128x1xi32>
    %sub3A_138 = arith.subi %broadcast_in_dim3A_126, %mul3A_137 : vector<128x1xi32>
    %eq3A_139 = vector.broadcast %shift_right_arithmetic3A_134 : vector<128x1xi32> to vector<128x80xi32>
    %eq3A_140 = arith.cmpi eq, %iota3A_56, %eq3A_139 : vector<128x80xi32>
    %jit3A_141 = arith.constant 0 : i32
    %broadcast_in_dim3A_142 = vector.broadcast %jit3A_141 : i32 to vector<128x80xi32>
    %select_n3A_143 = arith.select %eq3A_140, %get3A_5, %broadcast_in_dim3A_142 : vector<128x80xi1>, vector<128x80xi32>
    %reduce_sum3A_144 = arith.constant dense<0> : vector<128xi32>
    %reduce_sum3A_145 = vector.multi_reduction <add>, %select_n3A_143, %reduce_sum3A_144 [1] : vector<128x80xi32> to vector<128xi32>
    %broadcast_in_dim3A_146 = vector.shape_cast %reduce_sum3A_145 : vector<128xi32> to vector<128x1xi32>
    %shift_right_arithmetic3A_147 = arith.constant 7 : i32
    %shift_right_arithmetic3A_148 = vector.broadcast %shift_right_arithmetic3A_147 : i32 to vector<128x1xi32>
    %shift_right_arithmetic3A_149 = arith.shrsi %broadcast_in_dim3A_146, %shift_right_arithmetic3A_148 : vector<128x1xi32>
    %jit3A_150 = arith.constant 5 : i32
    %eq3A_151 = arith.constant 0 : i32
    %eq3A_152 = arith.cmpi eq, %jit3A_150, %eq3A_151 : i32
    %jit3A_153 = arith.constant 1 : i32
    %select_n3A_154 = arith.select %eq3A_152, %jit3A_153, %jit3A_150 : i32
    %rem3A_155 = vector.broadcast %select_n3A_154 : i32 to vector<128x1xi32>
    %rem3A_156 = arith.remsi %shift_right_arithmetic3A_134, %rem3A_155 : vector<128x1xi32>
    %ne3A_157 = arith.constant 0 : i32
    %ne3A_158 = vector.broadcast %ne3A_157 : i32 to vector<128x1xi32>
    %ne3A_159 = arith.cmpi ne, %rem3A_156, %ne3A_158 : vector<128x1xi32>
    %lt3A_160 = arith.constant 0 : i32
    %lt3A_161 = vector.broadcast %lt3A_160 : i32 to vector<128x1xi32>
    %lt3A_162 = arith.cmpi slt, %rem3A_156, %lt3A_161 : vector<128x1xi32>
    %lt3A_163 = arith.constant 0 : i32
    %lt3A_164 = arith.cmpi slt, %select_n3A_154, %lt3A_163 : i32
    %ne3A_165 = vector.broadcast %lt3A_164 : i1 to vector<128x1xi1>
    %ne3A_166 = vector.broadcast %ne3A_165 : vector<128x1xi1> to vector<128x1xi1>
    %ne3A_167 = arith.xori %lt3A_162, %ne3A_166 : vector<128x1xi1>
    %and3A_168 = arith.andi %ne3A_167, %ne3A_159 : vector<128x1xi1>
    %add3A_169 = vector.broadcast %select_n3A_154 : i32 to vector<128x1xi32>
    %add3A_170 = arith.addi %rem3A_156, %add3A_169 : vector<128x1xi32>
    %select_n3A_171 = arith.select %and3A_168, %add3A_170, %rem3A_156 : vector<128x1xi1>, vector<128x1xi32>
    %add3A_172 = arith.addi %shift_right_arithmetic3A_149, %select_n3A_171 : vector<128x1xi32>
    %mul3A_173 = arith.constant 128 : i32
    %mul3A_174 = vector.broadcast %mul3A_173 : i32 to vector<128x1xi32>
    %mul3A_175 = arith.muli %add3A_172, %mul3A_174 : vector<128x1xi32>
    %add3A_176 = arith.addi %mul3A_175, %sub3A_138 : vector<128x1xi32>
    %sub3A_177 = arith.subi %add3A_176, %mul3A_7 : vector<128x1xi32>
    %reduce_max3A_178 = arith.constant dense<0xFF800000> : vector<128xf32>
    %reduce_max3A_179 = vector.multi_reduction <maximumf>, %select_n3A_131, %reduce_max3A_178 [1] : vector<128x10240xf32> to vector<128xf32>
    %broadcast_in_dim3A_180 = vector.shape_cast %reduce_max3A_179 : vector<128xf32> to vector<128x1xf32>
    %eq3A_181 = vector.broadcast %broadcast_in_dim3A_180 : vector<128x1xf32> to vector<128x10240xf32>
    %eq3A_182 = arith.cmpf oeq, %select_n3A_131, %eq3A_181 : vector<128x10240xf32>
    %jit3A_183 = arith.constant 10240 : i32
    %broadcast_in_dim3A_184 = vector.broadcast %jit3A_183 : i32 to vector<128x10240xi32>
    %select_n3A_185 = arith.select %eq3A_182, %iota3A_55, %broadcast_in_dim3A_184 : vector<128x10240xi1>, vector<128x10240xi32>
    %reduce_min3A_186 = arith.constant dense<2147483647> : vector<128xi32>
    %reduce_min3A_187 = vector.multi_reduction <minsi>, %select_n3A_185, %reduce_min3A_186 [1] : vector<128x10240xi32> to vector<128xi32>
    %broadcast_in_dim3A_188 = vector.shape_cast %reduce_min3A_187 : vector<128xi32> to vector<128x1xi32>
    %eq3A_189 = vector.broadcast %broadcast_in_dim3A_188 : vector<128x1xi32> to vector<128x10240xi32>
    %eq3A_190 = arith.cmpi eq, %iota3A_55, %eq3A_189 : vector<128x10240xi32>
    %jit3A_191 = arith.constant 0xFF800000 : f32
    %broadcast_in_dim3A_192 = vector.broadcast %jit3A_191 : f32 to vector<128x10240xf32>
    %select_n3A_193 = arith.select %eq3A_190, %broadcast_in_dim3A_192, %select_n3A_131 : vector<128x10240xi1>, vector<128x10240xf32>
    %shift_right_arithmetic3A_194 = arith.constant 7 : i32
    %shift_right_arithmetic3A_195 = vector.broadcast %shift_right_arithmetic3A_194 : i32 to vector<128x1xi32>
    %shift_right_arithmetic3A_196 = arith.shrsi %broadcast_in_dim3A_188, %shift_right_arithmetic3A_195 : vector<128x1xi32>
    %mul3A_197 = arith.constant 128 : i32
    %mul3A_198 = vector.broadcast %mul3A_197 : i32 to vector<128x1xi32>
    %mul3A_199 = arith.muli %shift_right_arithmetic3A_196, %mul3A_198 : vector<128x1xi32>
    %sub3A_200 = arith.subi %broadcast_in_dim3A_188, %mul3A_199 : vector<128x1xi32>
    %eq3A_201 = vector.broadcast %shift_right_arithmetic3A_196 : vector<128x1xi32> to vector<128x80xi32>
    %eq3A_202 = arith.cmpi eq, %iota3A_56, %eq3A_201 : vector<128x80xi32>
    %jit3A_203 = arith.constant 0 : i32
    %broadcast_in_dim3A_204 = vector.broadcast %jit3A_203 : i32 to vector<128x80xi32>
    %select_n3A_205 = arith.select %eq3A_202, %get3A_5, %broadcast_in_dim3A_204 : vector<128x80xi1>, vector<128x80xi32>
    %reduce_sum3A_206 = arith.constant dense<0> : vector<128xi32>
    %reduce_sum3A_207 = vector.multi_reduction <add>, %select_n3A_205, %reduce_sum3A_206 [1] : vector<128x80xi32> to vector<128xi32>
    %broadcast_in_dim3A_208 = vector.shape_cast %reduce_sum3A_207 : vector<128xi32> to vector<128x1xi32>
    %shift_right_arithmetic3A_209 = arith.constant 7 : i32
    %shift_right_arithmetic3A_210 = vector.broadcast %shift_right_arithmetic3A_209 : i32 to vector<128x1xi32>
    %shift_right_arithmetic3A_211 = arith.shrsi %broadcast_in_dim3A_208, %shift_right_arithmetic3A_210 : vector<128x1xi32>
    %jit3A_212 = arith.constant 5 : i32
    %eq3A_213 = arith.constant 0 : i32
    %eq3A_214 = arith.cmpi eq, %jit3A_212, %eq3A_213 : i32
    %jit3A_215 = arith.constant 1 : i32
    %select_n3A_216 = arith.select %eq3A_214, %jit3A_215, %jit3A_212 : i32
    %rem3A_217 = vector.broadcast %select_n3A_216 : i32 to vector<128x1xi32>
    %rem3A_218 = arith.remsi %shift_right_arithmetic3A_196, %rem3A_217 : vector<128x1xi32>
    %ne3A_219 = arith.constant 0 : i32
    %ne3A_220 = vector.broadcast %ne3A_219 : i32 to vector<128x1xi32>
    %ne3A_221 = arith.cmpi ne, %rem3A_218, %ne3A_220 : vector<128x1xi32>
    %lt3A_222 = arith.constant 0 : i32
    %lt3A_223 = vector.broadcast %lt3A_222 : i32 to vector<128x1xi32>
    %lt3A_224 = arith.cmpi slt, %rem3A_218, %lt3A_223 : vector<128x1xi32>
    %lt3A_225 = arith.constant 0 : i32
    %lt3A_226 = arith.cmpi slt, %select_n3A_216, %lt3A_225 : i32
    %ne3A_227 = vector.broadcast %lt3A_226 : i1 to vector<128x1xi1>
    %ne3A_228 = vector.broadcast %ne3A_227 : vector<128x1xi1> to vector<128x1xi1>
    %ne3A_229 = arith.xori %lt3A_224, %ne3A_228 : vector<128x1xi1>
    %and3A_230 = arith.andi %ne3A_229, %ne3A_221 : vector<128x1xi1>
    %add3A_231 = vector.broadcast %select_n3A_216 : i32 to vector<128x1xi32>
    %add3A_232 = arith.addi %rem3A_218, %add3A_231 : vector<128x1xi32>
    %select_n3A_233 = arith.select %and3A_230, %add3A_232, %rem3A_218 : vector<128x1xi1>, vector<128x1xi32>
    %add3A_234 = arith.addi %shift_right_arithmetic3A_211, %select_n3A_233 : vector<128x1xi32>
    %mul3A_235 = arith.constant 128 : i32
    %mul3A_236 = vector.broadcast %mul3A_235 : i32 to vector<128x1xi32>
    %mul3A_237 = arith.muli %add3A_234, %mul3A_236 : vector<128x1xi32>
    %add3A_238 = arith.addi %mul3A_237, %sub3A_200 : vector<128x1xi32>
    %sub3A_239 = arith.subi %add3A_238, %mul3A_7 : vector<128x1xi32>
    %reduce_max3A_240 = arith.constant dense<0xFF800000> : vector<128xf32>
    %reduce_max3A_241 = vector.multi_reduction <maximumf>, %select_n3A_193, %reduce_max3A_240 [1] : vector<128x10240xf32> to vector<128xf32>
    %broadcast_in_dim3A_242 = vector.shape_cast %reduce_max3A_241 : vector<128xf32> to vector<128x1xf32>
    %eq3A_243 = vector.broadcast %broadcast_in_dim3A_242 : vector<128x1xf32> to vector<128x10240xf32>
    %eq3A_244 = arith.cmpf oeq, %select_n3A_193, %eq3A_243 : vector<128x10240xf32>
    %jit3A_245 = arith.constant 10240 : i32
    %broadcast_in_dim3A_246 = vector.broadcast %jit3A_245 : i32 to vector<128x10240xi32>
    %select_n3A_247 = arith.select %eq3A_244, %iota3A_55, %broadcast_in_dim3A_246 : vector<128x10240xi1>, vector<128x10240xi32>
    %reduce_min3A_248 = arith.constant dense<2147483647> : vector<128xi32>
    %reduce_min3A_249 = vector.multi_reduction <minsi>, %select_n3A_247, %reduce_min3A_248 [1] : vector<128x10240xi32> to vector<128xi32>
    %broadcast_in_dim3A_250 = vector.shape_cast %reduce_min3A_249 : vector<128xi32> to vector<128x1xi32>
    %eq3A_251 = vector.broadcast %broadcast_in_dim3A_250 : vector<128x1xi32> to vector<128x10240xi32>
    %eq3A_252 = arith.cmpi eq, %iota3A_55, %eq3A_251 : vector<128x10240xi32>
    %jit3A_253 = arith.constant 0xFF800000 : f32
    %broadcast_in_dim3A_254 = vector.broadcast %jit3A_253 : f32 to vector<128x10240xf32>
    %select_n3A_255 = arith.select %eq3A_252, %broadcast_in_dim3A_254, %select_n3A_193 : vector<128x10240xi1>, vector<128x10240xf32>
    %shift_right_arithmetic3A_256 = arith.constant 7 : i32
    %shift_right_arithmetic3A_257 = vector.broadcast %shift_right_arithmetic3A_256 : i32 to vector<128x1xi32>
    %shift_right_arithmetic3A_258 = arith.shrsi %broadcast_in_dim3A_250, %shift_right_arithmetic3A_257 : vector<128x1xi32>
    %mul3A_259 = arith.constant 128 : i32
    %mul3A_260 = vector.broadcast %mul3A_259 : i32 to vector<128x1xi32>
    %mul3A_261 = arith.muli %shift_right_arithmetic3A_258, %mul3A_260 : vector<128x1xi32>
    %sub3A_262 = arith.subi %broadcast_in_dim3A_250, %mul3A_261 : vector<128x1xi32>
    %eq3A_263 = vector.broadcast %shift_right_arithmetic3A_258 : vector<128x1xi32> to vector<128x80xi32>
    %eq3A_264 = arith.cmpi eq, %iota3A_56, %eq3A_263 : vector<128x80xi32>
    %jit3A_265 = arith.constant 0 : i32
    %broadcast_in_dim3A_266 = vector.broadcast %jit3A_265 : i32 to vector<128x80xi32>
    %select_n3A_267 = arith.select %eq3A_264, %get3A_5, %broadcast_in_dim3A_266 : vector<128x80xi1>, vector<128x80xi32>
    %reduce_sum3A_268 = arith.constant dense<0> : vector<128xi32>
    %reduce_sum3A_269 = vector.multi_reduction <add>, %select_n3A_267, %reduce_sum3A_268 [1] : vector<128x80xi32> to vector<128xi32>
    %broadcast_in_dim3A_270 = vector.shape_cast %reduce_sum3A_269 : vector<128xi32> to vector<128x1xi32>
    %shift_right_arithmetic3A_271 = arith.constant 7 : i32
    %shift_right_arithmetic3A_272 = vector.broadcast %shift_right_arithmetic3A_271 : i32 to vector<128x1xi32>
    %shift_right_arithmetic3A_273 = arith.shrsi %broadcast_in_dim3A_270, %shift_right_arithmetic3A_272 : vector<128x1xi32>
    %jit3A_274 = arith.constant 5 : i32
    %eq3A_275 = arith.constant 0 : i32
    %eq3A_276 = arith.cmpi eq, %jit3A_274, %eq3A_275 : i32
    %jit3A_277 = arith.constant 1 : i32
    %select_n3A_278 = arith.select %eq3A_276, %jit3A_277, %jit3A_274 : i32
    %rem3A_279 = vector.broadcast %select_n3A_278 : i32 to vector<128x1xi32>
    %rem3A_280 = arith.remsi %shift_right_arithmetic3A_258, %rem3A_279 : vector<128x1xi32>
    %ne3A_281 = arith.constant 0 : i32
    %ne3A_282 = vector.broadcast %ne3A_281 : i32 to vector<128x1xi32>
    %ne3A_283 = arith.cmpi ne, %rem3A_280, %ne3A_282 : vector<128x1xi32>
    %lt3A_284 = arith.constant 0 : i32
    %lt3A_285 = vector.broadcast %lt3A_284 : i32 to vector<128x1xi32>
    %lt3A_286 = arith.cmpi slt, %rem3A_280, %lt3A_285 : vector<128x1xi32>
    %lt3A_287 = arith.constant 0 : i32
    %lt3A_288 = arith.cmpi slt, %select_n3A_278, %lt3A_287 : i32
    %ne3A_289 = vector.broadcast %lt3A_288 : i1 to vector<128x1xi1>
    %ne3A_290 = vector.broadcast %ne3A_289 : vector<128x1xi1> to vector<128x1xi1>
    %ne3A_291 = arith.xori %lt3A_286, %ne3A_290 : vector<128x1xi1>
    %and3A_292 = arith.andi %ne3A_291, %ne3A_283 : vector<128x1xi1>
    %add3A_293 = vector.broadcast %select_n3A_278 : i32 to vector<128x1xi32>
    %add3A_294 = arith.addi %rem3A_280, %add3A_293 : vector<128x1xi32>
    %select_n3A_295 = arith.select %and3A_292, %add3A_294, %rem3A_280 : vector<128x1xi1>, vector<128x1xi32>
    %add3A_296 = arith.addi %shift_right_arithmetic3A_273, %select_n3A_295 : vector<128x1xi32>
    %mul3A_297 = arith.constant 128 : i32
    %mul3A_298 = vector.broadcast %mul3A_297 : i32 to vector<128x1xi32>
    %mul3A_299 = arith.muli %add3A_296, %mul3A_298 : vector<128x1xi32>
    %add3A_300 = arith.addi %mul3A_299, %sub3A_262 : vector<128x1xi32>
    %sub3A_301 = arith.subi %add3A_300, %mul3A_7 : vector<128x1xi32>
    %reduce_max3A_302 = arith.constant dense<0xFF800000> : vector<128xf32>
    %reduce_max3A_303 = vector.multi_reduction <maximumf>, %select_n3A_255, %reduce_max3A_302 [1] : vector<128x10240xf32> to vector<128xf32>
    %broadcast_in_dim3A_304 = vector.shape_cast %reduce_max3A_303 : vector<128xf32> to vector<128x1xf32>
    %eq3A_305 = vector.broadcast %broadcast_in_dim3A_304 : vector<128x1xf32> to vector<128x10240xf32>
    %eq3A_306 = arith.cmpf oeq, %select_n3A_255, %eq3A_305 : vector<128x10240xf32>
    %jit3A_307 = arith.constant 10240 : i32
    %broadcast_in_dim3A_308 = vector.broadcast %jit3A_307 : i32 to vector<128x10240xi32>
    %select_n3A_309 = arith.select %eq3A_306, %iota3A_55, %broadcast_in_dim3A_308 : vector<128x10240xi1>, vector<128x10240xi32>
    %reduce_min3A_310 = arith.constant dense<2147483647> : vector<128xi32>
    %reduce_min3A_311 = vector.multi_reduction <minsi>, %select_n3A_309, %reduce_min3A_310 [1] : vector<128x10240xi32> to vector<128xi32>
    %broadcast_in_dim3A_312 = vector.shape_cast %reduce_min3A_311 : vector<128xi32> to vector<128x1xi32>
    %eq3A_313 = vector.broadcast %broadcast_in_dim3A_312 : vector<128x1xi32> to vector<128x10240xi32>
    %eq3A_314 = arith.cmpi eq, %iota3A_55, %eq3A_313 : vector<128x10240xi32>
    %jit3A_315 = arith.constant 0xFF800000 : f32
    %broadcast_in_dim3A_316 = vector.broadcast %jit3A_315 : f32 to vector<128x10240xf32>
    %select_n3A_317 = arith.select %eq3A_314, %broadcast_in_dim3A_316, %select_n3A_255 : vector<128x10240xi1>, vector<128x10240xf32>
    %shift_right_arithmetic3A_318 = arith.constant 7 : i32
    %shift_right_arithmetic3A_319 = vector.broadcast %shift_right_arithmetic3A_318 : i32 to vector<128x1xi32>
    %shift_right_arithmetic3A_320 = arith.shrsi %broadcast_in_dim3A_312, %shift_right_arithmetic3A_319 : vector<128x1xi32>
    %mul3A_321 = arith.constant 128 : i32
    %mul3A_322 = vector.broadcast %mul3A_321 : i32 to vector<128x1xi32>
    %mul3A_323 = arith.muli %shift_right_arithmetic3A_320, %mul3A_322 : vector<128x1xi32>
    %sub3A_324 = arith.subi %broadcast_in_dim3A_312, %mul3A_323 : vector<128x1xi32>
    %eq3A_325 = vector.broadcast %shift_right_arithmetic3A_320 : vector<128x1xi32> to vector<128x80xi32>
    %eq3A_326 = arith.cmpi eq, %iota3A_56, %eq3A_325 : vector<128x80xi32>
    %jit3A_327 = arith.constant 0 : i32
    %broadcast_in_dim3A_328 = vector.broadcast %jit3A_327 : i32 to vector<128x80xi32>
    %select_n3A_329 = arith.select %eq3A_326, %get3A_5, %broadcast_in_dim3A_328 : vector<128x80xi1>, vector<128x80xi32>
    %reduce_sum3A_330 = arith.constant dense<0> : vector<128xi32>
    %reduce_sum3A_331 = vector.multi_reduction <add>, %select_n3A_329, %reduce_sum3A_330 [1] : vector<128x80xi32> to vector<128xi32>
    %broadcast_in_dim3A_332 = vector.shape_cast %reduce_sum3A_331 : vector<128xi32> to vector<128x1xi32>
    %shift_right_arithmetic3A_333 = arith.constant 7 : i32
    %shift_right_arithmetic3A_334 = vector.broadcast %shift_right_arithmetic3A_333 : i32 to vector<128x1xi32>
    %shift_right_arithmetic3A_335 = arith.shrsi %broadcast_in_dim3A_332, %shift_right_arithmetic3A_334 : vector<128x1xi32>
    %jit3A_336 = arith.constant 5 : i32
    %eq3A_337 = arith.constant 0 : i32
    %eq3A_338 = arith.cmpi eq, %jit3A_336, %eq3A_337 : i32
    %jit3A_339 = arith.constant 1 : i32
    %select_n3A_340 = arith.select %eq3A_338, %jit3A_339, %jit3A_336 : i32
    %rem3A_341 = vector.broadcast %select_n3A_340 : i32 to vector<128x1xi32>
    %rem3A_342 = arith.remsi %shift_right_arithmetic3A_320, %rem3A_341 : vector<128x1xi32>
    %ne3A_343 = arith.constant 0 : i32
    %ne3A_344 = vector.broadcast %ne3A_343 : i32 to vector<128x1xi32>
    %ne3A_345 = arith.cmpi ne, %rem3A_342, %ne3A_344 : vector<128x1xi32>
    %lt3A_346 = arith.constant 0 : i32
    %lt3A_347 = vector.broadcast %lt3A_346 : i32 to vector<128x1xi32>
    %lt3A_348 = arith.cmpi slt, %rem3A_342, %lt3A_347 : vector<128x1xi32>
    %lt3A_349 = arith.constant 0 : i32
    %lt3A_350 = arith.cmpi slt, %select_n3A_340, %lt3A_349 : i32
    %ne3A_351 = vector.broadcast %lt3A_350 : i1 to vector<128x1xi1>
    %ne3A_352 = vector.broadcast %ne3A_351 : vector<128x1xi1> to vector<128x1xi1>
    %ne3A_353 = arith.xori %lt3A_348, %ne3A_352 : vector<128x1xi1>
    %and3A_354 = arith.andi %ne3A_353, %ne3A_345 : vector<128x1xi1>
    %add3A_355 = vector.broadcast %select_n3A_340 : i32 to vector<128x1xi32>
    %add3A_356 = arith.addi %rem3A_342, %add3A_355 : vector<128x1xi32>
    %select_n3A_357 = arith.select %and3A_354, %add3A_356, %rem3A_342 : vector<128x1xi1>, vector<128x1xi32>
    %add3A_358 = arith.addi %shift_right_arithmetic3A_335, %select_n3A_357 : vector<128x1xi32>
    %mul3A_359 = arith.constant 128 : i32
    %mul3A_360 = vector.broadcast %mul3A_359 : i32 to vector<128x1xi32>
    %mul3A_361 = arith.muli %add3A_358, %mul3A_360 : vector<128x1xi32>
    %add3A_362 = arith.addi %mul3A_361, %sub3A_324 : vector<128x1xi32>
    %sub3A_363 = arith.subi %add3A_362, %mul3A_7 : vector<128x1xi32>
    %reduce_max3A_364 = arith.constant dense<0xFF800000> : vector<128xf32>
    %reduce_max3A_365 = vector.multi_reduction <maximumf>, %select_n3A_317, %reduce_max3A_364 [1] : vector<128x10240xf32> to vector<128xf32>
    %broadcast_in_dim3A_366 = vector.shape_cast %reduce_max3A_365 : vector<128xf32> to vector<128x1xf32>
    %eq3A_367 = vector.broadcast %broadcast_in_dim3A_366 : vector<128x1xf32> to vector<128x10240xf32>
    %eq3A_368 = arith.cmpf oeq, %select_n3A_317, %eq3A_367 : vector<128x10240xf32>
    %jit3A_369 = arith.constant 10240 : i32
    %broadcast_in_dim3A_370 = vector.broadcast %jit3A_369 : i32 to vector<128x10240xi32>
    %select_n3A_371 = arith.select %eq3A_368, %iota3A_55, %broadcast_in_dim3A_370 : vector<128x10240xi1>, vector<128x10240xi32>
    %reduce_min3A_372 = arith.constant dense<2147483647> : vector<128xi32>
    %reduce_min3A_373 = vector.multi_reduction <minsi>, %select_n3A_371, %reduce_min3A_372 [1] : vector<128x10240xi32> to vector<128xi32>
    %broadcast_in_dim3A_374 = vector.shape_cast %reduce_min3A_373 : vector<128xi32> to vector<128x1xi32>
    %eq3A_375 = vector.broadcast %broadcast_in_dim3A_374 : vector<128x1xi32> to vector<128x10240xi32>
    %eq3A_376 = arith.cmpi eq, %iota3A_55, %eq3A_375 : vector<128x10240xi32>
    %jit3A_377 = arith.constant 0xFF800000 : f32
    %broadcast_in_dim3A_378 = vector.broadcast %jit3A_377 : f32 to vector<128x10240xf32>
    %select_n3A_379 = arith.select %eq3A_376, %broadcast_in_dim3A_378, %select_n3A_317 : vector<128x10240xi1>, vector<128x10240xf32>
    %shift_right_arithmetic3A_380 = arith.constant 7 : i32
    %shift_right_arithmetic3A_381 = vector.broadcast %shift_right_arithmetic3A_380 : i32 to vector<128x1xi32>
    %shift_right_arithmetic3A_382 = arith.shrsi %broadcast_in_dim3A_374, %shift_right_arithmetic3A_381 : vector<128x1xi32>
    %mul3A_383 = arith.constant 128 : i32
    %mul3A_384 = vector.broadcast %mul3A_383 : i32 to vector<128x1xi32>
    %mul3A_385 = arith.muli %shift_right_arithmetic3A_382, %mul3A_384 : vector<128x1xi32>
    %sub3A_386 = arith.subi %broadcast_in_dim3A_374, %mul3A_385 : vector<128x1xi32>
    %eq3A_387 = vector.broadcast %shift_right_arithmetic3A_382 : vector<128x1xi32> to vector<128x80xi32>
    %eq3A_388 = arith.cmpi eq, %iota3A_56, %eq3A_387 : vector<128x80xi32>
    %jit3A_389 = arith.constant 0 : i32
    %broadcast_in_dim3A_390 = vector.broadcast %jit3A_389 : i32 to vector<128x80xi32>
    %select_n3A_391 = arith.select %eq3A_388, %get3A_5, %broadcast_in_dim3A_390 : vector<128x80xi1>, vector<128x80xi32>
    %reduce_sum3A_392 = arith.constant dense<0> : vector<128xi32>
    %reduce_sum3A_393 = vector.multi_reduction <add>, %select_n3A_391, %reduce_sum3A_392 [1] : vector<128x80xi32> to vector<128xi32>
    %broadcast_in_dim3A_394 = vector.shape_cast %reduce_sum3A_393 : vector<128xi32> to vector<128x1xi32>
    %shift_right_arithmetic3A_395 = arith.constant 7 : i32
    %shift_right_arithmetic3A_396 = vector.broadcast %shift_right_arithmetic3A_395 : i32 to vector<128x1xi32>
    %shift_right_arithmetic3A_397 = arith.shrsi %broadcast_in_dim3A_394, %shift_right_arithmetic3A_396 : vector<128x1xi32>
    %jit3A_398 = arith.constant 5 : i32
    %eq3A_399 = arith.constant 0 : i32
    %eq3A_400 = arith.cmpi eq, %jit3A_398, %eq3A_399 : i32
    %jit3A_401 = arith.constant 1 : i32
    %select_n3A_402 = arith.select %eq3A_400, %jit3A_401, %jit3A_398 : i32
    %rem3A_403 = vector.broadcast %select_n3A_402 : i32 to vector<128x1xi32>
    %rem3A_404 = arith.remsi %shift_right_arithmetic3A_382, %rem3A_403 : vector<128x1xi32>
    %ne3A_405 = arith.constant 0 : i32
    %ne3A_406 = vector.broadcast %ne3A_405 : i32 to vector<128x1xi32>
    %ne3A_407 = arith.cmpi ne, %rem3A_404, %ne3A_406 : vector<128x1xi32>
    %lt3A_408 = arith.constant 0 : i32
    %lt3A_409 = vector.broadcast %lt3A_408 : i32 to vector<128x1xi32>
    %lt3A_410 = arith.cmpi slt, %rem3A_404, %lt3A_409 : vector<128x1xi32>
    %lt3A_411 = arith.constant 0 : i32
    %lt3A_412 = arith.cmpi slt, %select_n3A_402, %lt3A_411 : i32
    %ne3A_413 = vector.broadcast %lt3A_412 : i1 to vector<128x1xi1>
    %ne3A_414 = vector.broadcast %ne3A_413 : vector<128x1xi1> to vector<128x1xi1>
    %ne3A_415 = arith.xori %lt3A_410, %ne3A_414 : vector<128x1xi1>
    %and3A_416 = arith.andi %ne3A_415, %ne3A_407 : vector<128x1xi1>
    %add3A_417 = vector.broadcast %select_n3A_402 : i32 to vector<128x1xi32>
    %add3A_418 = arith.addi %rem3A_404, %add3A_417 : vector<128x1xi32>
    %select_n3A_419 = arith.select %and3A_416, %add3A_418, %rem3A_404 : vector<128x1xi1>, vector<128x1xi32>
    %add3A_420 = arith.addi %shift_right_arithmetic3A_397, %select_n3A_419 : vector<128x1xi32>
    %mul3A_421 = arith.constant 128 : i32
    %mul3A_422 = vector.broadcast %mul3A_421 : i32 to vector<128x1xi32>
    %mul3A_423 = arith.muli %add3A_420, %mul3A_422 : vector<128x1xi32>
    %add3A_424 = arith.addi %mul3A_423, %sub3A_386 : vector<128x1xi32>
    %sub3A_425 = arith.subi %add3A_424, %mul3A_7 : vector<128x1xi32>
    %reduce_max3A_426 = arith.constant dense<0xFF800000> : vector<128xf32>
    %reduce_max3A_427 = vector.multi_reduction <maximumf>, %select_n3A_379, %reduce_max3A_426 [1] : vector<128x10240xf32> to vector<128xf32>
    %broadcast_in_dim3A_428 = vector.shape_cast %reduce_max3A_427 : vector<128xf32> to vector<128x1xf32>
    %eq3A_429 = vector.broadcast %broadcast_in_dim3A_428 : vector<128x1xf32> to vector<128x10240xf32>
    %eq3A_430 = arith.cmpf oeq, %select_n3A_379, %eq3A_429 : vector<128x10240xf32>
    %jit3A_431 = arith.constant 10240 : i32
    %broadcast_in_dim3A_432 = vector.broadcast %jit3A_431 : i32 to vector<128x10240xi32>
    %select_n3A_433 = arith.select %eq3A_430, %iota3A_55, %broadcast_in_dim3A_432 : vector<128x10240xi1>, vector<128x10240xi32>
    %reduce_min3A_434 = arith.constant dense<2147483647> : vector<128xi32>
    %reduce_min3A_435 = vector.multi_reduction <minsi>, %select_n3A_433, %reduce_min3A_434 [1] : vector<128x10240xi32> to vector<128xi32>
    %broadcast_in_dim3A_436 = vector.shape_cast %reduce_min3A_435 : vector<128xi32> to vector<128x1xi32>
    %eq3A_437 = vector.broadcast %broadcast_in_dim3A_436 : vector<128x1xi32> to vector<128x10240xi32>
    %eq3A_438 = arith.cmpi eq, %iota3A_55, %eq3A_437 : vector<128x10240xi32>
    %jit3A_439 = arith.constant 0xFF800000 : f32
    %broadcast_in_dim3A_440 = vector.broadcast %jit3A_439 : f32 to vector<128x10240xf32>
    %select_n3A_441 = arith.select %eq3A_438, %broadcast_in_dim3A_440, %select_n3A_379 : vector<128x10240xi1>, vector<128x10240xf32>
    %shift_right_arithmetic3A_442 = arith.constant 7 : i32
    %shift_right_arithmetic3A_443 = vector.broadcast %shift_right_arithmetic3A_442 : i32 to vector<128x1xi32>
    %shift_right_arithmetic3A_444 = arith.shrsi %broadcast_in_dim3A_436, %shift_right_arithmetic3A_443 : vector<128x1xi32>
    %mul3A_445 = arith.constant 128 : i32
    %mul3A_446 = vector.broadcast %mul3A_445 : i32 to vector<128x1xi32>
    %mul3A_447 = arith.muli %shift_right_arithmetic3A_444, %mul3A_446 : vector<128x1xi32>
    %sub3A_448 = arith.subi %broadcast_in_dim3A_436, %mul3A_447 : vector<128x1xi32>
    %eq3A_449 = vector.broadcast %shift_right_arithmetic3A_444 : vector<128x1xi32> to vector<128x80xi32>
    %eq3A_450 = arith.cmpi eq, %iota3A_56, %eq3A_449 : vector<128x80xi32>
    %jit3A_451 = arith.constant 0 : i32
    %broadcast_in_dim3A_452 = vector.broadcast %jit3A_451 : i32 to vector<128x80xi32>
    %select_n3A_453 = arith.select %eq3A_450, %get3A_5, %broadcast_in_dim3A_452 : vector<128x80xi1>, vector<128x80xi32>
    %reduce_sum3A_454 = arith.constant dense<0> : vector<128xi32>
    %reduce_sum3A_455 = vector.multi_reduction <add>, %select_n3A_453, %reduce_sum3A_454 [1] : vector<128x80xi32> to vector<128xi32>
    %broadcast_in_dim3A_456 = vector.shape_cast %reduce_sum3A_455 : vector<128xi32> to vector<128x1xi32>
    %shift_right_arithmetic3A_457 = arith.constant 7 : i32
    %shift_right_arithmetic3A_458 = vector.broadcast %shift_right_arithmetic3A_457 : i32 to vector<128x1xi32>
    %shift_right_arithmetic3A_459 = arith.shrsi %broadcast_in_dim3A_456, %shift_right_arithmetic3A_458 : vector<128x1xi32>
    %jit3A_460 = arith.constant 5 : i32
    %eq3A_461 = arith.constant 0 : i32
    %eq3A_462 = arith.cmpi eq, %jit3A_460, %eq3A_461 : i32
    %jit3A_463 = arith.constant 1 : i32
    %select_n3A_464 = arith.select %eq3A_462, %jit3A_463, %jit3A_460 : i32
    %rem3A_465 = vector.broadcast %select_n3A_464 : i32 to vector<128x1xi32>
    %rem3A_466 = arith.remsi %shift_right_arithmetic3A_444, %rem3A_465 : vector<128x1xi32>
    %ne3A_467 = arith.constant 0 : i32
    %ne3A_468 = vector.broadcast %ne3A_467 : i32 to vector<128x1xi32>
    %ne3A_469 = arith.cmpi ne, %rem3A_466, %ne3A_468 : vector<128x1xi32>
    %lt3A_470 = arith.constant 0 : i32
    %lt3A_471 = vector.broadcast %lt3A_470 : i32 to vector<128x1xi32>
    %lt3A_472 = arith.cmpi slt, %rem3A_466, %lt3A_471 : vector<128x1xi32>
    %lt3A_473 = arith.constant 0 : i32
    %lt3A_474 = arith.cmpi slt, %select_n3A_464, %lt3A_473 : i32
    %ne3A_475 = vector.broadcast %lt3A_474 : i1 to vector<128x1xi1>
    %ne3A_476 = vector.broadcast %ne3A_475 : vector<128x1xi1> to vector<128x1xi1>
    %ne3A_477 = arith.xori %lt3A_472, %ne3A_476 : vector<128x1xi1>
    %and3A_478 = arith.andi %ne3A_477, %ne3A_469 : vector<128x1xi1>
    %add3A_479 = vector.broadcast %select_n3A_464 : i32 to vector<128x1xi32>
    %add3A_480 = arith.addi %rem3A_466, %add3A_479 : vector<128x1xi32>
    %select_n3A_481 = arith.select %and3A_478, %add3A_480, %rem3A_466 : vector<128x1xi1>, vector<128x1xi32>
    %add3A_482 = arith.addi %shift_right_arithmetic3A_459, %select_n3A_481 : vector<128x1xi32>
    %mul3A_483 = arith.constant 128 : i32
    %mul3A_484 = vector.broadcast %mul3A_483 : i32 to vector<128x1xi32>
    %mul3A_485 = arith.muli %add3A_482, %mul3A_484 : vector<128x1xi32>
    %add3A_486 = arith.addi %mul3A_485, %sub3A_448 : vector<128x1xi32>
    %sub3A_487 = arith.subi %add3A_486, %mul3A_7 : vector<128x1xi32>
    %reduce_max3A_488 = arith.constant dense<0xFF800000> : vector<128xf32>
    %reduce_max3A_489 = vector.multi_reduction <maximumf>, %select_n3A_441, %reduce_max3A_488 [1] : vector<128x10240xf32> to vector<128xf32>
    %broadcast_in_dim3A_490 = vector.shape_cast %reduce_max3A_489 : vector<128xf32> to vector<128x1xf32>
    %eq3A_491 = vector.broadcast %broadcast_in_dim3A_490 : vector<128x1xf32> to vector<128x10240xf32>
    %eq3A_492 = arith.cmpf oeq, %select_n3A_441, %eq3A_491 : vector<128x10240xf32>
    %jit3A_493 = arith.constant 10240 : i32
    %broadcast_in_dim3A_494 = vector.broadcast %jit3A_493 : i32 to vector<128x10240xi32>
    %select_n3A_495 = arith.select %eq3A_492, %iota3A_55, %broadcast_in_dim3A_494 : vector<128x10240xi1>, vector<128x10240xi32>
    %reduce_min3A_496 = arith.constant dense<2147483647> : vector<128xi32>
    %reduce_min3A_497 = vector.multi_reduction <minsi>, %select_n3A_495, %reduce_min3A_496 [1] : vector<128x10240xi32> to vector<128xi32>
    %broadcast_in_dim3A_498 = vector.shape_cast %reduce_min3A_497 : vector<128xi32> to vector<128x1xi32>
    %shift_right_arithmetic3A_499 = arith.constant 7 : i32
    %shift_right_arithmetic3A_500 = vector.broadcast %shift_right_arithmetic3A_499 : i32 to vector<128x1xi32>
    %shift_right_arithmetic3A_501 = arith.shrsi %broadcast_in_dim3A_498, %shift_right_arithmetic3A_500 : vector<128x1xi32>
    %mul3A_502 = arith.constant 128 : i32
    %mul3A_503 = vector.broadcast %mul3A_502 : i32 to vector<128x1xi32>
    %mul3A_504 = arith.muli %shift_right_arithmetic3A_501, %mul3A_503 : vector<128x1xi32>
    %sub3A_505 = arith.subi %broadcast_in_dim3A_498, %mul3A_504 : vector<128x1xi32>
    %eq3A_506 = vector.broadcast %shift_right_arithmetic3A_501 : vector<128x1xi32> to vector<128x80xi32>
    %eq3A_507 = arith.cmpi eq, %iota3A_56, %eq3A_506 : vector<128x80xi32>
    %jit3A_508 = arith.constant 0 : i32
    %broadcast_in_dim3A_509 = vector.broadcast %jit3A_508 : i32 to vector<128x80xi32>
    %select_n3A_510 = arith.select %eq3A_507, %get3A_5, %broadcast_in_dim3A_509 : vector<128x80xi1>, vector<128x80xi32>
    %reduce_sum3A_511 = arith.constant dense<0> : vector<128xi32>
    %reduce_sum3A_512 = vector.multi_reduction <add>, %select_n3A_510, %reduce_sum3A_511 [1] : vector<128x80xi32> to vector<128xi32>
    %broadcast_in_dim3A_513 = vector.shape_cast %reduce_sum3A_512 : vector<128xi32> to vector<128x1xi32>
    %shift_right_arithmetic3A_514 = arith.constant 7 : i32
    %shift_right_arithmetic3A_515 = vector.broadcast %shift_right_arithmetic3A_514 : i32 to vector<128x1xi32>
    %shift_right_arithmetic3A_516 = arith.shrsi %broadcast_in_dim3A_513, %shift_right_arithmetic3A_515 : vector<128x1xi32>
    %jit3A_517 = arith.constant 5 : i32
    %eq3A_518 = arith.constant 0 : i32
    %eq3A_519 = arith.cmpi eq, %jit3A_517, %eq3A_518 : i32
    %jit3A_520 = arith.constant 1 : i32
    %select_n3A_521 = arith.select %eq3A_519, %jit3A_520, %jit3A_517 : i32
    %rem3A_522 = vector.broadcast %select_n3A_521 : i32 to vector<128x1xi32>
    %rem3A_523 = arith.remsi %shift_right_arithmetic3A_501, %rem3A_522 : vector<128x1xi32>
    %ne3A_524 = arith.constant 0 : i32
    %ne3A_525 = vector.broadcast %ne3A_524 : i32 to vector<128x1xi32>
    %ne3A_526 = arith.cmpi ne, %rem3A_523, %ne3A_525 : vector<128x1xi32>
    %lt3A_527 = arith.constant 0 : i32
    %lt3A_528 = vector.broadcast %lt3A_527 : i32 to vector<128x1xi32>
    %lt3A_529 = arith.cmpi slt, %rem3A_523, %lt3A_528 : vector<128x1xi32>
    %lt3A_530 = arith.constant 0 : i32
    %lt3A_531 = arith.cmpi slt, %select_n3A_521, %lt3A_530 : i32
    %ne3A_532 = vector.broadcast %lt3A_531 : i1 to vector<128x1xi1>
    %ne3A_533 = vector.broadcast %ne3A_532 : vector<128x1xi1> to vector<128x1xi1>
    %ne3A_534 = arith.xori %lt3A_529, %ne3A_533 : vector<128x1xi1>
    %and3A_535 = arith.andi %ne3A_534, %ne3A_526 : vector<128x1xi1>
    %add3A_536 = vector.broadcast %select_n3A_521 : i32 to vector<128x1xi32>
    %add3A_537 = arith.addi %rem3A_523, %add3A_536 : vector<128x1xi32>
    %select_n3A_538 = arith.select %and3A_535, %add3A_537, %rem3A_523 : vector<128x1xi1>, vector<128x1xi32>
    %add3A_539 = arith.addi %shift_right_arithmetic3A_516, %select_n3A_538 : vector<128x1xi32>
    %mul3A_540 = arith.constant 128 : i32
    %mul3A_541 = vector.broadcast %mul3A_540 : i32 to vector<128x1xi32>
    %mul3A_542 = arith.muli %add3A_539, %mul3A_541 : vector<128x1xi32>
    %add3A_543 = arith.addi %mul3A_542, %sub3A_505 : vector<128x1xi32>
    %sub3A_544 = arith.subi %add3A_543, %mul3A_7 : vector<128x1xi32>
    %concatenate3A = tpu.concatenate %broadcast_in_dim3A_58, %broadcast_in_dim3A_118, %broadcast_in_dim3A_180, %broadcast_in_dim3A_242, %broadcast_in_dim3A_304, %broadcast_in_dim3A_366, %broadcast_in_dim3A_428, %broadcast_in_dim3A_490 in 1 : vector<128x1xf32>, vector<128x1xf32>, vector<128x1xf32>, vector<128x1xf32>, vector<128x1xf32>, vector<128x1xf32>, vector<128x1xf32>, vector<128x1xf32> -> vector<128x8xf32>
    %concatenate3A_545 = tpu.concatenate %sub3A_115, %sub3A_177, %sub3A_239, %sub3A_301, %sub3A_363, %sub3A_425, %sub3A_487, %sub3A_544 in 1 : vector<128x1xi32>, vector<128x1xi32>, vector<128x1xi32>, vector<128x1xi32>, vector<128x1xi32>, vector<128x1xi32>, vector<128x1xi32>, vector<128x1xi32> -> vector<128x8xi32>
    %div3A = arith.constant 0.699999988 : f32
    %div3A_546 = vector.broadcast %div3A : f32 to vector<128x8xf32>
    %div3A_547 = arith.divf %concatenate3A, %div3A_546 : vector<128x8xf32>
    %get3A_548 = arith.constant 0 : index
    %get3A_549 = arith.constant 0 : index
    %get3A_550 = vector.load %arg2[%get3A_548, %get3A_549] : memref<128x8xf32, #tpu.memory_space<vmem>>, vector<128x8xf32>
    %mul3A_551 = arith.mulf %div3A_547, %get3A_550 : vector<128x8xf32>
    %reduce_sum3A_552 = arith.constant dense<0.000000e+00> : vector<128xf32>
    %reduce_sum3A_553 = vector.multi_reduction <add>, %mul3A_551, %reduce_sum3A_552 [1] : vector<128x8xf32> to vector<128xf32>
    %broadcast_in_dim3A_554 = vector.shape_cast %reduce_sum3A_553 : vector<128xf32> to vector<128x1xf32>
    %ge3A_555 = vector.broadcast %broadcast_in_dim3A_554 : vector<128x1xf32> to vector<128x8xf32>
    %ge3A_556 = arith.cmpf oge, %div3A_547, %ge3A_555 : vector<128x8xf32>
    %slice3A = vector.extract_strided_slice %div3A_547 {offsets = [0, 0], sizes = [128, 1], strides = [1, 1]} : vector<128x8xf32> to vector<128x1xf32>
    %sub3A_557 = vector.broadcast %slice3A : vector<128x1xf32> to vector<128x8xf32>
    %sub3A_558 = arith.subf %div3A_547, %sub3A_557 : vector<128x8xf32>
    %exp3A = math.exp %sub3A_558 : vector<128x8xf32>
    %jit3A_559 = arith.constant 0.000000e+00 : f32
    %broadcast_in_dim3A_560 = vector.broadcast %jit3A_559 : f32 to vector<128x8xf32>
    %select_n3A_561 = arith.select %ge3A_556, %exp3A, %broadcast_in_dim3A_560 : vector<128x8xi1>, vector<128x8xf32>
    %reduce_sum3A_562 = arith.constant dense<0.000000e+00> : vector<128xf32>
    %reduce_sum3A_563 = vector.multi_reduction <add>, %select_n3A_561, %reduce_sum3A_562 [1] : vector<128x8xf32> to vector<128xf32>
    %broadcast_in_dim3A_564 = vector.shape_cast %reduce_sum3A_563 : vector<128xf32> to vector<128x1xf32>
    %div3A_565 = vector.broadcast %broadcast_in_dim3A_564 : vector<128x1xf32> to vector<128x8xf32>
    %div3A_566 = arith.divf %select_n3A_561, %div3A_565 : vector<128x8xf32>
    %iota3A_567 = tpu.iota {dimensions = array<i32: 0>} : vector<128x8xi32>
    %mul3A_568 = arith.constant 100000 : i32
    %mul3A_569 = vector.broadcast %mul3A_568 : i32 to vector<128x8xi32>
    %mul3A_570 = arith.muli %iota3A_567, %mul3A_569 : vector<128x8xi32>
    %add3A_571 = arith.addi %mul3A_570, %concatenate3A_545 : vector<128x8xi32>
    %broadcast_in_dim3A_572 = arith.constant 0 : i32
    %broadcast_in_dim3A_573 = vector.broadcast %broadcast_in_dim3A_572 : i32 to vector<128x8xi32>
    %add3A_574 = arith.constant 0 : i32
    %add3A_575 = vector.broadcast %add3A_574 : i32 to vector<128x8xi32>
    %add3A_576 = arith.addi %broadcast_in_dim3A_573, %add3A_575 : vector<128x8xi32>
    %add3A_577 = arith.constant 42 : i32
    %add3A_578 = vector.broadcast %add3A_577 : i32 to vector<128x8xi32>
    %add3A_579 = arith.addi %add3A_571, %add3A_578 : vector<128x8xi32>
    %add3A_580 = arith.addi %add3A_576, %add3A_579 : vector<128x8xi32>
    %shift_left3A = arith.constant 13 : i32
    %shift_left3A_581 = vector.broadcast %shift_left3A : i32 to vector<128x8xi32>
    %shift_left3A_582 = arith.shli %add3A_579, %shift_left3A_581 : vector<128x8xi32>
    %shift_right_logical3A = arith.constant 19 : i32
    %shift_right_logical3A_583 = vector.broadcast %shift_right_logical3A : i32 to vector<128x8xi32>
    %shift_right_logical3A_584 = arith.shrui %add3A_579, %shift_right_logical3A_583 : vector<128x8xi32>
    %or3A = arith.ori %shift_left3A_582, %shift_right_logical3A_584 : vector<128x8xi32>
    %xor3A = arith.xori %add3A_580, %or3A : vector<128x8xi32>
    %add3A_585 = arith.addi %add3A_580, %xor3A : vector<128x8xi32>
    %shift_left3A_586 = arith.constant 15 : i32
    %shift_left3A_587 = vector.broadcast %shift_left3A_586 : i32 to vector<128x8xi32>
    %shift_left3A_588 = arith.shli %xor3A, %shift_left3A_587 : vector<128x8xi32>
    %shift_right_logical3A_589 = arith.constant 17 : i32
    %shift_right_logical3A_590 = vector.broadcast %shift_right_logical3A_589 : i32 to vector<128x8xi32>
    %shift_right_logical3A_591 = arith.shrui %xor3A, %shift_right_logical3A_590 : vector<128x8xi32>
    %or3A_592 = arith.ori %shift_left3A_588, %shift_right_logical3A_591 : vector<128x8xi32>
    %xor3A_593 = arith.xori %add3A_585, %or3A_592 : vector<128x8xi32>
    %add3A_594 = arith.addi %add3A_585, %xor3A_593 : vector<128x8xi32>
    %shift_left3A_595 = arith.constant 26 : i32
    %shift_left3A_596 = vector.broadcast %shift_left3A_595 : i32 to vector<128x8xi32>
    %shift_left3A_597 = arith.shli %xor3A_593, %shift_left3A_596 : vector<128x8xi32>
    %shift_right_logical3A_598 = arith.constant 6 : i32
    %shift_right_logical3A_599 = vector.broadcast %shift_right_logical3A_598 : i32 to vector<128x8xi32>
    %shift_right_logical3A_600 = arith.shrui %xor3A_593, %shift_right_logical3A_599 : vector<128x8xi32>
    %or3A_601 = arith.ori %shift_left3A_597, %shift_right_logical3A_600 : vector<128x8xi32>
    %xor3A_602 = arith.xori %add3A_594, %or3A_601 : vector<128x8xi32>
    %add3A_603 = arith.addi %add3A_594, %xor3A_602 : vector<128x8xi32>
    %shift_left3A_604 = arith.constant 6 : i32
    %shift_left3A_605 = vector.broadcast %shift_left3A_604 : i32 to vector<128x8xi32>
    %shift_left3A_606 = arith.shli %xor3A_602, %shift_left3A_605 : vector<128x8xi32>
    %shift_right_logical3A_607 = arith.constant 26 : i32
    %shift_right_logical3A_608 = vector.broadcast %shift_right_logical3A_607 : i32 to vector<128x8xi32>
    %shift_right_logical3A_609 = arith.shrui %xor3A_602, %shift_right_logical3A_608 : vector<128x8xi32>
    %or3A_610 = arith.ori %shift_left3A_606, %shift_right_logical3A_609 : vector<128x8xi32>
    %xor3A_611 = arith.xori %add3A_603, %or3A_610 : vector<128x8xi32>
    %add3A_612 = arith.constant 42 : i32
    %add3A_613 = vector.broadcast %add3A_612 : i32 to vector<128x8xi32>
    %add3A_614 = arith.addi %add3A_603, %add3A_613 : vector<128x8xi32>
    %add3A_615 = arith.constant 466689008 : i32
    %add3A_616 = vector.broadcast %add3A_615 : i32 to vector<128x8xi32>
    %add3A_617 = arith.addi %xor3A_611, %add3A_616 : vector<128x8xi32>
    %add3A_618 = arith.constant 1 : i32
    %add3A_619 = vector.broadcast %add3A_618 : i32 to vector<128x8xi32>
    %add3A_620 = arith.addi %add3A_617, %add3A_619 : vector<128x8xi32>
    %add3A_621 = arith.addi %add3A_614, %add3A_620 : vector<128x8xi32>
    %shift_left3A_622 = arith.constant 17 : i32
    %shift_left3A_623 = vector.broadcast %shift_left3A_622 : i32 to vector<128x8xi32>
    %shift_left3A_624 = arith.shli %add3A_620, %shift_left3A_623 : vector<128x8xi32>
    %shift_right_logical3A_625 = arith.constant 15 : i32
    %shift_right_logical3A_626 = vector.broadcast %shift_right_logical3A_625 : i32 to vector<128x8xi32>
    %shift_right_logical3A_627 = arith.shrui %add3A_620, %shift_right_logical3A_626 : vector<128x8xi32>
    %or3A_628 = arith.ori %shift_left3A_624, %shift_right_logical3A_627 : vector<128x8xi32>
    %xor3A_629 = arith.xori %add3A_621, %or3A_628 : vector<128x8xi32>
    %add3A_630 = arith.addi %add3A_621, %xor3A_629 : vector<128x8xi32>
    %shift_left3A_631 = arith.constant 29 : i32
    %shift_left3A_632 = vector.broadcast %shift_left3A_631 : i32 to vector<128x8xi32>
    %shift_left3A_633 = arith.shli %xor3A_629, %shift_left3A_632 : vector<128x8xi32>
    %shift_right_logical3A_634 = arith.constant 3 : i32
    %shift_right_logical3A_635 = vector.broadcast %shift_right_logical3A_634 : i32 to vector<128x8xi32>
    %shift_right_logical3A_636 = arith.shrui %xor3A_629, %shift_right_logical3A_635 : vector<128x8xi32>
    %or3A_637 = arith.ori %shift_left3A_633, %shift_right_logical3A_636 : vector<128x8xi32>
    %xor3A_638 = arith.xori %add3A_630, %or3A_637 : vector<128x8xi32>
    %add3A_639 = arith.addi %add3A_630, %xor3A_638 : vector<128x8xi32>
    %shift_left3A_640 = arith.constant 16 : i32
    %shift_left3A_641 = vector.broadcast %shift_left3A_640 : i32 to vector<128x8xi32>
    %shift_left3A_642 = arith.shli %xor3A_638, %shift_left3A_641 : vector<128x8xi32>
    %shift_right_logical3A_643 = arith.constant 16 : i32
    %shift_right_logical3A_644 = vector.broadcast %shift_right_logical3A_643 : i32 to vector<128x8xi32>
    %shift_right_logical3A_645 = arith.shrui %xor3A_638, %shift_right_logical3A_644 : vector<128x8xi32>
    %or3A_646 = arith.ori %shift_left3A_642, %shift_right_logical3A_645 : vector<128x8xi32>
    %xor3A_647 = arith.xori %add3A_639, %or3A_646 : vector<128x8xi32>
    %add3A_648 = arith.addi %add3A_639, %xor3A_647 : vector<128x8xi32>
    %shift_left3A_649 = arith.constant 24 : i32
    %shift_left3A_650 = vector.broadcast %shift_left3A_649 : i32 to vector<128x8xi32>
    %shift_left3A_651 = arith.shli %xor3A_647, %shift_left3A_650 : vector<128x8xi32>
    %shift_right_logical3A_652 = arith.constant 8 : i32
    %shift_right_logical3A_653 = vector.broadcast %shift_right_logical3A_652 : i32 to vector<128x8xi32>
    %shift_right_logical3A_654 = arith.shrui %xor3A_647, %shift_right_logical3A_653 : vector<128x8xi32>
    %or3A_655 = arith.ori %shift_left3A_651, %shift_right_logical3A_654 : vector<128x8xi32>
    %xor3A_656 = arith.xori %add3A_648, %or3A_655 : vector<128x8xi32>
    %add3A_657 = arith.constant 466689008 : i32
    %add3A_658 = vector.broadcast %add3A_657 : i32 to vector<128x8xi32>
    %add3A_659 = arith.addi %add3A_648, %add3A_658 : vector<128x8xi32>
    %add3A_660 = arith.constant 0 : i32
    %add3A_661 = vector.broadcast %add3A_660 : i32 to vector<128x8xi32>
    %add3A_662 = arith.addi %xor3A_656, %add3A_661 : vector<128x8xi32>
    %add3A_663 = arith.constant 2 : i32
    %add3A_664 = vector.broadcast %add3A_663 : i32 to vector<128x8xi32>
    %add3A_665 = arith.addi %add3A_662, %add3A_664 : vector<128x8xi32>
    %add3A_666 = arith.addi %add3A_659, %add3A_665 : vector<128x8xi32>
    %shift_left3A_667 = arith.constant 13 : i32
    %shift_left3A_668 = vector.broadcast %shift_left3A_667 : i32 to vector<128x8xi32>
    %shift_left3A_669 = arith.shli %add3A_665, %shift_left3A_668 : vector<128x8xi32>
    %shift_right_logical3A_670 = arith.constant 19 : i32
    %shift_right_logical3A_671 = vector.broadcast %shift_right_logical3A_670 : i32 to vector<128x8xi32>
    %shift_right_logical3A_672 = arith.shrui %add3A_665, %shift_right_logical3A_671 : vector<128x8xi32>
    %or3A_673 = arith.ori %shift_left3A_669, %shift_right_logical3A_672 : vector<128x8xi32>
    %xor3A_674 = arith.xori %add3A_666, %or3A_673 : vector<128x8xi32>
    %add3A_675 = arith.addi %add3A_666, %xor3A_674 : vector<128x8xi32>
    %shift_left3A_676 = arith.constant 15 : i32
    %shift_left3A_677 = vector.broadcast %shift_left3A_676 : i32 to vector<128x8xi32>
    %shift_left3A_678 = arith.shli %xor3A_674, %shift_left3A_677 : vector<128x8xi32>
    %shift_right_logical3A_679 = arith.constant 17 : i32
    %shift_right_logical3A_680 = vector.broadcast %shift_right_logical3A_679 : i32 to vector<128x8xi32>
    %shift_right_logical3A_681 = arith.shrui %xor3A_674, %shift_right_logical3A_680 : vector<128x8xi32>
    %or3A_682 = arith.ori %shift_left3A_678, %shift_right_logical3A_681 : vector<128x8xi32>
    %xor3A_683 = arith.xori %add3A_675, %or3A_682 : vector<128x8xi32>
    %add3A_684 = arith.addi %add3A_675, %xor3A_683 : vector<128x8xi32>
    %shift_left3A_685 = arith.constant 26 : i32
    %shift_left3A_686 = vector.broadcast %shift_left3A_685 : i32 to vector<128x8xi32>
    %shift_left3A_687 = arith.shli %xor3A_683, %shift_left3A_686 : vector<128x8xi32>
    %shift_right_logical3A_688 = arith.constant 6 : i32
    %shift_right_logical3A_689 = vector.broadcast %shift_right_logical3A_688 : i32 to vector<128x8xi32>
    %shift_right_logical3A_690 = arith.shrui %xor3A_683, %shift_right_logical3A_689 : vector<128x8xi32>
    %or3A_691 = arith.ori %shift_left3A_687, %shift_right_logical3A_690 : vector<128x8xi32>
    %xor3A_692 = arith.xori %add3A_684, %or3A_691 : vector<128x8xi32>
    %add3A_693 = arith.addi %add3A_684, %xor3A_692 : vector<128x8xi32>
    %shift_left3A_694 = arith.constant 6 : i32
    %shift_left3A_695 = vector.broadcast %shift_left3A_694 : i32 to vector<128x8xi32>
    %shift_left3A_696 = arith.shli %xor3A_692, %shift_left3A_695 : vector<128x8xi32>
    %shift_right_logical3A_697 = arith.constant 26 : i32
    %shift_right_logical3A_698 = vector.broadcast %shift_right_logical3A_697 : i32 to vector<128x8xi32>
    %shift_right_logical3A_699 = arith.shrui %xor3A_692, %shift_right_logical3A_698 : vector<128x8xi32>
    %or3A_700 = arith.ori %shift_left3A_696, %shift_right_logical3A_699 : vector<128x8xi32>
    %xor3A_701 = arith.xori %add3A_693, %or3A_700 : vector<128x8xi32>
    %add3A_702 = arith.constant 0 : i32
    %add3A_703 = vector.broadcast %add3A_702 : i32 to vector<128x8xi32>
    %add3A_704 = arith.addi %add3A_693, %add3A_703 : vector<128x8xi32>
    %add3A_705 = arith.constant 42 : i32
    %add3A_706 = vector.broadcast %add3A_705 : i32 to vector<128x8xi32>
    %add3A_707 = arith.addi %xor3A_701, %add3A_706 : vector<128x8xi32>
    %add3A_708 = arith.constant 3 : i32
    %add3A_709 = vector.broadcast %add3A_708 : i32 to vector<128x8xi32>
    %add3A_710 = arith.addi %add3A_707, %add3A_709 : vector<128x8xi32>
    %add3A_711 = arith.addi %add3A_704, %add3A_710 : vector<128x8xi32>
    %shift_left3A_712 = arith.constant 17 : i32
    %shift_left3A_713 = vector.broadcast %shift_left3A_712 : i32 to vector<128x8xi32>
    %shift_left3A_714 = arith.shli %add3A_710, %shift_left3A_713 : vector<128x8xi32>
    %shift_right_logical3A_715 = arith.constant 15 : i32
    %shift_right_logical3A_716 = vector.broadcast %shift_right_logical3A_715 : i32 to vector<128x8xi32>
    %shift_right_logical3A_717 = arith.shrui %add3A_710, %shift_right_logical3A_716 : vector<128x8xi32>
    %or3A_718 = arith.ori %shift_left3A_714, %shift_right_logical3A_717 : vector<128x8xi32>
    %xor3A_719 = arith.xori %add3A_711, %or3A_718 : vector<128x8xi32>
    %add3A_720 = arith.addi %add3A_711, %xor3A_719 : vector<128x8xi32>
    %shift_left3A_721 = arith.constant 29 : i32
    %shift_left3A_722 = vector.broadcast %shift_left3A_721 : i32 to vector<128x8xi32>
    %shift_left3A_723 = arith.shli %xor3A_719, %shift_left3A_722 : vector<128x8xi32>
    %shift_right_logical3A_724 = arith.constant 3 : i32
    %shift_right_logical3A_725 = vector.broadcast %shift_right_logical3A_724 : i32 to vector<128x8xi32>
    %shift_right_logical3A_726 = arith.shrui %xor3A_719, %shift_right_logical3A_725 : vector<128x8xi32>
    %or3A_727 = arith.ori %shift_left3A_723, %shift_right_logical3A_726 : vector<128x8xi32>
    %xor3A_728 = arith.xori %add3A_720, %or3A_727 : vector<128x8xi32>
    %add3A_729 = arith.addi %add3A_720, %xor3A_728 : vector<128x8xi32>
    %shift_left3A_730 = arith.constant 16 : i32
    %shift_left3A_731 = vector.broadcast %shift_left3A_730 : i32 to vector<128x8xi32>
    %shift_left3A_732 = arith.shli %xor3A_728, %shift_left3A_731 : vector<128x8xi32>
    %shift_right_logical3A_733 = arith.constant 16 : i32
    %shift_right_logical3A_734 = vector.broadcast %shift_right_logical3A_733 : i32 to vector<128x8xi32>
    %shift_right_logical3A_735 = arith.shrui %xor3A_728, %shift_right_logical3A_734 : vector<128x8xi32>
    %or3A_736 = arith.ori %shift_left3A_732, %shift_right_logical3A_735 : vector<128x8xi32>
    %xor3A_737 = arith.xori %add3A_729, %or3A_736 : vector<128x8xi32>
    %add3A_738 = arith.addi %add3A_729, %xor3A_737 : vector<128x8xi32>
    %shift_left3A_739 = arith.constant 24 : i32
    %shift_left3A_740 = vector.broadcast %shift_left3A_739 : i32 to vector<128x8xi32>
    %shift_left3A_741 = arith.shli %xor3A_737, %shift_left3A_740 : vector<128x8xi32>
    %shift_right_logical3A_742 = arith.constant 8 : i32
    %shift_right_logical3A_743 = vector.broadcast %shift_right_logical3A_742 : i32 to vector<128x8xi32>
    %shift_right_logical3A_744 = arith.shrui %xor3A_737, %shift_right_logical3A_743 : vector<128x8xi32>
    %or3A_745 = arith.ori %shift_left3A_741, %shift_right_logical3A_744 : vector<128x8xi32>
    %xor3A_746 = arith.xori %add3A_738, %or3A_745 : vector<128x8xi32>
    %add3A_747 = arith.constant 42 : i32
    %add3A_748 = vector.broadcast %add3A_747 : i32 to vector<128x8xi32>
    %add3A_749 = arith.addi %add3A_738, %add3A_748 : vector<128x8xi32>
    %add3A_750 = arith.constant 466689008 : i32
    %add3A_751 = vector.broadcast %add3A_750 : i32 to vector<128x8xi32>
    %add3A_752 = arith.addi %xor3A_746, %add3A_751 : vector<128x8xi32>
    %add3A_753 = arith.constant 4 : i32
    %add3A_754 = vector.broadcast %add3A_753 : i32 to vector<128x8xi32>
    %add3A_755 = arith.addi %add3A_752, %add3A_754 : vector<128x8xi32>
    %add3A_756 = arith.addi %add3A_749, %add3A_755 : vector<128x8xi32>
    %shift_left3A_757 = arith.constant 13 : i32
    %shift_left3A_758 = vector.broadcast %shift_left3A_757 : i32 to vector<128x8xi32>
    %shift_left3A_759 = arith.shli %add3A_755, %shift_left3A_758 : vector<128x8xi32>
    %shift_right_logical3A_760 = arith.constant 19 : i32
    %shift_right_logical3A_761 = vector.broadcast %shift_right_logical3A_760 : i32 to vector<128x8xi32>
    %shift_right_logical3A_762 = arith.shrui %add3A_755, %shift_right_logical3A_761 : vector<128x8xi32>
    %or3A_763 = arith.ori %shift_left3A_759, %shift_right_logical3A_762 : vector<128x8xi32>
    %xor3A_764 = arith.xori %add3A_756, %or3A_763 : vector<128x8xi32>
    %add3A_765 = arith.addi %add3A_756, %xor3A_764 : vector<128x8xi32>
    %shift_left3A_766 = arith.constant 15 : i32
    %shift_left3A_767 = vector.broadcast %shift_left3A_766 : i32 to vector<128x8xi32>
    %shift_left3A_768 = arith.shli %xor3A_764, %shift_left3A_767 : vector<128x8xi32>
    %shift_right_logical3A_769 = arith.constant 17 : i32
    %shift_right_logical3A_770 = vector.broadcast %shift_right_logical3A_769 : i32 to vector<128x8xi32>
    %shift_right_logical3A_771 = arith.shrui %xor3A_764, %shift_right_logical3A_770 : vector<128x8xi32>
    %or3A_772 = arith.ori %shift_left3A_768, %shift_right_logical3A_771 : vector<128x8xi32>
    %xor3A_773 = arith.xori %add3A_765, %or3A_772 : vector<128x8xi32>
    %add3A_774 = arith.addi %add3A_765, %xor3A_773 : vector<128x8xi32>
    %shift_left3A_775 = arith.constant 26 : i32
    %shift_left3A_776 = vector.broadcast %shift_left3A_775 : i32 to vector<128x8xi32>
    %shift_left3A_777 = arith.shli %xor3A_773, %shift_left3A_776 : vector<128x8xi32>
    %shift_right_logical3A_778 = arith.constant 6 : i32
    %shift_right_logical3A_779 = vector.broadcast %shift_right_logical3A_778 : i32 to vector<128x8xi32>
    %shift_right_logical3A_780 = arith.shrui %xor3A_773, %shift_right_logical3A_779 : vector<128x8xi32>
    %or3A_781 = arith.ori %shift_left3A_777, %shift_right_logical3A_780 : vector<128x8xi32>
    %xor3A_782 = arith.xori %add3A_774, %or3A_781 : vector<128x8xi32>
    %add3A_783 = arith.addi %add3A_774, %xor3A_782 : vector<128x8xi32>
    %shift_left3A_784 = arith.constant 6 : i32
    %shift_left3A_785 = vector.broadcast %shift_left3A_784 : i32 to vector<128x8xi32>
    %shift_left3A_786 = arith.shli %xor3A_782, %shift_left3A_785 : vector<128x8xi32>
    %shift_right_logical3A_787 = arith.constant 26 : i32
    %shift_right_logical3A_788 = vector.broadcast %shift_right_logical3A_787 : i32 to vector<128x8xi32>
    %shift_right_logical3A_789 = arith.shrui %xor3A_782, %shift_right_logical3A_788 : vector<128x8xi32>
    %or3A_790 = arith.ori %shift_left3A_786, %shift_right_logical3A_789 : vector<128x8xi32>
    %xor3A_791 = arith.xori %add3A_783, %or3A_790 : vector<128x8xi32>
    %add3A_792 = arith.constant 466689008 : i32
    %add3A_793 = vector.broadcast %add3A_792 : i32 to vector<128x8xi32>
    %add3A_794 = arith.addi %add3A_783, %add3A_793 : vector<128x8xi32>
    %add3A_795 = arith.constant 0 : i32
    %add3A_796 = vector.broadcast %add3A_795 : i32 to vector<128x8xi32>
    %add3A_797 = arith.addi %xor3A_791, %add3A_796 : vector<128x8xi32>
    %add3A_798 = arith.constant 5 : i32
    %add3A_799 = vector.broadcast %add3A_798 : i32 to vector<128x8xi32>
    %add3A_800 = arith.addi %add3A_797, %add3A_799 : vector<128x8xi32>
    %xor3A_801 = arith.xori %add3A_794, %add3A_800 : vector<128x8xi32>
    %shift_right_logical3A_802 = arith.constant 9 : i32
    %shift_right_logical3A_803 = vector.broadcast %shift_right_logical3A_802 : i32 to vector<128x8xi32>
    %shift_right_logical3A_804 = arith.shrui %xor3A_801, %shift_right_logical3A_803 : vector<128x8xi32>
    %or3A_805 = arith.constant 1065353216 : i32
    %or3A_806 = vector.broadcast %or3A_805 : i32 to vector<128x8xi32>
    %or3A_807 = arith.ori %shift_right_logical3A_804, %or3A_806 : vector<128x8xi32>
    %bitcast_convert_type3A = tpu.bitcast %or3A_807 : vector<128x8xi32> -> vector<128x8xf32>
    %sub3A_808 = arith.constant 1.000000e+00 : f32
    %sub3A_809 = vector.broadcast %sub3A_808 : f32 to vector<128x8xf32>
    %sub3A_810 = arith.subf %bitcast_convert_type3A, %sub3A_809 : vector<128x8xf32>
    %add3A_811 = arith.constant 1.17549435E-38 : f32
    %add3A_812 = vector.broadcast %add3A_811 : f32 to vector<128x8xf32>
    %add3A_813 = arith.addf %sub3A_810, %add3A_812 : vector<128x8xf32>
    %max3A = arith.constant 1.17549435E-38 : f32
    %max3A_814 = vector.broadcast %max3A : f32 to vector<128x8xf32>
    %max3A_815 = arith.maximumf %max3A_814, %add3A_813 : vector<128x8xf32>
    %log3A = math.log %max3A_815 : vector<128x8xf32>
    %neg3A = arith.constant 0.000000e+00 : f32
    %neg3A_816 = vector.broadcast %neg3A : f32 to vector<128x8xf32>
    %neg3A_817 = arith.subf %neg3A_816, %log3A : vector<128x8xf32>
    %log3A_818 = math.log %neg3A_817 : vector<128x8xf32>
    %neg3A_819 = arith.constant 0.000000e+00 : f32
    %neg3A_820 = vector.broadcast %neg3A_819 : f32 to vector<128x8xf32>
    %neg3A_821 = arith.subf %neg3A_820, %log3A_818 : vector<128x8xf32>
    %add3A_822 = arith.addf %div3A_547, %neg3A_821 : vector<128x8xf32>
    %jit3A_823 = arith.constant 0xFF800000 : f32
    %broadcast_in_dim3A_824 = vector.broadcast %jit3A_823 : f32 to vector<128x8xf32>
    %select_n3A_825 = arith.select %ge3A_556, %add3A_822, %broadcast_in_dim3A_824 : vector<128x8xi1>, vector<128x8xf32>
    %iota3A_826 = tpu.iota {dimensions = array<i32: 1>} : vector<128x8xi32>
    %reduce_max3A_827 = arith.constant dense<0xFF800000> : vector<128xf32>
    %reduce_max3A_828 = vector.multi_reduction <maximumf>, %select_n3A_825, %reduce_max3A_827 [1] : vector<128x8xf32> to vector<128xf32>
    %broadcast_in_dim3A_829 = vector.shape_cast %reduce_max3A_828 : vector<128xf32> to vector<128x1xf32>
    %eq3A_830 = vector.broadcast %broadcast_in_dim3A_829 : vector<128x1xf32> to vector<128x8xf32>
    %eq3A_831 = arith.cmpf oeq, %select_n3A_825, %eq3A_830 : vector<128x8xf32>
    %jit3A_832 = arith.constant 8 : i32
    %broadcast_in_dim3A_833 = vector.broadcast %jit3A_832 : i32 to vector<128x8xi32>
    %select_n3A_834 = arith.select %eq3A_831, %iota3A_826, %broadcast_in_dim3A_833 : vector<128x8xi1>, vector<128x8xi32>
    %reduce_min3A_835 = arith.constant dense<2147483647> : vector<128xi32>
    %reduce_min3A_836 = vector.multi_reduction <minsi>, %select_n3A_834, %reduce_min3A_835 [1] : vector<128x8xi32> to vector<128xi32>
    %broadcast_in_dim3A_837 = vector.shape_cast %reduce_min3A_836 : vector<128xi32> to vector<128x1xi32>
    %eq3A_838 = vector.broadcast %broadcast_in_dim3A_837 : vector<128x1xi32> to vector<128x8xi32>
    %eq3A_839 = arith.cmpi eq, %iota3A_826, %eq3A_838 : vector<128x8xi32>
    %jit3A_840 = arith.constant 0 : i32
    %broadcast_in_dim3A_841 = vector.broadcast %jit3A_840 : i32 to vector<128x8xi32>
    %select_n3A_842 = arith.select %eq3A_839, %concatenate3A_545, %broadcast_in_dim3A_841 : vector<128x8xi1>, vector<128x8xi32>
    %reduce_sum3A_843 = arith.constant dense<0> : vector<128xi32>
    %reduce_sum3A_844 = vector.multi_reduction <add>, %select_n3A_842, %reduce_sum3A_843 [1] : vector<128x8xi32> to vector<128xi32>
    %broadcast_in_dim3A_845 = vector.shape_cast %reduce_sum3A_844 : vector<128xi32> to vector<128x1xi32>
    %swap3A = arith.constant 0 : index
    %swap3A_846 = arith.constant 0 : index
    %swap3A_847 = vector.load %arg3[%swap3A, %swap3A_846] : memref<128x1xi32, #tpu.memory_space<vmem>>, vector<128x1xi32>
    tpu.vector_store %arg3[%swap3A, %swap3A_846], %broadcast_in_dim3A_845 {strides = array<i32>} : memref<128x1xi32, #tpu.memory_space<vmem>>, vector<128x1xi32>,
    %swap3A_848 = arith.constant 0 : index
    %swap3A_849 = arith.constant 0 : index
    %swap3A_850 = vector.load %arg4[%swap3A_848, %swap3A_849] : memref<128x8xi32, #tpu.memory_space<vmem>>, vector<128x8xi32>
    tpu.vector_store %arg4[%swap3A_848, %swap3A_849], %concatenate3A_545 {strides = array<i32>} : memref<128x8xi32, #tpu.memory_space<vmem>>, vector<128x8xi32>,
    %swap3A_851 = arith.constant 0 : index
    %swap3A_852 = arith.constant 0 : index
    %swap3A_853 = vector.load %arg5[%swap3A_851, %swap3A_852] : memref<128x8xf32, #tpu.memory_space<vmem>>, vector<128x8xf32>
    tpu.vector_store %arg5[%swap3A_851, %swap3A_852], %div3A_566 {strides = array<i32>} : memref<128x8xf32, #tpu.memory_space<vmem>>, vector<128x8xf32>,
    return
  }
}

</mosaic_0001>

<sc_bundles>
// kernel: kernel.6.cloned.1.call-start
scs
__scs_entry_jumppad:
0x0: {  	(pc) =	sbr.rel $0x88, $3  }
0x1: {  	(tag) =	ssettag $0x0;
	lr =	simm.s32 $0x1  }
0x2: {  	[smem:$0x3F9F] =	sst lr;
	_ =	strace $0xD0000000  }
0x3: {  	_ = 	snop  }
0x4: {  	_ = 	snop  }
0x5: {  	_ = 	snop  }
0x6: {  	_ = 	snop  }
0x7: {  	_ = 	snop  }
__scs_overlays_trampoline_lowered:
0x8: {  	[smem:$0x3FAE] =	sst s0  }
0x9: {  	[smem:$0x3FAF] =	sst s1  }
0xa: {  	[smem:$0x3FB0] =	sst s2  }
0xb: {  	[smem:$0x3FB1] =	sst s3  }
0xc: {  	[smem:$0x3FB2] =	sst s4  }
0xd: {  	[smem:$0x3FB3] =	sst s5  }
0xe: {  	[smem:$0x3FB4] =	sst s6  }
0xf: {  	[smem:$0x3FB5] =	sst s7  }
0x10: {  	[smem:$0x3FB6] =	sst s8  }
0x11: {  	[smem:$0x3FB7] =	sst s9;
	s0 =	simm.s32 @!p0 $0x0  }
0x12: {  	s1 =	sld [smem:$0x3F9D];
	s0 =	simm.s32 @p0 $0x1  }
0x13: {  	[smem:$0x3FB8] =	sst s0;
	s0 =	simm.s32 @!p1 $0x0  }
0x14: {  	s2 =	sld [smem:$0x3F9C];
	s0 =	simm.s32 @p1 $0x1  }
0x15: {  	[smem:$0x3FB9] =	sst s0;
	s0 =	simm.s32 @!p2 $0x0  }
0x16: {  	s3 =	sld [smem:$0x3FDB];
	s0 =	simm.s32 @p2 $0x1  }
0x17: {  	s4 =	simm.s32 $0x1BF5;
	[smem:$0x3FBB] =	sst s0  }
0x18: {  	s0 =	sld [smem:$0x3F9E];
	_ =	swait.ge [sflag:s4], $0x0  }
0x19: {  	s7 =	sld [smem:$0x3F9F]  }
0x1a: {  	s8 =	sadd.s32 $0xFFFFE003, lr  }
0x1b: {  	s9 =	sadd.s32 $0xFFFFFEF7, lr;
	s5 =	simm.s32 $0xFFFFFFFF;
	p2 =	slt.u32 s8, $0xFFFFF086  }
0x1c: {  	p1 =	slt.u32 s9, $0xF7A;
	s5 =	simm.s32 @!p2 $0x0  }
0x1d: {  	s5 =	simm.s32 @p1 $0x1;
	p0 =	seq.s32 s7, s2  }
0x1e: {  	s7 =	smul.u32 @!p0 $0xF7A, s2;
	p2 =	seq.s32 @!p0 s5, $0x0  }
0x1f: {  	s9 =	smul.u32 $0xF7A, s1;
	s8 =	simm.s32 @!p0 $0x1BF5;
	p2 =	por !p2, p0  }
0x20: {  	[sflag:s8] =	ssyncset.s32 @!p0 $0xFFFFF086;
	s6 =	sadd.s32 @!p0 s3, s7;
	s7 =	simm.s32 @!p0 $0x108  }
0x21: {  	s3 =	sadd.s32 s3, s9;
	s6 =	sadd.s32 @!p0 $0x88, s6;
	s7 =	simm.s32 @p2 $0x1082  }
0x22: {  	[simem:s7], [sflag:s8] =	dma.local @!p0 [hbm:s6], $0xF7A  }
0x23: {  	s9 =	sor.u32 $0xD0000000, s2;
	s6 =	simm.s32 $0x108;
	_ =	swait.ge @!p0 [sflag:s8], $0x0  }
0x24: {  	s3 =	sadd.s32 $0x88, s3;
	s6 =	simm.s32 @!p1 $0x1082;
	[sflag:s4] =	ssyncset.s32 $0xFFFFF086  }
0x25: {  	[simem:s6], [sflag:s4] =	dma.local [hbm:s3], $0xF7A  }
0x26: {  	[smem:$0x3F9F] =	sst s1;
	(tag) =	ssettag s2;
	_ =	strace s9  }
0x27: {  	s1 =	sld [smem:$0x3FAF]  }
0x28: {  	s2 =	sld [smem:$0x3FB0]  }
0x29: {  	s4 =	sld [smem:$0x3FB2]  }
0x2a: {  	p0 =	seq.s32 s5, $0x0;
	s5 =	sld [smem:$0x3FB3]  }
0x2b: {  	s6 =	sld [smem:$0x3FB4]  }
0x2c: {  	s7 =	sld [smem:$0x3FB5]  }
0x2d: {  	s3 =	simm.s32 $0x108;
	s8 =	sld [smem:$0x3FB6]  }
0x2e: {  	s3 =	simm.s32 @!p0 $0x1082;
	s9 =	sld [smem:$0x3FB7]  }
0x2f: {  	lr =	sadd.s32 s0, s3;
	s0 =	sld [smem:$0x3FAE]  }
0x30: {  	s3 =	sld [smem:$0x3FB1]  }
0x31: {  	[smem:$0x3FBA] =	sst s10  }
0x32: {  	s10 =	sld [smem:$0x3FB8];
	_ =	sdelay $0x3  }
0x33: {  	p0 =	seq.s32 s10, $0x1;
	s10 =	sld [smem:$0x3FBA];
	_ =	sdelay $0x3  }
0x34: {  	[smem:$0x3FBA] =	sst s10  }
0x35: {  	s10 =	sld [smem:$0x3FB9];
	_ =	sdelay $0x3  }
0x36: {  	p1 =	seq.s32 s10, $0x1;
	s10 =	sld [smem:$0x3FBA];
	_ =	sdelay $0x3  }
0x37: {  	[smem:$0x3FBA] =	sst s10  }
0x38: {  	s10 =	sld [smem:$0x3FBB]  }
0x39: {  	_ = 	snop;
	(pc) =	sbr.ind lr, $3  }
0x3a: {  	_ = 	snop  }
0x3b: {  	_ = 	snop  }
0x3c: {  	p2 =	seq.s32 s10, $0x1;
	s10 =	sld [smem:$0x3FBA]  }
0x3d: {  	_ =	shalt  }
0x3e: {  	_ =	shalt  }
0x3f: {  	_ =	shalt  }
0x40: {  	_ =	shalt  }
0x41: {  	_ =	shalt  }
0x42: {  	_ =	shalt  }
0x43: {  	_ =	shalt  }
0x44: {  	_ =	shalt  }
0x45: {  	_ =	shalt  }
0x46: {  	_ =	shalt  }
0x47: {  	_ =	shalt  }
0x48: {  	_ =	shalt  }
0x49: {  	_ =	shalt  }
0x4a: {  	_ =	shalt  }
0x4b: {  	_ =	shalt  }
0x4c: {  	_ =	shalt  }
0x4d: {  	_ =	shalt  }
0x4e: {  	_ =	shalt  }
0x4f: {  	_ =	shalt  }
0x50: {  	_ =	shalt  }
0x51: {  	_ =	shalt  }
0x52: {  	_ =	shalt  }
0x53: {  	_ =	shalt  }
0x54: {  	_ =	shalt  }
0x55: {  	_ =	shalt  }
0x56: {  	_ =	shalt  }
0x57: {  	_ =	shalt  }
0x58: {  	_ =	shalt  }
0x59: {  	_ =	shalt  }
0x5a: {  	_ =	shalt  }
0x5b: {  	_ =	shalt  }
0x5c: {  	_ =	shalt  }
0x5d: {  	_ =	shalt  }
0x5e: {  	_ =	shalt  }
0x5f: {  	_ =	shalt  }
0x60: {  	_ =	shalt  }
0x61: {  	_ =	shalt  }
0x62: {  	_ =	shalt  }
0x63: {  	_ =	shalt  }
0x64: {  	_ =	shalt  }
0x65: {  	_ =	shalt  }
0x66: {  	_ =	shalt  }
0x67: {  	_ =	shalt  }
0x68: {  	_ =	shalt  }
0x69: {  	_ =	shalt  }
0x6a: {  	_ =	shalt  }
0x6b: {  	_ =	shalt  }
0x6c: {  	_ =	shalt  }
0x6d: {  	_ =	shalt  }
0x6e: {  	_ =	shalt  }
0x6f: {  	_ =	shalt  }
0x70: {  	_ =	shalt  }
0x71: {  	_ =	shalt  }
0x72: {  	_ =	shalt  }
0x73: {  	_ =	shalt  }
0x74: {  	_ =	shalt  }
0x75: {  	_ =	shalt  }
0x76: {  	_ =	shalt  }
0x77: {  	_ =	shalt  }
0x78: {  	_ =	shalt  }
0x79: {  	_ =	shalt  }
0x7a: {  	_ =	shalt  }
0x7b: {  	_ =	shalt  }
0x7c: {  	_ =	shalt  }
0x7d: {  	_ =	shalt  }
0x7e: {  	_ =	shalt  }
0x7f: {  	_ =	shalt  }
0x80: {  	_ =	shalt  }
0x81: {  	_ =	shalt  }
0x82: {  	_ =	shalt  }
0x83: {  	_ =	shalt  }
0x84: {  	_ =	shalt  }
0x85: {  	_ =	shalt  }
0x86: {  	_ =	shalt  }
0x87: {  	_ =	shalt  }
.Lfunc_end0:
.L_simem_size_0:
called_computation_lowered:
.L_overlay_start_0:
0x88: {  	s2 =	sld [smem:$0x3FD9]  }
0x89: {  	s3 =	sld [smem:$0x3FFE];
	_ =	sdelay $0x1  }
0x8a: {  	s1 =	srdreg.scid  }
0x8b: {  	s0 =	sand.u32 $0x1, s1  }
0x8c: {  	s14 =	sshll.u32 s0, $0xA;
	s2 =	sadd.s32 s3, s2  }
0x8d: {  	s2 =	sadd.s32 s2, s14  }
0x8e: {  	[smem:$0x3FC6] =	sst s2  }
0x8f: {  	_ = 	snop  }
0x90: {  	s2 =	sld [smem:$0x3FD0];
	_ =	sdelay $0x2  }
0x91: {  	s15 =	simm.s32 $0xA;
	s4 =	simm.s32 $0x10  }
0x92: {  	[smem:s4], [sflag:s15] =	dma.local [hbm:s2], $0x1  }
0x93: {  	_ =	swait.eq [sflag:s15], $0x1  }
0x94: {  	[sflag:s15] =	ssyncset.done $0x0  }
0x95: {  	[sflag:s15] =	ssyncadd.s32 $0xFFFFFFFF  }
0x96: {  	s16 =	sld [smem:$0x11];
	(tm) =	ssettm $0x1  }
0x97: {  	s17 =	sld [smem:$0x3FFB];
	_ =	sdelay $0x3  }
0x98: {  	_ =	strace s17  }
0x99: {  	s3 =	sld [smem:$0x3FFC];
	_ =	sdelay $0x3  }
0x9a: {  	_ =	strace s3  }
0x9b: {  	s3 =	sld [smem:$0x3FFD];
	_ =	sdelay $0x3  }
0x9c: {  	_ =	strace s3  }
0x9d: {  	_ =	strace $0x8FFFFFFF  }
0x9e: {  	s18 =	sld [smem:$0x3FDB];
	_ =	sdelay $0x1  }
0x9f: {  	s19 =	simm.s32 $_scs_section_size  }
0xa0: {  	s5 =	simm.s32 $_size__tile_overlayer_lowered;
	s6 =	simm.s32 $_tile_overlayer_lowered  }
0xa1: {  	s22 =	simm.s32 $0x1BFF;
	s21 =	sshll.u32 s6, $0x1;
	s3 =	sadd.s32 s19, s18  }
0xa2: {  	s7 =	simm.s32 $0x0;
	s20 =	sshll.u32 s5, $0x1;
	s5 =	sadd.s32 s21, s3  }
0xa3: {  	[timem:s7], [sflag:s22] =	dma.local [hbm:s5], s20  }
0xa4: {  	_ =	swait.ge [sflag:s22], s20  }
0xa5: {  	s4 =	ssub.s32 $0x0, s20;
	[sflag:s22] =	ssyncset.done $0x0  }
0xa6: {  	[sflag:s22] =	ssyncadd.s32 s4;
	_ =	sdelay $0x1  }
0xa7: {  	s23 =	simm.s32 $0x1B8B  }
0xa8: {  	_ =	swait.ge [sflag:s23], $0x1  }
0xa9: {  	[sflag:s23] =	ssyncset.done $0x0  }
0xaa: {  	s25 =	simm.s32 $0x1B8E;
	s24 =	sld [smem:$0x3FFE];
	[sflag:s23] =	ssyncadd.s32 $0xFFFFFFFF  }
0xab: {  	s26 =	simm.s32 $execute0_lowered;
	[smem:$0x3FD2] =	sst s25  }
0xac: {  	s5 =	sshll.u32 s26, $0x1;
	_ =	strace $0x80000046;
	[dreg:$0x1] =	wrdreg $0xFFFFFFFF  }
0xad: {  	s28 =	simm.s32 $_size_execute0_lowered;
	s3 =	sadd.s32 s3, s5;
	[dreg:$0x0] =	wrdreg $0x0  }
0xae: {  	s5 =	sshll.u32 s28, $0x1;
	[dreg:$0x2] =	wrdreg s3  }
0xaf: {  	[dreg:$0x3] =	wrdreg s5  }
0xb0: {  	[dreg:$0x4] =	wrdreg $0xC0  }
0xb1: {  	_ =	task [dreg:s7], $0x5FFFF  }
0xb2: {  	[dreg:$0x1] =	wrdreg $0xFFFFFFFF  }
0xb3: {  	[dreg:$0x0] =	wrdreg $0x60  }
0xb4: {  	[dreg:$0x2] =	wrdreg s16  }
0xb5: {  	[dreg:$0x3] =	wrdreg s24  }
0xb6: {  	[dreg:$0x4] =	wrdreg $0x9  }
0xb7: {  	_ =	task.clear_ibuf [dreg:s7], $0x5FFFF;
	_ =	strace $0x90000046  }
0xb8: {  	s29 =	simm.s32 $0x9;
	_ =	strace $0x80000048  }
0xb9: {  	_ =	swait.ge [sflag:s29], $0x1  }
0xba: {  	[sflag:s29] =	ssyncadd.s32 $0xFFFFFFFF  }
0xbb: {  	_ =	strace $0x90000048  }
0xbc: {  	_ =	sfence  }
0xbd: {  	s30 =	sld [smem:$0x0];
	_ =	sdelay $0x2  }
0xbe: {  	s31 =	sshll.u32 s1, $0xD;
	s1 =	sshrl.u32 s1, $0x2  }
0xbf: {  	s3 =	sand.u32 $0x4000, s31;
	s1 =	sadd.s32 s1, s30  }
0xc0: {  	s0 =	sor.u32 s3, s0;
	s1 =	sshll.u32 s1, $0x11  }
0xc1: {  	s0 =	sor.u32 s1, s0  }
0xc2: {  	s0 =	sadd.s32 $0x8F2B, s0  }
0xc3: {  	[sflag:s0] =	ssyncadd.remote.s32 $0x1  }
0xc4: {  	_ =	sfence.sel $0xFFFF  }
0xc5: {  	[dreg:$0x0] =	wrdreg $0xFFFFFFFF;
	(pc) =	sbr.abs _section_cstart, $3  }
0xc6: {  	[dreg:$0x1] =	wrdreg $0xFFFFFFFF  }
0xc7: {  	_ =	task.clear_ibuf [dreg:s7], $0x2FFFF;
	_ =	strace $0x9FFFFFFF  }
0xc8: {  	(tm) =	ssettm $0x7FFFFFFF  }
0xc9: {  	_ =	shalt  }
tec
execute0_lowered:
.L_overlay_start_1:
0x0: {  	(tag) =	ssettag $0x1  }
0x1: {  	s1 =	srdreg.scid;
	s0 =	stileid.u32  }
0x2: {  	s13 =	sand.u32 $0x1, s1;
	s29 =	sshll.u32 s0, $0x1  }
0x3: {  	s2 =	rddreg [dreg:$0x0];
	s14 =	sor.u32 s13, s29  }
0x4: {  	s15 =	rddreg [dreg:$0x1];
	s4 =	smul.u32 $0x28, s14  }
0x5: {  	s3 =	simm.s32 $0x0;
	s1 =	rddreg [dreg:$0x2]  }
0x6: {  	[smem:$0x7FF] =	sst s3;
	s4 =	sadd.s32 s4, s15  }
0x7: {  	_ =	strace $0x80000047;
	s5 =	sadd.s32 $0xA00, s4;
	s4 =	simm.s32 $0x2  }
0x8: {  	[tilespmem:s3], [sflag:$0x2] =	stream.linear.gather [hbm4b:s5+s3], $0x140, $0x38;
	[tilespmem:$0xA180] =	vst v63  }
0x9: {  	_ =	swait.ge [sflag:s4], $0x140  }
0xa: {  	[sflag:s4] =	ssyncset.done $0x0  }
0xb: {  	s6 =	simm.s32 $0x80;
	s7 =	simm.s32 $0x180;
	[sflag:s4] =	ssyncadd.s32 $0xFFFFFEC0  }
0xc: {  	[tilespmem:s7], [sflag:$0x1] =	stream.indirect.gather [hbm4b:s2+s6], $0x80, s3, s6, $0xb8;
	[tilespmem:$0xA180] =	vst v63  }
0xd: {  	s8 =	simm.s32 $0x4180;
	s9 =	simm.s32 $0x40  }
0xe: {  	[tilespmem:s8], [sflag:$0x1] =	stream.indirect.gather [hbm4b:s2+s6], $0x80, s6, s6, $0xb8;
	[tilespmem:$0xA180] =	vst v63  }
0xf: {  	s10 =	simm.s32 $0x100;
	s11 =	simm.s32 $0x8180;
	s12 =	simm.s32 $0x1  }
0x10: {  	[tilespmem:s11], [sflag:$0x1] =	stream.indirect.gather [hbm4b:s2+s9], $0x80, s10, s9, $0xb8;
	[tilespmem:$0xA180] =	vst v63  }
0x11: {  	_ =	swait.ge [sflag:s12], $0x4000  }
0x12: {  	[sflag:s12] =	ssyncset.done $0x0  }
0x13: {  	s13 =	ssub.s32 $0x2, s13;
	[sflag:s12] =	ssyncadd.s32 $0xFFFFC000  }
0x14: {  	s16 =	sshrl.u32 s13, $0x1;
	_ =	swait.ge [sflag:s12], $0x4000  }
0x15: {  	s30 =	ssub.s32 s13, s16;
	[sflag:s12] =	ssyncset.done $0x0  }
0x16: {  	s14 =	smul.u32 $0x1400, s14;
	s31 =	smax.u32 s30, $0x1;
	[sflag:s12] =	ssyncadd.s32 $0xFFFFC000  }
0x17: {  	p0 =	sne.s32 s31, $0x1;
	_ =	swait.ge [sflag:s12], $0x2000  }
.Ltmp0:
0x18: {  	s14 =	sadd.s32 s14, s15;
	[sflag:s12] =	ssyncset.done $0x0;
	(pc) =	sbr.rel @!p0 .LBB2_2-.Ltmp0, $4  }
0x19: {  	s13 =	sadd.s32 $0x1000, s14;
	[sflag:s12] =	ssyncadd.s32 $0xFFFFE000  }
0x1a: {  	[hbm4b:s13+s3] =	stream.linear.scatter [tilespmem:s7], [sflag:$0x2], $0xA000, $0x38;
	[tilespmem:$0xA180] =	vst v63  }
0x1b: {  	_ =	swait.ge [sflag:s4], $0xA000  }
0x1c: {  	s14 =	sadd.s32 $0xFFFFFFFF, s31;
	[sflag:s4] =	ssyncset.done $0x0  }
.LBB2_1:
0x1d: {  	p0 =	sne.s32 s14, $0x1;
	s14 =	sadd.s32 $0xFFFFFFFF, s14;
	[sflag:s4] =	ssyncadd.s32 $0xFFFF6000  }
0x1e: {  	[tilespmem:s3], [sflag:$0x2] =	stream.linear.gather [hbm4b:s5+s3], $0x140, $0x38;
	[tilespmem:$0xA180] =	vst v63  }
0x1f: {  	_ =	swait.ge [sflag:s4], $0x140  }
0x20: {  	[sflag:s4] =	ssyncset.done $0x0  }
0x21: {  	[sflag:s4] =	ssyncadd.s32 $0xFFFFFEC0  }
0x22: {  	[tilespmem:s7], [sflag:$0x1] =	stream.indirect.gather [hbm4b:s2+s6], $0x80, s3, s6, $0xb8;
	[tilespmem:$0xA180] =	vst v63  }
0x23: {  	_ = 	snop  }
0x24: {  	[tilespmem:s8], [sflag:$0x1] =	stream.indirect.gather [hbm4b:s2+s6], $0x80, s6, s6, $0xb8;
	[tilespmem:$0xA180] =	vst v63  }
0x25: {  	_ = 	snop  }
0x26: {  	[tilespmem:s11], [sflag:$0x1] =	stream.indirect.gather [hbm4b:s2+s9], $0x80, s10, s9, $0xb8;
	[tilespmem:$0xA180] =	vst v63  }
0x27: {  	_ =	swait.ge [sflag:s12], $0x4000  }
0x28: {  	[sflag:s12] =	ssyncset.done $0x0  }
0x29: {  	[sflag:s12] =	ssyncadd.s32 $0xFFFFC000  }
0x2a: {  	_ =	swait.ge [sflag:s12], $0x4000  }
0x2b: {  	[sflag:s12] =	ssyncset.done $0x0  }
0x2c: {  	[sflag:s12] =	ssyncadd.s32 $0xFFFFC000  }
0x2d: {  	_ =	swait.ge [sflag:s12], $0x2000  }
.Ltmp1:
0x2e: {  	[sflag:s12] =	ssyncset.done $0x0;
	(pc) =	sbr.rel @p0 .LBB2_1-.Ltmp1, $4  }
0x2f: {  	[sflag:s12] =	ssyncadd.s32 $0xFFFFE000  }
0x30: {  	[hbm4b:s13+s3] =	stream.linear.scatter [tilespmem:s7], [sflag:$0x2], $0xA000, $0x38;
	[tilespmem:$0xA180] =	vst v63  }
0x31: {  	_ =	swait.ge [sflag:s4], $0xA000  }
0x32: {  	[sflag:s4] =	ssyncset.done $0x0  }
.LBB2_2:
0x33: {  	[sflag:s4] =	ssyncadd.s32 $0xFFFF6000  }
0x34: {  	_ =	sfence.sel $0x180000  }
0x35: {  	[bflag:$0x0] =	sbarrier.arrive $0xFFFF  }
0x36: {  	p0 =	sne.s32 s0, $0x0;
	_ =	strace $0x90000047  }
0x37: {  	s0 =	sadd.s32 @!p0 $0x100000, s1;
	[bflag:$0x2] =	sbarrier.arrive $0xFFFF  }
0x38: {  	[sflag:s0] =	ssyncadd.tile.s32 @!p0 $0x1;
	_ =	shalt  }
.Lfunc_end2:
_tile_overlayer_lowered:
.L_overlay_start_2:
0x39: {  	(tag) =	ssettag $0x2  }
0x3a: {  	s0 =	rddreg [dreg:$0x0];
	s2 =	stileid.u32  }
0x3b: {  	s1 =	rddreg [dreg:$0x1];
	p0 =	sne.s32 s2, $0x0  }
0x3c: {  	s3 =	rddreg [dreg:$0x2];
	[bflag:$0x3] =	sbarrier.arrive $0xFFFF;
	s2 =	simm.s32 @!p0 $0x1C02  }
0x3d: {  	[timem:s3], [sflag:s2] =	dma.local @!p0 [hbm:s0], s1  }
0x3e: {  	s0 =	simm.s32 @!p0 $0x2  }
0x3f: {  	_ =	swait.ge @!p0 [sflag:s0], s1  }
0x40: {  	s1 =	ssub.s32 @!p0 $0x0, s1;
	[sflag:s0] =	ssyncset.done @!p0 $0x0  }
0x41: {  	[sflag:s0] =	ssyncadd.s32 @!p0 s1  }
0x42: {  	[bflag:$0x3] =	sbarrier.arrive $0xFFFF  }
0x43: {  	_ =	shalt  }

// kernel: kernel.9.cloned.1.call-start
scs
__scs_entry_jumppad:
0x0: {  	(pc) =	sbr.rel $0x88, $3  }
0x1: {  	(tag) =	ssettag $0x0;
	lr =	simm.s32 $0x1  }
0x2: {  	[smem:$0x3F9F] =	sst lr;
	_ =	strace $0xD0000000  }
0x3: {  	_ = 	snop  }
0x4: {  	_ = 	snop  }
0x5: {  	_ = 	snop  }
0x6: {  	_ = 	snop  }
0x7: {  	_ = 	snop  }
__scs_overlays_trampoline_lowered:
0x8: {  	[smem:$0x3FAE] =	sst s0  }
0x9: {  	[smem:$0x3FAF] =	sst s1  }
0xa: {  	[smem:$0x3FB0] =	sst s2  }
0xb: {  	[smem:$0x3FB1] =	sst s3  }
0xc: {  	[smem:$0x3FB2] =	sst s4  }
0xd: {  	[smem:$0x3FB3] =	sst s5  }
0xe: {  	[smem:$0x3FB4] =	sst s6  }
0xf: {  	[smem:$0x3FB5] =	sst s7  }
0x10: {  	[smem:$0x3FB6] =	sst s8  }
0x11: {  	[smem:$0x3FB7] =	sst s9;
	s0 =	simm.s32 @!p0 $0x0  }
0x12: {  	s1 =	sld [smem:$0x3F9D];
	s0 =	simm.s32 @p0 $0x1  }
0x13: {  	[smem:$0x3FB8] =	sst s0;
	s0 =	simm.s32 @!p1 $0x0  }
0x14: {  	s2 =	sld [smem:$0x3F9C];
	s0 =	simm.s32 @p1 $0x1  }
0x15: {  	[smem:$0x3FB9] =	sst s0;
	s0 =	simm.s32 @!p2 $0x0  }
0x16: {  	s3 =	sld [smem:$0x3FDB];
	s0 =	simm.s32 @p2 $0x1  }
0x17: {  	s4 =	simm.s32 $0x1BF5;
	[smem:$0x3FBB] =	sst s0  }
0x18: {  	s0 =	sld [smem:$0x3F9E];
	_ =	swait.ge [sflag:s4], $0x0  }
0x19: {  	s7 =	sld [smem:$0x3F9F]  }
0x1a: {  	s8 =	sadd.s32 $0xFFFFE003, lr  }
0x1b: {  	s9 =	sadd.s32 $0xFFFFFEF7, lr;
	s5 =	simm.s32 $0xFFFFFFFF;
	p2 =	slt.u32 s8, $0xFFFFF086  }
0x1c: {  	p1 =	slt.u32 s9, $0xF7A;
	s5 =	simm.s32 @!p2 $0x0  }
0x1d: {  	s5 =	simm.s32 @p1 $0x1;
	p0 =	seq.s32 s7, s2  }
0x1e: {  	s7 =	smul.u32 @!p0 $0xF7A, s2;
	p2 =	seq.s32 @!p0 s5, $0x0  }
0x1f: {  	s9 =	smul.u32 $0xF7A, s1;
	s8 =	simm.s32 @!p0 $0x1BF5;
	p2 =	por !p2, p0  }
0x20: {  	[sflag:s8] =	ssyncset.s32 @!p0 $0xFFFFF086;
	s6 =	sadd.s32 @!p0 s3, s7;
	s7 =	simm.s32 @!p0 $0x108  }
0x21: {  	s3 =	sadd.s32 s3, s9;
	s6 =	sadd.s32 @!p0 $0x88, s6;
	s7 =	simm.s32 @p2 $0x1082  }
0x22: {  	[simem:s7], [sflag:s8] =	dma.local @!p0 [hbm:s6], $0xF7A  }
0x23: {  	s9 =	sor.u32 $0xD0000000, s2;
	s6 =	simm.s32 $0x108;
	_ =	swait.ge @!p0 [sflag:s8], $0x0  }
0x24: {  	s3 =	sadd.s32 $0x88, s3;
	s6 =	simm.s32 @!p1 $0x1082;
	[sflag:s4] =	ssyncset.s32 $0xFFFFF086  }
0x25: {  	[simem:s6], [sflag:s4] =	dma.local [hbm:s3], $0xF7A  }
0x26: {  	[smem:$0x3F9F] =	sst s1;
	(tag) =	ssettag s2;
	_ =	strace s9  }
0x27: {  	s1 =	sld [smem:$0x3FAF]  }
0x28: {  	s2 =	sld [smem:$0x3FB0]  }
0x29: {  	s4 =	sld [smem:$0x3FB2]  }
0x2a: {  	p0 =	seq.s32 s5, $0x0;
	s5 =	sld [smem:$0x3FB3]  }
0x2b: {  	s6 =	sld [smem:$0x3FB4]  }
0x2c: {  	s7 =	sld [smem:$0x3FB5]  }
0x2d: {  	s3 =	simm.s32 $0x108;
	s8 =	sld [smem:$0x3FB6]  }
0x2e: {  	s3 =	simm.s32 @!p0 $0x1082;
	s9 =	sld [smem:$0x3FB7]  }
0x2f: {  	lr =	sadd.s32 s0, s3;
	s0 =	sld [smem:$0x3FAE]  }
0x30: {  	s3 =	sld [smem:$0x3FB1]  }
0x31: {  	[smem:$0x3FBA] =	sst s10  }
0x32: {  	s10 =	sld [smem:$0x3FB8];
	_ =	sdelay $0x3  }
0x33: {  	p0 =	seq.s32 s10, $0x1;
	s10 =	sld [smem:$0x3FBA];
	_ =	sdelay $0x3  }
0x34: {  	[smem:$0x3FBA] =	sst s10  }
0x35: {  	s10 =	sld [smem:$0x3FB9];
	_ =	sdelay $0x3  }
0x36: {  	p1 =	seq.s32 s10, $0x1;
	s10 =	sld [smem:$0x3FBA];
	_ =	sdelay $0x3  }
0x37: {  	[smem:$0x3FBA] =	sst s10  }
0x38: {  	s10 =	sld [smem:$0x3FBB]  }
0x39: {  	_ = 	snop;
	(pc) =	sbr.ind lr, $3  }
0x3a: {  	_ = 	snop  }
0x3b: {  	_ = 	snop  }
0x3c: {  	p2 =	seq.s32 s10, $0x1;
	s10 =	sld [smem:$0x3FBA]  }
0x3d: {  	_ =	shalt  }
0x3e: {  	_ =	shalt  }
0x3f: {  	_ =	shalt  }
0x40: {  	_ =	shalt  }
0x41: {  	_ =	shalt  }
0x42: {  	_ =	shalt  }
0x43: {  	_ =	shalt  }
0x44: {  	_ =	shalt  }
0x45: {  	_ =	shalt  }
0x46: {  	_ =	shalt  }
0x47: {  	_ =	shalt  }
0x48: {  	_ =	shalt  }
0x49: {  	_ =	shalt  }
0x4a: {  	_ =	shalt  }
0x4b: {  	_ =	shalt  }
0x4c: {  	_ =	shalt  }
0x4d: {  	_ =	shalt  }
0x4e: {  	_ =	shalt  }
0x4f: {  	_ =	shalt  }
0x50: {  	_ =	shalt  }
0x51: {  	_ =	shalt  }
0x52: {  	_ =	shalt  }
0x53: {  	_ =	shalt  }
0x54: {  	_ =	shalt  }
0x55: {  	_ =	shalt  }
0x56: {  	_ =	shalt  }
0x57: {  	_ =	shalt  }
0x58: {  	_ =	shalt  }
0x59: {  	_ =	shalt  }
0x5a: {  	_ =	shalt  }
0x5b: {  	_ =	shalt  }
0x5c: {  	_ =	shalt  }
0x5d: {  	_ =	shalt  }
0x5e: {  	_ =	shalt  }
0x5f: {  	_ =	shalt  }
0x60: {  	_ =	shalt  }
0x61: {  	_ =	shalt  }
0x62: {  	_ =	shalt  }
0x63: {  	_ =	shalt  }
0x64: {  	_ =	shalt  }
0x65: {  	_ =	shalt  }
0x66: {  	_ =	shalt  }
0x67: {  	_ =	shalt  }
0x68: {  	_ =	shalt  }
0x69: {  	_ =	shalt  }
0x6a: {  	_ =	shalt  }
0x6b: {  	_ =	shalt  }
0x6c: {  	_ =	shalt  }
0x6d: {  	_ =	shalt  }
0x6e: {  	_ =	shalt  }
0x6f: {  	_ =	shalt  }
0x70: {  	_ =	shalt  }
0x71: {  	_ =	shalt  }
0x72: {  	_ =	shalt  }
0x73: {  	_ =	shalt  }
0x74: {  	_ =	shalt  }
0x75: {  	_ =	shalt  }
0x76: {  	_ =	shalt  }
0x77: {  	_ =	shalt  }
0x78: {  	_ =	shalt  }
0x79: {  	_ =	shalt  }
0x7a: {  	_ =	shalt  }
0x7b: {  	_ =	shalt  }
0x7c: {  	_ =	shalt  }
0x7d: {  	_ =	shalt  }
0x7e: {  	_ =	shalt  }
0x7f: {  	_ =	shalt  }
0x80: {  	_ =	shalt  }
0x81: {  	_ =	shalt  }
0x82: {  	_ =	shalt  }
0x83: {  	_ =	shalt  }
0x84: {  	_ =	shalt  }
0x85: {  	_ =	shalt  }
0x86: {  	_ =	shalt  }
0x87: {  	_ =	shalt  }
.Lfunc_end0:
.L_simem_size_0:
called_computation.1_lowered:
.L_overlay_start_0:
0x88: {  	s2 =	sld [smem:$0x3FD9]  }
0x89: {  	s3 =	sld [smem:$0x3FFE];
	_ =	sdelay $0x1  }
0x8a: {  	s1 =	srdreg.scid  }
0x8b: {  	s0 =	sand.u32 $0x1, s1  }
0x8c: {  	s14 =	sshll.u32 s0, $0xA;
	s2 =	sadd.s32 s3, s2  }
0x8d: {  	s2 =	sadd.s32 s2, s14  }
0x8e: {  	[smem:$0x3FC6] =	sst s2  }
0x8f: {  	_ = 	snop  }
0x90: {  	s2 =	sld [smem:$0x3FD0];
	_ =	sdelay $0x2  }
0x91: {  	s15 =	simm.s32 $0xA;
	s4 =	simm.s32 $0x10  }
0x92: {  	[smem:s4], [sflag:s15] =	dma.local [hbm:s2], $0x1  }
0x93: {  	_ =	swait.eq [sflag:s15], $0x1  }
0x94: {  	[sflag:s15] =	ssyncset.done $0x0  }
0x95: {  	[sflag:s15] =	ssyncadd.s32 $0xFFFFFFFF  }
0x96: {  	s16 =	sld [smem:$0x11];
	(tm) =	ssettm $0x1  }
0x97: {  	s17 =	sld [smem:$0x3FFB];
	_ =	sdelay $0x3  }
0x98: {  	_ =	strace s17  }
0x99: {  	s3 =	sld [smem:$0x3FFC];
	_ =	sdelay $0x3  }
0x9a: {  	_ =	strace s3  }
0x9b: {  	s3 =	sld [smem:$0x3FFD];
	_ =	sdelay $0x3  }
0x9c: {  	_ =	strace s3  }
0x9d: {  	_ =	strace $0x8FFFFFFF  }
0x9e: {  	s18 =	sld [smem:$0x3FDB];
	_ =	sdelay $0x1  }
0x9f: {  	s19 =	simm.s32 $_scs_section_size  }
0xa0: {  	s5 =	simm.s32 $_size__tile_overlayer_lowered;
	s6 =	simm.s32 $_tile_overlayer_lowered  }
0xa1: {  	s22 =	simm.s32 $0x1BFF;
	s21 =	sshll.u32 s6, $0x1;
	s3 =	sadd.s32 s19, s18  }
0xa2: {  	s7 =	simm.s32 $0x0;
	s20 =	sshll.u32 s5, $0x1;
	s5 =	sadd.s32 s21, s3  }
0xa3: {  	[timem:s7], [sflag:s22] =	dma.local [hbm:s5], s20  }
0xa4: {  	_ =	swait.ge [sflag:s22], s20  }
0xa5: {  	s4 =	ssub.s32 $0x0, s20;
	[sflag:s22] =	ssyncset.done $0x0  }
0xa6: {  	[sflag:s22] =	ssyncadd.s32 s4;
	_ =	sdelay $0x1  }
0xa7: {  	s23 =	simm.s32 $0x1B8B  }
0xa8: {  	_ =	swait.ge [sflag:s23], $0x1  }
0xa9: {  	[sflag:s23] =	ssyncset.done $0x0  }
0xaa: {  	s25 =	simm.s32 $0x1B8E;
	s24 =	sld [smem:$0x3FFE];
	[sflag:s23] =	ssyncadd.s32 $0xFFFFFFFF  }
0xab: {  	s26 =	simm.s32 $execute0_lowered;
	[smem:$0x3FD2] =	sst s25  }
0xac: {  	s5 =	sshll.u32 s26, $0x1;
	_ =	strace $0x80000049;
	[dreg:$0x1] =	wrdreg $0xFFFFFFFF  }
0xad: {  	s28 =	simm.s32 $_size_execute0_lowered;
	s3 =	sadd.s32 s3, s5;
	[dreg:$0x0] =	wrdreg $0x0  }
0xae: {  	s5 =	sshll.u32 s28, $0x1;
	[dreg:$0x2] =	wrdreg s3  }
0xaf: {  	[dreg:$0x3] =	wrdreg s5  }
0xb0: {  	[dreg:$0x4] =	wrdreg $0xC0  }
0xb1: {  	_ =	task [dreg:s7], $0x5FFFF  }
0xb2: {  	[dreg:$0x1] =	wrdreg $0xFFFFFFFF  }
0xb3: {  	[dreg:$0x0] =	wrdreg $0x60  }
0xb4: {  	[dreg:$0x2] =	wrdreg s24  }
0xb5: {  	[dreg:$0x3] =	wrdreg s16  }
0xb6: {  	[dreg:$0x4] =	wrdreg $0x9  }
0xb7: {  	_ =	task.clear_ibuf [dreg:s7], $0x5FFFF;
	_ =	strace $0x90000049  }
0xb8: {  	s29 =	simm.s32 $0x9;
	_ =	strace $0x8000004B  }
0xb9: {  	_ =	swait.ge [sflag:s29], $0x1  }
0xba: {  	[sflag:s29] =	ssyncadd.s32 $0xFFFFFFFF  }
0xbb: {  	_ =	strace $0x9000004B  }
0xbc: {  	_ =	sfence  }
0xbd: {  	s30 =	sld [smem:$0x0];
	_ =	sdelay $0x2  }
0xbe: {  	s31 =	sshll.u32 s1, $0xD;
	s1 =	sshrl.u32 s1, $0x2  }
0xbf: {  	s3 =	sand.u32 $0x4000, s31;
	s1 =	sadd.s32 s1, s30  }
0xc0: {  	s0 =	sor.u32 s3, s0;
	s1 =	sshll.u32 s1, $0x11  }
0xc1: {  	s0 =	sor.u32 s1, s0  }
0xc2: {  	s0 =	sadd.s32 $0x8F2B, s0  }
0xc3: {  	[sflag:s0] =	ssyncadd.remote.s32 $0x1  }
0xc4: {  	_ =	sfence.sel $0xFFFF  }
0xc5: {  	[dreg:$0x0] =	wrdreg $0xFFFFFFFF;
	(pc) =	sbr.abs _section_cstart, $3  }
0xc6: {  	[dreg:$0x1] =	wrdreg $0xFFFFFFFF  }
0xc7: {  	_ =	task.clear_ibuf [dreg:s7], $0x2FFFF;
	_ =	strace $0x9FFFFFFF  }
0xc8: {  	(tm) =	ssettm $0x7FFFFFFF  }
0xc9: {  	_ =	shalt  }
tec
execute0_lowered:
.L_overlay_start_1:
0x0: {  	(tag) =	ssettag $0x1  }
0x1: {  	s4 =	rddreg [dreg:$0x0]  }
0x2: {  	s14 =	rddreg [dreg:$0x1]  }
0x3: {  	s0 =	rddreg [dreg:$0x2]  }
0x4: {  	s3 =	srdreg.scid;
	s1 =	stileid.u32  }
0x5: {  	s2 =	simm.s32 $0x0;
	s3 =	sand.u32 $0x1, s3;
	s5 =	sshll.u32 s1, $0x1  }
0x6: {  	[smem:$0x7FF] =	sst s2;
	s5 =	sor.u32 s3, s5  }
0x7: {  	_ =	strace $0x8000004A;
	s6 =	ssub.s32 $0x2, s3;
	s15 =	smul.u32 $0x61A80, s5  }
0x8: {  	s3 =	sadd.s32 $0xA00, s4;
	s4 =	sadd.s32 $0xC00, s4;
	s25 =	sshrl.u32 s6, $0x1  }
0x9: {  	s16 =	ssub.s32 s6, s25;
	s12 =	sadd.s32 $0xA000, s15;
	s26 =	sshrl.u32 s15, $0x3  }
0xa: {  	s13 =	sadd.s32 $0x14000, s15;
	s17 =	sadd.s32 $0x1E000, s15;
	s18 =	sadd.s32 $0x28000, s15  }
0xb: {  	s19 =	sadd.s32 $0x32000, s15;
	s20 =	sadd.s32 $0x3C000, s15;
	s21 =	sadd.s32 $0x46000, s15  }
0xc: {  	s22 =	sadd.s32 $0x50000, s15;
	s29 =	sadd.s32 $0x5A000, s15;
	s24 =	sadd.s32 $0x61A80, s15  }
0xd: {  	v3 =	vmov s15;
	s15 =	smax.u32 s16, $0x1;
	s16 =	simm.s32 $0x14000;
	s5 =	sadd.s32 s14, s26  }
0xe: {  	s28 =	sshrl.u32 s12, $0x3;
	s7 =	sshrl.u32 s13, $0x3;
	s8 =	sshrl.u32 s17, $0x3  }
0xf: {  	s9 =	sshrl.u32 s18, $0x3;
	s10 =	sshrl.u32 s19, $0x3;
	s11 =	sshrl.u32 s20, $0x3  }
0x10: {  	s23 =	sshrl.u32 s21, $0x3;
	s30 =	sshrl.u32 s22, $0x3;
	s31 =	sshrl.u32 s29, $0x3  }
0x11: {  	v2 =	vmov s17;
	v4 =	vmov s18;
	v5 =	vmov s19;
	s17 =	simm.s32 $0x3;
	s18 =	simm.s32 $0x14400;
	s19 =	simm.s32 $0xA000  }
0x12: {  	v6 =	vmov s20;
	v7 =	vmov s21;
	v8 =	vmov s22;
	s20 =	simm.s32 $0x1;
	s21 =	simm.s32 $0x2;
	s22 =	simm.s32 $0x0  }
0x13: {  	v12 =	vlaneseq.u32;
	s6 =	sadd.s32 s14, s28;
	s7 =	sadd.s32 s14, s7;
	s8 =	sadd.s32 s14, s8  }
0x14: {  	v11 =	vimm.f32 $0.0e+00;
	v12 =	vshrl.u32 v12, $0x3;
	v0 =	vmov s12;
	s9 =	sadd.s32 s14, s9;
	s10 =	sadd.s32 s14, s10;
	s11 =	sadd.s32 s14, s11  }
0x15: {  	v1 =	vmov s13;
	v9 =	vmov s29;
	v10 =	vmov s24;
	s12 =	sadd.s32 s14, s23;
	s13 =	sadd.s32 s14, s30;
	s14 =	sadd.s32 s14, s31  }
.LBB2_1:
0x16: {  	[tilespmem:s16], [sflag:$0x3] =	stream.linear.gather [hbm4b:s3+s2], $0x400, $0x38;
	[tilespmem:$0x14800] =	vst v63  }
0x17: {  	_ =	swait.ge [sflag:s17], $0x400  }
0x18: {  	[sflag:s17] =	ssyncset.done $0x0  }
0x19: {  	[sflag:s17] =	ssyncadd.s32 $0xFFFFFC00  }
0x1a: {  	[tilespmem:s18], [sflag:$0x3] =	stream.linear.gather [hbm4b:s4+s2], $0x400, $0x38;
	[tilespmem:$0x14800] =	vst v63  }
0x1b: {  	_ =	swait.ge [sflag:s17], $0x400  }
0x1c: {  	[sflag:s17] =	ssyncset.done $0x0  }
0x1d: {  	s24 =	simm.s32 $0x0;
	s23 =	simm.s32 $0x200;
	[sflag:s17] =	ssyncadd.s32 $0xFFFFFC00  }
.LBB2_2:
0x1e: {  	p0 =	sne.s32 s23, $0x27E00;
	[tilespmem:s24+$0x70] =	vst v11  }
0x1f: {  	[tilespmem:s24+$0x0] =	vst v11  }
0x20: {  	[tilespmem:s24+$0x10] =	vst v11  }
.Ltmp0:
0x21: {  	[tilespmem:s24+$0x20] =	vst v11;
	(pc) =	sbr.rel @p0 .LBB2_2-.Ltmp0, $4  }
0x22: {  	[tilespmem:s24+$0x30] =	vst v11  }
0x23: {  	[tilespmem:s24+$0x40] =	vst v11  }
0x24: {  	[tilespmem:s24+$0x50] =	vst v11  }
0x25: {  	[tilespmem:s24+$0x60] =	vst v11;
	s24 =	sshra.s32 s23, $0x2;
	s23 =	sadd.s32 $0x200, s23  }
0x26: {  	[tilespmem:s24+$0x70] =	vst v11  }
0x27: {  	[tilespmem:s24+$0x0] =	vst v11  }
0x28: {  	[tilespmem:s24+$0x10] =	vst v11  }
0x29: {  	[tilespmem:s24+$0x20] =	vst v11  }
0x2a: {  	[tilespmem:s24+$0x30] =	vst v11  }
0x2b: {  	[tilespmem:s24+$0x40] =	vst v11  }
0x2c: {  	[tilespmem:s24+$0x50] =	vst v11  }
0x2d: {  	s23 =	simm.s32 $0x0;
	[tilespmem:s24+$0x60] =	vst v11;
	s24 =	simm.s32 $0x0;
	s25 =	simm.s32 $0x200  }
.LBB2_4:
0x2e: {  	p0 =	sne.s32 s25, $0x27E00;
	[tilespmem:s24+$0xA070] =	vst v11  }
0x2f: {  	[tilespmem:s24+$0xA000] =	vst v11  }
0x30: {  	[tilespmem:s24+$0xA010] =	vst v11  }
.Ltmp1:
0x31: {  	[tilespmem:s24+$0xA020] =	vst v11;
	(pc) =	sbr.rel @p0 .LBB2_4-.Ltmp1, $4  }
0x32: {  	[tilespmem:s24+$0xA030] =	vst v11  }
0x33: {  	[tilespmem:s24+$0xA040] =	vst v11  }
0x34: {  	[tilespmem:s24+$0xA050] =	vst v11  }
0x35: {  	[tilespmem:s24+$0xA060] =	vst v11;
	s24 =	sshra.s32 s25, $0x2;
	s25 =	sadd.s32 $0x200, s25  }
0x36: {  	[tilespmem:s24+$0xA070] =	vst v11  }
0x37: {  	[tilespmem:s24+$0xA000] =	vst v11  }
0x38: {  	[tilespmem:s24+$0xA010] =	vst v11  }
0x39: {  	[tilespmem:s24+$0xA020] =	vst v11  }
0x3a: {  	[tilespmem:s24+$0xA030] =	vst v11  }
0x3b: {  	[tilespmem:s24+$0xA040] =	vst v11  }
0x3c: {  	[tilespmem:s24+$0xA050] =	vst v11  }
0x3d: {  	[tilespmem:s24+$0xA060] =	vst v11;
	s24 =	simm.s32 $0x14020;
	s25 =	simm.s32 $0x14420  }
.LBB2_6:
0x3e: {  	v13 =	vld [tilespmem:s24+$0xFFFFFFE0];
	_ =	sdelay $0x3  }
0x3f: {  	v14 =	vld [tilespmem:s25+$0xFFFFFFE0]  }
0x40: {  	v13 =	vshll.u32 v13, $0x7  }
0x41: {  	v13 =	vadd.s32 s23, v13  }
0x42: {  	v13 =	vor.u32 v12, v13  }
0x43: {  	vm0 =	vge.s32 v13, v3;
	vm1 =	vlt.s32 v13, v0  }
0x44: {  	vm6 =	vgt.f32 v14, $0.0e+00;
	vm0 =	vmand vm0, vm1  }
0x45: {  	v13 =	vsub.s32 v13, v3;
	vm0 =	vmand vm6, vm0  }
0x46: {  	v13 =	vnsel vm0, $0x0, v13;
	_ =	sdelay $0x4  }
0x47: {  	[tilespmem:v13+s2+$0x0] =	vst.idx.msk vm0, v14  }
0x48: {  	v13 =	vld [tilespmem:s24+$0xFFFFFFF0];
	_ =	sdelay $0x3  }
0x49: {  	v14 =	vld [tilespmem:s25+$0xFFFFFFF0]  }
0x4a: {  	s26 =	sadd.s32 $0x2, s23;
	v13 =	vshll.u32 v13, $0x7  }
0x4b: {  	v13 =	vadd.s32 s26, v13  }
0x4c: {  	v13 =	vor.u32 v12, v13  }
0x4d: {  	vm7 =	vge.s32 v13, v3;
	vm8 =	vlt.s32 v13, v0  }
0x4e: {  	vm9 =	vgt.f32 v14, $0.0e+00;
	vm0 =	vmand vm7, vm8  }
0x4f: {  	v13 =	vsub.s32 v13, v3;
	vm0 =	vmand vm9, vm0  }
0x50: {  	v13 =	vnsel vm0, $0x0, v13;
	_ =	sdelay $0x4  }
0x51: {  	[tilespmem:v13+s2+$0x0] =	vst.idx.msk vm0, v14  }
0x52: {  	v13 =	vld [tilespmem:s24+$0x0];
	_ =	sdelay $0x3  }
0x53: {  	v14 =	vld [tilespmem:s25+$0x0]  }
0x54: {  	s30 =	sadd.s32 $0x4, s23;
	v13 =	vshll.u32 v13, $0x7  }
0x55: {  	v13 =	vadd.s32 s30, v13  }
0x56: {  	v13 =	vor.u32 v12, v13  }
0x57: {  	vm10 =	vge.s32 v13, v3;
	vm11 =	vlt.s32 v13, v0  }
0x58: {  	vm12 =	vgt.f32 v14, $0.0e+00;
	vm0 =	vmand vm10, vm11  }
0x59: {  	v13 =	vsub.s32 v13, v3;
	vm0 =	vmand vm12, vm0  }
0x5a: {  	v13 =	vnsel vm0, $0x0, v13;
	_ =	sdelay $0x4  }
0x5b: {  	[tilespmem:v13+s2+$0x0] =	vst.idx.msk vm0, v14  }
0x5c: {  	v13 =	vld [tilespmem:s24+$0x10];
	_ =	sdelay $0x3  }
0x5d: {  	v14 =	vld [tilespmem:s25+$0x10]  }
0x5e: {  	s31 =	sadd.s32 $0x6, s23;
	v13 =	vshll.u32 v13, $0x7  }
0x5f: {  	v13 =	vadd.s32 s31, v13  }
0x60: {  	v13 =	vor.u32 v12, v13  }
0x61: {  	vm13 =	vge.s32 v13, v3;
	vm14 =	vlt.s32 v13, v0  }
0x62: {  	vm15 =	vgt.f32 v14, $0.0e+00;
	vm0 =	vmand vm13, vm14  }
0x63: {  	v13 =	vsub.s32 v13, v3;
	vm0 =	vmand vm15, vm0  }
0x64: {  	p0 =	sne.s32 s23, $0x78;
	v13 =	vnsel vm0, $0x0, v13  }
.Ltmp2:
0x65: {  	_ = 	snop;
	(pc) =	sbr.rel @p0 .LBB2_6-.Ltmp2, $2  }
0x66: {  	_ =	sdelay $0x2  }
0x67: {  	s23 =	sadd.s32 $0x8, s23;
	s24 =	sadd.s32 $0x40, s24;
	s25 =	sadd.s32 $0x40, s25;
	[tilespmem:v13+s2+$0x0] =	vst.idx.msk vm0, v14  }
0x68: {  	s23 =	simm.s32 $0x0;
	s24 =	simm.s32 $0x14020;
	s25 =	simm.s32 $0x14420  }
0x69: {  	[hbm4b:s5+s23] =	stream.linear.scatter [tilespmem:s23], [sflag:$0x1], $0xA000, $0x38;
	[tilespmem:$0x14800] =	vst v63  }
.LBB2_8:
0x6a: {  	v13 =	vld [tilespmem:s24+$0xFFFFFFE0];
	_ =	sdelay $0x3  }
0x6b: {  	v14 =	vld [tilespmem:s25+$0xFFFFFFE0]  }
0x6c: {  	v13 =	vshll.u32 v13, $0x7  }
0x6d: {  	v13 =	vadd.s32 s23, v13  }
0x6e: {  	v13 =	vor.u32 v12, v13  }
0x6f: {  	vm0 =	vge.s32 v13, v0;
	vm1 =	vlt.s32 v13, v1  }
0x70: {  	vm6 =	vgt.f32 v14, $0.0e+00;
	vm0 =	vmand vm0, vm1  }
0x71: {  	v13 =	vsub.s32 v13, v0;
	vm0 =	vmand vm6, vm0  }
0x72: {  	v13 =	vnsel vm0, $0x0, v13;
	_ =	sdelay $0x4  }
0x73: {  	[tilespmem:v13+s19+$0x0] =	vst.idx.msk vm0, v14  }
0x74: {  	v13 =	vld [tilespmem:s24+$0xFFFFFFF0];
	_ =	sdelay $0x3  }
0x75: {  	v14 =	vld [tilespmem:s25+$0xFFFFFFF0]  }
0x76: {  	s26 =	sadd.s32 $0x2, s23;
	v13 =	vshll.u32 v13, $0x7  }
0x77: {  	v13 =	vadd.s32 s26, v13  }
0x78: {  	v13 =	vor.u32 v12, v13  }
0x79: {  	vm7 =	vge.s32 v13, v0;
	vm8 =	vlt.s32 v13, v1  }
0x7a: {  	vm9 =	vgt.f32 v14, $0.0e+00;
	vm0 =	vmand vm7, vm8  }
0x7b: {  	v13 =	vsub.s32 v13, v0;
	vm0 =	vmand vm9, vm0  }
0x7c: {  	v13 =	vnsel vm0, $0x0, v13;
	_ =	sdelay $0x4  }
0x7d: {  	[tilespmem:v13+s19+$0x0] =	vst.idx.msk vm0, v14  }
0x7e: {  	v13 =	vld [tilespmem:s24+$0x0];
	_ =	sdelay $0x3  }
0x7f: {  	v14 =	vld [tilespmem:s25+$0x0]  }
0x80: {  	s30 =	sadd.s32 $0x4, s23;
	v13 =	vshll.u32 v13, $0x7  }
0x81: {  	v13 =	vadd.s32 s30, v13  }
0x82: {  	v13 =	vor.u32 v12, v13  }
0x83: {  	vm10 =	vge.s32 v13, v0;
	vm11 =	vlt.s32 v13, v1  }
0x84: {  	vm12 =	vgt.f32 v14, $0.0e+00;
	vm0 =	vmand vm10, vm11  }
0x85: {  	v13 =	vsub.s32 v13, v0;
	vm0 =	vmand vm12, vm0  }
0x86: {  	v13 =	vnsel vm0, $0x0, v13;
	_ =	sdelay $0x4  }
0x87: {  	[tilespmem:v13+s19+$0x0] =	vst.idx.msk vm0, v14  }
0x88: {  	v13 =	vld [tilespmem:s24+$0x10];
	_ =	sdelay $0x3  }
0x89: {  	v14 =	vld [tilespmem:s25+$0x10]  }
0x8a: {  	s31 =	sadd.s32 $0x6, s23;
	v13 =	vshll.u32 v13, $0x7  }
0x8b: {  	v13 =	vadd.s32 s31, v13  }
0x8c: {  	v13 =	vor.u32 v12, v13  }
0x8d: {  	vm13 =	vge.s32 v13, v0;
	vm14 =	vlt.s32 v13, v1  }
0x8e: {  	vm15 =	vgt.f32 v14, $0.0e+00;
	vm0 =	vmand vm13, vm14  }
0x8f: {  	v13 =	vsub.s32 v13, v0;
	vm0 =	vmand vm15, vm0  }
0x90: {  	p0 =	sne.s32 s23, $0x78;
	v13 =	vnsel vm0, $0x0, v13  }
.Ltmp3:
0x91: {  	_ = 	snop;
	(pc) =	sbr.rel @p0 .LBB2_8-.Ltmp3, $2  }
0x92: {  	_ =	sdelay $0x2  }
0x93: {  	s23 =	sadd.s32 $0x8, s23;
	s24 =	sadd.s32 $0x40, s24;
	s25 =	sadd.s32 $0x40, s25;
	[tilespmem:v13+s19+$0x0] =	vst.idx.msk vm0, v14  }
0x94: {  	s23 =	simm.s32 $0x0  }
0x95: {  	[hbm4b:s6+s23] =	stream.linear.scatter [tilespmem:s19], [sflag:$0x2], $0xA000, $0x38;
	[tilespmem:$0x14800] =	vst v63  }
0x96: {  	s24 =	simm.s32 $0x14020;
	_ =	swait.ge [sflag:s20], $0xA000  }
0x97: {  	s25 =	simm.s32 $0x14420;
	s26 =	simm.s32 $0x14420;
	[sflag:s20] =	ssyncset.done $0x0  }
0x98: {  	s28 =	simm.s32 $0x14020;
	s29 =	simm.s32 $0x0;
	[sflag:s20] =	ssyncadd.s32 $0xFFFF6000  }
.LBB2_10:
0x99: {  	v13 =	vld [tilespmem:s28+$0xFFFFFFE0];
	_ =	sdelay $0x3  }
0x9a: {  	v14 =	vld [tilespmem:s26+$0xFFFFFFE0]  }
0x9b: {  	v13 =	vshll.u32 v13, $0x7  }
0x9c: {  	v13 =	vadd.s32 s29, v13  }
0x9d: {  	v13 =	vor.u32 v12, v13  }
0x9e: {  	vm0 =	vge.s32 v13, v3;
	vm1 =	vlt.s32 v13, v0  }
0x9f: {  	vm6 =	vgt.f32 v14, $0.0e+00;
	vm0 =	vmand vm0, vm1  }
0xa0: {  	v13 =	vsub.s32 v13, v3;
	vm0 =	vmand vm6, vm0  }
0xa1: {  	v13 =	vnsel vm0, $0x0, v13;
	_ =	sdelay $0x4  }
0xa2: {  	[tilespmem:v13+s23+$0x0] =	vst.idx.msk vm0, v11  }
0xa3: {  	v13 =	vld [tilespmem:s28+$0xFFFFFFF0];
	_ =	sdelay $0x3  }
0xa4: {  	v14 =	vld [tilespmem:s26+$0xFFFFFFF0]  }
0xa5: {  	s30 =	sadd.s32 $0x2, s29;
	v13 =	vshll.u32 v13, $0x7  }
0xa6: {  	v13 =	vadd.s32 s30, v13  }
0xa7: {  	v13 =	vor.u32 v12, v13  }
0xa8: {  	vm7 =	vge.s32 v13, v3;
	vm8 =	vlt.s32 v13, v0  }
0xa9: {  	vm9 =	vgt.f32 v14, $0.0e+00;
	vm0 =	vmand vm7, vm8  }
0xaa: {  	v13 =	vsub.s32 v13, v3;
	vm0 =	vmand vm9, vm0  }
0xab: {  	v13 =	vnsel vm0, $0x0, v13;
	_ =	sdelay $0x4  }
0xac: {  	[tilespmem:v13+s23+$0x0] =	vst.idx.msk vm0, v11  }
0xad: {  	v13 =	vld [tilespmem:s28+$0x0];
	_ =	sdelay $0x3  }
0xae: {  	v14 =	vld [tilespmem:s26+$0x0]  }
0xaf: {  	s31 =	sadd.s32 $0x4, s29;
	v13 =	vshll.u32 v13, $0x7  }
0xb0: {  	v13 =	vadd.s32 s31, v13  }
0xb1: {  	v13 =	vor.u32 v12, v13  }
0xb2: {  	vm10 =	vge.s32 v13, v3;
	vm11 =	vlt.s32 v13, v0  }
0xb3: {  	vm12 =	vgt.f32 v14, $0.0e+00;
	vm0 =	vmand vm10, vm11  }
0xb4: {  	v13 =	vsub.s32 v13, v3;
	vm0 =	vmand vm12, vm0  }
0xb5: {  	v13 =	vnsel vm0, $0x0, v13;
	_ =	sdelay $0x4  }
0xb6: {  	[tilespmem:v13+s23+$0x0] =	vst.idx.msk vm0, v11  }
0xb7: {  	v13 =	vld [tilespmem:s28+$0x10];
	_ =	sdelay $0x3  }
0xb8: {  	v14 =	vld [tilespmem:s26+$0x10]  }
0xb9: {  	s31 =	sadd.s32 $0x6, s29;
	v13 =	vshll.u32 v13, $0x7  }
0xba: {  	v13 =	vadd.s32 s31, v13  }
0xbb: {  	v13 =	vor.u32 v12, v13  }
0xbc: {  	vm13 =	vge.s32 v13, v3;
	vm14 =	vlt.s32 v13, v0  }
0xbd: {  	vm15 =	vgt.f32 v14, $0.0e+00;
	vm0 =	vmand vm13, vm14  }
0xbe: {  	v13 =	vsub.s32 v13, v3;
	vm0 =	vmand vm15, vm0  }
0xbf: {  	p0 =	sne.s32 s29, $0x78;
	v13 =	vnsel vm0, $0x0, v13  }
.Ltmp4:
0xc0: {  	_ = 	snop;
	(pc) =	sbr.rel @p0 .LBB2_10-.Ltmp4, $2  }
0xc1: {  	_ =	sdelay $0x2  }
0xc2: {  	s29 =	sadd.s32 $0x8, s29;
	s28 =	sadd.s32 $0x40, s28;
	s26 =	sadd.s32 $0x40, s26;
	[tilespmem:v13+s23+$0x0] =	vst.idx.msk vm0, v11  }
.LBB2_11:
0xc3: {  	v13 =	vld [tilespmem:s24+$0xFFFFFFE0];
	_ =	sdelay $0x3  }
0xc4: {  	v14 =	vld [tilespmem:s25+$0xFFFFFFE0]  }
0xc5: {  	v13 =	vshll.u32 v13, $0x7  }
0xc6: {  	v13 =	vadd.s32 s23, v13  }
0xc7: {  	v13 =	vor.u32 v12, v13  }
0xc8: {  	vm0 =	vge.s32 v13, v1;
	vm1 =	vlt.s32 v13, v2  }
0xc9: {  	vm6 =	vgt.f32 v14, $0.0e+00;
	vm0 =	vmand vm0, vm1  }
0xca: {  	v13 =	vsub.s32 v13, v1;
	vm0 =	vmand vm6, vm0  }
0xcb: {  	v13 =	vnsel vm0, $0x0, v13;
	_ =	sdelay $0x4  }
0xcc: {  	[tilespmem:v13+s2+$0x0] =	vst.idx.msk vm0, v14  }
0xcd: {  	v13 =	vld [tilespmem:s24+$0xFFFFFFF0];
	_ =	sdelay $0x3  }
0xce: {  	v14 =	vld [tilespmem:s25+$0xFFFFFFF0]  }
0xcf: {  	s26 =	sadd.s32 $0x2, s23;
	v13 =	vshll.u32 v13, $0x7  }
0xd0: {  	v13 =	vadd.s32 s26, v13  }
0xd1: {  	v13 =	vor.u32 v12, v13  }
0xd2: {  	vm7 =	vge.s32 v13, v1;
	vm8 =	vlt.s32 v13, v2  }
0xd3: {  	vm9 =	vgt.f32 v14, $0.0e+00;
	vm0 =	vmand vm7, vm8  }
0xd4: {  	v13 =	vsub.s32 v13, v1;
	vm0 =	vmand vm9, vm0  }
0xd5: {  	v13 =	vnsel vm0, $0x0, v13;
	_ =	sdelay $0x4  }
0xd6: {  	[tilespmem:v13+s2+$0x0] =	vst.idx.msk vm0, v14  }
0xd7: {  	v13 =	vld [tilespmem:s24+$0x0];
	_ =	sdelay $0x3  }
0xd8: {  	v14 =	vld [tilespmem:s25+$0x0]  }
0xd9: {  	s30 =	sadd.s32 $0x4, s23;
	v13 =	vshll.u32 v13, $0x7  }
0xda: {  	v13 =	vadd.s32 s30, v13  }
0xdb: {  	v13 =	vor.u32 v12, v13  }
0xdc: {  	vm10 =	vge.s32 v13, v1;
	vm11 =	vlt.s32 v13, v2  }
0xdd: {  	vm12 =	vgt.f32 v14, $0.0e+00;
	vm0 =	vmand vm10, vm11  }
0xde: {  	v13 =	vsub.s32 v13, v1;
	vm0 =	vmand vm12, vm0  }
0xdf: {  	v13 =	vnsel vm0, $0x0, v13;
	_ =	sdelay $0x4  }
0xe0: {  	[tilespmem:v13+s2+$0x0] =	vst.idx.msk vm0, v14  }
0xe1: {  	v13 =	vld [tilespmem:s24+$0x10];
	_ =	sdelay $0x3  }
0xe2: {  	v14 =	vld [tilespmem:s25+$0x10]  }
0xe3: {  	s31 =	sadd.s32 $0x6, s23;
	v13 =	vshll.u32 v13, $0x7  }
0xe4: {  	v13 =	vadd.s32 s31, v13  }
0xe5: {  	v13 =	vor.u32 v12, v13  }
0xe6: {  	vm13 =	vge.s32 v13, v1;
	vm14 =	vlt.s32 v13, v2  }
0xe7: {  	vm15 =	vgt.f32 v14, $0.0e+00;
	vm0 =	vmand vm13, vm14  }
0xe8: {  	v13 =	vsub.s32 v13, v1;
	vm0 =	vmand vm15, vm0  }
0xe9: {  	p0 =	sne.s32 s23, $0x78;
	v13 =	vnsel vm0, $0x0, v13  }
.Ltmp5:
0xea: {  	_ = 	snop;
	(pc) =	sbr.rel @p0 .LBB2_11-.Ltmp5, $2  }
0xeb: {  	_ =	sdelay $0x2  }
0xec: {  	s23 =	sadd.s32 $0x8, s23;
	s24 =	sadd.s32 $0x40, s24;
	s25 =	sadd.s32 $0x40, s25;
	[tilespmem:v13+s2+$0x0] =	vst.idx.msk vm0, v14  }
0xed: {  	s23 =	simm.s32 $0x0  }
0xee: {  	[hbm4b:s7+s23] =	stream.linear.scatter [tilespmem:s23], [sflag:$0x1], $0xA000, $0x38;
	[tilespmem:$0x14800] =	vst v63  }
0xef: {  	s24 =	simm.s32 $0x14020;
	_ =	swait.ge [sflag:s21], $0xA000  }
0xf0: {  	s25 =	simm.s32 $0x14420;
	s26 =	simm.s32 $0x14420;
	[sflag:s21] =	ssyncset.done $0x0  }
0xf1: {  	s28 =	simm.s32 $0x14020;
	s29 =	simm.s32 $0x0;
	[sflag:s21] =	ssyncadd.s32 $0xFFFF6000  }
.LBB2_13:
0xf2: {  	v13 =	vld [tilespmem:s28+$0xFFFFFFE0];
	_ =	sdelay $0x3  }
0xf3: {  	v14 =	vld [tilespmem:s26+$0xFFFFFFE0]  }
0xf4: {  	v13 =	vshll.u32 v13, $0x7  }
0xf5: {  	v13 =	vadd.s32 s29, v13  }
0xf6: {  	v13 =	vor.u32 v12, v13  }
0xf7: {  	vm0 =	vge.s32 v13, v0;
	vm1 =	vlt.s32 v13, v1  }
0xf8: {  	vm6 =	vgt.f32 v14, $0.0e+00;
	vm0 =	vmand vm0, vm1  }
0xf9: {  	v13 =	vsub.s32 v13, v0;
	vm0 =	vmand vm6, vm0  }
0xfa: {  	v13 =	vnsel vm0, $0x0, v13;
	_ =	sdelay $0x4  }
0xfb: {  	[tilespmem:v13+s19+$0x0] =	vst.idx.msk vm0, v11  }
0xfc: {  	v13 =	vld [tilespmem:s28+$0xFFFFFFF0];
	_ =	sdelay $0x3  }
0xfd: {  	v14 =	vld [tilespmem:s26+$0xFFFFFFF0]  }
0xfe: {  	s30 =	sadd.s32 $0x2, s29;
	v13 =	vshll.u32 v13, $0x7  }
0xff: {  	v13 =	vadd.s32 s30, v13  }
0x100: {  	v13 =	vor.u32 v12, v13  }
0x101: {  	vm7 =	vge.s32 v13, v0;
	vm8 =	vlt.s32 v13, v1  }
0x102: {  	vm9 =	vgt.f32 v14, $0.0e+00;
	vm0 =	vmand vm7, vm8  }
0x103: {  	v13 =	vsub.s32 v13, v0;
	vm0 =	vmand vm9, vm0  }
0x104: {  	v13 =	vnsel vm0, $0x0, v13;
	_ =	sdelay $0x4  }
0x105: {  	[tilespmem:v13+s19+$0x0] =	vst.idx.msk vm0, v11  }
0x106: {  	v13 =	vld [tilespmem:s28+$0x0];
	_ =	sdelay $0x3  }
0x107: {  	v14 =	vld [tilespmem:s26+$0x0]  }
0x108: {  	s31 =	sadd.s32 $0x4, s29;
	v13 =	vshll.u32 v13, $0x7  }
0x109: {  	v13 =	vadd.s32 s31, v13  }
0x10a: {  	v13 =	vor.u32 v12, v13  }
0x10b: {  	vm10 =	vge.s32 v13, v0;
	vm11 =	vlt.s32 v13, v1  }
0x10c: {  	vm12 =	vgt.f32 v14, $0.0e+00;
	vm0 =	vmand vm10, vm11  }
0x10d: {  	v13 =	vsub.s32 v13, v0;
	vm0 =	vmand vm12, vm0  }
0x10e: {  	v13 =	vnsel vm0, $0x0, v13;
	_ =	sdelay $0x4  }
0x10f: {  	[tilespmem:v13+s19+$0x0] =	vst.idx.msk vm0, v11  }
0x110: {  	v13 =	vld [tilespmem:s28+$0x10];
	_ =	sdelay $0x3  }
0x111: {  	v14 =	vld [tilespmem:s26+$0x10]  }
0x112: {  	s31 =	sadd.s32 $0x6, s29;
	v13 =	vshll.u32 v13, $0x7  }
0x113: {  	v13 =	vadd.s32 s31, v13  }
0x114: {  	v13 =	vor.u32 v12, v13  }
0x115: {  	vm13 =	vge.s32 v13, v0;
	vm14 =	vlt.s32 v13, v1  }
0x116: {  	vm15 =	vgt.f32 v14, $0.0e+00;
	vm0 =	vmand vm13, vm14  }
0x117: {  	v13 =	vsub.s32 v13, v0;
	vm0 =	vmand vm15, vm0  }
0x118: {  	p0 =	sne.s32 s29, $0x78;
	v13 =	vnsel vm0, $0x0, v13  }
.Ltmp6:
0x119: {  	_ = 	snop;
	(pc) =	sbr.rel @p0 .LBB2_13-.Ltmp6, $2  }
0x11a: {  	_ =	sdelay $0x2  }
0x11b: {  	s29 =	sadd.s32 $0x8, s29;
	s28 =	sadd.s32 $0x40, s28;
	s26 =	sadd.s32 $0x40, s26;
	[tilespmem:v13+s19+$0x0] =	vst.idx.msk vm0, v11  }
.LBB2_14:
0x11c: {  	v13 =	vld [tilespmem:s24+$0xFFFFFFE0];
	_ =	sdelay $0x3  }
0x11d: {  	v14 =	vld [tilespmem:s25+$0xFFFFFFE0]  }
0x11e: {  	v13 =	vshll.u32 v13, $0x7  }
0x11f: {  	v13 =	vadd.s32 s23, v13  }
0x120: {  	v13 =	vor.u32 v12, v13  }
0x121: {  	vm0 =	vge.s32 v13, v2;
	vm1 =	vlt.s32 v13, v4  }
0x122: {  	vm6 =	vgt.f32 v14, $0.0e+00;
	vm0 =	vmand vm0, vm1  }
0x123: {  	v13 =	vsub.s32 v13, v2;
	vm0 =	vmand vm6, vm0  }
0x124: {  	v13 =	vnsel vm0, $0x0, v13;
	_ =	sdelay $0x4  }
0x125: {  	[tilespmem:v13+s19+$0x0] =	vst.idx.msk vm0, v14  }
0x126: {  	v13 =	vld [tilespmem:s24+$0xFFFFFFF0];
	_ =	sdelay $0x3  }
0x127: {  	v14 =	vld [tilespmem:s25+$0xFFFFFFF0]  }
0x128: {  	s26 =	sadd.s32 $0x2, s23;
	v13 =	vshll.u32 v13, $0x7  }
0x129: {  	v13 =	vadd.s32 s26, v13  }
0x12a: {  	v13 =	vor.u32 v12, v13  }
0x12b: {  	vm7 =	vge.s32 v13, v2;
	vm8 =	vlt.s32 v13, v4  }
0x12c: {  	vm9 =	vgt.f32 v14, $0.0e+00;
	vm0 =	vmand vm7, vm8  }
0x12d: {  	v13 =	vsub.s32 v13, v2;
	vm0 =	vmand vm9, vm0  }
0x12e: {  	v13 =	vnsel vm0, $0x0, v13;
	_ =	sdelay $0x4  }
0x12f: {  	[tilespmem:v13+s19+$0x0] =	vst.idx.msk vm0, v14  }
0x130: {  	v13 =	vld [tilespmem:s24+$0x0];
	_ =	sdelay $0x3  }
0x131: {  	v14 =	vld [tilespmem:s25+$0x0]  }
0x132: {  	s30 =	sadd.s32 $0x4, s23;
	v13 =	vshll.u32 v13, $0x7  }
0x133: {  	v13 =	vadd.s32 s30, v13  }
0x134: {  	v13 =	vor.u32 v12, v13  }
0x135: {  	vm10 =	vge.s32 v13, v2;
	vm11 =	vlt.s32 v13, v4  }
0x136: {  	vm12 =	vgt.f32 v14, $0.0e+00;
	vm0 =	vmand vm10, vm11  }
0x137: {  	v13 =	vsub.s32 v13, v2;
	vm0 =	vmand vm12, vm0  }
0x138: {  	v13 =	vnsel vm0, $0x0, v13;
	_ =	sdelay $0x4  }
0x139: {  	[tilespmem:v13+s19+$0x0] =	vst.idx.msk vm0, v14  }
0x13a: {  	v13 =	vld [tilespmem:s24+$0x10];
	_ =	sdelay $0x3  }
0x13b: {  	v14 =	vld [tilespmem:s25+$0x10]  }
0x13c: {  	s31 =	sadd.s32 $0x6, s23;
	v13 =	vshll.u32 v13, $0x7  }
0x13d: {  	v13 =	vadd.s32 s31, v13  }
0x13e: {  	v13 =	vor.u32 v12, v13  }
0x13f: {  	vm13 =	vge.s32 v13, v2;
	vm14 =	vlt.s32 v13, v4  }
0x140: {  	vm15 =	vgt.f32 v14, $0.0e+00;
	vm0 =	vmand vm13, vm14  }
0x141: {  	v13 =	vsub.s32 v13, v2;
	vm0 =	vmand vm15, vm0  }
0x142: {  	p0 =	sne.s32 s23, $0x78;
	v13 =	vnsel vm0, $0x0, v13  }
.Ltmp7:
0x143: {  	_ = 	snop;
	(pc) =	sbr.rel @p0 .LBB2_14-.Ltmp7, $2  }
0x144: {  	_ =	sdelay $0x2  }
0x145: {  	s23 =	sadd.s32 $0x8, s23;
	s24 =	sadd.s32 $0x40, s24;
	s25 =	sadd.s32 $0x40, s25;
	[tilespmem:v13+s19+$0x0] =	vst.idx.msk vm0, v14  }
0x146: {  	s23 =	simm.s32 $0x0  }
0x147: {  	[hbm4b:s8+s23] =	stream.linear.scatter [tilespmem:s19], [sflag:$0x2], $0xA000, $0x38;
	[tilespmem:$0x14800] =	vst v63  }
0x148: {  	s24 =	simm.s32 $0x14020;
	_ =	swait.ge [sflag:s20], $0xA000  }
0x149: {  	s25 =	simm.s32 $0x14420;
	s26 =	simm.s32 $0x14420;
	[sflag:s20] =	ssyncset.done $0x0  }
0x14a: {  	s28 =	simm.s32 $0x14020;
	s29 =	simm.s32 $0x0;
	[sflag:s20] =	ssyncadd.s32 $0xFFFF6000  }
.LBB2_16:
0x14b: {  	v13 =	vld [tilespmem:s28+$0xFFFFFFE0];
	_ =	sdelay $0x3  }
0x14c: {  	v14 =	vld [tilespmem:s26+$0xFFFFFFE0]  }
0x14d: {  	v13 =	vshll.u32 v13, $0x7  }
0x14e: {  	v13 =	vadd.s32 s29, v13  }
0x14f: {  	v13 =	vor.u32 v12, v13  }
0x150: {  	vm0 =	vge.s32 v13, v1;
	vm1 =	vlt.s32 v13, v2  }
0x151: {  	vm6 =	vgt.f32 v14, $0.0e+00;
	vm0 =	vmand vm0, vm1  }
0x152: {  	v13 =	vsub.s32 v13, v1;
	vm0 =	vmand vm6, vm0  }
0x153: {  	v13 =	vnsel vm0, $0x0, v13;
	_ =	sdelay $0x4  }
0x154: {  	[tilespmem:v13+s23+$0x0] =	vst.idx.msk vm0, v11  }
0x155: {  	v13 =	vld [tilespmem:s28+$0xFFFFFFF0];
	_ =	sdelay $0x3  }
0x156: {  	v14 =	vld [tilespmem:s26+$0xFFFFFFF0]  }
0x157: {  	s30 =	sadd.s32 $0x2, s29;
	v13 =	vshll.u32 v13, $0x7  }
0x158: {  	v13 =	vadd.s32 s30, v13  }
0x159: {  	v13 =	vor.u32 v12, v13  }
0x15a: {  	vm7 =	vge.s32 v13, v1;
	vm8 =	vlt.s32 v13, v2  }
0x15b: {  	vm9 =	vgt.f32 v14, $0.0e+00;
	vm0 =	vmand vm7, vm8  }
0x15c: {  	v13 =	vsub.s32 v13, v1;
	vm0 =	vmand vm9, vm0  }
0x15d: {  	v13 =	vnsel vm0, $0x0, v13;
	_ =	sdelay $0x4  }
0x15e: {  	[tilespmem:v13+s23+$0x0] =	vst.idx.msk vm0, v11  }
0x15f: {  	v13 =	vld [tilespmem:s28+$0x0];
	_ =	sdelay $0x3  }
0x160: {  	v14 =	vld [tilespmem:s26+$0x0]  }
0x161: {  	s31 =	sadd.s32 $0x4, s29;
	v13 =	vshll.u32 v13, $0x7  }
0x162: {  	v13 =	vadd.s32 s31, v13  }
0x163: {  	v13 =	vor.u32 v12, v13  }
0x164: {  	vm10 =	vge.s32 v13, v1;
	vm11 =	vlt.s32 v13, v2  }
0x165: {  	vm12 =	vgt.f32 v14, $0.0e+00;
	vm0 =	vmand vm10, vm11  }
0x166: {  	v13 =	vsub.s32 v13, v1;
	vm0 =	vmand vm12, vm0  }
0x167: {  	v13 =	vnsel vm0, $0x0, v13;
	_ =	sdelay $0x4  }
0x168: {  	[tilespmem:v13+s23+$0x0] =	vst.idx.msk vm0, v11  }
0x169: {  	v13 =	vld [tilespmem:s28+$0x10];
	_ =	sdelay $0x3  }
0x16a: {  	v14 =	vld [tilespmem:s26+$0x10]  }
0x16b: {  	s31 =	sadd.s32 $0x6, s29;
	v13 =	vshll.u32 v13, $0x7  }
0x16c: {  	v13 =	vadd.s32 s31, v13  }
0x16d: {  	v13 =	vor.u32 v12, v13  }
0x16e: {  	vm13 =	vge.s32 v13, v1;
	vm14 =	vlt.s32 v13, v2  }
0x16f: {  	vm15 =	vgt.f32 v14, $0.0e+00;
	vm0 =	vmand vm13, vm14  }
0x170: {  	v13 =	vsub.s32 v13, v1;
	vm0 =	vmand vm15, vm0  }
0x171: {  	p0 =	sne.s32 s29, $0x78;
	v13 =	vnsel vm0, $0x0, v13  }
.Ltmp8:
0x172: {  	_ = 	snop;
	(pc) =	sbr.rel @p0 .LBB2_16-.Ltmp8, $2  }
0x173: {  	_ =	sdelay $0x2  }
0x174: {  	s29 =	sadd.s32 $0x8, s29;
	s28 =	sadd.s32 $0x40, s28;
	s26 =	sadd.s32 $0x40, s26;
	[tilespmem:v13+s23+$0x0] =	vst.idx.msk vm0, v11  }
.LBB2_17:
0x175: {  	v13 =	vld [tilespmem:s24+$0xFFFFFFE0];
	_ =	sdelay $0x3  }
0x176: {  	v14 =	vld [tilespmem:s25+$0xFFFFFFE0]  }
0x177: {  	v13 =	vshll.u32 v13, $0x7  }
0x178: {  	v13 =	vadd.s32 s23, v13  }
0x179: {  	v13 =	vor.u32 v12, v13  }
0x17a: {  	vm0 =	vge.s32 v13, v4;
	vm1 =	vlt.s32 v13, v5  }
0x17b: {  	vm6 =	vgt.f32 v14, $0.0e+00;
	vm0 =	vmand vm0, vm1  }
0x17c: {  	v13 =	vsub.s32 v13, v4;
	vm0 =	vmand vm6, vm0  }
0x17d: {  	v13 =	vnsel vm0, $0x0, v13;
	_ =	sdelay $0x4  }
0x17e: {  	[tilespmem:v13+s2+$0x0] =	vst.idx.msk vm0, v14  }
0x17f: {  	v13 =	vld [tilespmem:s24+$0xFFFFFFF0];
	_ =	sdelay $0x3  }
0x180: {  	v14 =	vld [tilespmem:s25+$0xFFFFFFF0]  }
0x181: {  	s26 =	sadd.s32 $0x2, s23;
	v13 =	vshll.u32 v13, $0x7  }
0x182: {  	v13 =	vadd.s32 s26, v13  }
0x183: {  	v13 =	vor.u32 v12, v13  }
0x184: {  	vm7 =	vge.s32 v13, v4;
	vm8 =	vlt.s32 v13, v5  }
0x185: {  	vm9 =	vgt.f32 v14, $0.0e+00;
	vm0 =	vmand vm7, vm8  }
0x186: {  	v13 =	vsub.s32 v13, v4;
	vm0 =	vmand vm9, vm0  }
0x187: {  	v13 =	vnsel vm0, $0x0, v13;
	_ =	sdelay $0x4  }
0x188: {  	[tilespmem:v13+s2+$0x0] =	vst.idx.msk vm0, v14  }
0x189: {  	v13 =	vld [tilespmem:s24+$0x0];
	_ =	sdelay $0x3  }
0x18a: {  	v14 =	vld [tilespmem:s25+$0x0]  }
0x18b: {  	s30 =	sadd.s32 $0x4, s23;
	v13 =	vshll.u32 v13, $0x7  }
0x18c: {  	v13 =	vadd.s32 s30, v13  }
0x18d: {  	v13 =	vor.u32 v12, v13  }
0x18e: {  	vm10 =	vge.s32 v13, v4;
	vm11 =	vlt.s32 v13, v5  }
0x18f: {  	vm12 =	vgt.f32 v14, $0.0e+00;
	vm0 =	vmand vm10, vm11  }
0x190: {  	v13 =	vsub.s32 v13, v4;
	vm0 =	vmand vm12, vm0  }
0x191: {  	v13 =	vnsel vm0, $0x0, v13;
	_ =	sdelay $0x4  }
0x192: {  	[tilespmem:v13+s2+$0x0] =	vst.idx.msk vm0, v14  }
0x193: {  	v13 =	vld [tilespmem:s24+$0x10];
	_ =	sdelay $0x3  }
0x194: {  	v14 =	vld [tilespmem:s25+$0x10]  }
0x195: {  	s31 =	sadd.s32 $0x6, s23;
	v13 =	vshll.u32 v13, $0x7  }
0x196: {  	v13 =	vadd.s32 s31, v13  }
0x197: {  	v13 =	vor.u32 v12, v13  }
0x198: {  	vm13 =	vge.s32 v13, v4;
	vm14 =	vlt.s32 v13, v5  }
0x199: {  	vm15 =	vgt.f32 v14, $0.0e+00;
	vm0 =	vmand vm13, vm14  }
0x19a: {  	v13 =	vsub.s32 v13, v4;
	vm0 =	vmand vm15, vm0  }
0x19b: {  	p0 =	sne.s32 s23, $0x78;
	v13 =	vnsel vm0, $0x0, v13  }
.Ltmp9:
0x19c: {  	_ = 	snop;
	(pc) =	sbr.rel @p0 .LBB2_17-.Ltmp9, $2  }
0x19d: {  	_ =	sdelay $0x2  }
0x19e: {  	s23 =	sadd.s32 $0x8, s23;
	s24 =	sadd.s32 $0x40, s24;
	s25 =	sadd.s32 $0x40, s25;
	[tilespmem:v13+s2+$0x0] =	vst.idx.msk vm0, v14  }
0x19f: {  	s23 =	simm.s32 $0x0  }
0x1a0: {  	[hbm4b:s9+s23] =	stream.linear.scatter [tilespmem:s23], [sflag:$0x1], $0xA000, $0x38;
	[tilespmem:$0x14800] =	vst v63  }
0x1a1: {  	s24 =	simm.s32 $0x14020;
	_ =	swait.ge [sflag:s21], $0xA000  }
0x1a2: {  	s25 =	simm.s32 $0x14420;
	s26 =	simm.s32 $0x14420;
	[sflag:s21] =	ssyncset.done $0x0  }
0x1a3: {  	s28 =	simm.s32 $0x14020;
	s29 =	simm.s32 $0x0;
	[sflag:s21] =	ssyncadd.s32 $0xFFFF6000  }
.LBB2_19:
0x1a4: {  	v13 =	vld [tilespmem:s28+$0xFFFFFFE0];
	_ =	sdelay $0x3  }
0x1a5: {  	v14 =	vld [tilespmem:s26+$0xFFFFFFE0]  }
0x1a6: {  	v13 =	vshll.u32 v13, $0x7  }
0x1a7: {  	v13 =	vadd.s32 s29, v13  }
0x1a8: {  	v13 =	vor.u32 v12, v13  }
0x1a9: {  	vm0 =	vge.s32 v13, v2;
	vm1 =	vlt.s32 v13, v4  }
0x1aa: {  	vm6 =	vgt.f32 v14, $0.0e+00;
	vm0 =	vmand vm0, vm1  }
0x1ab: {  	v13 =	vsub.s32 v13, v2;
	vm0 =	vmand vm6, vm0  }
0x1ac: {  	v13 =	vnsel vm0, $0x0, v13;
	_ =	sdelay $0x4  }
0x1ad: {  	[tilespmem:v13+s19+$0x0] =	vst.idx.msk vm0, v11  }
0x1ae: {  	v13 =	vld [tilespmem:s28+$0xFFFFFFF0];
	_ =	sdelay $0x3  }
0x1af: {  	v14 =	vld [tilespmem:s26+$0xFFFFFFF0]  }
0x1b0: {  	s30 =	sadd.s32 $0x2, s29;
	v13 =	vshll.u32 v13, $0x7  }
0x1b1: {  	v13 =	vadd.s32 s30, v13  }
0x1b2: {  	v13 =	vor.u32 v12, v13  }
0x1b3: {  	vm7 =	vge.s32 v13, v2;
	vm8 =	vlt.s32 v13, v4  }
0x1b4: {  	vm9 =	vgt.f32 v14, $0.0e+00;
	vm0 =	vmand vm7, vm8  }
0x1b5: {  	v13 =	vsub.s32 v13, v2;
	vm0 =	vmand vm9, vm0  }
0x1b6: {  	v13 =	vnsel vm0, $0x0, v13;
	_ =	sdelay $0x4  }
0x1b7: {  	[tilespmem:v13+s19+$0x0] =	vst.idx.msk vm0, v11  }
0x1b8: {  	v13 =	vld [tilespmem:s28+$0x0];
	_ =	sdelay $0x3  }
0x1b9: {  	v14 =	vld [tilespmem:s26+$0x0]  }
0x1ba: {  	s31 =	sadd.s32 $0x4, s29;
	v13 =	vshll.u32 v13, $0x7  }
0x1bb: {  	v13 =	vadd.s32 s31, v13  }
0x1bc: {  	v13 =	vor.u32 v12, v13  }
0x1bd: {  	vm10 =	vge.s32 v13, v2;
	vm11 =	vlt.s32 v13, v4  }
0x1be: {  	vm12 =	vgt.f32 v14, $0.0e+00;
	vm0 =	vmand vm10, vm11  }
0x1bf: {  	v13 =	vsub.s32 v13, v2;
	vm0 =	vmand vm12, vm0  }
0x1c0: {  	v13 =	vnsel vm0, $0x0, v13;
	_ =	sdelay $0x4  }
0x1c1: {  	[tilespmem:v13+s19+$0x0] =	vst.idx.msk vm0, v11  }
0x1c2: {  	v13 =	vld [tilespmem:s28+$0x10];
	_ =	sdelay $0x3  }
0x1c3: {  	v14 =	vld [tilespmem:s26+$0x10]  }
0x1c4: {  	s31 =	sadd.s32 $0x6, s29;
	v13 =	vshll.u32 v13, $0x7  }
0x1c5: {  	v13 =	vadd.s32 s31, v13  }
0x1c6: {  	v13 =	vor.u32 v12, v13  }
0x1c7: {  	vm13 =	vge.s32 v13, v2;
	vm14 =	vlt.s32 v13, v4  }
0x1c8: {  	vm15 =	vgt.f32 v14, $0.0e+00;
	vm0 =	vmand vm13, vm14  }
0x1c9: {  	v13 =	vsub.s32 v13, v2;
	vm0 =	vmand vm15, vm0  }
0x1ca: {  	p0 =	sne.s32 s29, $0x78;
	v13 =	vnsel vm0, $0x0, v13  }
.Ltmp10:
0x1cb: {  	_ = 	snop;
	(pc) =	sbr.rel @p0 .LBB2_19-.Ltmp10, $2  }
0x1cc: {  	_ =	sdelay $0x2  }
0x1cd: {  	s29 =	sadd.s32 $0x8, s29;
	s28 =	sadd.s32 $0x40, s28;
	s26 =	sadd.s32 $0x40, s26;
	[tilespmem:v13+s19+$0x0] =	vst.idx.msk vm0, v11  }
.LBB2_20:
0x1ce: {  	v13 =	vld [tilespmem:s24+$0xFFFFFFE0];
	_ =	sdelay $0x3  }
0x1cf: {  	v14 =	vld [tilespmem:s25+$0xFFFFFFE0]  }
0x1d0: {  	v13 =	vshll.u32 v13, $0x7  }
0x1d1: {  	v13 =	vadd.s32 s23, v13  }
0x1d2: {  	v13 =	vor.u32 v12, v13  }
0x1d3: {  	vm0 =	vge.s32 v13, v5;
	vm1 =	vlt.s32 v13, v6  }
0x1d4: {  	vm6 =	vgt.f32 v14, $0.0e+00;
	vm0 =	vmand vm0, vm1  }
0x1d5: {  	v13 =	vsub.s32 v13, v5;
	vm0 =	vmand vm6, vm0  }
0x1d6: {  	v13 =	vnsel vm0, $0x0, v13;
	_ =	sdelay $0x4  }
0x1d7: {  	[tilespmem:v13+s19+$0x0] =	vst.idx.msk vm0, v14  }
0x1d8: {  	v13 =	vld [tilespmem:s24+$0xFFFFFFF0];
	_ =	sdelay $0x3  }
0x1d9: {  	v14 =	vld [tilespmem:s25+$0xFFFFFFF0]  }
0x1da: {  	s26 =	sadd.s32 $0x2, s23;
	v13 =	vshll.u32 v13, $0x7  }
0x1db: {  	v13 =	vadd.s32 s26, v13  }
0x1dc: {  	v13 =	vor.u32 v12, v13  }
0x1dd: {  	vm7 =	vge.s32 v13, v5;
	vm8 =	vlt.s32 v13, v6  }
0x1de: {  	vm9 =	vgt.f32 v14, $0.0e+00;
	vm0 =	vmand vm7, vm8  }
0x1df: {  	v13 =	vsub.s32 v13, v5;
	vm0 =	vmand vm9, vm0  }
0x1e0: {  	v13 =	vnsel vm0, $0x0, v13;
	_ =	sdelay $0x4  }
0x1e1: {  	[tilespmem:v13+s19+$0x0] =	vst.idx.msk vm0, v14  }
0x1e2: {  	v13 =	vld [tilespmem:s24+$0x0];
	_ =	sdelay $0x3  }
0x1e3: {  	v14 =	vld [tilespmem:s25+$0x0]  }
0x1e4: {  	s30 =	sadd.s32 $0x4, s23;
	v13 =	vshll.u32 v13, $0x7  }
0x1e5: {  	v13 =	vadd.s32 s30, v13  }
0x1e6: {  	v13 =	vor.u32 v12, v13  }
0x1e7: {  	vm10 =	vge.s32 v13, v5;
	vm11 =	vlt.s32 v13, v6  }
0x1e8: {  	vm12 =	vgt.f32 v14, $0.0e+00;
	vm0 =	vmand vm10, vm11  }
0x1e9: {  	v13 =	vsub.s32 v13, v5;
	vm0 =	vmand vm12, vm0  }
0x1ea: {  	v13 =	vnsel vm0, $0x0, v13;
	_ =	sdelay $0x4  }
0x1eb: {  	[tilespmem:v13+s19+$0x0] =	vst.idx.msk vm0, v14  }
0x1ec: {  	v13 =	vld [tilespmem:s24+$0x10];
	_ =	sdelay $0x3  }
0x1ed: {  	v14 =	vld [tilespmem:s25+$0x10]  }
0x1ee: {  	s31 =	sadd.s32 $0x6, s23;
	v13 =	vshll.u32 v13, $0x7  }
0x1ef: {  	v13 =	vadd.s32 s31, v13  }
0x1f0: {  	v13 =	vor.u32 v12, v13  }
0x1f1: {  	vm13 =	vge.s32 v13, v5;
	vm14 =	vlt.s32 v13, v6  }
0x1f2: {  	vm15 =	vgt.f32 v14, $0.0e+00;
	vm0 =	vmand vm13, vm14  }
0x1f3: {  	v13 =	vsub.s32 v13, v5;
	vm0 =	vmand vm15, vm0  }
0x1f4: {  	p0 =	sne.s32 s23, $0x78;
	v13 =	vnsel vm0, $0x0, v13  }
.Ltmp11:
0x1f5: {  	_ = 	snop;
	(pc) =	sbr.rel @p0 .LBB2_20-.Ltmp11, $2  }
0x1f6: {  	_ =	sdelay $0x2  }
0x1f7: {  	s23 =	sadd.s32 $0x8, s23;
	s24 =	sadd.s32 $0x40, s24;
	s25 =	sadd.s32 $0x40, s25;
	[tilespmem:v13+s19+$0x0] =	vst.idx.msk vm0, v14  }
0x1f8: {  	s23 =	simm.s32 $0x0  }
0x1f9: {  	[hbm4b:s10+s23] =	stream.linear.scatter [tilespmem:s19], [sflag:$0x2], $0xA000, $0x38;
	[tilespmem:$0x14800] =	vst v63  }
0x1fa: {  	s24 =	simm.s32 $0x14020;
	_ =	swait.ge [sflag:s20], $0xA000  }
0x1fb: {  	s25 =	simm.s32 $0x14420;
	s26 =	simm.s32 $0x14420;
	[sflag:s20] =	ssyncset.done $0x0  }
0x1fc: {  	s28 =	simm.s32 $0x14020;
	s29 =	simm.s32 $0x0;
	[sflag:s20] =	ssyncadd.s32 $0xFFFF6000  }
.LBB2_22:
0x1fd: {  	v13 =	vld [tilespmem:s28+$0xFFFFFFE0];
	_ =	sdelay $0x3  }
0x1fe: {  	v14 =	vld [tilespmem:s26+$0xFFFFFFE0]  }
0x1ff: {  	v13 =	vshll.u32 v13, $0x7  }
0x200: {  	v13 =	vadd.s32 s29, v13  }
0x201: {  	v13 =	vor.u32 v12, v13  }
0x202: {  	vm0 =	vge.s32 v13, v4;
	vm1 =	vlt.s32 v13, v5  }
0x203: {  	vm6 =	vgt.f32 v14, $0.0e+00;
	vm0 =	vmand vm0, vm1  }
0x204: {  	v13 =	vsub.s32 v13, v4;
	vm0 =	vmand vm6, vm0  }
0x205: {  	v13 =	vnsel vm0, $0x0, v13;
	_ =	sdelay $0x4  }
0x206: {  	[tilespmem:v13+s23+$0x0] =	vst.idx.msk vm0, v11  }
0x207: {  	v13 =	vld [tilespmem:s28+$0xFFFFFFF0];
	_ =	sdelay $0x3  }
0x208: {  	v14 =	vld [tilespmem:s26+$0xFFFFFFF0]  }
0x209: {  	s30 =	sadd.s32 $0x2, s29;
	v13 =	vshll.u32 v13, $0x7  }
0x20a: {  	v13 =	vadd.s32 s30, v13  }
0x20b: {  	v13 =	vor.u32 v12, v13  }
0x20c: {  	vm7 =	vge.s32 v13, v4;
	vm8 =	vlt.s32 v13, v5  }
0x20d: {  	vm9 =	vgt.f32 v14, $0.0e+00;
	vm0 =	vmand vm7, vm8  }
0x20e: {  	v13 =	vsub.s32 v13, v4;
	vm0 =	vmand vm9, vm0  }
0x20f: {  	v13 =	vnsel vm0, $0x0, v13;
	_ =	sdelay $0x4  }
0x210: {  	[tilespmem:v13+s23+$0x0] =	vst.idx.msk vm0, v11  }
0x211: {  	v13 =	vld [tilespmem:s28+$0x0];
	_ =	sdelay $0x3  }
0x212: {  	v14 =	vld [tilespmem:s26+$0x0]  }
0x213: {  	s31 =	sadd.s32 $0x4, s29;
	v13 =	vshll.u32 v13, $0x7  }
0x214: {  	v13 =	vadd.s32 s31, v13  }
0x215: {  	v13 =	vor.u32 v12, v13  }
0x216: {  	vm10 =	vge.s32 v13, v4;
	vm11 =	vlt.s32 v13, v5  }
0x217: {  	vm12 =	vgt.f32 v14, $0.0e+00;
	vm0 =	vmand vm10, vm11  }
0x218: {  	v13 =	vsub.s32 v13, v4;
	vm0 =	vmand vm12, vm0  }
0x219: {  	v13 =	vnsel vm0, $0x0, v13;
	_ =	sdelay $0x4  }
0x21a: {  	[tilespmem:v13+s23+$0x0] =	vst.idx.msk vm0, v11  }
0x21b: {  	v13 =	vld [tilespmem:s28+$0x10];
	_ =	sdelay $0x3  }
0x21c: {  	v14 =	vld [tilespmem:s26+$0x10]  }
0x21d: {  	s31 =	sadd.s32 $0x6, s29;
	v13 =	vshll.u32 v13, $0x7  }
0x21e: {  	v13 =	vadd.s32 s31, v13  }
0x21f: {  	v13 =	vor.u32 v12, v13  }
0x220: {  	vm13 =	vge.s32 v13, v4;
	vm14 =	vlt.s32 v13, v5  }
0x221: {  	vm15 =	vgt.f32 v14, $0.0e+00;
	vm0 =	vmand vm13, vm14  }
0x222: {  	v13 =	vsub.s32 v13, v4;
	vm0 =	vmand vm15, vm0  }
0x223: {  	p0 =	sne.s32 s29, $0x78;
	v13 =	vnsel vm0, $0x0, v13  }
.Ltmp12:
0x224: {  	_ = 	snop;
	(pc) =	sbr.rel @p0 .LBB2_22-.Ltmp12, $2  }
0x225: {  	_ =	sdelay $0x2  }
0x226: {  	s29 =	sadd.s32 $0x8, s29;
	s28 =	sadd.s32 $0x40, s28;
	s26 =	sadd.s32 $0x40, s26;
	[tilespmem:v13+s23+$0x0] =	vst.idx.msk vm0, v11  }
.LBB2_23:
0x227: {  	v13 =	vld [tilespmem:s24+$0xFFFFFFE0];
	_ =	sdelay $0x3  }
0x228: {  	v14 =	vld [tilespmem:s25+$0xFFFFFFE0]  }
0x229: {  	v13 =	vshll.u32 v13, $0x7  }
0x22a: {  	v13 =	vadd.s32 s23, v13  }
0x22b: {  	v13 =	vor.u32 v12, v13  }
0x22c: {  	vm0 =	vge.s32 v13, v6;
	vm1 =	vlt.s32 v13, v7  }
0x22d: {  	vm6 =	vgt.f32 v14, $0.0e+00;
	vm0 =	vmand vm0, vm1  }
0x22e: {  	v13 =	vsub.s32 v13, v6;
	vm0 =	vmand vm6, vm0  }
0x22f: {  	v13 =	vnsel vm0, $0x0, v13;
	_ =	sdelay $0x4  }
0x230: {  	[tilespmem:v13+s2+$0x0] =	vst.idx.msk vm0, v14  }
0x231: {  	v13 =	vld [tilespmem:s24+$0xFFFFFFF0];
	_ =	sdelay $0x3  }
0x232: {  	v14 =	vld [tilespmem:s25+$0xFFFFFFF0]  }
0x233: {  	s26 =	sadd.s32 $0x2, s23;
	v13 =	vshll.u32 v13, $0x7  }
0x234: {  	v13 =	vadd.s32 s26, v13  }
0x235: {  	v13 =	vor.u32 v12, v13  }
0x236: {  	vm7 =	vge.s32 v13, v6;
	vm8 =	vlt.s32 v13, v7  }
0x237: {  	vm9 =	vgt.f32 v14, $0.0e+00;
	vm0 =	vmand vm7, vm8  }
0x238: {  	v13 =	vsub.s32 v13, v6;
	vm0 =	vmand vm9, vm0  }
0x239: {  	v13 =	vnsel vm0, $0x0, v13;
	_ =	sdelay $0x4  }
0x23a: {  	[tilespmem:v13+s2+$0x0] =	vst.idx.msk vm0, v14  }
0x23b: {  	v13 =	vld [tilespmem:s24+$0x0];
	_ =	sdelay $0x3  }
0x23c: {  	v14 =	vld [tilespmem:s25+$0x0]  }
0x23d: {  	s30 =	sadd.s32 $0x4, s23;
	v13 =	vshll.u32 v13, $0x7  }
0x23e: {  	v13 =	vadd.s32 s30, v13  }
0x23f: {  	v13 =	vor.u32 v12, v13  }
0x240: {  	vm10 =	vge.s32 v13, v6;
	vm11 =	vlt.s32 v13, v7  }
0x241: {  	vm12 =	vgt.f32 v14, $0.0e+00;
	vm0 =	vmand vm10, vm11  }
0x242: {  	v13 =	vsub.s32 v13, v6;
	vm0 =	vmand vm12, vm0  }
0x243: {  	v13 =	vnsel vm0, $0x0, v13;
	_ =	sdelay $0x4  }
0x244: {  	[tilespmem:v13+s2+$0x0] =	vst.idx.msk vm0, v14  }
0x245: {  	v13 =	vld [tilespmem:s24+$0x10];
	_ =	sdelay $0x3  }
0x246: {  	v14 =	vld [tilespmem:s25+$0x10]  }
0x247: {  	s31 =	sadd.s32 $0x6, s23;
	v13 =	vshll.u32 v13, $0x7  }
0x248: {  	v13 =	vadd.s32 s31, v13  }
0x249: {  	v13 =	vor.u32 v12, v13  }
0x24a: {  	vm13 =	vge.s32 v13, v6;
	vm14 =	vlt.s32 v13, v7  }
0x24b: {  	vm15 =	vgt.f32 v14, $0.0e+00;
	vm0 =	vmand vm13, vm14  }
0x24c: {  	v13 =	vsub.s32 v13, v6;
	vm0 =	vmand vm15, vm0  }
0x24d: {  	p0 =	sne.s32 s23, $0x78;
	v13 =	vnsel vm0, $0x0, v13  }
.Ltmp13:
0x24e: {  	_ = 	snop;
	(pc) =	sbr.rel @p0 .LBB2_23-.Ltmp13, $2  }
0x24f: {  	_ =	sdelay $0x2  }
0x250: {  	s23 =	sadd.s32 $0x8, s23;
	s24 =	sadd.s32 $0x40, s24;
	s25 =	sadd.s32 $0x40, s25;
	[tilespmem:v13+s2+$0x0] =	vst.idx.msk vm0, v14  }
0x251: {  	s23 =	simm.s32 $0x0  }
0x252: {  	[hbm4b:s11+s23] =	stream.linear.scatter [tilespmem:s23], [sflag:$0x1], $0xA000, $0x38;
	[tilespmem:$0x14800] =	vst v63  }
0x253: {  	s24 =	simm.s32 $0x14020;
	_ =	swait.ge [sflag:s21], $0xA000  }
0x254: {  	s25 =	simm.s32 $0x14420;
	s26 =	simm.s32 $0x14420;
	[sflag:s21] =	ssyncset.done $0x0  }
0x255: {  	s28 =	simm.s32 $0x14020;
	s29 =	simm.s32 $0x0;
	[sflag:s21] =	ssyncadd.s32 $0xFFFF6000  }
.LBB2_25:
0x256: {  	v13 =	vld [tilespmem:s28+$0xFFFFFFE0];
	_ =	sdelay $0x3  }
0x257: {  	v14 =	vld [tilespmem:s26+$0xFFFFFFE0]  }
0x258: {  	v13 =	vshll.u32 v13, $0x7  }
0x259: {  	v13 =	vadd.s32 s29, v13  }
0x25a: {  	v13 =	vor.u32 v12, v13  }
0x25b: {  	vm0 =	vge.s32 v13, v5;
	vm1 =	vlt.s32 v13, v6  }
0x25c: {  	vm6 =	vgt.f32 v14, $0.0e+00;
	vm0 =	vmand vm0, vm1  }
0x25d: {  	v13 =	vsub.s32 v13, v5;
	vm0 =	vmand vm6, vm0  }
0x25e: {  	v13 =	vnsel vm0, $0x0, v13;
	_ =	sdelay $0x4  }
0x25f: {  	[tilespmem:v13+s19+$0x0] =	vst.idx.msk vm0, v11  }
0x260: {  	v13 =	vld [tilespmem:s28+$0xFFFFFFF0];
	_ =	sdelay $0x3  }
0x261: {  	v14 =	vld [tilespmem:s26+$0xFFFFFFF0]  }
0x262: {  	s30 =	sadd.s32 $0x2, s29;
	v13 =	vshll.u32 v13, $0x7  }
0x263: {  	v13 =	vadd.s32 s30, v13  }
0x264: {  	v13 =	vor.u32 v12, v13  }
0x265: {  	vm7 =	vge.s32 v13, v5;
	vm8 =	vlt.s32 v13, v6  }
0x266: {  	vm9 =	vgt.f32 v14, $0.0e+00;
	vm0 =	vmand vm7, vm8  }
0x267: {  	v13 =	vsub.s32 v13, v5;
	vm0 =	vmand vm9, vm0  }
0x268: {  	v13 =	vnsel vm0, $0x0, v13;
	_ =	sdelay $0x4  }
0x269: {  	[tilespmem:v13+s19+$0x0] =	vst.idx.msk vm0, v11  }
0x26a: {  	v13 =	vld [tilespmem:s28+$0x0];
	_ =	sdelay $0x3  }
0x26b: {  	v14 =	vld [tilespmem:s26+$0x0]  }
0x26c: {  	s31 =	sadd.s32 $0x4, s29;
	v13 =	vshll.u32 v13, $0x7  }
0x26d: {  	v13 =	vadd.s32 s31, v13  }
0x26e: {  	v13 =	vor.u32 v12, v13  }
0x26f: {  	vm10 =	vge.s32 v13, v5;
	vm11 =	vlt.s32 v13, v6  }
0x270: {  	vm12 =	vgt.f32 v14, $0.0e+00;
	vm0 =	vmand vm10, vm11  }
0x271: {  	v13 =	vsub.s32 v13, v5;
	vm0 =	vmand vm12, vm0  }
0x272: {  	v13 =	vnsel vm0, $0x0, v13;
	_ =	sdelay $0x4  }
0x273: {  	[tilespmem:v13+s19+$0x0] =	vst.idx.msk vm0, v11  }
0x274: {  	v13 =	vld [tilespmem:s28+$0x10];
	_ =	sdelay $0x3  }
0x275: {  	v14 =	vld [tilespmem:s26+$0x10]  }
0x276: {  	s31 =	sadd.s32 $0x6, s29;
	v13 =	vshll.u32 v13, $0x7  }
0x277: {  	v13 =	vadd.s32 s31, v13  }
0x278: {  	v13 =	vor.u32 v12, v13  }
0x279: {  	vm13 =	vge.s32 v13, v5;
	vm14 =	vlt.s32 v13, v6  }
0x27a: {  	vm15 =	vgt.f32 v14, $0.0e+00;
	vm0 =	vmand vm13, vm14  }
0x27b: {  	v13 =	vsub.s32 v13, v5;
	vm0 =	vmand vm15, vm0  }
0x27c: {  	p0 =	sne.s32 s29, $0x78;
	v13 =	vnsel vm0, $0x0, v13  }
.Ltmp14:
0x27d: {  	_ = 	snop;
	(pc) =	sbr.rel @p0 .LBB2_25-.Ltmp14, $2  }
0x27e: {  	_ =	sdelay $0x2  }
0x27f: {  	s29 =	sadd.s32 $0x8, s29;
	s28 =	sadd.s32 $0x40, s28;
	s26 =	sadd.s32 $0x40, s26;
	[tilespmem:v13+s19+$0x0] =	vst.idx.msk vm0, v11  }
.LBB2_26:
0x280: {  	v13 =	vld [tilespmem:s24+$0xFFFFFFE0];
	_ =	sdelay $0x3  }
0x281: {  	v14 =	vld [tilespmem:s25+$0xFFFFFFE0]  }
0x282: {  	v13 =	vshll.u32 v13, $0x7  }
0x283: {  	v13 =	vadd.s32 s23, v13  }
0x284: {  	v13 =	vor.u32 v12, v13  }
0x285: {  	vm0 =	vge.s32 v13, v7;
	vm1 =	vlt.s32 v13, v8  }
0x286: {  	vm6 =	vgt.f32 v14, $0.0e+00;
	vm0 =	vmand vm0, vm1  }
0x287: {  	v13 =	vsub.s32 v13, v7;
	vm0 =	vmand vm6, vm0  }
0x288: {  	v13 =	vnsel vm0, $0x0, v13;
	_ =	sdelay $0x4  }
0x289: {  	[tilespmem:v13+s19+$0x0] =	vst.idx.msk vm0, v14  }
0x28a: {  	v13 =	vld [tilespmem:s24+$0xFFFFFFF0];
	_ =	sdelay $0x3  }
0x28b: {  	v14 =	vld [tilespmem:s25+$0xFFFFFFF0]  }
0x28c: {  	s26 =	sadd.s32 $0x2, s23;
	v13 =	vshll.u32 v13, $0x7  }
0x28d: {  	v13 =	vadd.s32 s26, v13  }
0x28e: {  	v13 =	vor.u32 v12, v13  }
0x28f: {  	vm7 =	vge.s32 v13, v7;
	vm8 =	vlt.s32 v13, v8  }
0x290: {  	vm9 =	vgt.f32 v14, $0.0e+00;
	vm0 =	vmand vm7, vm8  }
0x291: {  	v13 =	vsub.s32 v13, v7;
	vm0 =	vmand vm9, vm0  }
0x292: {  	v13 =	vnsel vm0, $0x0, v13;
	_ =	sdelay $0x4  }
0x293: {  	[tilespmem:v13+s19+$0x0] =	vst.idx.msk vm0, v14  }
0x294: {  	v13 =	vld [tilespmem:s24+$0x0];
	_ =	sdelay $0x3  }
0x295: {  	v14 =	vld [tilespmem:s25+$0x0]  }
0x296: {  	s30 =	sadd.s32 $0x4, s23;
	v13 =	vshll.u32 v13, $0x7  }
0x297: {  	v13 =	vadd.s32 s30, v13  }
0x298: {  	v13 =	vor.u32 v12, v13  }
0x299: {  	vm10 =	vge.s32 v13, v7;
	vm11 =	vlt.s32 v13, v8  }
0x29a: {  	vm12 =	vgt.f32 v14, $0.0e+00;
	vm0 =	vmand vm10, vm11  }
0x29b: {  	v13 =	vsub.s32 v13, v7;
	vm0 =	vmand vm12, vm0  }
0x29c: {  	v13 =	vnsel vm0, $0x0, v13;
	_ =	sdelay $0x4  }
0x29d: {  	[tilespmem:v13+s19+$0x0] =	vst.idx.msk vm0, v14  }
0x29e: {  	v13 =	vld [tilespmem:s24+$0x10];
	_ =	sdelay $0x3  }
0x29f: {  	v14 =	vld [tilespmem:s25+$0x10]  }
0x2a0: {  	s31 =	sadd.s32 $0x6, s23;
	v13 =	vshll.u32 v13, $0x7  }
0x2a1: {  	v13 =	vadd.s32 s31, v13  }
0x2a2: {  	v13 =	vor.u32 v12, v13  }
0x2a3: {  	vm13 =	vge.s32 v13, v7;
	vm14 =	vlt.s32 v13, v8  }
0x2a4: {  	vm15 =	vgt.f32 v14, $0.0e+00;
	vm0 =	vmand vm13, vm14  }
0x2a5: {  	v13 =	vsub.s32 v13, v7;
	vm0 =	vmand vm15, vm0  }
0x2a6: {  	p0 =	sne.s32 s23, $0x78;
	v13 =	vnsel vm0, $0x0, v13  }
.Ltmp15:
0x2a7: {  	_ = 	snop;
	(pc) =	sbr.rel @p0 .LBB2_26-.Ltmp15, $2  }
0x2a8: {  	_ =	sdelay $0x2  }
0x2a9: {  	s23 =	sadd.s32 $0x8, s23;
	s24 =	sadd.s32 $0x40, s24;
	s25 =	sadd.s32 $0x40, s25;
	[tilespmem:v13+s19+$0x0] =	vst.idx.msk vm0, v14  }
0x2aa: {  	s23 =	simm.s32 $0x0  }
0x2ab: {  	[hbm4b:s12+s23] =	stream.linear.scatter [tilespmem:s19], [sflag:$0x2], $0xA000, $0x38;
	[tilespmem:$0x14800] =	vst v63  }
0x2ac: {  	s24 =	simm.s32 $0x14020;
	_ =	swait.ge [sflag:s20], $0xA000  }
0x2ad: {  	s25 =	simm.s32 $0x14420;
	s26 =	simm.s32 $0x14420;
	[sflag:s20] =	ssyncset.done $0x0  }
0x2ae: {  	s28 =	simm.s32 $0x14020;
	s29 =	simm.s32 $0x0;
	[sflag:s20] =	ssyncadd.s32 $0xFFFF6000  }
.LBB2_28:
0x2af: {  	v13 =	vld [tilespmem:s28+$0xFFFFFFE0];
	_ =	sdelay $0x3  }
0x2b0: {  	v14 =	vld [tilespmem:s26+$0xFFFFFFE0]  }
0x2b1: {  	v13 =	vshll.u32 v13, $0x7  }
0x2b2: {  	v13 =	vadd.s32 s29, v13  }
0x2b3: {  	v13 =	vor.u32 v12, v13  }
0x2b4: {  	vm0 =	vge.s32 v13, v6;
	vm1 =	vlt.s32 v13, v7  }
0x2b5: {  	vm6 =	vgt.f32 v14, $0.0e+00;
	vm0 =	vmand vm0, vm1  }
0x2b6: {  	v13 =	vsub.s32 v13, v6;
	vm0 =	vmand vm6, vm0  }
0x2b7: {  	v13 =	vnsel vm0, $0x0, v13;
	_ =	sdelay $0x4  }
0x2b8: {  	[tilespmem:v13+s23+$0x0] =	vst.idx.msk vm0, v11  }
0x2b9: {  	v13 =	vld [tilespmem:s28+$0xFFFFFFF0];
	_ =	sdelay $0x3  }
0x2ba: {  	v14 =	vld [tilespmem:s26+$0xFFFFFFF0]  }
0x2bb: {  	s30 =	sadd.s32 $0x2, s29;
	v13 =	vshll.u32 v13, $0x7  }
0x2bc: {  	v13 =	vadd.s32 s30, v13  }
0x2bd: {  	v13 =	vor.u32 v12, v13  }
0x2be: {  	vm7 =	vge.s32 v13, v6;
	vm8 =	vlt.s32 v13, v7  }
0x2bf: {  	vm9 =	vgt.f32 v14, $0.0e+00;
	vm0 =	vmand vm7, vm8  }
0x2c0: {  	v13 =	vsub.s32 v13, v6;
	vm0 =	vmand vm9, vm0  }
0x2c1: {  	v13 =	vnsel vm0, $0x0, v13;
	_ =	sdelay $0x4  }
0x2c2: {  	[tilespmem:v13+s23+$0x0] =	vst.idx.msk vm0, v11  }
0x2c3: {  	v13 =	vld [tilespmem:s28+$0x0];
	_ =	sdelay $0x3  }
0x2c4: {  	v14 =	vld [tilespmem:s26+$0x0]  }
0x2c5: {  	s31 =	sadd.s32 $0x4, s29;
	v13 =	vshll.u32 v13, $0x7  }
0x2c6: {  	v13 =	vadd.s32 s31, v13  }
0x2c7: {  	v13 =	vor.u32 v12, v13  }
0x2c8: {  	vm10 =	vge.s32 v13, v6;
	vm11 =	vlt.s32 v13, v7  }
0x2c9: {  	vm12 =	vgt.f32 v14, $0.0e+00;
	vm0 =	vmand vm10, vm11  }
0x2ca: {  	v13 =	vsub.s32 v13, v6;
	vm0 =	vmand vm12, vm0  }
0x2cb: {  	v13 =	vnsel vm0, $0x0, v13;
	_ =	sdelay $0x4  }
0x2cc: {  	[tilespmem:v13+s23+$0x0] =	vst.idx.msk vm0, v11  }
0x2cd: {  	v13 =	vld [tilespmem:s28+$0x10];
	_ =	sdelay $0x3  }
0x2ce: {  	v14 =	vld [tilespmem:s26+$0x10]  }
0x2cf: {  	s31 =	sadd.s32 $0x6, s29;
	v13 =	vshll.u32 v13, $0x7  }
0x2d0: {  	v13 =	vadd.s32 s31, v13  }
0x2d1: {  	v13 =	vor.u32 v12, v13  }
0x2d2: {  	vm13 =	vge.s32 v13, v6;
	vm14 =	vlt.s32 v13, v7  }
0x2d3: {  	vm15 =	vgt.f32 v14, $0.0e+00;
	vm0 =	vmand vm13, vm14  }
0x2d4: {  	v13 =	vsub.s32 v13, v6;
	vm0 =	vmand vm15, vm0  }
0x2d5: {  	p0 =	sne.s32 s29, $0x78;
	v13 =	vnsel vm0, $0x0, v13  }
.Ltmp16:
0x2d6: {  	_ = 	snop;
	(pc) =	sbr.rel @p0 .LBB2_28-.Ltmp16, $2  }
0x2d7: {  	_ =	sdelay $0x2  }
0x2d8: {  	s29 =	sadd.s32 $0x8, s29;
	s28 =	sadd.s32 $0x40, s28;
	s26 =	sadd.s32 $0x40, s26;
	[tilespmem:v13+s23+$0x0] =	vst.idx.msk vm0, v11  }
.LBB2_29:
0x2d9: {  	v13 =	vld [tilespmem:s24+$0xFFFFFFE0];
	_ =	sdelay $0x3  }
0x2da: {  	v14 =	vld [tilespmem:s25+$0xFFFFFFE0]  }
0x2db: {  	v13 =	vshll.u32 v13, $0x7  }
0x2dc: {  	v13 =	vadd.s32 s23, v13  }
0x2dd: {  	v13 =	vor.u32 v12, v13  }
0x2de: {  	vm0 =	vge.s32 v13, v8;
	vm1 =	vlt.s32 v13, v9  }
0x2df: {  	vm6 =	vgt.f32 v14, $0.0e+00;
	vm0 =	vmand vm0, vm1  }
0x2e0: {  	v13 =	vsub.s32 v13, v8;
	vm0 =	vmand vm6, vm0  }
0x2e1: {  	v13 =	vnsel vm0, $0x0, v13;
	_ =	sdelay $0x4  }
0x2e2: {  	[tilespmem:v13+s2+$0x0] =	vst.idx.msk vm0, v14  }
0x2e3: {  	v13 =	vld [tilespmem:s24+$0xFFFFFFF0];
	_ =	sdelay $0x3  }
0x2e4: {  	v14 =	vld [tilespmem:s25+$0xFFFFFFF0]  }
0x2e5: {  	s26 =	sadd.s32 $0x2, s23;
	v13 =	vshll.u32 v13, $0x7  }
0x2e6: {  	v13 =	vadd.s32 s26, v13  }
0x2e7: {  	v13 =	vor.u32 v12, v13  }
0x2e8: {  	vm7 =	vge.s32 v13, v8;
	vm8 =	vlt.s32 v13, v9  }
0x2e9: {  	vm9 =	vgt.f32 v14, $0.0e+00;
	vm0 =	vmand vm7, vm8  }
0x2ea: {  	v13 =	vsub.s32 v13, v8;
	vm0 =	vmand vm9, vm0  }
0x2eb: {  	v13 =	vnsel vm0, $0x0, v13;
	_ =	sdelay $0x4  }
0x2ec: {  	[tilespmem:v13+s2+$0x0] =	vst.idx.msk vm0, v14  }
0x2ed: {  	v13 =	vld [tilespmem:s24+$0x0];
	_ =	sdelay $0x3  }
0x2ee: {  	v14 =	vld [tilespmem:s25+$0x0]  }
0x2ef: {  	s30 =	sadd.s32 $0x4, s23;
	v13 =	vshll.u32 v13, $0x7  }
0x2f0: {  	v13 =	vadd.s32 s30, v13  }
0x2f1: {  	v13 =	vor.u32 v12, v13  }
0x2f2: {  	vm10 =	vge.s32 v13, v8;
	vm11 =	vlt.s32 v13, v9  }
0x2f3: {  	vm12 =	vgt.f32 v14, $0.0e+00;
	vm0 =	vmand vm10, vm11  }
0x2f4: {  	v13 =	vsub.s32 v13, v8;
	vm0 =	vmand vm12, vm0  }
0x2f5: {  	v13 =	vnsel vm0, $0x0, v13;
	_ =	sdelay $0x4  }
0x2f6: {  	[tilespmem:v13+s2+$0x0] =	vst.idx.msk vm0, v14  }
0x2f7: {  	v13 =	vld [tilespmem:s24+$0x10];
	_ =	sdelay $0x3  }
0x2f8: {  	v14 =	vld [tilespmem:s25+$0x10]  }
0x2f9: {  	s31 =	sadd.s32 $0x6, s23;
	v13 =	vshll.u32 v13, $0x7  }
0x2fa: {  	v13 =	vadd.s32 s31, v13  }
0x2fb: {  	v13 =	vor.u32 v12, v13  }
0x2fc: {  	vm13 =	vge.s32 v13, v8;
	vm14 =	vlt.s32 v13, v9  }
0x2fd: {  	vm15 =	vgt.f32 v14, $0.0e+00;
	vm0 =	vmand vm13, vm14  }
0x2fe: {  	v13 =	vsub.s32 v13, v8;
	vm0 =	vmand vm15, vm0  }
0x2ff: {  	p0 =	sne.s32 s23, $0x78;
	v13 =	vnsel vm0, $0x0, v13  }
.Ltmp17:
0x300: {  	_ = 	snop;
	(pc) =	sbr.rel @p0 .LBB2_29-.Ltmp17, $2  }
0x301: {  	_ =	sdelay $0x2  }
0x302: {  	s23 =	sadd.s32 $0x8, s23;
	s24 =	sadd.s32 $0x40, s24;
	s25 =	sadd.s32 $0x40, s25;
	[tilespmem:v13+s2+$0x0] =	vst.idx.msk vm0, v14  }
0x303: {  	s23 =	simm.s32 $0x0  }
0x304: {  	[hbm4b:s13+s23] =	stream.linear.scatter [tilespmem:s23], [sflag:$0x1], $0xA000, $0x38;
	[tilespmem:$0x14800] =	vst v63  }
0x305: {  	s24 =	simm.s32 $0x14020;
	_ =	swait.ge [sflag:s21], $0xA000  }
0x306: {  	s25 =	simm.s32 $0x14420;
	s26 =	simm.s32 $0x14420;
	[sflag:s21] =	ssyncset.done $0x0  }
0x307: {  	s28 =	simm.s32 $0x14020;
	s29 =	simm.s32 $0x0;
	[sflag:s21] =	ssyncadd.s32 $0xFFFF6000  }
.LBB2_31:
0x308: {  	v13 =	vld [tilespmem:s28+$0xFFFFFFE0];
	_ =	sdelay $0x3  }
0x309: {  	v14 =	vld [tilespmem:s26+$0xFFFFFFE0]  }
0x30a: {  	v13 =	vshll.u32 v13, $0x7  }
0x30b: {  	v13 =	vadd.s32 s29, v13  }
0x30c: {  	v13 =	vor.u32 v12, v13  }
0x30d: {  	vm0 =	vge.s32 v13, v7;
	vm1 =	vlt.s32 v13, v8  }
0x30e: {  	vm6 =	vgt.f32 v14, $0.0e+00;
	vm0 =	vmand vm0, vm1  }
0x30f: {  	v13 =	vsub.s32 v13, v7;
	vm0 =	vmand vm6, vm0  }
0x310: {  	v13 =	vnsel vm0, $0x0, v13;
	_ =	sdelay $0x4  }
0x311: {  	[tilespmem:v13+s19+$0x0] =	vst.idx.msk vm0, v11  }
0x312: {  	v13 =	vld [tilespmem:s28+$0xFFFFFFF0];
	_ =	sdelay $0x3  }
0x313: {  	v14 =	vld [tilespmem:s26+$0xFFFFFFF0]  }
0x314: {  	s30 =	sadd.s32 $0x2, s29;
	v13 =	vshll.u32 v13, $0x7  }
0x315: {  	v13 =	vadd.s32 s30, v13  }
0x316: {  	v13 =	vor.u32 v12, v13  }
0x317: {  	vm7 =	vge.s32 v13, v7;
	vm8 =	vlt.s32 v13, v8  }
0x318: {  	vm9 =	vgt.f32 v14, $0.0e+00;
	vm0 =	vmand vm7, vm8  }
0x319: {  	v13 =	vsub.s32 v13, v7;
	vm0 =	vmand vm9, vm0  }
0x31a: {  	v13 =	vnsel vm0, $0x0, v13;
	_ =	sdelay $0x4  }
0x31b: {  	[tilespmem:v13+s19+$0x0] =	vst.idx.msk vm0, v11  }
0x31c: {  	v13 =	vld [tilespmem:s28+$0x0];
	_ =	sdelay $0x3  }
0x31d: {  	v14 =	vld [tilespmem:s26+$0x0]  }
0x31e: {  	s31 =	sadd.s32 $0x4, s29;
	v13 =	vshll.u32 v13, $0x7  }
0x31f: {  	v13 =	vadd.s32 s31, v13  }
0x320: {  	v13 =	vor.u32 v12, v13  }
0x321: {  	vm10 =	vge.s32 v13, v7;
	vm11 =	vlt.s32 v13, v8  }
0x322: {  	vm12 =	vgt.f32 v14, $0.0e+00;
	vm0 =	vmand vm10, vm11  }
0x323: {  	v13 =	vsub.s32 v13, v7;
	vm0 =	vmand vm12, vm0  }
0x324: {  	v13 =	vnsel vm0, $0x0, v13;
	_ =	sdelay $0x4  }
0x325: {  	[tilespmem:v13+s19+$0x0] =	vst.idx.msk vm0, v11  }
0x326: {  	v13 =	vld [tilespmem:s28+$0x10];
	_ =	sdelay $0x3  }
0x327: {  	v14 =	vld [tilespmem:s26+$0x10]  }
0x328: {  	s31 =	sadd.s32 $0x6, s29;
	v13 =	vshll.u32 v13, $0x7  }
0x329: {  	v13 =	vadd.s32 s31, v13  }
0x32a: {  	v13 =	vor.u32 v12, v13  }
0x32b: {  	vm13 =	vge.s32 v13, v7;
	vm14 =	vlt.s32 v13, v8  }
0x32c: {  	vm15 =	vgt.f32 v14, $0.0e+00;
	vm0 =	vmand vm13, vm14  }
0x32d: {  	v13 =	vsub.s32 v13, v7;
	vm0 =	vmand vm15, vm0  }
0x32e: {  	p0 =	sne.s32 s29, $0x78;
	v13 =	vnsel vm0, $0x0, v13  }
.Ltmp18:
0x32f: {  	_ = 	snop;
	(pc) =	sbr.rel @p0 .LBB2_31-.Ltmp18, $2  }
0x330: {  	_ =	sdelay $0x2  }
0x331: {  	s29 =	sadd.s32 $0x8, s29;
	s28 =	sadd.s32 $0x40, s28;
	s26 =	sadd.s32 $0x40, s26;
	[tilespmem:v13+s19+$0x0] =	vst.idx.msk vm0, v11  }
.LBB2_32:
0x332: {  	v13 =	vld [tilespmem:s24+$0xFFFFFFE0];
	_ =	sdelay $0x3  }
0x333: {  	v14 =	vld [tilespmem:s25+$0xFFFFFFE0]  }
0x334: {  	v13 =	vshll.u32 v13, $0x7  }
0x335: {  	v13 =	vadd.s32 s23, v13  }
0x336: {  	v13 =	vor.u32 v12, v13  }
0x337: {  	vm0 =	vge.s32 v13, v9;
	vm1 =	vlt.s32 v13, v10  }
0x338: {  	vm6 =	vgt.f32 v14, $0.0e+00;
	vm0 =	vmand vm0, vm1  }
0x339: {  	v13 =	vsub.s32 v13, v9;
	vm0 =	vmand vm6, vm0  }
0x33a: {  	v13 =	vnsel vm0, $0x0, v13;
	_ =	sdelay $0x4  }
0x33b: {  	[tilespmem:v13+s19+$0x0] =	vst.idx.msk vm0, v14  }
0x33c: {  	v13 =	vld [tilespmem:s24+$0xFFFFFFF0];
	_ =	sdelay $0x3  }
0x33d: {  	v14 =	vld [tilespmem:s25+$0xFFFFFFF0]  }
0x33e: {  	s26 =	sadd.s32 $0x2, s23;
	v13 =	vshll.u32 v13, $0x7  }
0x33f: {  	v13 =	vadd.s32 s26, v13  }
0x340: {  	v13 =	vor.u32 v12, v13  }
0x341: {  	vm7 =	vge.s32 v13, v9;
	vm8 =	vlt.s32 v13, v10  }
0x342: {  	vm9 =	vgt.f32 v14, $0.0e+00;
	vm0 =	vmand vm7, vm8  }
0x343: {  	v13 =	vsub.s32 v13, v9;
	vm0 =	vmand vm9, vm0  }
0x344: {  	v13 =	vnsel vm0, $0x0, v13;
	_ =	sdelay $0x4  }
0x345: {  	[tilespmem:v13+s19+$0x0] =	vst.idx.msk vm0, v14  }
0x346: {  	v13 =	vld [tilespmem:s24+$0x0];
	_ =	sdelay $0x3  }
0x347: {  	v14 =	vld [tilespmem:s25+$0x0]  }
0x348: {  	s30 =	sadd.s32 $0x4, s23;
	v13 =	vshll.u32 v13, $0x7  }
0x349: {  	v13 =	vadd.s32 s30, v13  }
0x34a: {  	v13 =	vor.u32 v12, v13  }
0x34b: {  	vm10 =	vge.s32 v13, v9;
	vm11 =	vlt.s32 v13, v10  }
0x34c: {  	vm12 =	vgt.f32 v14, $0.0e+00;
	vm0 =	vmand vm10, vm11  }
0x34d: {  	v13 =	vsub.s32 v13, v9;
	vm0 =	vmand vm12, vm0  }
0x34e: {  	v13 =	vnsel vm0, $0x0, v13;
	_ =	sdelay $0x4  }
0x34f: {  	[tilespmem:v13+s19+$0x0] =	vst.idx.msk vm0, v14  }
0x350: {  	v13 =	vld [tilespmem:s24+$0x10];
	_ =	sdelay $0x3  }
0x351: {  	v14 =	vld [tilespmem:s25+$0x10]  }
0x352: {  	s31 =	sadd.s32 $0x6, s23;
	v13 =	vshll.u32 v13, $0x7  }
0x353: {  	v13 =	vadd.s32 s31, v13  }
0x354: {  	v13 =	vor.u32 v12, v13  }
0x355: {  	vm13 =	vge.s32 v13, v9;
	vm14 =	vlt.s32 v13, v10  }
0x356: {  	vm15 =	vgt.f32 v14, $0.0e+00;
	vm0 =	vmand vm13, vm14  }
0x357: {  	v13 =	vsub.s32 v13, v9;
	vm0 =	vmand vm15, vm0  }
0x358: {  	p0 =	sne.s32 s23, $0x78;
	v13 =	vnsel vm0, $0x0, v13  }
.Ltmp19:
0x359: {  	_ = 	snop;
	(pc) =	sbr.rel @p0 .LBB2_32-.Ltmp19, $2  }
0x35a: {  	_ =	sdelay $0x2  }
0x35b: {  	s23 =	sadd.s32 $0x8, s23;
	s24 =	sadd.s32 $0x40, s24;
	s25 =	sadd.s32 $0x40, s25;
	[tilespmem:v13+s19+$0x0] =	vst.idx.msk vm0, v14  }
0x35c: {  	[hbm4b:s14+s2] =	stream.linear.scatter [tilespmem:s19], [sflag:$0x2], $0x7A80, $0x38;
	[tilespmem:$0x14800] =	vst v63  }
0x35d: {  	s22 =	sadd.s32 $0x1, s22  }
0x35e: {  	_ =	swait.ge [sflag:s20], $0xA000;
	p0 =	sne.s32 s22, s15  }
.Ltmp20:
0x35f: {  	[sflag:s20] =	ssyncset.done $0x0;
	(pc) =	sbr.rel @p0 .LBB2_1-.Ltmp20, $4  }
0x360: {  	[sflag:s20] =	ssyncadd.s32 $0xFFFF6000  }
0x361: {  	_ =	swait.ge [sflag:s21], $0x7A80  }
0x362: {  	[sflag:s21] =	ssyncset.done $0x0  }
0x363: {  	[sflag:s21] =	ssyncadd.s32 $0xFFFF8580  }
0x364: {  	_ =	sfence.sel $0x180000  }
0x365: {  	[bflag:$0x0] =	sbarrier.arrive $0xFFFF  }
0x366: {  	p0 =	sne.s32 s1, $0x0;
	_ =	strace $0x9000004A  }
0x367: {  	s0 =	sadd.s32 @!p0 $0x100000, s0;
	[bflag:$0x2] =	sbarrier.arrive $0xFFFF  }
0x368: {  	[sflag:s0] =	ssyncadd.tile.s32 @!p0 $0x1;
	_ =	shalt  }
.Lfunc_end2:
_tile_overlayer_lowered:
.L_overlay_start_2:
0x369: {  	(tag) =	ssettag $0x2  }
0x36a: {  	s0 =	rddreg [dreg:$0x0];
	s2 =	stileid.u32  }
0x36b: {  	s1 =	rddreg [dreg:$0x1];
	p0 =	sne.s32 s2, $0x0  }
0x36c: {  	s3 =	rddreg [dreg:$0x2];
	[bflag:$0x3] =	sbarrier.arrive $0xFFFF;
	s2 =	simm.s32 @!p0 $0x1C03  }
0x36d: {  	[timem:s3], [sflag:s2] =	dma.local @!p0 [hbm:s0], s1  }
0x36e: {  	s0 =	simm.s32 @!p0 $0x3  }
0x36f: {  	_ =	swait.ge @!p0 [sflag:s0], s1  }
0x370: {  	s1 =	ssub.s32 @!p0 $0x0, s1;
	[sflag:s0] =	ssyncset.done @!p0 $0x0  }
0x371: {  	[sflag:s0] =	ssyncadd.s32 @!p0 s1  }
0x372: {  	[bflag:$0x3] =	sbarrier.arrive $0xFFFF  }
0x373: {  	_ =	shalt  }

</sc_bundles>
